<compile_context>
chip_gen: v7x
topology: tpu7x:2x2x1
jax: 0.10.2.dev20260603
libtpu: 0.0.44.dev20260713+nightly
codegen_flags: <defaults>
</compile_context>

<pallas_src>
import functools

import jax
import jax.numpy as jnp
from jax import lax
from jax.experimental import pallas as pl
from jax.experimental.pallas import tpu as pltpu
from jax.experimental.pallas import tpu_sc as plsc

_B, _S, _N, _D, _V, _C, _R = 4, 2048, 64, 1024, 32128, 8, 256
_NOEDGE = 7

_NW = 32
_KCH = 32
_TCH = _B * _S // _NW
_NSUB = _TCH // _KCH
_NRW = _B * _N // _NW
_F32 = jnp.float32


@functools.partial(
    pl.kernel,
    out_type=[
        jax.ShapeDtypeStruct((_NW, _D), _F32),
        jax.ShapeDtypeStruct((_B * _N, _D), _F32),
    ],
    mesh=plsc.VectorSubcoreMesh(core_axis_name="c", subcore_axis_name="s"),
    scratch_types=[
        pltpu.VMEM((_TCH,), jnp.int32),
        pltpu.VMEM((_KCH, _D), _F32),
        pltpu.VMEM((_KCH, _D), _F32),
        pltpu.VMEM((_KCH, _D), _F32),
        pltpu.VMEM((_D,), _F32),
        pltpu.VMEM((_NRW,), jnp.int32),
        pltpu.VMEM((_NRW, _D), _F32),
        pltpu.SemaphoreType.DMA,
        pltpu.SemaphoreType.DMA,
        pltpu.SemaphoreType.DMA,
        pltpu.SemaphoreType.DMA,
    ],
)
def _sc_embed(text_hbm, tn_hbm, ttab_hbm, ntab_hbm, pooled_out, nodes_out,
              idx_v, rows0_v, rows1_v, rows2_v, acc_v, nidx_v, nrows_v,
              sem0, sem1, sem2, semn):
    cid = lax.axis_index("c")
    sid = lax.axis_index("s")
    wid = sid * 2 + cid

    pltpu.sync_copy(tn_hbm.at[pl.ds(wid * _NRW, _NRW)], nidx_v)
    node_cp = pltpu.async_copy(ntab_hbm.at[nidx_v], nrows_v, semn)

    base = wid * _TCH
    pltpu.sync_copy(text_hbm.at[pl.ds(base, _TCH)], idx_v)
    bufs = [(rows0_v, sem0), (rows1_v, sem1), (rows2_v, sem2)]
    nbuf = len(bufs)

    def start(sub):
        rows, sem = bufs[sub % nbuf]
        return pltpu.async_copy(
            ttab_hbm.at[idx_v.at[pl.ds(sub * _KCH, _KCH)]], rows, sem)

    def accum(rows, first):
        def ibody(i, carry):
            for half in range(2):
                sl = pl.ds(i * 32 + half * 16, 16)
                a = [rows[r, sl] for r in range(8)]
                for r in range(8, _KCH, 8):
                    for k in range(8):
                        a[k] += rows[r + k, sl]
                s = (((a[0] + a[1]) + (a[2] + a[3]))
                     + ((a[4] + a[5]) + (a[6] + a[7])))
                if first:
                    acc_v[sl] = s
                else:
                    acc_v[sl] += s
            return carry
        lax.fori_loop(0, _D // 32, ibody, 0)

    cps = [None] * nbuf
    cps[0] = start(0)
    cps[1] = start(1)
    for sub in range(_NSUB):
        cps[sub % nbuf].wait()
        if sub + 2 < _NSUB:
            cps[(sub + 2) % nbuf] = start(sub + 2)
        accum(bufs[sub % nbuf][0], first=(sub == 0))
    pltpu.sync_copy(acc_v, pooled_out.at[wid])

    node_cp.wait()
    pltpu.sync_copy(nrows_v, nodes_out.at[pl.ds(wid * _NRW, _NRW)])


_VB = 2048


def _graph_batch(b, pp_ref, tm_ref, nrows_ref, nmask_ref, wpool_ref, wh_ref,
                 wt_ref, wc_ref, rel_ref, wr_ref, feats_s, edges_out):
    den = jnp.sum(tm_ref[b]) + 1e-6
    nb = _NW // _B
    pooled = jnp.sum(pp_ref[b * nb:(b + 1) * nb], axis=0,
                     keepdims=True) / den
    ctx = jnp.tanh(jnp.dot(pooled, wpool_ref[...],
                           preferred_element_type=_F32))
    feats = (nrows_ref[b] + ctx) * nmask_ref[b]

    e = jnp.dot(feats, wh_ref[...], preferred_element_type=_F32)
    t = jnp.dot(feats, wt_ref[...], preferred_element_type=_F32)

    ht = jnp.maximum(t[:, None, :] + e[None, :, :], 0.0)
    ht = ht.reshape(_N * _N, _R)
    lt = jnp.dot(ht, wc_ref[...], preferred_element_type=_F32)
    mx = jnp.max(lt, axis=1, keepdims=True)
    g = (lt >= mx).astype(_F32)

    relmask = (lax.broadcasted_iota(jnp.int32, (_C, 1), 0) != _NOEDGE)
    rel_m = rel_ref[...] * relmask.astype(_F32)

    ich = 8
    featsb = jnp.broadcast_to(feats[None, :, :], (ich, _N, _D))
    featsb = featsb.reshape(ich * _N, _D)
    agg_rows = []
    for i0 in range(0, _N, ich):
        gch = g[i0 * _N:(i0 + ich) * _N]
        rwch = jnp.dot(gch, rel_m, preferred_element_type=_F32)
        msg = (rwch * featsb).reshape(ich, _N, _D)
        agg_rows.append(jnp.sum(msg, axis=1))
    aggs = jnp.concatenate(agg_rows, axis=0)

    wadj = 1.0 - g[:, _NOEDGE:_NOEDGE + 1]
    deg = jnp.sum(wadj.reshape(_N, _N, 1), axis=1)
    deg = jnp.maximum(deg, 1.0)
    agg = aggs / deg

    feats2 = jnp.maximum(
        jnp.dot(agg, wr_ref[...], preferred_element_type=_F32) + feats, 0.0)

    e2 = jnp.dot(feats2, wh_ref[...], preferred_element_type=_F32)
    t2 = jnp.dot(feats2, wt_ref[...], preferred_element_type=_F32)
    h2 = jnp.maximum(e2[:, None, :] + t2[None, :, :], 0.0)
    h2 = h2.reshape(_N * _N, _R)
    edges_out[b] = jnp.dot(h2, wc_ref[...], preferred_element_type=_F32)
    feats_s[b * _N:(b + 1) * _N] = feats


def _fused_body(pp_ref, tm_ref, nrows_ref, nmask_ref, wpool_ref, wh_ref,
                wt_ref, wc_ref, rel_ref, wr_ref, wno_ref,
                edges_out, nl_out, feats_s):
    k = pl.program_id(0)

    @pl.when(k == 0)
    def _graph_stage():
        for b in range(_B):
            _graph_batch(b, pp_ref, tm_ref, nrows_ref, nmask_ref, wpool_ref,
                         wh_ref, wt_ref, wc_ref, rel_ref, wr_ref,
                         feats_s, edges_out)

    nl_out[...] = jnp.dot(feats_s[...], wno_ref[...],
                          preferred_element_type=_F32)


def _fused(part_pooled, text_mask, node_rows, node_mask,
           W_pool, Wh, Wt, Wc, rel_emb, W_rgcn, W_node_out):
    grid = (pl.cdiv(_V, _VB),)
    return pl.pallas_call(
        _fused_body,
        grid=grid,
        in_specs=[
            pl.BlockSpec((_NW, _D), lambda k: (0, 0)),
            pl.BlockSpec((_B, 1, _S), lambda k: (0, 0, 0)),
            pl.BlockSpec((_B, _N, _D), lambda k: (0, 0, 0)),
            pl.BlockSpec((_B, _N, 1), lambda k: (0, 0, 0)),
            pl.BlockSpec((_D, _D), lambda k: (0, 0)),
            pl.BlockSpec((_D, _R), lambda k: (0, 0)),
            pl.BlockSpec((_D, _R), lambda k: (0, 0)),
            pl.BlockSpec((_R, _C), lambda k: (0, 0)),
            pl.BlockSpec((_C, _D), lambda k: (0, 0)),
            pl.BlockSpec((_D, _D), lambda k: (0, 0)),
            pl.BlockSpec((_D, _VB), lambda k: (0, k)),
        ],
        out_specs=[
            pl.BlockSpec((_B, _N * _N, _C), lambda k: (0, 0, 0)),
            pl.BlockSpec((_B * _N, _VB), lambda k: (0, k)),
        ],
        out_shape=[
            jax.ShapeDtypeStruct((_B, _N * _N, _C), _F32),
            jax.ShapeDtypeStruct((_B * _N, _V), _F32),
        ],
        scratch_shapes=[pltpu.VMEM((_B * _N, _D), _F32)],
    )(part_pooled, text_mask, node_rows, node_mask,
      W_pool, Wh, Wt, Wc, rel_emb, W_rgcn, W_node_out)


def kernel(text, text_mask, target_nodes, target_nodes_mask, target_edges,
           text_table, node_table, W_pool, W_node_out, Wh, Wt, Wc, rel_emb,
           W_rgcn):
    del target_edges
    part_pooled, node_rows = _sc_embed(
        text.reshape(-1), target_nodes.reshape(-1), text_table, node_table)
    edges, logits_nodes = _fused(
        part_pooled, text_mask.reshape(_B, 1, _S), node_rows.reshape(_B, _N, _D),
        target_nodes_mask.reshape(_B, _N, 1),
        W_pool, Wh, Wt, Wc, rel_emb, W_rgcn, W_node_out)
    return (logits_nodes.reshape(_B, _N, _V),
            edges.reshape(_B, _N, _N, _C))

# --- scband reference (transcript-rebuilt; emitter-appended) ---
"""Pipeline reference for scband-advanced-grapher-352187318609 (READ-ONLY COPY).

The authoritative reference and input builder live on the scoring server;
editing this copy changes nothing except your own understanding.
"""

import jax, jax.numpy as jnp
import numpy as np

B, S, N, D, V, C, R = 4, 2048, 64, 1024, 32128, 8, 256
NOEDGE = 7


def setup_inputs(seed: int = 0):
    key = jax.random.key(seed)
    ks = [jax.random.fold_in(key, i) for i in range(12)]
    inp = {}
    inp['text'] = jax.random.randint(ks[0], (B, S), 0, V, dtype=jnp.int32)
    inp['text_mask'] = jnp.ones((B, S), dtype=jnp.float32)
    inp['target_nodes'] = jax.random.randint(ks[1], (B, N), 0, V, dtype=jnp.int32)
    inp['target_nodes_mask'] = jnp.ones((B, N), dtype=jnp.float32)
    inp['target_edges'] = jax.random.randint(ks[2], (B, N, N), 0, C, dtype=jnp.int32)
    inp['text_table'] = jax.random.normal(ks[3], (V, D), dtype=jnp.float32) * 0.02
    inp['node_table'] = jax.random.normal(ks[4], (V, D), dtype=jnp.float32) * 0.02
    inp['W_pool'] = jax.random.normal(ks[5], (D, D), dtype=jnp.float32) * (1.0 / np.sqrt(D))
    inp['W_node_out'] = jax.random.normal(ks[6], (D, V), dtype=jnp.float32) * 0.02
    inp['Wh'] = jax.random.normal(ks[7], (D, R), dtype=jnp.float32) * (1.0 / np.sqrt(D))
    inp['Wt'] = jax.random.normal(ks[8], (D, R), dtype=jnp.float32) * (1.0 / np.sqrt(D))
    inp['Wc'] = jax.random.normal(ks[9], (R, C), dtype=jnp.float32) * (1.0 / np.sqrt(R))
    inp['rel_emb'] = jax.random.normal(ks[10], (C, D), dtype=jnp.float32) * 0.02
    inp['W_rgcn'] = jax.random.normal(ks[11], (D, D), dtype=jnp.float32) * (1.0 / np.sqrt(D))
    return inp


def _edges(f, Wh, Wt, Wc):
    e = f @ Wh
    t = f @ Wt
    h = jax.nn.relu(e[:, :, None, :] + t[:, None, :, :])
    return jnp.einsum('bijr,rc->bijc', h, Wc)


def reference(text, text_mask, target_nodes, target_nodes_mask, target_edges,
              text_table, node_table, W_pool, W_node_out, Wh, Wt, Wc, rel_emb, W_rgcn):
    # grapher(text, text_mask, target_nodes, target_nodes_mask, target_edges, True)
    h = jnp.take(text_table, text, axis=0) * text_mask[..., None]
    pooled = h.sum(1) / (text_mask.sum(1, keepdims=True) + 1e-6)
    ctx = jnp.tanh(pooled @ W_pool)
    feats = jnp.take(node_table, target_nodes, axis=0) + ctx[:, None, :]
    feats = feats * target_nodes_mask[..., None]
    logits_nodes = feats @ W_node_out
    logits_edges = _edges(feats, Wh, Wt, Wc)  # [B, N, N, C]
    # logits_edges.permute(2, 0, 1, 3)
    le_p = jnp.transpose(logits_edges, (2, 0, 1, 3))  # [N, B, N, C]
    rel_type = jnp.argmax(le_p, axis=-1)  # [N, B, N]
    adj_list = (rel_type != NOEDGE)
    # rgcn(features, adj_list, rel_type): relation-conditioned message passing
    rel_bij = jnp.transpose(rel_type, (1, 0, 2))  # [B, i, j]
    adj_bij = jnp.transpose(adj_list, (1, 0, 2)).astype(feats.dtype)
    rel_w = jnp.take(rel_emb, rel_bij, axis=0)  # [B, N, N, D] gather
    msg = feats[:, None, :, :] * rel_w * adj_bij[..., None]
    deg = jnp.clip(adj_bij.sum(-1, keepdims=True), 1.0, None)
    agg = msg.sum(2) / deg
    feats2 = jax.nn.relu(agg @ W_rgcn + feats)
    # logits_edges = self.grapher.edges(features)
    logits_edges = _edges(feats2, Wh, Wt, Wc)
    return (logits_nodes, logits_edges)

if __name__ == "__main__":
    import jax
    _d = setup_inputs()
    print(jax.jit(kernel)(*tuple(_d.values())))

</pallas_src>

<mosaic_0001>
#map = affine_map<(d0, d1) -> (0)>
#map1 = affine_map<(d0, d1) -> (0, 0)>
module attributes {stable_mosaic.version = 14 : i64} {
  func.func @_sc_embed(%arg0: i32, %arg1: i32, %arg2: memref<8192xi32, #tpu.memory_space<hbm>>, %arg3: memref<256xi32, #tpu.memory_space<hbm>>, %arg4: memref<32128x1024xf32, #tpu.memory_space<hbm>>, %arg5: memref<32128x1024xf32, #tpu.memory_space<hbm>>, %arg6: memref<32x1024xf32, #tpu.memory_space<hbm>>, %arg7: memref<256x1024xf32, #tpu.memory_space<hbm>>, %arg8: memref<256xi32, #tpu.memory_space<vmem>>, %arg9: memref<32x1024xf32, #tpu.memory_space<vmem>>, %arg10: memref<32x1024xf32, #tpu.memory_space<vmem>>, %arg11: memref<32x1024xf32, #tpu.memory_space<vmem>>, %arg12: memref<1024xf32, #tpu.memory_space<vmem>>, %arg13: memref<8xi32, #tpu.memory_space<vmem>>, %arg14: memref<8x1024xf32, #tpu.memory_space<vmem>>, %arg15: memref<!tpu.dma_semaphore, #tpu.memory_space<semaphore_mem>>, %arg16: memref<!tpu.dma_semaphore, #tpu.memory_space<semaphore_mem>>, %arg17: memref<!tpu.dma_semaphore, #tpu.memory_space<semaphore_mem>>, %arg18: memref<!tpu.dma_semaphore, #tpu.memory_space<semaphore_mem>>) attributes {dimension_semantics = [#tpu.dimension_semantics<core_parallel>, #tpu.dimension_semantics<subcore_parallel>], iteration_bounds = array<i64: 2, 16>, scalar_prefetch = 0 : i64, scratch_operands = 11 : i64, tpu.core_type = #tpu.core_type<sc_vector_subcore>, window_params = [{transform_indices = #map}, {transform_indices = #map}, {transform_indices = #map1}, {transform_indices = #map1}, {transform_indices = #map1}, {transform_indices = #map1}]} {
    %mul3A = arith.constant 2 : i32
    %mul3A_0 = arith.muli %arg1, %mul3A : i32
    %add3A = arith.addi %mul3A_0, %arg0 : i32
    %mul3A_1 = arith.constant 8 : i32
    %mul3A_2 = arith.muli %add3A, %mul3A_1 : i32
    "tpu.region"() ({
      %run_scoped3A = tpu.sem_alloc : memref<!tpu.dma_semaphore, #tpu.memory_space<semaphore_mem>>
      %dma_start3A_138 = tpu.memref_slice %arg3[%mul3A_2] : memref<256xi32, #tpu.memory_space<hbm>> -> memref<8xi32, #tpu.memory_space<hbm>>
      %dma_start3A_139 = tpu.memref_slice %arg3[%mul3A_2] : memref<256xi32, #tpu.memory_space<hbm>> -> memref<8xi32, #tpu.memory_space<hbm>>
      tpu.enqueue_dma source(%dma_start3A_139 : memref<8xi32, #tpu.memory_space<hbm>>) target(%arg13 : memref<8xi32, #tpu.memory_space<vmem>>) target_semaphore(%run_scoped3A : memref<!tpu.dma_semaphore, #tpu.memory_space<semaphore_mem>>)
      %dma_wait3A_140 = tpu.memref_slice %arg3[%mul3A_2] : memref<256xi32, #tpu.memory_space<hbm>> -> memref<8xi32, #tpu.memory_space<hbm>>
      %dma_wait3A_141 = tpu.memref_slice %arg3[%mul3A_2] : memref<256xi32, #tpu.memory_space<hbm>> -> memref<8xi32, #tpu.memory_space<hbm>>
      tpu.wait_dma2 semaphore(%run_scoped3A : memref<!tpu.dma_semaphore, #tpu.memory_space<semaphore_mem>>) src(%dma_wait3A_141 : memref<8xi32, #tpu.memory_space<hbm>>) dst(%arg13 : memref<8xi32, #tpu.memory_space<vmem>>)
      tpu.yield
    }) : () -> ()
    %dma_start3A = arith.constant 0 : i32
    %dma_start3A_3 = arith.constant 0 : i32
    %dma_start3A_4 = tpu.memref_slice %arg5[%dma_start3A, %dma_start3A_3] : memref<32128x1024xf32, #tpu.memory_space<hbm>> -> memref<32128x1024xf32, #tpu.memory_space<hbm>>
    tpu.enqueue_indirect_dma source(%dma_start3A_4 : memref<32128x1024xf32, #tpu.memory_space<hbm>>) target(%arg14 : memref<8x1024xf32, #tpu.memory_space<vmem>>) offsets(%arg13 : memref<8xi32, #tpu.memory_space<vmem>>) semaphore(%arg18 : memref<!tpu.dma_semaphore, #tpu.memory_space<semaphore_mem>>)
    %mul3A_5 = arith.constant 256 : i32
    %mul3A_6 = arith.muli %add3A, %mul3A_5 : i32
    "tpu.region"() ({
      %run_scoped3A = tpu.sem_alloc : memref<!tpu.dma_semaphore, #tpu.memory_space<semaphore_mem>>
      %dma_start3A_138 = tpu.memref_slice %arg2[%mul3A_6] : memref<8192xi32, #tpu.memory_space<hbm>> -> memref<256xi32, #tpu.memory_space<hbm>>
      %dma_start3A_139 = tpu.memref_slice %arg2[%mul3A_6] : memref<8192xi32, #tpu.memory_space<hbm>> -> memref<256xi32, #tpu.memory_space<hbm>>
      tpu.enqueue_dma source(%dma_start3A_139 : memref<256xi32, #tpu.memory_space<hbm>>) target(%arg8 : memref<256xi32, #tpu.memory_space<vmem>>) target_semaphore(%run_scoped3A : memref<!tpu.dma_semaphore, #tpu.memory_space<semaphore_mem>>)
      %dma_wait3A_140 = tpu.memref_slice %arg2[%mul3A_6] : memref<8192xi32, #tpu.memory_space<hbm>> -> memref<256xi32, #tpu.memory_space<hbm>>
      %dma_wait3A_141 = tpu.memref_slice %arg2[%mul3A_6] : memref<8192xi32, #tpu.memory_space<hbm>> -> memref<256xi32, #tpu.memory_space<hbm>>
      tpu.wait_dma2 semaphore(%run_scoped3A : memref<!tpu.dma_semaphore, #tpu.memory_space<semaphore_mem>>) src(%dma_wait3A_141 : memref<256xi32, #tpu.memory_space<hbm>>) dst(%arg8 : memref<256xi32, #tpu.memory_space<vmem>>)
      tpu.yield
    }) : () -> ()
    %dma_start3A_7 = arith.constant 0 : i32
    %dma_start3A_8 = tpu.memref_slice %arg8[%dma_start3A_7] : memref<256xi32, #tpu.memory_space<vmem>> -> memref<32xi32, #tpu.memory_space<vmem>>
    %dma_start3A_9 = arith.constant 0 : i32
    %dma_start3A_10 = arith.constant 0 : i32
    %dma_start3A_11 = tpu.memref_slice %arg4[%dma_start3A_9, %dma_start3A_10] : memref<32128x1024xf32, #tpu.memory_space<hbm>> -> memref<32128x1024xf32, #tpu.memory_space<hbm>>
    tpu.enqueue_indirect_dma source(%dma_start3A_11 : memref<32128x1024xf32, #tpu.memory_space<hbm>>) target(%arg9 : memref<32x1024xf32, #tpu.memory_space<vmem>>) offsets(%dma_start3A_8 : memref<32xi32, #tpu.memory_space<vmem>>) semaphore(%arg15 : memref<!tpu.dma_semaphore, #tpu.memory_space<semaphore_mem>>)
    %dma_start3A_12 = arith.constant 32 : i32
    %dma_start3A_13 = tpu.memref_slice %arg8[%dma_start3A_12] : memref<256xi32, #tpu.memory_space<vmem>> -> memref<32xi32, #tpu.memory_space<vmem>>
    %dma_start3A_14 = arith.constant 0 : i32
    %dma_start3A_15 = arith.constant 0 : i32
    %dma_start3A_16 = tpu.memref_slice %arg4[%dma_start3A_14, %dma_start3A_15] : memref<32128x1024xf32, #tpu.memory_space<hbm>> -> memref<32128x1024xf32, #tpu.memory_space<hbm>>
    tpu.enqueue_indirect_dma source(%dma_start3A_16 : memref<32128x1024xf32, #tpu.memory_space<hbm>>) target(%arg10 : memref<32x1024xf32, #tpu.memory_space<vmem>>) offsets(%dma_start3A_13 : memref<32xi32, #tpu.memory_space<vmem>>) semaphore(%arg16 : memref<!tpu.dma_semaphore, #tpu.memory_space<semaphore_mem>>)
    %dma_wait3A = arith.constant 0 : i32
    %dma_wait3A_17 = tpu.memref_slice %arg8[%dma_wait3A] : memref<256xi32, #tpu.memory_space<vmem>> -> memref<32xi32, #tpu.memory_space<vmem>>
    %dma_wait3A_18 = arith.constant 0 : i32
    %dma_wait3A_19 = arith.constant 0 : i32
    %dma_wait3A_20 = tpu.memref_slice %arg4[%dma_wait3A_18, %dma_wait3A_19] : memref<32128x1024xf32, #tpu.memory_space<hbm>> -> memref<32128x1024xf32, #tpu.memory_space<hbm>>
    tpu.wait_indirect_dma semaphore(%arg15 : memref<!tpu.dma_semaphore, #tpu.memory_space<semaphore_mem>>) src(%dma_wait3A_20 : memref<32128x1024xf32, #tpu.memory_space<hbm>>) dst(%arg9 : memref<32x1024xf32, #tpu.memory_space<vmem>>)
    %dma_start3A_21 = arith.constant 64 : i32
    %dma_start3A_22 = tpu.memref_slice %arg8[%dma_start3A_21] : memref<256xi32, #tpu.memory_space<vmem>> -> memref<32xi32, #tpu.memory_space<vmem>>
    %dma_start3A_23 = arith.constant 0 : i32
    %dma_start3A_24 = arith.constant 0 : i32
    %dma_start3A_25 = tpu.memref_slice %arg4[%dma_start3A_23, %dma_start3A_24] : memref<32128x1024xf32, #tpu.memory_space<hbm>> -> memref<32128x1024xf32, #tpu.memory_space<hbm>>
    tpu.enqueue_indirect_dma source(%dma_start3A_25 : memref<32128x1024xf32, #tpu.memory_space<hbm>>) target(%arg11 : memref<32x1024xf32, #tpu.memory_space<vmem>>) offsets(%dma_start3A_22 : memref<32xi32, #tpu.memory_space<vmem>>) semaphore(%arg17 : memref<!tpu.dma_semaphore, #tpu.memory_space<semaphore_mem>>)
    %scan3A = arith.constant 0 : i32
    %scan3A_26 = arith.constant 0 : i32
    %scan3A_27 = arith.constant 32 : i32
    %scan3A_28 = arith.addi %scan3A_26, %scan3A_27 : i32
    %scan3A_29 = arith.constant 1 : i32
    scf.for %scan3A_138 = %scan3A_26 to %scan3A_28 step %scan3A_29  : i32 {
      %mul3A_139 = arith.constant 32 : i32
      %mul3A_140 = arith.muli %scan3A_138, %mul3A_139 : i32
      %add3A_141 = arith.constant 0 : i32
      %add3A_142 = arith.addi %mul3A_140, %add3A_141 : i32
      %get3A = arith.constant 0 : i32
      %get3A_143 = arith.index_cast %get3A : i32 to index
      %get3A_144 = arith.index_cast %add3A_142 : i32 to index
      %get3A_145 = tpu.vector_load %arg9[%get3A_143, %get3A_144] {strides = array<i32>} : memref<32x1024xf32, #tpu.memory_space<vmem>>, vector<1x16xf32>,
      %get3A_146 = vector.shape_cast %get3A_145 : vector<1x16xf32> to vector<16xf32>
      %get3A_147 = arith.constant 1 : i32
      %get3A_148 = arith.index_cast %get3A_147 : i32 to index
      %get3A_149 = arith.index_cast %add3A_142 : i32 to index
      %get3A_150 = tpu.vector_load %arg9[%get3A_148, %get3A_149] {strides = array<i32>} : memref<32x1024xf32, #tpu.memory_space<vmem>>, vector<1x16xf32>,
      %get3A_151 = vector.shape_cast %get3A_150 : vector<1x16xf32> to vector<16xf32>
      %get3A_152 = arith.constant 2 : i32
      %get3A_153 = arith.index_cast %get3A_152 : i32 to index
      %get3A_154 = arith.index_cast %add3A_142 : i32 to index
      %get3A_155 = tpu.vector_load %arg9[%get3A_153, %get3A_154] {strides = array<i32>} : memref<32x1024xf32, #tpu.memory_space<vmem>>, vector<1x16xf32>,
      %get3A_156 = vector.shape_cast %get3A_155 : vector<1x16xf32> to vector<16xf32>
      %get3A_157 = arith.constant 3 : i32
      %get3A_158 = arith.index_cast %get3A_157 : i32 to index
      %get3A_159 = arith.index_cast %add3A_142 : i32 to index
      %get3A_160 = tpu.vector_load %arg9[%get3A_158, %get3A_159] {strides = array<i32>} : memref<32x1024xf32, #tpu.memory_space<vmem>>, vector<1x16xf32>,
      %get3A_161 = vector.shape_cast %get3A_160 : vector<1x16xf32> to vector<16xf32>
      %get3A_162 = arith.constant 4 : i32
      %get3A_163 = arith.index_cast %get3A_162 : i32 to index
      %get3A_164 = arith.index_cast %add3A_142 : i32 to index
      %get3A_165 = tpu.vector_load %arg9[%get3A_163, %get3A_164] {strides = array<i32>} : memref<32x1024xf32, #tpu.memory_space<vmem>>, vector<1x16xf32>,
      %get3A_166 = vector.shape_cast %get3A_165 : vector<1x16xf32> to vector<16xf32>
      %get3A_167 = arith.constant 5 : i32
      %get3A_168 = arith.index_cast %get3A_167 : i32 to index
      %get3A_169 = arith.index_cast %add3A_142 : i32 to index
      %get3A_170 = tpu.vector_load %arg9[%get3A_168, %get3A_169] {strides = array<i32>} : memref<32x1024xf32, #tpu.memory_space<vmem>>, vector<1x16xf32>,
      %get3A_171 = vector.shape_cast %get3A_170 : vector<1x16xf32> to vector<16xf32>
      %get3A_172 = arith.constant 6 : i32
      %get3A_173 = arith.index_cast %get3A_172 : i32 to index
      %get3A_174 = arith.index_cast %add3A_142 : i32 to index
      %get3A_175 = tpu.vector_load %arg9[%get3A_173, %get3A_174] {strides = array<i32>} : memref<32x1024xf32, #tpu.memory_space<vmem>>, vector<1x16xf32>,
      %get3A_176 = vector.shape_cast %get3A_175 : vector<1x16xf32> to vector<16xf32>
      %get3A_177 = arith.constant 7 : i32
      %get3A_178 = arith.index_cast %get3A_177 : i32 to index
      %get3A_179 = arith.index_cast %add3A_142 : i32 to index
      %get3A_180 = tpu.vector_load %arg9[%get3A_178, %get3A_179] {strides = array<i32>} : memref<32x1024xf32, #tpu.memory_space<vmem>>, vector<1x16xf32>,
      %get3A_181 = vector.shape_cast %get3A_180 : vector<1x16xf32> to vector<16xf32>
      %get3A_182 = arith.constant 8 : i32
      %get3A_183 = arith.index_cast %get3A_182 : i32 to index
      %get3A_184 = arith.index_cast %add3A_142 : i32 to index
      %get3A_185 = tpu.vector_load %arg9[%get3A_183, %get3A_184] {strides = array<i32>} : memref<32x1024xf32, #tpu.memory_space<vmem>>, vector<1x16xf32>,
      %get3A_186 = vector.shape_cast %get3A_185 : vector<1x16xf32> to vector<16xf32>
      %add3A_187 = arith.addf %get3A_146, %get3A_186 : vector<16xf32>
      %get3A_188 = arith.constant 9 : i32
      %get3A_189 = arith.index_cast %get3A_188 : i32 to index
      %get3A_190 = arith.index_cast %add3A_142 : i32 to index
      %get3A_191 = tpu.vector_load %arg9[%get3A_189, %get3A_190] {strides = array<i32>} : memref<32x1024xf32, #tpu.memory_space<vmem>>, vector<1x16xf32>,
      %get3A_192 = vector.shape_cast %get3A_191 : vector<1x16xf32> to vector<16xf32>
      %add3A_193 = arith.addf %get3A_151, %get3A_192 : vector<16xf32>
      %get3A_194 = arith.constant 10 : i32
      %get3A_195 = arith.index_cast %get3A_194 : i32 to index
      %get3A_196 = arith.index_cast %add3A_142 : i32 to index
      %get3A_197 = tpu.vector_load %arg9[%get3A_195, %get3A_196] {strides = array<i32>} : memref<32x1024xf32, #tpu.memory_space<vmem>>, vector<1x16xf32>,
      %get3A_198 = vector.shape_cast %get3A_197 : vector<1x16xf32> to vector<16xf32>
      %add3A_199 = arith.addf %get3A_156, %get3A_198 : vector<16xf32>
      %get3A_200 = arith.constant 11 : i32
      %get3A_201 = arith.index_cast %get3A_200 : i32 to index
      %get3A_202 = arith.index_cast %add3A_142 : i32 to index
      %get3A_203 = tpu.vector_load %arg9[%get3A_201, %get3A_202] {strides = array<i32>} : memref<32x1024xf32, #tpu.memory_space<vmem>>, vector<1x16xf32>,
      %get3A_204 = vector.shape_cast %get3A_203 : vector<1x16xf32> to vector<16xf32>
      %add3A_205 = arith.addf %get3A_161, %get3A_204 : vector<16xf32>
      %get3A_206 = arith.constant 12 : i32
      %get3A_207 = arith.index_cast %get3A_206 : i32 to index
      %get3A_208 = arith.index_cast %add3A_142 : i32 to index
      %get3A_209 = tpu.vector_load %arg9[%get3A_207, %get3A_208] {strides = array<i32>} : memref<32x1024xf32, #tpu.memory_space<vmem>>, vector<1x16xf32>,
      %get3A_210 = vector.shape_cast %get3A_209 : vector<1x16xf32> to vector<16xf32>
      %add3A_211 = arith.addf %get3A_166, %get3A_210 : vector<16xf32>
      %get3A_212 = arith.constant 13 : i32
      %get3A_213 = arith.index_cast %get3A_212 : i32 to index
      %get3A_214 = arith.index_cast %add3A_142 : i32 to index
      %get3A_215 = tpu.vector_load %arg9[%get3A_213, %get3A_214] {strides = array<i32>} : memref<32x1024xf32, #tpu.memory_space<vmem>>, vector<1x16xf32>,
      %get3A_216 = vector.shape_cast %get3A_215 : vector<1x16xf32> to vector<16xf32>
      %add3A_217 = arith.addf %get3A_171, %get3A_216 : vector<16xf32>
      %get3A_218 = arith.constant 14 : i32
      %get3A_219 = arith.index_cast %get3A_218 : i32 to index
      %get3A_220 = arith.index_cast %add3A_142 : i32 to index
      %get3A_221 = tpu.vector_load %arg9[%get3A_219, %get3A_220] {strides = array<i32>} : memref<32x1024xf32, #tpu.memory_space<vmem>>, vector<1x16xf32>,
      %get3A_222 = vector.shape_cast %get3A_221 : vector<1x16xf32> to vector<16xf32>
      %add3A_223 = arith.addf %get3A_176, %get3A_222 : vector<16xf32>
      %get3A_224 = arith.constant 15 : i32
      %get3A_225 = arith.index_cast %get3A_224 : i32 to index
      %get3A_226 = arith.index_cast %add3A_142 : i32 to index
      %get3A_227 = tpu.vector_load %arg9[%get3A_225, %get3A_226] {strides = array<i32>} : memref<32x1024xf32, #tpu.memory_space<vmem>>, vector<1x16xf32>,
      %get3A_228 = vector.shape_cast %get3A_227 : vector<1x16xf32> to vector<16xf32>
      %add3A_229 = arith.addf %get3A_181, %get3A_228 : vector<16xf32>
      %get3A_230 = arith.constant 16 : i32
      %get3A_231 = arith.index_cast %get3A_230 : i32 to index
      %get3A_232 = arith.index_cast %add3A_142 : i32 to index
      %get3A_233 = tpu.vector_load %arg9[%get3A_231, %get3A_232] {strides = array<i32>} : memref<32x1024xf32, #tpu.memory_space<vmem>>, vector<1x16xf32>,
      %get3A_234 = vector.shape_cast %get3A_233 : vector<1x16xf32> to vector<16xf32>
      %add3A_235 = arith.addf %add3A_187, %get3A_234 : vector<16xf32>
      %get3A_236 = arith.constant 17 : i32
      %get3A_237 = arith.index_cast %get3A_236 : i32 to index
      %get3A_238 = arith.index_cast %add3A_142 : i32 to index
      %get3A_239 = tpu.vector_load %arg9[%get3A_237, %get3A_238] {strides = array<i32>} : memref<32x1024xf32, #tpu.memory_space<vmem>>, vector<1x16xf32>,
      %get3A_240 = vector.shape_cast %get3A_239 : vector<1x16xf32> to vector<16xf32>
      %add3A_241 = arith.addf %add3A_193, %get3A_240 : vector<16xf32>
      %get3A_242 = arith.constant 18 : i32
      %get3A_243 = arith.index_cast %get3A_242 : i32 to index
      %get3A_244 = arith.index_cast %add3A_142 : i32 to index
      %get3A_245 = tpu.vector_load %arg9[%get3A_243, %get3A_244] {strides = array<i32>} : memref<32x1024xf32, #tpu.memory_space<vmem>>, vector<1x16xf32>,
      %get3A_246 = vector.shape_cast %get3A_245 : vector<1x16xf32> to vector<16xf32>
      %add3A_247 = arith.addf %add3A_199, %get3A_246 : vector<16xf32>
      %get3A_248 = arith.constant 19 : i32
      %get3A_249 = arith.index_cast %get3A_248 : i32 to index
      %get3A_250 = arith.index_cast %add3A_142 : i32 to index
      %get3A_251 = tpu.vector_load %arg9[%get3A_249, %get3A_250] {strides = array<i32>} : memref<32x1024xf32, #tpu.memory_space<vmem>>, vector<1x16xf32>,
      %get3A_252 = vector.shape_cast %get3A_251 : vector<1x16xf32> to vector<16xf32>
      %add3A_253 = arith.addf %add3A_205, %get3A_252 : vector<16xf32>
      %get3A_254 = arith.constant 20 : i32
      %get3A_255 = arith.index_cast %get3A_254 : i32 to index
      %get3A_256 = arith.index_cast %add3A_142 : i32 to index
      %get3A_257 = tpu.vector_load %arg9[%get3A_255, %get3A_256] {strides = array<i32>} : memref<32x1024xf32, #tpu.memory_space<vmem>>, vector<1x16xf32>,
      %get3A_258 = vector.shape_cast %get3A_257 : vector<1x16xf32> to vector<16xf32>
      %add3A_259 = arith.addf %add3A_211, %get3A_258 : vector<16xf32>
      %get3A_260 = arith.constant 21 : i32
      %get3A_261 = arith.index_cast %get3A_260 : i32 to index
      %get3A_262 = arith.index_cast %add3A_142 : i32 to index
      %get3A_263 = tpu.vector_load %arg9[%get3A_261, %get3A_262] {strides = array<i32>} : memref<32x1024xf32, #tpu.memory_space<vmem>>, vector<1x16xf32>,
      %get3A_264 = vector.shape_cast %get3A_263 : vector<1x16xf32> to vector<16xf32>
      %add3A_265 = arith.addf %add3A_217, %get3A_264 : vector<16xf32>
      %get3A_266 = arith.constant 22 : i32
      %get3A_267 = arith.index_cast %get3A_266 : i32 to index
      %get3A_268 = arith.index_cast %add3A_142 : i32 to index
      %get3A_269 = tpu.vector_load %arg9[%get3A_267, %get3A_268] {strides = array<i32>} : memref<32x1024xf32, #tpu.memory_space<vmem>>, vector<1x16xf32>,
      %get3A_270 = vector.shape_cast %get3A_269 : vector<1x16xf32> to vector<16xf32>
      %add3A_271 = arith.addf %add3A_223, %get3A_270 : vector<16xf32>
      %get3A_272 = arith.constant 23 : i32
      %get3A_273 = arith.index_cast %get3A_272 : i32 to index
      %get3A_274 = arith.index_cast %add3A_142 : i32 to index
      %get3A_275 = tpu.vector_load %arg9[%get3A_273, %get3A_274] {strides = array<i32>} : memref<32x1024xf32, #tpu.memory_space<vmem>>, vector<1x16xf32>,
      %get3A_276 = vector.shape_cast %get3A_275 : vector<1x16xf32> to vector<16xf32>
      %add3A_277 = arith.addf %add3A_229, %get3A_276 : vector<16xf32>
      %get3A_278 = arith.constant 24 : i32
      %get3A_279 = arith.index_cast %get3A_278 : i32 to index
      %get3A_280 = arith.index_cast %add3A_142 : i32 to index
      %get3A_281 = tpu.vector_load %arg9[%get3A_279, %get3A_280] {strides = array<i32>} : memref<32x1024xf32, #tpu.memory_space<vmem>>, vector<1x16xf32>,
      %get3A_282 = vector.shape_cast %get3A_281 : vector<1x16xf32> to vector<16xf32>
      %add3A_283 = arith.addf %add3A_235, %get3A_282 : vector<16xf32>
      %get3A_284 = arith.constant 25 : i32
      %get3A_285 = arith.index_cast %get3A_284 : i32 to index
      %get3A_286 = arith.index_cast %add3A_142 : i32 to index
      %get3A_287 = tpu.vector_load %arg9[%get3A_285, %get3A_286] {strides = array<i32>} : memref<32x1024xf32, #tpu.memory_space<vmem>>, vector<1x16xf32>,
      %get3A_288 = vector.shape_cast %get3A_287 : vector<1x16xf32> to vector<16xf32>
      %add3A_289 = arith.addf %add3A_241, %get3A_288 : vector<16xf32>
      %get3A_290 = arith.constant 26 : i32
      %get3A_291 = arith.index_cast %get3A_290 : i32 to index
      %get3A_292 = arith.index_cast %add3A_142 : i32 to index
      %get3A_293 = tpu.vector_load %arg9[%get3A_291, %get3A_292] {strides = array<i32>} : memref<32x1024xf32, #tpu.memory_space<vmem>>, vector<1x16xf32>,
      %get3A_294 = vector.shape_cast %get3A_293 : vector<1x16xf32> to vector<16xf32>
      %add3A_295 = arith.addf %add3A_247, %get3A_294 : vector<16xf32>
      %get3A_296 = arith.constant 27 : i32
      %get3A_297 = arith.index_cast %get3A_296 : i32 to index
      %get3A_298 = arith.index_cast %add3A_142 : i32 to index
      %get3A_299 = tpu.vector_load %arg9[%get3A_297, %get3A_298] {strides = array<i32>} : memref<32x1024xf32, #tpu.memory_space<vmem>>, vector<1x16xf32>,
      %get3A_300 = vector.shape_cast %get3A_299 : vector<1x16xf32> to vector<16xf32>
      %add3A_301 = arith.addf %add3A_253, %get3A_300 : vector<16xf32>
      %get3A_302 = arith.constant 28 : i32
      %get3A_303 = arith.index_cast %get3A_302 : i32 to index
      %get3A_304 = arith.index_cast %add3A_142 : i32 to index
      %get3A_305 = tpu.vector_load %arg9[%get3A_303, %get3A_304] {strides = array<i32>} : memref<32x1024xf32, #tpu.memory_space<vmem>>, vector<1x16xf32>,
      %get3A_306 = vector.shape_cast %get3A_305 : vector<1x16xf32> to vector<16xf32>
      %add3A_307 = arith.addf %add3A_259, %get3A_306 : vector<16xf32>
      %get3A_308 = arith.constant 29 : i32
      %get3A_309 = arith.index_cast %get3A_308 : i32 to index
      %get3A_310 = arith.index_cast %add3A_142 : i32 to index
      %get3A_311 = tpu.vector_load %arg9[%get3A_309, %get3A_310] {strides = array<i32>} : memref<32x1024xf32, #tpu.memory_space<vmem>>, vector<1x16xf32>,
      %get3A_312 = vector.shape_cast %get3A_311 : vector<1x16xf32> to vector<16xf32>
      %add3A_313 = arith.addf %add3A_265, %get3A_312 : vector<16xf32>
      %get3A_314 = arith.constant 30 : i32
      %get3A_315 = arith.index_cast %get3A_314 : i32 to index
      %get3A_316 = arith.index_cast %add3A_142 : i32 to index
      %get3A_317 = tpu.vector_load %arg9[%get3A_315, %get3A_316] {strides = array<i32>} : memref<32x1024xf32, #tpu.memory_space<vmem>>, vector<1x16xf32>,
      %get3A_318 = vector.shape_cast %get3A_317 : vector<1x16xf32> to vector<16xf32>
      %add3A_319 = arith.addf %add3A_271, %get3A_318 : vector<16xf32>
      %get3A_320 = arith.constant 31 : i32
      %get3A_321 = arith.index_cast %get3A_320 : i32 to index
      %get3A_322 = arith.index_cast %add3A_142 : i32 to index
      %get3A_323 = tpu.vector_load %arg9[%get3A_321, %get3A_322] {strides = array<i32>} : memref<32x1024xf32, #tpu.memory_space<vmem>>, vector<1x16xf32>,
      %get3A_324 = vector.shape_cast %get3A_323 : vector<1x16xf32> to vector<16xf32>
      %add3A_325 = arith.addf %add3A_277, %get3A_324 : vector<16xf32>
      %add3A_326 = arith.addf %add3A_283, %add3A_289 : vector<16xf32>
      %add3A_327 = arith.addf %add3A_295, %add3A_301 : vector<16xf32>
      %add3A_328 = arith.addf %add3A_326, %add3A_327 : vector<16xf32>
      %add3A_329 = arith.addf %add3A_307, %add3A_313 : vector<16xf32>
      %add3A_330 = arith.addf %add3A_319, %add3A_325 : vector<16xf32>
      %add3A_331 = arith.addf %add3A_329, %add3A_330 : vector<16xf32>
      %add3A_332 = arith.addf %add3A_328, %add3A_331 : vector<16xf32>
      %swap3A = arith.index_cast %add3A_142 : i32 to index
      %swap3A_333 = tpu.vector_load %arg12[%swap3A] {strides = array<i32>} : memref<1024xf32, #tpu.memory_space<vmem>>, vector<16xf32>,
      %swap3A_334 = vector.shape_cast %swap3A_333 : vector<16xf32> to vector<16xf32>
      %swap3A_335 = vector.shape_cast %add3A_332 : vector<16xf32> to vector<16xf32>
      tpu.vector_store %arg12[%swap3A], %swap3A_335 {strides = array<i32>} : memref<1024xf32, #tpu.memory_space<vmem>>, vector<16xf32>,
      %mul3A_336 = arith.constant 32 : i32
      %mul3A_337 = arith.muli %scan3A_138, %mul3A_336 : i32
      %add3A_338 = arith.constant 16 : i32
      %add3A_339 = arith.addi %mul3A_337, %add3A_338 : i32
      %get3A_340 = arith.constant 0 : i32
      %get3A_341 = arith.index_cast %get3A_340 : i32 to index
      %get3A_342 = arith.index_cast %add3A_339 : i32 to index
      %get3A_343 = tpu.vector_load %arg9[%get3A_341, %get3A_342] {strides = array<i32>} : memref<32x1024xf32, #tpu.memory_space<vmem>>, vector<1x16xf32>,
      %get3A_344 = vector.shape_cast %get3A_343 : vector<1x16xf32> to vector<16xf32>
      %get3A_345 = arith.constant 1 : i32
      %get3A_346 = arith.index_cast %get3A_345 : i32 to index
      %get3A_347 = arith.index_cast %add3A_339 : i32 to index
      %get3A_348 = tpu.vector_load %arg9[%get3A_346, %get3A_347] {strides = array<i32>} : memref<32x1024xf32, #tpu.memory_space<vmem>>, vector<1x16xf32>,
      %get3A_349 = vector.shape_cast %get3A_348 : vector<1x16xf32> to vector<16xf32>
      %get3A_350 = arith.constant 2 : i32
      %get3A_351 = arith.index_cast %get3A_350 : i32 to index
      %get3A_352 = arith.index_cast %add3A_339 : i32 to index
      %get3A_353 = tpu.vector_load %arg9[%get3A_351, %get3A_352] {strides = array<i32>} : memref<32x1024xf32, #tpu.memory_space<vmem>>, vector<1x16xf32>,
      %get3A_354 = vector.shape_cast %get3A_353 : vector<1x16xf32> to vector<16xf32>
      %get3A_355 = arith.constant 3 : i32
      %get3A_356 = arith.index_cast %get3A_355 : i32 to index
      %get3A_357 = arith.index_cast %add3A_339 : i32 to index
      %get3A_358 = tpu.vector_load %arg9[%get3A_356, %get3A_357] {strides = array<i32>} : memref<32x1024xf32, #tpu.memory_space<vmem>>, vector<1x16xf32>,
      %get3A_359 = vector.shape_cast %get3A_358 : vector<1x16xf32> to vector<16xf32>
      %get3A_360 = arith.constant 4 : i32
      %get3A_361 = arith.index_cast %get3A_360 : i32 to index
      %get3A_362 = arith.index_cast %add3A_339 : i32 to index
      %get3A_363 = tpu.vector_load %arg9[%get3A_361, %get3A_362] {strides = array<i32>} : memref<32x1024xf32, #tpu.memory_space<vmem>>, vector<1x16xf32>,
      %get3A_364 = vector.shape_cast %get3A_363 : vector<1x16xf32> to vector<16xf32>
      %get3A_365 = arith.constant 5 : i32
      %get3A_366 = arith.index_cast %get3A_365 : i32 to index
      %get3A_367 = arith.index_cast %add3A_339 : i32 to index
      %get3A_368 = tpu.vector_load %arg9[%get3A_366, %get3A_367] {strides = array<i32>} : memref<32x1024xf32, #tpu.memory_space<vmem>>, vector<1x16xf32>,
      %get3A_369 = vector.shape_cast %get3A_368 : vector<1x16xf32> to vector<16xf32>
      %get3A_370 = arith.constant 6 : i32
      %get3A_371 = arith.index_cast %get3A_370 : i32 to index
      %get3A_372 = arith.index_cast %add3A_339 : i32 to index
      %get3A_373 = tpu.vector_load %arg9[%get3A_371, %get3A_372] {strides = array<i32>} : memref<32x1024xf32, #tpu.memory_space<vmem>>, vector<1x16xf32>,
      %get3A_374 = vector.shape_cast %get3A_373 : vector<1x16xf32> to vector<16xf32>
      %get3A_375 = arith.constant 7 : i32
      %get3A_376 = arith.index_cast %get3A_375 : i32 to index
      %get3A_377 = arith.index_cast %add3A_339 : i32 to index
      %get3A_378 = tpu.vector_load %arg9[%get3A_376, %get3A_377] {strides = array<i32>} : memref<32x1024xf32, #tpu.memory_space<vmem>>, vector<1x16xf32>,
      %get3A_379 = vector.shape_cast %get3A_378 : vector<1x16xf32> to vector<16xf32>
      %get3A_380 = arith.constant 8 : i32
      %get3A_381 = arith.index_cast %get3A_380 : i32 to index
      %get3A_382 = arith.index_cast %add3A_339 : i32 to index
      %get3A_383 = tpu.vector_load %arg9[%get3A_381, %get3A_382] {strides = array<i32>} : memref<32x1024xf32, #tpu.memory_space<vmem>>, vector<1x16xf32>,
      %get3A_384 = vector.shape_cast %get3A_383 : vector<1x16xf32> to vector<16xf32>
      %add3A_385 = arith.addf %get3A_344, %get3A_384 : vector<16xf32>
      %get3A_386 = arith.constant 9 : i32
      %get3A_387 = arith.index_cast %get3A_386 : i32 to index
      %get3A_388 = arith.index_cast %add3A_339 : i32 to index
      %get3A_389 = tpu.vector_load %arg9[%get3A_387, %get3A_388] {strides = array<i32>} : memref<32x1024xf32, #tpu.memory_space<vmem>>, vector<1x16xf32>,
      %get3A_390 = vector.shape_cast %get3A_389 : vector<1x16xf32> to vector<16xf32>
      %add3A_391 = arith.addf %get3A_349, %get3A_390 : vector<16xf32>
      %get3A_392 = arith.constant 10 : i32
      %get3A_393 = arith.index_cast %get3A_392 : i32 to index
      %get3A_394 = arith.index_cast %add3A_339 : i32 to index
      %get3A_395 = tpu.vector_load %arg9[%get3A_393, %get3A_394] {strides = array<i32>} : memref<32x1024xf32, #tpu.memory_space<vmem>>, vector<1x16xf32>,
      %get3A_396 = vector.shape_cast %get3A_395 : vector<1x16xf32> to vector<16xf32>
      %add3A_397 = arith.addf %get3A_354, %get3A_396 : vector<16xf32>
      %get3A_398 = arith.constant 11 : i32
      %get3A_399 = arith.index_cast %get3A_398 : i32 to index
      %get3A_400 = arith.index_cast %add3A_339 : i32 to index
      %get3A_401 = tpu.vector_load %arg9[%get3A_399, %get3A_400] {strides = array<i32>} : memref<32x1024xf32, #tpu.memory_space<vmem>>, vector<1x16xf32>,
      %get3A_402 = vector.shape_cast %get3A_401 : vector<1x16xf32> to vector<16xf32>
      %add3A_403 = arith.addf %get3A_359, %get3A_402 : vector<16xf32>
      %get3A_404 = arith.constant 12 : i32
      %get3A_405 = arith.index_cast %get3A_404 : i32 to index
      %get3A_406 = arith.index_cast %add3A_339 : i32 to index
      %get3A_407 = tpu.vector_load %arg9[%get3A_405, %get3A_406] {strides = array<i32>} : memref<32x1024xf32, #tpu.memory_space<vmem>>, vector<1x16xf32>,
      %get3A_408 = vector.shape_cast %get3A_407 : vector<1x16xf32> to vector<16xf32>
      %add3A_409 = arith.addf %get3A_364, %get3A_408 : vector<16xf32>
      %get3A_410 = arith.constant 13 : i32
      %get3A_411 = arith.index_cast %get3A_410 : i32 to index
      %get3A_412 = arith.index_cast %add3A_339 : i32 to index
      %get3A_413 = tpu.vector_load %arg9[%get3A_411, %get3A_412] {strides = array<i32>} : memref<32x1024xf32, #tpu.memory_space<vmem>>, vector<1x16xf32>,
      %get3A_414 = vector.shape_cast %get3A_413 : vector<1x16xf32> to vector<16xf32>
      %add3A_415 = arith.addf %get3A_369, %get3A_414 : vector<16xf32>
      %get3A_416 = arith.constant 14 : i32
      %get3A_417 = arith.index_cast %get3A_416 : i32 to index
      %get3A_418 = arith.index_cast %add3A_339 : i32 to index
      %get3A_419 = tpu.vector_load %arg9[%get3A_417, %get3A_418] {strides = array<i32>} : memref<32x1024xf32, #tpu.memory_space<vmem>>, vector<1x16xf32>,
      %get3A_420 = vector.shape_cast %get3A_419 : vector<1x16xf32> to vector<16xf32>
      %add3A_421 = arith.addf %get3A_374, %get3A_420 : vector<16xf32>
      %get3A_422 = arith.constant 15 : i32
      %get3A_423 = arith.index_cast %get3A_422 : i32 to index
      %get3A_424 = arith.index_cast %add3A_339 : i32 to index
      %get3A_425 = tpu.vector_load %arg9[%get3A_423, %get3A_424] {strides = array<i32>} : memref<32x1024xf32, #tpu.memory_space<vmem>>, vector<1x16xf32>,
      %get3A_426 = vector.shape_cast %get3A_425 : vector<1x16xf32> to vector<16xf32>
      %add3A_427 = arith.addf %get3A_379, %get3A_426 : vector<16xf32>
      %get3A_428 = arith.constant 16 : i32
      %get3A_429 = arith.index_cast %get3A_428 : i32 to index
      %get3A_430 = arith.index_cast %add3A_339 : i32 to index
      %get3A_431 = tpu.vector_load %arg9[%get3A_429, %get3A_430] {strides = array<i32>} : memref<32x1024xf32, #tpu.memory_space<vmem>>, vector<1x16xf32>,
      %get3A_432 = vector.shape_cast %get3A_431 : vector<1x16xf32> to vector<16xf32>
      %add3A_433 = arith.addf %add3A_385, %get3A_432 : vector<16xf32>
      %get3A_434 = arith.constant 17 : i32
      %get3A_435 = arith.index_cast %get3A_434 : i32 to index
      %get3A_436 = arith.index_cast %add3A_339 : i32 to index
      %get3A_437 = tpu.vector_load %arg9[%get3A_435, %get3A_436] {strides = array<i32>} : memref<32x1024xf32, #tpu.memory_space<vmem>>, vector<1x16xf32>,
      %get3A_438 = vector.shape_cast %get3A_437 : vector<1x16xf32> to vector<16xf32>
      %add3A_439 = arith.addf %add3A_391, %get3A_438 : vector<16xf32>
      %get3A_440 = arith.constant 18 : i32
      %get3A_441 = arith.index_cast %get3A_440 : i32 to index
      %get3A_442 = arith.index_cast %add3A_339 : i32 to index
      %get3A_443 = tpu.vector_load %arg9[%get3A_441, %get3A_442] {strides = array<i32>} : memref<32x1024xf32, #tpu.memory_space<vmem>>, vector<1x16xf32>,
      %get3A_444 = vector.shape_cast %get3A_443 : vector<1x16xf32> to vector<16xf32>
      %add3A_445 = arith.addf %add3A_397, %get3A_444 : vector<16xf32>
      %get3A_446 = arith.constant 19 : i32
      %get3A_447 = arith.index_cast %get3A_446 : i32 to index
      %get3A_448 = arith.index_cast %add3A_339 : i32 to index
      %get3A_449 = tpu.vector_load %arg9[%get3A_447, %get3A_448] {strides = array<i32>} : memref<32x1024xf32, #tpu.memory_space<vmem>>, vector<1x16xf32>,
      %get3A_450 = vector.shape_cast %get3A_449 : vector<1x16xf32> to vector<16xf32>
      %add3A_451 = arith.addf %add3A_403, %get3A_450 : vector<16xf32>
      %get3A_452 = arith.constant 20 : i32
      %get3A_453 = arith.index_cast %get3A_452 : i32 to index
      %get3A_454 = arith.index_cast %add3A_339 : i32 to index
      %get3A_455 = tpu.vector_load %arg9[%get3A_453, %get3A_454] {strides = array<i32>} : memref<32x1024xf32, #tpu.memory_space<vmem>>, vector<1x16xf32>,
      %get3A_456 = vector.shape_cast %get3A_455 : vector<1x16xf32> to vector<16xf32>
      %add3A_457 = arith.addf %add3A_409, %get3A_456 : vector<16xf32>
      %get3A_458 = arith.constant 21 : i32
      %get3A_459 = arith.index_cast %get3A_458 : i32 to index
      %get3A_460 = arith.index_cast %add3A_339 : i32 to index
      %get3A_461 = tpu.vector_load %arg9[%get3A_459, %get3A_460] {strides = array<i32>} : memref<32x1024xf32, #tpu.memory_space<vmem>>, vector<1x16xf32>,
      %get3A_462 = vector.shape_cast %get3A_461 : vector<1x16xf32> to vector<16xf32>
      %add3A_463 = arith.addf %add3A_415, %get3A_462 : vector<16xf32>
      %get3A_464 = arith.constant 22 : i32
      %get3A_465 = arith.index_cast %get3A_464 : i32 to index
      %get3A_466 = arith.index_cast %add3A_339 : i32 to index
      %get3A_467 = tpu.vector_load %arg9[%get3A_465, %get3A_466] {strides = array<i32>} : memref<32x1024xf32, #tpu.memory_space<vmem>>, vector<1x16xf32>,
      %get3A_468 = vector.shape_cast %get3A_467 : vector<1x16xf32> to vector<16xf32>
      %add3A_469 = arith.addf %add3A_421, %get3A_468 : vector<16xf32>
      %get3A_470 = arith.constant 23 : i32
      %get3A_471 = arith.index_cast %get3A_470 : i32 to index
      %get3A_472 = arith.index_cast %add3A_339 : i32 to index
      %get3A_473 = tpu.vector_load %arg9[%get3A_471, %get3A_472] {strides = array<i32>} : memref<32x1024xf32, #tpu.memory_space<vmem>>, vector<1x16xf32>,
      %get3A_474 = vector.shape_cast %get3A_473 : vector<1x16xf32> to vector<16xf32>
      %add3A_475 = arith.addf %add3A_427, %get3A_474 : vector<16xf32>
      %get3A_476 = arith.constant 24 : i32
      %get3A_477 = arith.index_cast %get3A_476 : i32 to index
      %get3A_478 = arith.index_cast %add3A_339 : i32 to index
      %get3A_479 = tpu.vector_load %arg9[%get3A_477, %get3A_478] {strides = array<i32>} : memref<32x1024xf32, #tpu.memory_space<vmem>>, vector<1x16xf32>,
      %get3A_480 = vector.shape_cast %get3A_479 : vector<1x16xf32> to vector<16xf32>
      %add3A_481 = arith.addf %add3A_433, %get3A_480 : vector<16xf32>
      %get3A_482 = arith.constant 25 : i32
      %get3A_483 = arith.index_cast %get3A_482 : i32 to index
      %get3A_484 = arith.index_cast %add3A_339 : i32 to index
      %get3A_485 = tpu.vector_load %arg9[%get3A_483, %get3A_484] {strides = array<i32>} : memref<32x1024xf32, #tpu.memory_space<vmem>>, vector<1x16xf32>,
      %get3A_486 = vector.shape_cast %get3A_485 : vector<1x16xf32> to vector<16xf32>
      %add3A_487 = arith.addf %add3A_439, %get3A_486 : vector<16xf32>
      %get3A_488 = arith.constant 26 : i32
      %get3A_489 = arith.index_cast %get3A_488 : i32 to index
      %get3A_490 = arith.index_cast %add3A_339 : i32 to index
      %get3A_491 = tpu.vector_load %arg9[%get3A_489, %get3A_490] {strides = array<i32>} : memref<32x1024xf32, #tpu.memory_space<vmem>>, vector<1x16xf32>,
      %get3A_492 = vector.shape_cast %get3A_491 : vector<1x16xf32> to vector<16xf32>
      %add3A_493 = arith.addf %add3A_445, %get3A_492 : vector<16xf32>
      %get3A_494 = arith.constant 27 : i32
      %get3A_495 = arith.index_cast %get3A_494 : i32 to index
      %get3A_496 = arith.index_cast %add3A_339 : i32 to index
      %get3A_497 = tpu.vector_load %arg9[%get3A_495, %get3A_496] {strides = array<i32>} : memref<32x1024xf32, #tpu.memory_space<vmem>>, vector<1x16xf32>,
      %get3A_498 = vector.shape_cast %get3A_497 : vector<1x16xf32> to vector<16xf32>
      %add3A_499 = arith.addf %add3A_451, %get3A_498 : vector<16xf32>
      %get3A_500 = arith.constant 28 : i32
      %get3A_501 = arith.index_cast %get3A_500 : i32 to index
      %get3A_502 = arith.index_cast %add3A_339 : i32 to index
      %get3A_503 = tpu.vector_load %arg9[%get3A_501, %get3A_502] {strides = array<i32>} : memref<32x1024xf32, #tpu.memory_space<vmem>>, vector<1x16xf32>,
      %get3A_504 = vector.shape_cast %get3A_503 : vector<1x16xf32> to vector<16xf32>
      %add3A_505 = arith.addf %add3A_457, %get3A_504 : vector<16xf32>
      %get3A_506 = arith.constant 29 : i32
      %get3A_507 = arith.index_cast %get3A_506 : i32 to index
      %get3A_508 = arith.index_cast %add3A_339 : i32 to index
      %get3A_509 = tpu.vector_load %arg9[%get3A_507, %get3A_508] {strides = array<i32>} : memref<32x1024xf32, #tpu.memory_space<vmem>>, vector<1x16xf32>,
      %get3A_510 = vector.shape_cast %get3A_509 : vector<1x16xf32> to vector<16xf32>
      %add3A_511 = arith.addf %add3A_463, %get3A_510 : vector<16xf32>
      %get3A_512 = arith.constant 30 : i32
      %get3A_513 = arith.index_cast %get3A_512 : i32 to index
      %get3A_514 = arith.index_cast %add3A_339 : i32 to index
      %get3A_515 = tpu.vector_load %arg9[%get3A_513, %get3A_514] {strides = array<i32>} : memref<32x1024xf32, #tpu.memory_space<vmem>>, vector<1x16xf32>,
      %get3A_516 = vector.shape_cast %get3A_515 : vector<1x16xf32> to vector<16xf32>
      %add3A_517 = arith.addf %add3A_469, %get3A_516 : vector<16xf32>
      %get3A_518 = arith.constant 31 : i32
      %get3A_519 = arith.index_cast %get3A_518 : i32 to index
      %get3A_520 = arith.index_cast %add3A_339 : i32 to index
      %get3A_521 = tpu.vector_load %arg9[%get3A_519, %get3A_520] {strides = array<i32>} : memref<32x1024xf32, #tpu.memory_space<vmem>>, vector<1x16xf32>,
      %get3A_522 = vector.shape_cast %get3A_521 : vector<1x16xf32> to vector<16xf32>
      %add3A_523 = arith.addf %add3A_475, %get3A_522 : vector<16xf32>
      %add3A_524 = arith.addf %add3A_481, %add3A_487 : vector<16xf32>
      %add3A_525 = arith.addf %add3A_493, %add3A_499 : vector<16xf32>
      %add3A_526 = arith.addf %add3A_524, %add3A_525 : vector<16xf32>
      %add3A_527 = arith.addf %add3A_505, %add3A_511 : vector<16xf32>
      %add3A_528 = arith.addf %add3A_517, %add3A_523 : vector<16xf32>
      %add3A_529 = arith.addf %add3A_527, %add3A_528 : vector<16xf32>
      %add3A_530 = arith.addf %add3A_526, %add3A_529 : vector<16xf32>
      %swap3A_531 = arith.index_cast %add3A_339 : i32 to index
      %swap3A_532 = tpu.vector_load %arg12[%swap3A_531] {strides = array<i32>} : memref<1024xf32, #tpu.memory_space<vmem>>, vector<16xf32>,
      %swap3A_533 = vector.shape_cast %swap3A_532 : vector<16xf32> to vector<16xf32>
      %swap3A_534 = vector.shape_cast %add3A_530 : vector<16xf32> to vector<16xf32>
      tpu.vector_store %arg12[%swap3A_531], %swap3A_534 {strides = array<i32>} : memref<1024xf32, #tpu.memory_space<vmem>>, vector<16xf32>,
    }
    %scan3A_30 = arith.constant 32 : i32
    %dma_wait3A_31 = arith.constant 32 : i32
    %dma_wait3A_32 = tpu.memref_slice %arg8[%dma_wait3A_31] : memref<256xi32, #tpu.memory_space<vmem>> -> memref<32xi32, #tpu.memory_space<vmem>>
    %dma_wait3A_33 = arith.constant 0 : i32
    %dma_wait3A_34 = arith.constant 0 : i32
    %dma_wait3A_35 = tpu.memref_slice %arg4[%dma_wait3A_33, %dma_wait3A_34] : memref<32128x1024xf32, #tpu.memory_space<hbm>> -> memref<32128x1024xf32, #tpu.memory_space<hbm>>
    tpu.wait_indirect_dma semaphore(%arg16 : memref<!tpu.dma_semaphore, #tpu.memory_space<semaphore_mem>>) src(%dma_wait3A_35 : memref<32128x1024xf32, #tpu.memory_space<hbm>>) dst(%arg10 : memref<32x1024xf32, #tpu.memory_space<vmem>>)
    %dma_start3A_36 = arith.constant 96 : i32
    %dma_start3A_37 = tpu.memref_slice %arg8[%dma_start3A_36] : memref<256xi32, #tpu.memory_space<vmem>> -> memref<32xi32, #tpu.memory_space<vmem>>
    %dma_start3A_38 = arith.constant 0 : i32
    %dma_start3A_39 = arith.constant 0 : i32
    %dma_start3A_40 = tpu.memref_slice %arg4[%dma_start3A_38, %dma_start3A_39] : memref<32128x1024xf32, #tpu.memory_space<hbm>> -> memref<32128x1024xf32, #tpu.memory_space<hbm>>
    tpu.enqueue_indirect_dma source(%dma_start3A_40 : memref<32128x1024xf32, #tpu.memory_space<hbm>>) target(%arg9 : memref<32x1024xf32, #tpu.memory_space<vmem>>) offsets(%dma_start3A_37 : memref<32xi32, #tpu.memory_space<vmem>>) semaphore(%arg15 : memref<!tpu.dma_semaphore, #tpu.memory_space<semaphore_mem>>)
    %scan3A_41 = arith.constant 0 : i32
    %scan3A_42 = arith.constant 0 : i32
    %scan3A_43 = arith.constant 32 : i32
    %scan3A_44 = arith.addi %scan3A_42, %scan3A_43 : i32
    %scan3A_45 = arith.constant 1 : i32
    scf.for %scan3A_138 = %scan3A_42 to %scan3A_44 step %scan3A_45  : i32 {
      %mul3A_139 = arith.constant 32 : i32
      %mul3A_140 = arith.muli %scan3A_138, %mul3A_139 : i32
      %add3A_141 = arith.constant 0 : i32
      %add3A_142 = arith.addi %mul3A_140, %add3A_141 : i32
      %get3A = arith.constant 0 : i32
      %get3A_143 = arith.index_cast %get3A : i32 to index
      %get3A_144 = arith.index_cast %add3A_142 : i32 to index
      %get3A_145 = tpu.vector_load %arg10[%get3A_143, %get3A_144] {strides = array<i32>} : memref<32x1024xf32, #tpu.memory_space<vmem>>, vector<1x16xf32>,
      %get3A_146 = vector.shape_cast %get3A_145 : vector<1x16xf32> to vector<16xf32>
      %get3A_147 = arith.constant 1 : i32
      %get3A_148 = arith.index_cast %get3A_147 : i32 to index
      %get3A_149 = arith.index_cast %add3A_142 : i32 to index
      %get3A_150 = tpu.vector_load %arg10[%get3A_148, %get3A_149] {strides = array<i32>} : memref<32x1024xf32, #tpu.memory_space<vmem>>, vector<1x16xf32>,
      %get3A_151 = vector.shape_cast %get3A_150 : vector<1x16xf32> to vector<16xf32>
      %get3A_152 = arith.constant 2 : i32
      %get3A_153 = arith.index_cast %get3A_152 : i32 to index
      %get3A_154 = arith.index_cast %add3A_142 : i32 to index
      %get3A_155 = tpu.vector_load %arg10[%get3A_153, %get3A_154] {strides = array<i32>} : memref<32x1024xf32, #tpu.memory_space<vmem>>, vector<1x16xf32>,
      %get3A_156 = vector.shape_cast %get3A_155 : vector<1x16xf32> to vector<16xf32>
      %get3A_157 = arith.constant 3 : i32
      %get3A_158 = arith.index_cast %get3A_157 : i32 to index
      %get3A_159 = arith.index_cast %add3A_142 : i32 to index
      %get3A_160 = tpu.vector_load %arg10[%get3A_158, %get3A_159] {strides = array<i32>} : memref<32x1024xf32, #tpu.memory_space<vmem>>, vector<1x16xf32>,
      %get3A_161 = vector.shape_cast %get3A_160 : vector<1x16xf32> to vector<16xf32>
      %get3A_162 = arith.constant 4 : i32
      %get3A_163 = arith.index_cast %get3A_162 : i32 to index
      %get3A_164 = arith.index_cast %add3A_142 : i32 to index
      %get3A_165 = tpu.vector_load %arg10[%get3A_163, %get3A_164] {strides = array<i32>} : memref<32x1024xf32, #tpu.memory_space<vmem>>, vector<1x16xf32>,
      %get3A_166 = vector.shape_cast %get3A_165 : vector<1x16xf32> to vector<16xf32>
      %get3A_167 = arith.constant 5 : i32
      %get3A_168 = arith.index_cast %get3A_167 : i32 to index
      %get3A_169 = arith.index_cast %add3A_142 : i32 to index
      %get3A_170 = tpu.vector_load %arg10[%get3A_168, %get3A_169] {strides = array<i32>} : memref<32x1024xf32, #tpu.memory_space<vmem>>, vector<1x16xf32>,
      %get3A_171 = vector.shape_cast %get3A_170 : vector<1x16xf32> to vector<16xf32>
      %get3A_172 = arith.constant 6 : i32
      %get3A_173 = arith.index_cast %get3A_172 : i32 to index
      %get3A_174 = arith.index_cast %add3A_142 : i32 to index
      %get3A_175 = tpu.vector_load %arg10[%get3A_173, %get3A_174] {strides = array<i32>} : memref<32x1024xf32, #tpu.memory_space<vmem>>, vector<1x16xf32>,
      %get3A_176 = vector.shape_cast %get3A_175 : vector<1x16xf32> to vector<16xf32>
      %get3A_177 = arith.constant 7 : i32
      %get3A_178 = arith.index_cast %get3A_177 : i32 to index
      %get3A_179 = arith.index_cast %add3A_142 : i32 to index
      %get3A_180 = tpu.vector_load %arg10[%get3A_178, %get3A_179] {strides = array<i32>} : memref<32x1024xf32, #tpu.memory_space<vmem>>, vector<1x16xf32>,
      %get3A_181 = vector.shape_cast %get3A_180 : vector<1x16xf32> to vector<16xf32>
      %get3A_182 = arith.constant 8 : i32
      %get3A_183 = arith.index_cast %get3A_182 : i32 to index
      %get3A_184 = arith.index_cast %add3A_142 : i32 to index
      %get3A_185 = tpu.vector_load %arg10[%get3A_183, %get3A_184] {strides = array<i32>} : memref<32x1024xf32, #tpu.memory_space<vmem>>, vector<1x16xf32>,
      %get3A_186 = vector.shape_cast %get3A_185 : vector<1x16xf32> to vector<16xf32>
      %add3A_187 = arith.addf %get3A_146, %get3A_186 : vector<16xf32>
      %get3A_188 = arith.constant 9 : i32
      %get3A_189 = arith.index_cast %get3A_188 : i32 to index
      %get3A_190 = arith.index_cast %add3A_142 : i32 to index
      %get3A_191 = tpu.vector_load %arg10[%get3A_189, %get3A_190] {strides = array<i32>} : memref<32x1024xf32, #tpu.memory_space<vmem>>, vector<1x16xf32>,
      %get3A_192 = vector.shape_cast %get3A_191 : vector<1x16xf32> to vector<16xf32>
      %add3A_193 = arith.addf %get3A_151, %get3A_192 : vector<16xf32>
      %get3A_194 = arith.constant 10 : i32
      %get3A_195 = arith.index_cast %get3A_194 : i32 to index
      %get3A_196 = arith.index_cast %add3A_142 : i32 to index
      %get3A_197 = tpu.vector_load %arg10[%get3A_195, %get3A_196] {strides = array<i32>} : memref<32x1024xf32, #tpu.memory_space<vmem>>, vector<1x16xf32>,
      %get3A_198 = vector.shape_cast %get3A_197 : vector<1x16xf32> to vector<16xf32>
      %add3A_199 = arith.addf %get3A_156, %get3A_198 : vector<16xf32>
      %get3A_200 = arith.constant 11 : i32
      %get3A_201 = arith.index_cast %get3A_200 : i32 to index
      %get3A_202 = arith.index_cast %add3A_142 : i32 to index
      %get3A_203 = tpu.vector_load %arg10[%get3A_201, %get3A_202] {strides = array<i32>} : memref<32x1024xf32, #tpu.memory_space<vmem>>, vector<1x16xf32>,
      %get3A_204 = vector.shape_cast %get3A_203 : vector<1x16xf32> to vector<16xf32>
      %add3A_205 = arith.addf %get3A_161, %get3A_204 : vector<16xf32>
      %get3A_206 = arith.constant 12 : i32
      %get3A_207 = arith.index_cast %get3A_206 : i32 to index
      %get3A_208 = arith.index_cast %add3A_142 : i32 to index
      %get3A_209 = tpu.vector_load %arg10[%get3A_207, %get3A_208] {strides = array<i32>} : memref<32x1024xf32, #tpu.memory_space<vmem>>, vector<1x16xf32>,
      %get3A_210 = vector.shape_cast %get3A_209 : vector<1x16xf32> to vector<16xf32>
      %add3A_211 = arith.addf %get3A_166, %get3A_210 : vector<16xf32>
      %get3A_212 = arith.constant 13 : i32
      %get3A_213 = arith.index_cast %get3A_212 : i32 to index
      %get3A_214 = arith.index_cast %add3A_142 : i32 to index
      %get3A_215 = tpu.vector_load %arg10[%get3A_213, %get3A_214] {strides = array<i32>} : memref<32x1024xf32, #tpu.memory_space<vmem>>, vector<1x16xf32>,
      %get3A_216 = vector.shape_cast %get3A_215 : vector<1x16xf32> to vector<16xf32>
      %add3A_217 = arith.addf %get3A_171, %get3A_216 : vector<16xf32>
      %get3A_218 = arith.constant 14 : i32
      %get3A_219 = arith.index_cast %get3A_218 : i32 to index
      %get3A_220 = arith.index_cast %add3A_142 : i32 to index
      %get3A_221 = tpu.vector_load %arg10[%get3A_219, %get3A_220] {strides = array<i32>} : memref<32x1024xf32, #tpu.memory_space<vmem>>, vector<1x16xf32>,
      %get3A_222 = vector.shape_cast %get3A_221 : vector<1x16xf32> to vector<16xf32>
      %add3A_223 = arith.addf %get3A_176, %get3A_222 : vector<16xf32>
      %get3A_224 = arith.constant 15 : i32
      %get3A_225 = arith.index_cast %get3A_224 : i32 to index
      %get3A_226 = arith.index_cast %add3A_142 : i32 to index
      %get3A_227 = tpu.vector_load %arg10[%get3A_225, %get3A_226] {strides = array<i32>} : memref<32x1024xf32, #tpu.memory_space<vmem>>, vector<1x16xf32>,
      %get3A_228 = vector.shape_cast %get3A_227 : vector<1x16xf32> to vector<16xf32>
      %add3A_229 = arith.addf %get3A_181, %get3A_228 : vector<16xf32>
      %get3A_230 = arith.constant 16 : i32
      %get3A_231 = arith.index_cast %get3A_230 : i32 to index
      %get3A_232 = arith.index_cast %add3A_142 : i32 to index
      %get3A_233 = tpu.vector_load %arg10[%get3A_231, %get3A_232] {strides = array<i32>} : memref<32x1024xf32, #tpu.memory_space<vmem>>, vector<1x16xf32>,
      %get3A_234 = vector.shape_cast %get3A_233 : vector<1x16xf32> to vector<16xf32>
      %add3A_235 = arith.addf %add3A_187, %get3A_234 : vector<16xf32>
      %get3A_236 = arith.constant 17 : i32
      %get3A_237 = arith.index_cast %get3A_236 : i32 to index
      %get3A_238 = arith.index_cast %add3A_142 : i32 to index
      %get3A_239 = tpu.vector_load %arg10[%get3A_237, %get3A_238] {strides = array<i32>} : memref<32x1024xf32, #tpu.memory_space<vmem>>, vector<1x16xf32>,
      %get3A_240 = vector.shape_cast %get3A_239 : vector<1x16xf32> to vector<16xf32>
      %add3A_241 = arith.addf %add3A_193, %get3A_240 : vector<16xf32>
      %get3A_242 = arith.constant 18 : i32
      %get3A_243 = arith.index_cast %get3A_242 : i32 to index
      %get3A_244 = arith.index_cast %add3A_142 : i32 to index
      %get3A_245 = tpu.vector_load %arg10[%get3A_243, %get3A_244] {strides = array<i32>} : memref<32x1024xf32, #tpu.memory_space<vmem>>, vector<1x16xf32>,
      %get3A_246 = vector.shape_cast %get3A_245 : vector<1x16xf32> to vector<16xf32>
      %add3A_247 = arith.addf %add3A_199, %get3A_246 : vector<16xf32>
      %get3A_248 = arith.constant 19 : i32
      %get3A_249 = arith.index_cast %get3A_248 : i32 to index
      %get3A_250 = arith.index_cast %add3A_142 : i32 to index
      %get3A_251 = tpu.vector_load %arg10[%get3A_249, %get3A_250] {strides = array<i32>} : memref<32x1024xf32, #tpu.memory_space<vmem>>, vector<1x16xf32>,
      %get3A_252 = vector.shape_cast %get3A_251 : vector<1x16xf32> to vector<16xf32>
      %add3A_253 = arith.addf %add3A_205, %get3A_252 : vector<16xf32>
      %get3A_254 = arith.constant 20 : i32
      %get3A_255 = arith.index_cast %get3A_254 : i32 to index
      %get3A_256 = arith.index_cast %add3A_142 : i32 to index
      %get3A_257 = tpu.vector_load %arg10[%get3A_255, %get3A_256] {strides = array<i32>} : memref<32x1024xf32, #tpu.memory_space<vmem>>, vector<1x16xf32>,
      %get3A_258 = vector.shape_cast %get3A_257 : vector<1x16xf32> to vector<16xf32>
      %add3A_259 = arith.addf %add3A_211, %get3A_258 : vector<16xf32>
      %get3A_260 = arith.constant 21 : i32
      %get3A_261 = arith.index_cast %get3A_260 : i32 to index
      %get3A_262 = arith.index_cast %add3A_142 : i32 to index
      %get3A_263 = tpu.vector_load %arg10[%get3A_261, %get3A_262] {strides = array<i32>} : memref<32x1024xf32, #tpu.memory_space<vmem>>, vector<1x16xf32>,
      %get3A_264 = vector.shape_cast %get3A_263 : vector<1x16xf32> to vector<16xf32>
      %add3A_265 = arith.addf %add3A_217, %get3A_264 : vector<16xf32>
      %get3A_266 = arith.constant 22 : i32
      %get3A_267 = arith.index_cast %get3A_266 : i32 to index
      %get3A_268 = arith.index_cast %add3A_142 : i32 to index
      %get3A_269 = tpu.vector_load %arg10[%get3A_267, %get3A_268] {strides = array<i32>} : memref<32x1024xf32, #tpu.memory_space<vmem>>, vector<1x16xf32>,
      %get3A_270 = vector.shape_cast %get3A_269 : vector<1x16xf32> to vector<16xf32>
      %add3A_271 = arith.addf %add3A_223, %get3A_270 : vector<16xf32>
      %get3A_272 = arith.constant 23 : i32
      %get3A_273 = arith.index_cast %get3A_272 : i32 to index
      %get3A_274 = arith.index_cast %add3A_142 : i32 to index
      %get3A_275 = tpu.vector_load %arg10[%get3A_273, %get3A_274] {strides = array<i32>} : memref<32x1024xf32, #tpu.memory_space<vmem>>, vector<1x16xf32>,
      %get3A_276 = vector.shape_cast %get3A_275 : vector<1x16xf32> to vector<16xf32>
      %add3A_277 = arith.addf %add3A_229, %get3A_276 : vector<16xf32>
      %get3A_278 = arith.constant 24 : i32
      %get3A_279 = arith.index_cast %get3A_278 : i32 to index
      %get3A_280 = arith.index_cast %add3A_142 : i32 to index
      %get3A_281 = tpu.vector_load %arg10[%get3A_279, %get3A_280] {strides = array<i32>} : memref<32x1024xf32, #tpu.memory_space<vmem>>, vector<1x16xf32>,
      %get3A_282 = vector.shape_cast %get3A_281 : vector<1x16xf32> to vector<16xf32>
      %add3A_283 = arith.addf %add3A_235, %get3A_282 : vector<16xf32>
      %get3A_284 = arith.constant 25 : i32
      %get3A_285 = arith.index_cast %get3A_284 : i32 to index
      %get3A_286 = arith.index_cast %add3A_142 : i32 to index
      %get3A_287 = tpu.vector_load %arg10[%get3A_285, %get3A_286] {strides = array<i32>} : memref<32x1024xf32, #tpu.memory_space<vmem>>, vector<1x16xf32>,
      %get3A_288 = vector.shape_cast %get3A_287 : vector<1x16xf32> to vector<16xf32>
      %add3A_289 = arith.addf %add3A_241, %get3A_288 : vector<16xf32>
      %get3A_290 = arith.constant 26 : i32
      %get3A_291 = arith.index_cast %get3A_290 : i32 to index
      %get3A_292 = arith.index_cast %add3A_142 : i32 to index
      %get3A_293 = tpu.vector_load %arg10[%get3A_291, %get3A_292] {strides = array<i32>} : memref<32x1024xf32, #tpu.memory_space<vmem>>, vector<1x16xf32>,
      %get3A_294 = vector.shape_cast %get3A_293 : vector<1x16xf32> to vector<16xf32>
      %add3A_295 = arith.addf %add3A_247, %get3A_294 : vector<16xf32>
      %get3A_296 = arith.constant 27 : i32
      %get3A_297 = arith.index_cast %get3A_296 : i32 to index
      %get3A_298 = arith.index_cast %add3A_142 : i32 to index
      %get3A_299 = tpu.vector_load %arg10[%get3A_297, %get3A_298] {strides = array<i32>} : memref<32x1024xf32, #tpu.memory_space<vmem>>, vector<1x16xf32>,
      %get3A_300 = vector.shape_cast %get3A_299 : vector<1x16xf32> to vector<16xf32>
      %add3A_301 = arith.addf %add3A_253, %get3A_300 : vector<16xf32>
      %get3A_302 = arith.constant 28 : i32
      %get3A_303 = arith.index_cast %get3A_302 : i32 to index
      %get3A_304 = arith.index_cast %add3A_142 : i32 to index
      %get3A_305 = tpu.vector_load %arg10[%get3A_303, %get3A_304] {strides = array<i32>} : memref<32x1024xf32, #tpu.memory_space<vmem>>, vector<1x16xf32>,
      %get3A_306 = vector.shape_cast %get3A_305 : vector<1x16xf32> to vector<16xf32>
      %add3A_307 = arith.addf %add3A_259, %get3A_306 : vector<16xf32>
      %get3A_308 = arith.constant 29 : i32
      %get3A_309 = arith.index_cast %get3A_308 : i32 to index
      %get3A_310 = arith.index_cast %add3A_142 : i32 to index
      %get3A_311 = tpu.vector_load %arg10[%get3A_309, %get3A_310] {strides = array<i32>} : memref<32x1024xf32, #tpu.memory_space<vmem>>, vector<1x16xf32>,
      %get3A_312 = vector.shape_cast %get3A_311 : vector<1x16xf32> to vector<16xf32>
      %add3A_313 = arith.addf %add3A_265, %get3A_312 : vector<16xf32>
      %get3A_314 = arith.constant 30 : i32
      %get3A_315 = arith.index_cast %get3A_314 : i32 to index
      %get3A_316 = arith.index_cast %add3A_142 : i32 to index
      %get3A_317 = tpu.vector_load %arg10[%get3A_315, %get3A_316] {strides = array<i32>} : memref<32x1024xf32, #tpu.memory_space<vmem>>, vector<1x16xf32>,
      %get3A_318 = vector.shape_cast %get3A_317 : vector<1x16xf32> to vector<16xf32>
      %add3A_319 = arith.addf %add3A_271, %get3A_318 : vector<16xf32>
      %get3A_320 = arith.constant 31 : i32
      %get3A_321 = arith.index_cast %get3A_320 : i32 to index
      %get3A_322 = arith.index_cast %add3A_142 : i32 to index
      %get3A_323 = tpu.vector_load %arg10[%get3A_321, %get3A_322] {strides = array<i32>} : memref<32x1024xf32, #tpu.memory_space<vmem>>, vector<1x16xf32>,
      %get3A_324 = vector.shape_cast %get3A_323 : vector<1x16xf32> to vector<16xf32>
      %add3A_325 = arith.addf %add3A_277, %get3A_324 : vector<16xf32>
      %add3A_326 = arith.addf %add3A_283, %add3A_289 : vector<16xf32>
      %add3A_327 = arith.addf %add3A_295, %add3A_301 : vector<16xf32>
      %add3A_328 = arith.addf %add3A_326, %add3A_327 : vector<16xf32>
      %add3A_329 = arith.addf %add3A_307, %add3A_313 : vector<16xf32>
      %add3A_330 = arith.addf %add3A_319, %add3A_325 : vector<16xf32>
      %add3A_331 = arith.addf %add3A_329, %add3A_330 : vector<16xf32>
      %add3A_332 = arith.addf %add3A_328, %add3A_331 : vector<16xf32>
      %get3A_333 = arith.index_cast %add3A_142 : i32 to index
      %get3A_334 = tpu.vector_load %arg12[%get3A_333] {strides = array<i32>} : memref<1024xf32, #tpu.memory_space<vmem>>, vector<16xf32>,
      %get3A_335 = vector.shape_cast %get3A_334 : vector<16xf32> to vector<16xf32>
      %add3A_336 = arith.addf %get3A_335, %add3A_332 : vector<16xf32>
      %swap3A = arith.index_cast %add3A_142 : i32 to index
      %swap3A_337 = tpu.vector_load %arg12[%swap3A] {strides = array<i32>} : memref<1024xf32, #tpu.memory_space<vmem>>, vector<16xf32>,
      %swap3A_338 = vector.shape_cast %swap3A_337 : vector<16xf32> to vector<16xf32>
      %swap3A_339 = vector.shape_cast %add3A_336 : vector<16xf32> to vector<16xf32>
      tpu.vector_store %arg12[%swap3A], %swap3A_339 {strides = array<i32>} : memref<1024xf32, #tpu.memory_space<vmem>>, vector<16xf32>,
      %mul3A_340 = arith.constant 32 : i32
      %mul3A_341 = arith.muli %scan3A_138, %mul3A_340 : i32
      %add3A_342 = arith.constant 16 : i32
      %add3A_343 = arith.addi %mul3A_341, %add3A_342 : i32
      %get3A_344 = arith.constant 0 : i32
      %get3A_345 = arith.index_cast %get3A_344 : i32 to index
      %get3A_346 = arith.index_cast %add3A_343 : i32 to index
      %get3A_347 = tpu.vector_load %arg10[%get3A_345, %get3A_346] {strides = array<i32>} : memref<32x1024xf32, #tpu.memory_space<vmem>>, vector<1x16xf32>,
      %get3A_348 = vector.shape_cast %get3A_347 : vector<1x16xf32> to vector<16xf32>
      %get3A_349 = arith.constant 1 : i32
      %get3A_350 = arith.index_cast %get3A_349 : i32 to index
      %get3A_351 = arith.index_cast %add3A_343 : i32 to index
      %get3A_352 = tpu.vector_load %arg10[%get3A_350, %get3A_351] {strides = array<i32>} : memref<32x1024xf32, #tpu.memory_space<vmem>>, vector<1x16xf32>,
      %get3A_353 = vector.shape_cast %get3A_352 : vector<1x16xf32> to vector<16xf32>
      %get3A_354 = arith.constant 2 : i32
      %get3A_355 = arith.index_cast %get3A_354 : i32 to index
      %get3A_356 = arith.index_cast %add3A_343 : i32 to index
      %get3A_357 = tpu.vector_load %arg10[%get3A_355, %get3A_356] {strides = array<i32>} : memref<32x1024xf32, #tpu.memory_space<vmem>>, vector<1x16xf32>,
      %get3A_358 = vector.shape_cast %get3A_357 : vector<1x16xf32> to vector<16xf32>
      %get3A_359 = arith.constant 3 : i32
      %get3A_360 = arith.index_cast %get3A_359 : i32 to index
      %get3A_361 = arith.index_cast %add3A_343 : i32 to index
      %get3A_362 = tpu.vector_load %arg10[%get3A_360, %get3A_361] {strides = array<i32>} : memref<32x1024xf32, #tpu.memory_space<vmem>>, vector<1x16xf32>,
      %get3A_363 = vector.shape_cast %get3A_362 : vector<1x16xf32> to vector<16xf32>
      %get3A_364 = arith.constant 4 : i32
      %get3A_365 = arith.index_cast %get3A_364 : i32 to index
      %get3A_366 = arith.index_cast %add3A_343 : i32 to index
      %get3A_367 = tpu.vector_load %arg10[%get3A_365, %get3A_366] {strides = array<i32>} : memref<32x1024xf32, #tpu.memory_space<vmem>>, vector<1x16xf32>,
      %get3A_368 = vector.shape_cast %get3A_367 : vector<1x16xf32> to vector<16xf32>
      %get3A_369 = arith.constant 5 : i32
      %get3A_370 = arith.index_cast %get3A_369 : i32 to index
      %get3A_371 = arith.index_cast %add3A_343 : i32 to index
      %get3A_372 = tpu.vector_load %arg10[%get3A_370, %get3A_371] {strides = array<i32>} : memref<32x1024xf32, #tpu.memory_space<vmem>>, vector<1x16xf32>,
      %get3A_373 = vector.shape_cast %get3A_372 : vector<1x16xf32> to vector<16xf32>
      %get3A_374 = arith.constant 6 : i32
      %get3A_375 = arith.index_cast %get3A_374 : i32 to index
      %get3A_376 = arith.index_cast %add3A_343 : i32 to index
      %get3A_377 = tpu.vector_load %arg10[%get3A_375, %get3A_376] {strides = array<i32>} : memref<32x1024xf32, #tpu.memory_space<vmem>>, vector<1x16xf32>,
      %get3A_378 = vector.shape_cast %get3A_377 : vector<1x16xf32> to vector<16xf32>
      %get3A_379 = arith.constant 7 : i32
      %get3A_380 = arith.index_cast %get3A_379 : i32 to index
      %get3A_381 = arith.index_cast %add3A_343 : i32 to index
      %get3A_382 = tpu.vector_load %arg10[%get3A_380, %get3A_381] {strides = array<i32>} : memref<32x1024xf32, #tpu.memory_space<vmem>>, vector<1x16xf32>,
      %get3A_383 = vector.shape_cast %get3A_382 : vector<1x16xf32> to vector<16xf32>
      %get3A_384 = arith.constant 8 : i32
      %get3A_385 = arith.index_cast %get3A_384 : i32 to index
      %get3A_386 = arith.index_cast %add3A_343 : i32 to index
      %get3A_387 = tpu.vector_load %arg10[%get3A_385, %get3A_386] {strides = array<i32>} : memref<32x1024xf32, #tpu.memory_space<vmem>>, vector<1x16xf32>,
      %get3A_388 = vector.shape_cast %get3A_387 : vector<1x16xf32> to vector<16xf32>
      %add3A_389 = arith.addf %get3A_348, %get3A_388 : vector<16xf32>
      %get3A_390 = arith.constant 9 : i32
      %get3A_391 = arith.index_cast %get3A_390 : i32 to index
      %get3A_392 = arith.index_cast %add3A_343 : i32 to index
      %get3A_393 = tpu.vector_load %arg10[%get3A_391, %get3A_392] {strides = array<i32>} : memref<32x1024xf32, #tpu.memory_space<vmem>>, vector<1x16xf32>,
      %get3A_394 = vector.shape_cast %get3A_393 : vector<1x16xf32> to vector<16xf32>
      %add3A_395 = arith.addf %get3A_353, %get3A_394 : vector<16xf32>
      %get3A_396 = arith.constant 10 : i32
      %get3A_397 = arith.index_cast %get3A_396 : i32 to index
      %get3A_398 = arith.index_cast %add3A_343 : i32 to index
      %get3A_399 = tpu.vector_load %arg10[%get3A_397, %get3A_398] {strides = array<i32>} : memref<32x1024xf32, #tpu.memory_space<vmem>>, vector<1x16xf32>,
      %get3A_400 = vector.shape_cast %get3A_399 : vector<1x16xf32> to vector<16xf32>
      %add3A_401 = arith.addf %get3A_358, %get3A_400 : vector<16xf32>
      %get3A_402 = arith.constant 11 : i32
      %get3A_403 = arith.index_cast %get3A_402 : i32 to index
      %get3A_404 = arith.index_cast %add3A_343 : i32 to index
      %get3A_405 = tpu.vector_load %arg10[%get3A_403, %get3A_404] {strides = array<i32>} : memref<32x1024xf32, #tpu.memory_space<vmem>>, vector<1x16xf32>,
      %get3A_406 = vector.shape_cast %get3A_405 : vector<1x16xf32> to vector<16xf32>
      %add3A_407 = arith.addf %get3A_363, %get3A_406 : vector<16xf32>
      %get3A_408 = arith.constant 12 : i32
      %get3A_409 = arith.index_cast %get3A_408 : i32 to index
      %get3A_410 = arith.index_cast %add3A_343 : i32 to index
      %get3A_411 = tpu.vector_load %arg10[%get3A_409, %get3A_410] {strides = array<i32>} : memref<32x1024xf32, #tpu.memory_space<vmem>>, vector<1x16xf32>,
      %get3A_412 = vector.shape_cast %get3A_411 : vector<1x16xf32> to vector<16xf32>
      %add3A_413 = arith.addf %get3A_368, %get3A_412 : vector<16xf32>
      %get3A_414 = arith.constant 13 : i32
      %get3A_415 = arith.index_cast %get3A_414 : i32 to index
      %get3A_416 = arith.index_cast %add3A_343 : i32 to index
      %get3A_417 = tpu.vector_load %arg10[%get3A_415, %get3A_416] {strides = array<i32>} : memref<32x1024xf32, #tpu.memory_space<vmem>>, vector<1x16xf32>,
      %get3A_418 = vector.shape_cast %get3A_417 : vector<1x16xf32> to vector<16xf32>
      %add3A_419 = arith.addf %get3A_373, %get3A_418 : vector<16xf32>
      %get3A_420 = arith.constant 14 : i32
      %get3A_421 = arith.index_cast %get3A_420 : i32 to index
      %get3A_422 = arith.index_cast %add3A_343 : i32 to index
      %get3A_423 = tpu.vector_load %arg10[%get3A_421, %get3A_422] {strides = array<i32>} : memref<32x1024xf32, #tpu.memory_space<vmem>>, vector<1x16xf32>,
      %get3A_424 = vector.shape_cast %get3A_423 : vector<1x16xf32> to vector<16xf32>
      %add3A_425 = arith.addf %get3A_378, %get3A_424 : vector<16xf32>
      %get3A_426 = arith.constant 15 : i32
      %get3A_427 = arith.index_cast %get3A_426 : i32 to index
      %get3A_428 = arith.index_cast %add3A_343 : i32 to index
      %get3A_429 = tpu.vector_load %arg10[%get3A_427, %get3A_428] {strides = array<i32>} : memref<32x1024xf32, #tpu.memory_space<vmem>>, vector<1x16xf32>,
      %get3A_430 = vector.shape_cast %get3A_429 : vector<1x16xf32> to vector<16xf32>
      %add3A_431 = arith.addf %get3A_383, %get3A_430 : vector<16xf32>
      %get3A_432 = arith.constant 16 : i32
      %get3A_433 = arith.index_cast %get3A_432 : i32 to index
      %get3A_434 = arith.index_cast %add3A_343 : i32 to index
      %get3A_435 = tpu.vector_load %arg10[%get3A_433, %get3A_434] {strides = array<i32>} : memref<32x1024xf32, #tpu.memory_space<vmem>>, vector<1x16xf32>,
      %get3A_436 = vector.shape_cast %get3A_435 : vector<1x16xf32> to vector<16xf32>
      %add3A_437 = arith.addf %add3A_389, %get3A_436 : vector<16xf32>
      %get3A_438 = arith.constant 17 : i32
      %get3A_439 = arith.index_cast %get3A_438 : i32 to index
      %get3A_440 = arith.index_cast %add3A_343 : i32 to index
      %get3A_441 = tpu.vector_load %arg10[%get3A_439, %get3A_440] {strides = array<i32>} : memref<32x1024xf32, #tpu.memory_space<vmem>>, vector<1x16xf32>,
      %get3A_442 = vector.shape_cast %get3A_441 : vector<1x16xf32> to vector<16xf32>
      %add3A_443 = arith.addf %add3A_395, %get3A_442 : vector<16xf32>
      %get3A_444 = arith.constant 18 : i32
      %get3A_445 = arith.index_cast %get3A_444 : i32 to index
      %get3A_446 = arith.index_cast %add3A_343 : i32 to index
      %get3A_447 = tpu.vector_load %arg10[%get3A_445, %get3A_446] {strides = array<i32>} : memref<32x1024xf32, #tpu.memory_space<vmem>>, vector<1x16xf32>,
      %get3A_448 = vector.shape_cast %get3A_447 : vector<1x16xf32> to vector<16xf32>
      %add3A_449 = arith.addf %add3A_401, %get3A_448 : vector<16xf32>
      %get3A_450 = arith.constant 19 : i32
      %get3A_451 = arith.index_cast %get3A_450 : i32 to index
      %get3A_452 = arith.index_cast %add3A_343 : i32 to index
      %get3A_453 = tpu.vector_load %arg10[%get3A_451, %get3A_452] {strides = array<i32>} : memref<32x1024xf32, #tpu.memory_space<vmem>>, vector<1x16xf32>,
      %get3A_454 = vector.shape_cast %get3A_453 : vector<1x16xf32> to vector<16xf32>
      %add3A_455 = arith.addf %add3A_407, %get3A_454 : vector<16xf32>
      %get3A_456 = arith.constant 20 : i32
      %get3A_457 = arith.index_cast %get3A_456 : i32 to index
      %get3A_458 = arith.index_cast %add3A_343 : i32 to index
      %get3A_459 = tpu.vector_load %arg10[%get3A_457, %get3A_458] {strides = array<i32>} : memref<32x1024xf32, #tpu.memory_space<vmem>>, vector<1x16xf32>,
      %get3A_460 = vector.shape_cast %get3A_459 : vector<1x16xf32> to vector<16xf32>
      %add3A_461 = arith.addf %add3A_413, %get3A_460 : vector<16xf32>
      %get3A_462 = arith.constant 21 : i32
      %get3A_463 = arith.index_cast %get3A_462 : i32 to index
      %get3A_464 = arith.index_cast %add3A_343 : i32 to index
      %get3A_465 = tpu.vector_load %arg10[%get3A_463, %get3A_464] {strides = array<i32>} : memref<32x1024xf32, #tpu.memory_space<vmem>>, vector<1x16xf32>,
      %get3A_466 = vector.shape_cast %get3A_465 : vector<1x16xf32> to vector<16xf32>
      %add3A_467 = arith.addf %add3A_419, %get3A_466 : vector<16xf32>
      %get3A_468 = arith.constant 22 : i32
      %get3A_469 = arith.index_cast %get3A_468 : i32 to index
      %get3A_470 = arith.index_cast %add3A_343 : i32 to index
      %get3A_471 = tpu.vector_load %arg10[%get3A_469, %get3A_470] {strides = array<i32>} : memref<32x1024xf32, #tpu.memory_space<vmem>>, vector<1x16xf32>,
      %get3A_472 = vector.shape_cast %get3A_471 : vector<1x16xf32> to vector<16xf32>
      %add3A_473 = arith.addf %add3A_425, %get3A_472 : vector<16xf32>
      %get3A_474 = arith.constant 23 : i32
      %get3A_475 = arith.index_cast %get3A_474 : i32 to index
      %get3A_476 = arith.index_cast %add3A_343 : i32 to index
      %get3A_477 = tpu.vector_load %arg10[%get3A_475, %get3A_476] {strides = array<i32>} : memref<32x1024xf32, #tpu.memory_space<vmem>>, vector<1x16xf32>,
      %get3A_478 = vector.shape_cast %get3A_477 : vector<1x16xf32> to vector<16xf32>
      %add3A_479 = arith.addf %add3A_431, %get3A_478 : vector<16xf32>
      %get3A_480 = arith.constant 24 : i32
      %get3A_481 = arith.index_cast %get3A_480 : i32 to index
      %get3A_482 = arith.index_cast %add3A_343 : i32 to index
      %get3A_483 = tpu.vector_load %arg10[%get3A_481, %get3A_482] {strides = array<i32>} : memref<32x1024xf32, #tpu.memory_space<vmem>>, vector<1x16xf32>,
      %get3A_484 = vector.shape_cast %get3A_483 : vector<1x16xf32> to vector<16xf32>
      %add3A_485 = arith.addf %add3A_437, %get3A_484 : vector<16xf32>
      %get3A_486 = arith.constant 25 : i32
      %get3A_487 = arith.index_cast %get3A_486 : i32 to index
      %get3A_488 = arith.index_cast %add3A_343 : i32 to index
      %get3A_489 = tpu.vector_load %arg10[%get3A_487, %get3A_488] {strides = array<i32>} : memref<32x1024xf32, #tpu.memory_space<vmem>>, vector<1x16xf32>,
      %get3A_490 = vector.shape_cast %get3A_489 : vector<1x16xf32> to vector<16xf32>
      %add3A_491 = arith.addf %add3A_443, %get3A_490 : vector<16xf32>
      %get3A_492 = arith.constant 26 : i32
      %get3A_493 = arith.index_cast %get3A_492 : i32 to index
      %get3A_494 = arith.index_cast %add3A_343 : i32 to index
      %get3A_495 = tpu.vector_load %arg10[%get3A_493, %get3A_494] {strides = array<i32>} : memref<32x1024xf32, #tpu.memory_space<vmem>>, vector<1x16xf32>,
      %get3A_496 = vector.shape_cast %get3A_495 : vector<1x16xf32> to vector<16xf32>
      %add3A_497 = arith.addf %add3A_449, %get3A_496 : vector<16xf32>
      %get3A_498 = arith.constant 27 : i32
      %get3A_499 = arith.index_cast %get3A_498 : i32 to index
      %get3A_500 = arith.index_cast %add3A_343 : i32 to index
      %get3A_501 = tpu.vector_load %arg10[%get3A_499, %get3A_500] {strides = array<i32>} : memref<32x1024xf32, #tpu.memory_space<vmem>>, vector<1x16xf32>,
      %get3A_502 = vector.shape_cast %get3A_501 : vector<1x16xf32> to vector<16xf32>
      %add3A_503 = arith.addf %add3A_455, %get3A_502 : vector<16xf32>
      %get3A_504 = arith.constant 28 : i32
      %get3A_505 = arith.index_cast %get3A_504 : i32 to index
      %get3A_506 = arith.index_cast %add3A_343 : i32 to index
      %get3A_507 = tpu.vector_load %arg10[%get3A_505, %get3A_506] {strides = array<i32>} : memref<32x1024xf32, #tpu.memory_space<vmem>>, vector<1x16xf32>,
      %get3A_508 = vector.shape_cast %get3A_507 : vector<1x16xf32> to vector<16xf32>
      %add3A_509 = arith.addf %add3A_461, %get3A_508 : vector<16xf32>
      %get3A_510 = arith.constant 29 : i32
      %get3A_511 = arith.index_cast %get3A_510 : i32 to index
      %get3A_512 = arith.index_cast %add3A_343 : i32 to index
      %get3A_513 = tpu.vector_load %arg10[%get3A_511, %get3A_512] {strides = array<i32>} : memref<32x1024xf32, #tpu.memory_space<vmem>>, vector<1x16xf32>,
      %get3A_514 = vector.shape_cast %get3A_513 : vector<1x16xf32> to vector<16xf32>
      %add3A_515 = arith.addf %add3A_467, %get3A_514 : vector<16xf32>
      %get3A_516 = arith.constant 30 : i32
      %get3A_517 = arith.index_cast %get3A_516 : i32 to index
      %get3A_518 = arith.index_cast %add3A_343 : i32 to index
      %get3A_519 = tpu.vector_load %arg10[%get3A_517, %get3A_518] {strides = array<i32>} : memref<32x1024xf32, #tpu.memory_space<vmem>>, vector<1x16xf32>,
      %get3A_520 = vector.shape_cast %get3A_519 : vector<1x16xf32> to vector<16xf32>
      %add3A_521 = arith.addf %add3A_473, %get3A_520 : vector<16xf32>
      %get3A_522 = arith.constant 31 : i32
      %get3A_523 = arith.index_cast %get3A_522 : i32 to index
      %get3A_524 = arith.index_cast %add3A_343 : i32 to index
      %get3A_525 = tpu.vector_load %arg10[%get3A_523, %get3A_524] {strides = array<i32>} : memref<32x1024xf32, #tpu.memory_space<vmem>>, vector<1x16xf32>,
      %get3A_526 = vector.shape_cast %get3A_525 : vector<1x16xf32> to vector<16xf32>
      %add3A_527 = arith.addf %add3A_479, %get3A_526 : vector<16xf32>
      %add3A_528 = arith.addf %add3A_485, %add3A_491 : vector<16xf32>
      %add3A_529 = arith.addf %add3A_497, %add3A_503 : vector<16xf32>
      %add3A_530 = arith.addf %add3A_528, %add3A_529 : vector<16xf32>
      %add3A_531 = arith.addf %add3A_509, %add3A_515 : vector<16xf32>
      %add3A_532 = arith.addf %add3A_521, %add3A_527 : vector<16xf32>
      %add3A_533 = arith.addf %add3A_531, %add3A_532 : vector<16xf32>
      %add3A_534 = arith.addf %add3A_530, %add3A_533 : vector<16xf32>
      %get3A_535 = arith.index_cast %add3A_343 : i32 to index
      %get3A_536 = tpu.vector_load %arg12[%get3A_535] {strides = array<i32>} : memref<1024xf32, #tpu.memory_space<vmem>>, vector<16xf32>,
      %get3A_537 = vector.shape_cast %get3A_536 : vector<16xf32> to vector<16xf32>
      %add3A_538 = arith.addf %get3A_537, %add3A_534 : vector<16xf32>
      %swap3A_539 = arith.index_cast %add3A_343 : i32 to index
      %swap3A_540 = tpu.vector_load %arg12[%swap3A_539] {strides = array<i32>} : memref<1024xf32, #tpu.memory_space<vmem>>, vector<16xf32>,
      %swap3A_541 = vector.shape_cast %swap3A_540 : vector<16xf32> to vector<16xf32>
      %swap3A_542 = vector.shape_cast %add3A_538 : vector<16xf32> to vector<16xf32>
      tpu.vector_store %arg12[%swap3A_539], %swap3A_542 {strides = array<i32>} : memref<1024xf32, #tpu.memory_space<vmem>>, vector<16xf32>,
    }
    %scan3A_46 = arith.constant 32 : i32
    %dma_wait3A_47 = arith.constant 64 : i32
    %dma_wait3A_48 = tpu.memref_slice %arg8[%dma_wait3A_47] : memref<256xi32, #tpu.memory_space<vmem>> -> memref<32xi32, #tpu.memory_space<vmem>>
    %dma_wait3A_49 = arith.constant 0 : i32
    %dma_wait3A_50 = arith.constant 0 : i32
    %dma_wait3A_51 = tpu.memref_slice %arg4[%dma_wait3A_49, %dma_wait3A_50] : memref<32128x1024xf32, #tpu.memory_space<hbm>> -> memref<32128x1024xf32, #tpu.memory_space<hbm>>
    tpu.wait_indirect_dma semaphore(%arg17 : memref<!tpu.dma_semaphore, #tpu.memory_space<semaphore_mem>>) src(%dma_wait3A_51 : memref<32128x1024xf32, #tpu.memory_space<hbm>>) dst(%arg11 : memref<32x1024xf32, #tpu.memory_space<vmem>>)
    %dma_start3A_52 = arith.constant 128 : i32
    %dma_start3A_53 = tpu.memref_slice %arg8[%dma_start3A_52] : memref<256xi32, #tpu.memory_space<vmem>> -> memref<32xi32, #tpu.memory_space<vmem>>
    %dma_start3A_54 = arith.constant 0 : i32
    %dma_start3A_55 = arith.constant 0 : i32
    %dma_start3A_56 = tpu.memref_slice %arg4[%dma_start3A_54, %dma_start3A_55] : memref<32128x1024xf32, #tpu.memory_space<hbm>> -> memref<32128x1024xf32, #tpu.memory_space<hbm>>
    tpu.enqueue_indirect_dma source(%dma_start3A_56 : memref<32128x1024xf32, #tpu.memory_space<hbm>>) target(%arg10 : memref<32x1024xf32, #tpu.memory_space<vmem>>) offsets(%dma_start3A_53 : memref<32xi32, #tpu.memory_space<vmem>>) semaphore(%arg16 : memref<!tpu.dma_semaphore, #tpu.memory_space<semaphore_mem>>)
    %scan3A_57 = arith.constant 0 : i32
    %scan3A_58 = arith.constant 0 : i32
    %scan3A_59 = arith.constant 32 : i32
    %scan3A_60 = arith.addi %scan3A_58, %scan3A_59 : i32
    %scan3A_61 = arith.constant 1 : i32
    scf.for %scan3A_138 = %scan3A_58 to %scan3A_60 step %scan3A_61  : i32 {
      %mul3A_139 = arith.constant 32 : i32
      %mul3A_140 = arith.muli %scan3A_138, %mul3A_139 : i32
      %add3A_141 = arith.constant 0 : i32
      %add3A_142 = arith.addi %mul3A_140, %add3A_141 : i32
      %get3A = arith.constant 0 : i32
      %get3A_143 = arith.index_cast %get3A : i32 to index
      %get3A_144 = arith.index_cast %add3A_142 : i32 to index
      %get3A_145 = tpu.vector_load %arg11[%get3A_143, %get3A_144] {strides = array<i32>} : memref<32x1024xf32, #tpu.memory_space<vmem>>, vector<1x16xf32>,
      %get3A_146 = vector.shape_cast %get3A_145 : vector<1x16xf32> to vector<16xf32>
      %get3A_147 = arith.constant 1 : i32
      %get3A_148 = arith.index_cast %get3A_147 : i32 to index
      %get3A_149 = arith.index_cast %add3A_142 : i32 to index
      %get3A_150 = tpu.vector_load %arg11[%get3A_148, %get3A_149] {strides = array<i32>} : memref<32x1024xf32, #tpu.memory_space<vmem>>, vector<1x16xf32>,
      %get3A_151 = vector.shape_cast %get3A_150 : vector<1x16xf32> to vector<16xf32>
      %get3A_152 = arith.constant 2 : i32
      %get3A_153 = arith.index_cast %get3A_152 : i32 to index
      %get3A_154 = arith.index_cast %add3A_142 : i32 to index
      %get3A_155 = tpu.vector_load %arg11[%get3A_153, %get3A_154] {strides = array<i32>} : memref<32x1024xf32, #tpu.memory_space<vmem>>, vector<1x16xf32>,
      %get3A_156 = vector.shape_cast %get3A_155 : vector<1x16xf32> to vector<16xf32>
      %get3A_157 = arith.constant 3 : i32
      %get3A_158 = arith.index_cast %get3A_157 : i32 to index
      %get3A_159 = arith.index_cast %add3A_142 : i32 to index
      %get3A_160 = tpu.vector_load %arg11[%get3A_158, %get3A_159] {strides = array<i32>} : memref<32x1024xf32, #tpu.memory_space<vmem>>, vector<1x16xf32>,
      %get3A_161 = vector.shape_cast %get3A_160 : vector<1x16xf32> to vector<16xf32>
      %get3A_162 = arith.constant 4 : i32
      %get3A_163 = arith.index_cast %get3A_162 : i32 to index
      %get3A_164 = arith.index_cast %add3A_142 : i32 to index
      %get3A_165 = tpu.vector_load %arg11[%get3A_163, %get3A_164] {strides = array<i32>} : memref<32x1024xf32, #tpu.memory_space<vmem>>, vector<1x16xf32>,
      %get3A_166 = vector.shape_cast %get3A_165 : vector<1x16xf32> to vector<16xf32>
      %get3A_167 = arith.constant 5 : i32
      %get3A_168 = arith.index_cast %get3A_167 : i32 to index
      %get3A_169 = arith.index_cast %add3A_142 : i32 to index
      %get3A_170 = tpu.vector_load %arg11[%get3A_168, %get3A_169] {strides = array<i32>} : memref<32x1024xf32, #tpu.memory_space<vmem>>, vector<1x16xf32>,
      %get3A_171 = vector.shape_cast %get3A_170 : vector<1x16xf32> to vector<16xf32>
      %get3A_172 = arith.constant 6 : i32
      %get3A_173 = arith.index_cast %get3A_172 : i32 to index
      %get3A_174 = arith.index_cast %add3A_142 : i32 to index
      %get3A_175 = tpu.vector_load %arg11[%get3A_173, %get3A_174] {strides = array<i32>} : memref<32x1024xf32, #tpu.memory_space<vmem>>, vector<1x16xf32>,
      %get3A_176 = vector.shape_cast %get3A_175 : vector<1x16xf32> to vector<16xf32>
      %get3A_177 = arith.constant 7 : i32
      %get3A_178 = arith.index_cast %get3A_177 : i32 to index
      %get3A_179 = arith.index_cast %add3A_142 : i32 to index
      %get3A_180 = tpu.vector_load %arg11[%get3A_178, %get3A_179] {strides = array<i32>} : memref<32x1024xf32, #tpu.memory_space<vmem>>, vector<1x16xf32>,
      %get3A_181 = vector.shape_cast %get3A_180 : vector<1x16xf32> to vector<16xf32>
      %get3A_182 = arith.constant 8 : i32
      %get3A_183 = arith.index_cast %get3A_182 : i32 to index
      %get3A_184 = arith.index_cast %add3A_142 : i32 to index
      %get3A_185 = tpu.vector_load %arg11[%get3A_183, %get3A_184] {strides = array<i32>} : memref<32x1024xf32, #tpu.memory_space<vmem>>, vector<1x16xf32>,
      %get3A_186 = vector.shape_cast %get3A_185 : vector<1x16xf32> to vector<16xf32>
      %add3A_187 = arith.addf %get3A_146, %get3A_186 : vector<16xf32>
      %get3A_188 = arith.constant 9 : i32
      %get3A_189 = arith.index_cast %get3A_188 : i32 to index
      %get3A_190 = arith.index_cast %add3A_142 : i32 to index
      %get3A_191 = tpu.vector_load %arg11[%get3A_189, %get3A_190] {strides = array<i32>} : memref<32x1024xf32, #tpu.memory_space<vmem>>, vector<1x16xf32>,
      %get3A_192 = vector.shape_cast %get3A_191 : vector<1x16xf32> to vector<16xf32>
      %add3A_193 = arith.addf %get3A_151, %get3A_192 : vector<16xf32>
      %get3A_194 = arith.constant 10 : i32
      %get3A_195 = arith.index_cast %get3A_194 : i32 to index
      %get3A_196 = arith.index_cast %add3A_142 : i32 to index
      %get3A_197 = tpu.vector_load %arg11[%get3A_195, %get3A_196] {strides = array<i32>} : memref<32x1024xf32, #tpu.memory_space<vmem>>, vector<1x16xf32>,
      %get3A_198 = vector.shape_cast %get3A_197 : vector<1x16xf32> to vector<16xf32>
      %add3A_199 = arith.addf %get3A_156, %get3A_198 : vector<16xf32>
      %get3A_200 = arith.constant 11 : i32
      %get3A_201 = arith.index_cast %get3A_200 : i32 to index
      %get3A_202 = arith.index_cast %add3A_142 : i32 to index
      %get3A_203 = tpu.vector_load %arg11[%get3A_201, %get3A_202] {strides = array<i32>} : memref<32x1024xf32, #tpu.memory_space<vmem>>, vector<1x16xf32>,
      %get3A_204 = vector.shape_cast %get3A_203 : vector<1x16xf32> to vector<16xf32>
      %add3A_205 = arith.addf %get3A_161, %get3A_204 : vector<16xf32>
      %get3A_206 = arith.constant 12 : i32
      %get3A_207 = arith.index_cast %get3A_206 : i32 to index
      %get3A_208 = arith.index_cast %add3A_142 : i32 to index
      %get3A_209 = tpu.vector_load %arg11[%get3A_207, %get3A_208] {strides = array<i32>} : memref<32x1024xf32, #tpu.memory_space<vmem>>, vector<1x16xf32>,
      %get3A_210 = vector.shape_cast %get3A_209 : vector<1x16xf32> to vector<16xf32>
      %add3A_211 = arith.addf %get3A_166, %get3A_210 : vector<16xf32>
      %get3A_212 = arith.constant 13 : i32
      %get3A_213 = arith.index_cast %get3A_212 : i32 to index
      %get3A_214 = arith.index_cast %add3A_142 : i32 to index
      %get3A_215 = tpu.vector_load %arg11[%get3A_213, %get3A_214] {strides = array<i32>} : memref<32x1024xf32, #tpu.memory_space<vmem>>, vector<1x16xf32>,
      %get3A_216 = vector.shape_cast %get3A_215 : vector<1x16xf32> to vector<16xf32>
      %add3A_217 = arith.addf %get3A_171, %get3A_216 : vector<16xf32>
      %get3A_218 = arith.constant 14 : i32
      %get3A_219 = arith.index_cast %get3A_218 : i32 to index
      %get3A_220 = arith.index_cast %add3A_142 : i32 to index
      %get3A_221 = tpu.vector_load %arg11[%get3A_219, %get3A_220] {strides = array<i32>} : memref<32x1024xf32, #tpu.memory_space<vmem>>, vector<1x16xf32>,
      %get3A_222 = vector.shape_cast %get3A_221 : vector<1x16xf32> to vector<16xf32>
      %add3A_223 = arith.addf %get3A_176, %get3A_222 : vector<16xf32>
      %get3A_224 = arith.constant 15 : i32
      %get3A_225 = arith.index_cast %get3A_224 : i32 to index
      %get3A_226 = arith.index_cast %add3A_142 : i32 to index
      %get3A_227 = tpu.vector_load %arg11[%get3A_225, %get3A_226] {strides = array<i32>} : memref<32x1024xf32, #tpu.memory_space<vmem>>, vector<1x16xf32>,
      %get3A_228 = vector.shape_cast %get3A_227 : vector<1x16xf32> to vector<16xf32>
      %add3A_229 = arith.addf %get3A_181, %get3A_228 : vector<16xf32>
      %get3A_230 = arith.constant 16 : i32
      %get3A_231 = arith.index_cast %get3A_230 : i32 to index
      %get3A_232 = arith.index_cast %add3A_142 : i32 to index
      %get3A_233 = tpu.vector_load %arg11[%get3A_231, %get3A_232] {strides = array<i32>} : memref<32x1024xf32, #tpu.memory_space<vmem>>, vector<1x16xf32>,
      %get3A_234 = vector.shape_cast %get3A_233 : vector<1x16xf32> to vector<16xf32>
      %add3A_235 = arith.addf %add3A_187, %get3A_234 : vector<16xf32>
      %get3A_236 = arith.constant 17 : i32
      %get3A_237 = arith.index_cast %get3A_236 : i32 to index
      %get3A_238 = arith.index_cast %add3A_142 : i32 to index
      %get3A_239 = tpu.vector_load %arg11[%get3A_237, %get3A_238] {strides = array<i32>} : memref<32x1024xf32, #tpu.memory_space<vmem>>, vector<1x16xf32>,
      %get3A_240 = vector.shape_cast %get3A_239 : vector<1x16xf32> to vector<16xf32>
      %add3A_241 = arith.addf %add3A_193, %get3A_240 : vector<16xf32>
      %get3A_242 = arith.constant 18 : i32
      %get3A_243 = arith.index_cast %get3A_242 : i32 to index
      %get3A_244 = arith.index_cast %add3A_142 : i32 to index
      %get3A_245 = tpu.vector_load %arg11[%get3A_243, %get3A_244] {strides = array<i32>} : memref<32x1024xf32, #tpu.memory_space<vmem>>, vector<1x16xf32>,
      %get3A_246 = vector.shape_cast %get3A_245 : vector<1x16xf32> to vector<16xf32>
      %add3A_247 = arith.addf %add3A_199, %get3A_246 : vector<16xf32>
      %get3A_248 = arith.constant 19 : i32
      %get3A_249 = arith.index_cast %get3A_248 : i32 to index
      %get3A_250 = arith.index_cast %add3A_142 : i32 to index
      %get3A_251 = tpu.vector_load %arg11[%get3A_249, %get3A_250] {strides = array<i32>} : memref<32x1024xf32, #tpu.memory_space<vmem>>, vector<1x16xf32>,
      %get3A_252 = vector.shape_cast %get3A_251 : vector<1x16xf32> to vector<16xf32>
      %add3A_253 = arith.addf %add3A_205, %get3A_252 : vector<16xf32>
      %get3A_254 = arith.constant 20 : i32
      %get3A_255 = arith.index_cast %get3A_254 : i32 to index
      %get3A_256 = arith.index_cast %add3A_142 : i32 to index
      %get3A_257 = tpu.vector_load %arg11[%get3A_255, %get3A_256] {strides = array<i32>} : memref<32x1024xf32, #tpu.memory_space<vmem>>, vector<1x16xf32>,
      %get3A_258 = vector.shape_cast %get3A_257 : vector<1x16xf32> to vector<16xf32>
      %add3A_259 = arith.addf %add3A_211, %get3A_258 : vector<16xf32>
      %get3A_260 = arith.constant 21 : i32
      %get3A_261 = arith.index_cast %get3A_260 : i32 to index
      %get3A_262 = arith.index_cast %add3A_142 : i32 to index
      %get3A_263 = tpu.vector_load %arg11[%get3A_261, %get3A_262] {strides = array<i32>} : memref<32x1024xf32, #tpu.memory_space<vmem>>, vector<1x16xf32>,
      %get3A_264 = vector.shape_cast %get3A_263 : vector<1x16xf32> to vector<16xf32>
      %add3A_265 = arith.addf %add3A_217, %get3A_264 : vector<16xf32>
      %get3A_266 = arith.constant 22 : i32
      %get3A_267 = arith.index_cast %get3A_266 : i32 to index
      %get3A_268 = arith.index_cast %add3A_142 : i32 to index
      %get3A_269 = tpu.vector_load %arg11[%get3A_267, %get3A_268] {strides = array<i32>} : memref<32x1024xf32, #tpu.memory_space<vmem>>, vector<1x16xf32>,
      %get3A_270 = vector.shape_cast %get3A_269 : vector<1x16xf32> to vector<16xf32>
      %add3A_271 = arith.addf %add3A_223, %get3A_270 : vector<16xf32>
      %get3A_272 = arith.constant 23 : i32
      %get3A_273 = arith.index_cast %get3A_272 : i32 to index
      %get3A_274 = arith.index_cast %add3A_142 : i32 to index
      %get3A_275 = tpu.vector_load %arg11[%get3A_273, %get3A_274] {strides = array<i32>} : memref<32x1024xf32, #tpu.memory_space<vmem>>, vector<1x16xf32>,
      %get3A_276 = vector.shape_cast %get3A_275 : vector<1x16xf32> to vector<16xf32>
      %add3A_277 = arith.addf %add3A_229, %get3A_276 : vector<16xf32>
      %get3A_278 = arith.constant 24 : i32
      %get3A_279 = arith.index_cast %get3A_278 : i32 to index
      %get3A_280 = arith.index_cast %add3A_142 : i32 to index
      %get3A_281 = tpu.vector_load %arg11[%get3A_279, %get3A_280] {strides = array<i32>} : memref<32x1024xf32, #tpu.memory_space<vmem>>, vector<1x16xf32>,
      %get3A_282 = vector.shape_cast %get3A_281 : vector<1x16xf32> to vector<16xf32>
      %add3A_283 = arith.addf %add3A_235, %get3A_282 : vector<16xf32>
      %get3A_284 = arith.constant 25 : i32
      %get3A_285 = arith.index_cast %get3A_284 : i32 to index
      %get3A_286 = arith.index_cast %add3A_142 : i32 to index
      %get3A_287 = tpu.vector_load %arg11[%get3A_285, %get3A_286] {strides = array<i32>} : memref<32x1024xf32, #tpu.memory_space<vmem>>, vector<1x16xf32>,
      %get3A_288 = vector.shape_cast %get3A_287 : vector<1x16xf32> to vector<16xf32>
      %add3A_289 = arith.addf %add3A_241, %get3A_288 : vector<16xf32>
      %get3A_290 = arith.constant 26 : i32
      %get3A_291 = arith.index_cast %get3A_290 : i32 to index
      %get3A_292 = arith.index_cast %add3A_142 : i32 to index
      %get3A_293 = tpu.vector_load %arg11[%get3A_291, %get3A_292] {strides = array<i32>} : memref<32x1024xf32, #tpu.memory_space<vmem>>, vector<1x16xf32>,
      %get3A_294 = vector.shape_cast %get3A_293 : vector<1x16xf32> to vector<16xf32>
      %add3A_295 = arith.addf %add3A_247, %get3A_294 : vector<16xf32>
      %get3A_296 = arith.constant 27 : i32
      %get3A_297 = arith.index_cast %get3A_296 : i32 to index
      %get3A_298 = arith.index_cast %add3A_142 : i32 to index
      %get3A_299 = tpu.vector_load %arg11[%get3A_297, %get3A_298] {strides = array<i32>} : memref<32x1024xf32, #tpu.memory_space<vmem>>, vector<1x16xf32>,
      %get3A_300 = vector.shape_cast %get3A_299 : vector<1x16xf32> to vector<16xf32>
      %add3A_301 = arith.addf %add3A_253, %get3A_300 : vector<16xf32>
      %get3A_302 = arith.constant 28 : i32
      %get3A_303 = arith.index_cast %get3A_302 : i32 to index
      %get3A_304 = arith.index_cast %add3A_142 : i32 to index
      %get3A_305 = tpu.vector_load %arg11[%get3A_303, %get3A_304] {strides = array<i32>} : memref<32x1024xf32, #tpu.memory_space<vmem>>, vector<1x16xf32>,
      %get3A_306 = vector.shape_cast %get3A_305 : vector<1x16xf32> to vector<16xf32>
      %add3A_307 = arith.addf %add3A_259, %get3A_306 : vector<16xf32>
      %get3A_308 = arith.constant 29 : i32
      %get3A_309 = arith.index_cast %get3A_308 : i32 to index
      %get3A_310 = arith.index_cast %add3A_142 : i32 to index
      %get3A_311 = tpu.vector_load %arg11[%get3A_309, %get3A_310] {strides = array<i32>} : memref<32x1024xf32, #tpu.memory_space<vmem>>, vector<1x16xf32>,
      %get3A_312 = vector.shape_cast %get3A_311 : vector<1x16xf32> to vector<16xf32>
      %add3A_313 = arith.addf %add3A_265, %get3A_312 : vector<16xf32>
      %get3A_314 = arith.constant 30 : i32
      %get3A_315 = arith.index_cast %get3A_314 : i32 to index
      %get3A_316 = arith.index_cast %add3A_142 : i32 to index
      %get3A_317 = tpu.vector_load %arg11[%get3A_315, %get3A_316] {strides = array<i32>} : memref<32x1024xf32, #tpu.memory_space<vmem>>, vector<1x16xf32>,
      %get3A_318 = vector.shape_cast %get3A_317 : vector<1x16xf32> to vector<16xf32>
      %add3A_319 = arith.addf %add3A_271, %get3A_318 : vector<16xf32>
      %get3A_320 = arith.constant 31 : i32
      %get3A_321 = arith.index_cast %get3A_320 : i32 to index
      %get3A_322 = arith.index_cast %add3A_142 : i32 to index
      %get3A_323 = tpu.vector_load %arg11[%get3A_321, %get3A_322] {strides = array<i32>} : memref<32x1024xf32, #tpu.memory_space<vmem>>, vector<1x16xf32>,
      %get3A_324 = vector.shape_cast %get3A_323 : vector<1x16xf32> to vector<16xf32>
      %add3A_325 = arith.addf %add3A_277, %get3A_324 : vector<16xf32>
      %add3A_326 = arith.addf %add3A_283, %add3A_289 : vector<16xf32>
      %add3A_327 = arith.addf %add3A_295, %add3A_301 : vector<16xf32>
      %add3A_328 = arith.addf %add3A_326, %add3A_327 : vector<16xf32>
      %add3A_329 = arith.addf %add3A_307, %add3A_313 : vector<16xf32>
      %add3A_330 = arith.addf %add3A_319, %add3A_325 : vector<16xf32>
      %add3A_331 = arith.addf %add3A_329, %add3A_330 : vector<16xf32>
      %add3A_332 = arith.addf %add3A_328, %add3A_331 : vector<16xf32>
      %get3A_333 = arith.index_cast %add3A_142 : i32 to index
      %get3A_334 = tpu.vector_load %arg12[%get3A_333] {strides = array<i32>} : memref<1024xf32, #tpu.memory_space<vmem>>, vector<16xf32>,
      %get3A_335 = vector.shape_cast %get3A_334 : vector<16xf32> to vector<16xf32>
      %add3A_336 = arith.addf %get3A_335, %add3A_332 : vector<16xf32>
      %swap3A = arith.index_cast %add3A_142 : i32 to index
      %swap3A_337 = tpu.vector_load %arg12[%swap3A] {strides = array<i32>} : memref<1024xf32, #tpu.memory_space<vmem>>, vector<16xf32>,
      %swap3A_338 = vector.shape_cast %swap3A_337 : vector<16xf32> to vector<16xf32>
      %swap3A_339 = vector.shape_cast %add3A_336 : vector<16xf32> to vector<16xf32>
      tpu.vector_store %arg12[%swap3A], %swap3A_339 {strides = array<i32>} : memref<1024xf32, #tpu.memory_space<vmem>>, vector<16xf32>,
      %mul3A_340 = arith.constant 32 : i32
      %mul3A_341 = arith.muli %scan3A_138, %mul3A_340 : i32
      %add3A_342 = arith.constant 16 : i32
      %add3A_343 = arith.addi %mul3A_341, %add3A_342 : i32
      %get3A_344 = arith.constant 0 : i32
      %get3A_345 = arith.index_cast %get3A_344 : i32 to index
      %get3A_346 = arith.index_cast %add3A_343 : i32 to index
      %get3A_347 = tpu.vector_load %arg11[%get3A_345, %get3A_346] {strides = array<i32>} : memref<32x1024xf32, #tpu.memory_space<vmem>>, vector<1x16xf32>,
      %get3A_348 = vector.shape_cast %get3A_347 : vector<1x16xf32> to vector<16xf32>
      %get3A_349 = arith.constant 1 : i32
      %get3A_350 = arith.index_cast %get3A_349 : i32 to index
      %get3A_351 = arith.index_cast %add3A_343 : i32 to index
      %get3A_352 = tpu.vector_load %arg11[%get3A_350, %get3A_351] {strides = array<i32>} : memref<32x1024xf32, #tpu.memory_space<vmem>>, vector<1x16xf32>,
      %get3A_353 = vector.shape_cast %get3A_352 : vector<1x16xf32> to vector<16xf32>
      %get3A_354 = arith.constant 2 : i32
      %get3A_355 = arith.index_cast %get3A_354 : i32 to index
      %get3A_356 = arith.index_cast %add3A_343 : i32 to index
      %get3A_357 = tpu.vector_load %arg11[%get3A_355, %get3A_356] {strides = array<i32>} : memref<32x1024xf32, #tpu.memory_space<vmem>>, vector<1x16xf32>,
      %get3A_358 = vector.shape_cast %get3A_357 : vector<1x16xf32> to vector<16xf32>
      %get3A_359 = arith.constant 3 : i32
      %get3A_360 = arith.index_cast %get3A_359 : i32 to index
      %get3A_361 = arith.index_cast %add3A_343 : i32 to index
      %get3A_362 = tpu.vector_load %arg11[%get3A_360, %get3A_361] {strides = array<i32>} : memref<32x1024xf32, #tpu.memory_space<vmem>>, vector<1x16xf32>,
      %get3A_363 = vector.shape_cast %get3A_362 : vector<1x16xf32> to vector<16xf32>
      %get3A_364 = arith.constant 4 : i32
      %get3A_365 = arith.index_cast %get3A_364 : i32 to index
      %get3A_366 = arith.index_cast %add3A_343 : i32 to index
      %get3A_367 = tpu.vector_load %arg11[%get3A_365, %get3A_366] {strides = array<i32>} : memref<32x1024xf32, #tpu.memory_space<vmem>>, vector<1x16xf32>,
      %get3A_368 = vector.shape_cast %get3A_367 : vector<1x16xf32> to vector<16xf32>
      %get3A_369 = arith.constant 5 : i32
      %get3A_370 = arith.index_cast %get3A_369 : i32 to index
      %get3A_371 = arith.index_cast %add3A_343 : i32 to index
      %get3A_372 = tpu.vector_load %arg11[%get3A_370, %get3A_371] {strides = array<i32>} : memref<32x1024xf32, #tpu.memory_space<vmem>>, vector<1x16xf32>,
      %get3A_373 = vector.shape_cast %get3A_372 : vector<1x16xf32> to vector<16xf32>
      %get3A_374 = arith.constant 6 : i32
      %get3A_375 = arith.index_cast %get3A_374 : i32 to index
      %get3A_376 = arith.index_cast %add3A_343 : i32 to index
      %get3A_377 = tpu.vector_load %arg11[%get3A_375, %get3A_376] {strides = array<i32>} : memref<32x1024xf32, #tpu.memory_space<vmem>>, vector<1x16xf32>,
      %get3A_378 = vector.shape_cast %get3A_377 : vector<1x16xf32> to vector<16xf32>
      %get3A_379 = arith.constant 7 : i32
      %get3A_380 = arith.index_cast %get3A_379 : i32 to index
      %get3A_381 = arith.index_cast %add3A_343 : i32 to index
      %get3A_382 = tpu.vector_load %arg11[%get3A_380, %get3A_381] {strides = array<i32>} : memref<32x1024xf32, #tpu.memory_space<vmem>>, vector<1x16xf32>,
      %get3A_383 = vector.shape_cast %get3A_382 : vector<1x16xf32> to vector<16xf32>
      %get3A_384 = arith.constant 8 : i32
      %get3A_385 = arith.index_cast %get3A_384 : i32 to index
      %get3A_386 = arith.index_cast %add3A_343 : i32 to index
      %get3A_387 = tpu.vector_load %arg11[%get3A_385, %get3A_386] {strides = array<i32>} : memref<32x1024xf32, #tpu.memory_space<vmem>>, vector<1x16xf32>,
      %get3A_388 = vector.shape_cast %get3A_387 : vector<1x16xf32> to vector<16xf32>
      %add3A_389 = arith.addf %get3A_348, %get3A_388 : vector<16xf32>
      %get3A_390 = arith.constant 9 : i32
      %get3A_391 = arith.index_cast %get3A_390 : i32 to index
      %get3A_392 = arith.index_cast %add3A_343 : i32 to index
      %get3A_393 = tpu.vector_load %arg11[%get3A_391, %get3A_392] {strides = array<i32>} : memref<32x1024xf32, #tpu.memory_space<vmem>>, vector<1x16xf32>,
      %get3A_394 = vector.shape_cast %get3A_393 : vector<1x16xf32> to vector<16xf32>
      %add3A_395 = arith.addf %get3A_353, %get3A_394 : vector<16xf32>
      %get3A_396 = arith.constant 10 : i32
      %get3A_397 = arith.index_cast %get3A_396 : i32 to index
      %get3A_398 = arith.index_cast %add3A_343 : i32 to index
      %get3A_399 = tpu.vector_load %arg11[%get3A_397, %get3A_398] {strides = array<i32>} : memref<32x1024xf32, #tpu.memory_space<vmem>>, vector<1x16xf32>,
      %get3A_400 = vector.shape_cast %get3A_399 : vector<1x16xf32> to vector<16xf32>
      %add3A_401 = arith.addf %get3A_358, %get3A_400 : vector<16xf32>
      %get3A_402 = arith.constant 11 : i32
      %get3A_403 = arith.index_cast %get3A_402 : i32 to index
      %get3A_404 = arith.index_cast %add3A_343 : i32 to index
      %get3A_405 = tpu.vector_load %arg11[%get3A_403, %get3A_404] {strides = array<i32>} : memref<32x1024xf32, #tpu.memory_space<vmem>>, vector<1x16xf32>,
      %get3A_406 = vector.shape_cast %get3A_405 : vector<1x16xf32> to vector<16xf32>
      %add3A_407 = arith.addf %get3A_363, %get3A_406 : vector<16xf32>
      %get3A_408 = arith.constant 12 : i32
      %get3A_409 = arith.index_cast %get3A_408 : i32 to index
      %get3A_410 = arith.index_cast %add3A_343 : i32 to index
      %get3A_411 = tpu.vector_load %arg11[%get3A_409, %get3A_410] {strides = array<i32>} : memref<32x1024xf32, #tpu.memory_space<vmem>>, vector<1x16xf32>,
      %get3A_412 = vector.shape_cast %get3A_411 : vector<1x16xf32> to vector<16xf32>
      %add3A_413 = arith.addf %get3A_368, %get3A_412 : vector<16xf32>
      %get3A_414 = arith.constant 13 : i32
      %get3A_415 = arith.index_cast %get3A_414 : i32 to index
      %get3A_416 = arith.index_cast %add3A_343 : i32 to index
      %get3A_417 = tpu.vector_load %arg11[%get3A_415, %get3A_416] {strides = array<i32>} : memref<32x1024xf32, #tpu.memory_space<vmem>>, vector<1x16xf32>,
      %get3A_418 = vector.shape_cast %get3A_417 : vector<1x16xf32> to vector<16xf32>
      %add3A_419 = arith.addf %get3A_373, %get3A_418 : vector<16xf32>
      %get3A_420 = arith.constant 14 : i32
      %get3A_421 = arith.index_cast %get3A_420 : i32 to index
      %get3A_422 = arith.index_cast %add3A_343 : i32 to index
      %get3A_423 = tpu.vector_load %arg11[%get3A_421, %get3A_422] {strides = array<i32>} : memref<32x1024xf32, #tpu.memory_space<vmem>>, vector<1x16xf32>,
      %get3A_424 = vector.shape_cast %get3A_423 : vector<1x16xf32> to vector<16xf32>
      %add3A_425 = arith.addf %get3A_378, %get3A_424 : vector<16xf32>
      %get3A_426 = arith.constant 15 : i32
      %get3A_427 = arith.index_cast %get3A_426 : i32 to index
      %get3A_428 = arith.index_cast %add3A_343 : i32 to index
      %get3A_429 = tpu.vector_load %arg11[%get3A_427, %get3A_428] {strides = array<i32>} : memref<32x1024xf32, #tpu.memory_space<vmem>>, vector<1x16xf32>,
      %get3A_430 = vector.shape_cast %get3A_429 : vector<1x16xf32> to vector<16xf32>
      %add3A_431 = arith.addf %get3A_383, %get3A_430 : vector<16xf32>
      %get3A_432 = arith.constant 16 : i32
      %get3A_433 = arith.index_cast %get3A_432 : i32 to index
      %get3A_434 = arith.index_cast %add3A_343 : i32 to index
      %get3A_435 = tpu.vector_load %arg11[%get3A_433, %get3A_434] {strides = array<i32>} : memref<32x1024xf32, #tpu.memory_space<vmem>>, vector<1x16xf32>,
      %get3A_436 = vector.shape_cast %get3A_435 : vector<1x16xf32> to vector<16xf32>
      %add3A_437 = arith.addf %add3A_389, %get3A_436 : vector<16xf32>
      %get3A_438 = arith.constant 17 : i32
      %get3A_439 = arith.index_cast %get3A_438 : i32 to index
      %get3A_440 = arith.index_cast %add3A_343 : i32 to index
      %get3A_441 = tpu.vector_load %arg11[%get3A_439, %get3A_440] {strides = array<i32>} : memref<32x1024xf32, #tpu.memory_space<vmem>>, vector<1x16xf32>,
      %get3A_442 = vector.shape_cast %get3A_441 : vector<1x16xf32> to vector<16xf32>
      %add3A_443 = arith.addf %add3A_395, %get3A_442 : vector<16xf32>
      %get3A_444 = arith.constant 18 : i32
      %get3A_445 = arith.index_cast %get3A_444 : i32 to index
      %get3A_446 = arith.index_cast %add3A_343 : i32 to index
      %get3A_447 = tpu.vector_load %arg11[%get3A_445, %get3A_446] {strides = array<i32>} : memref<32x1024xf32, #tpu.memory_space<vmem>>, vector<1x16xf32>,
      %get3A_448 = vector.shape_cast %get3A_447 : vector<1x16xf32> to vector<16xf32>
      %add3A_449 = arith.addf %add3A_401, %get3A_448 : vector<16xf32>
      %get3A_450 = arith.constant 19 : i32
      %get3A_451 = arith.index_cast %get3A_450 : i32 to index
      %get3A_452 = arith.index_cast %add3A_343 : i32 to index
      %get3A_453 = tpu.vector_load %arg11[%get3A_451, %get3A_452] {strides = array<i32>} : memref<32x1024xf32, #tpu.memory_space<vmem>>, vector<1x16xf32>,
      %get3A_454 = vector.shape_cast %get3A_453 : vector<1x16xf32> to vector<16xf32>
      %add3A_455 = arith.addf %add3A_407, %get3A_454 : vector<16xf32>
      %get3A_456 = arith.constant 20 : i32
      %get3A_457 = arith.index_cast %get3A_456 : i32 to index
      %get3A_458 = arith.index_cast %add3A_343 : i32 to index
      %get3A_459 = tpu.vector_load %arg11[%get3A_457, %get3A_458] {strides = array<i32>} : memref<32x1024xf32, #tpu.memory_space<vmem>>, vector<1x16xf32>,
      %get3A_460 = vector.shape_cast %get3A_459 : vector<1x16xf32> to vector<16xf32>
      %add3A_461 = arith.addf %add3A_413, %get3A_460 : vector<16xf32>
      %get3A_462 = arith.constant 21 : i32
      %get3A_463 = arith.index_cast %get3A_462 : i32 to index
      %get3A_464 = arith.index_cast %add3A_343 : i32 to index
      %get3A_465 = tpu.vector_load %arg11[%get3A_463, %get3A_464] {strides = array<i32>} : memref<32x1024xf32, #tpu.memory_space<vmem>>, vector<1x16xf32>,
      %get3A_466 = vector.shape_cast %get3A_465 : vector<1x16xf32> to vector<16xf32>
      %add3A_467 = arith.addf %add3A_419, %get3A_466 : vector<16xf32>
      %get3A_468 = arith.constant 22 : i32
      %get3A_469 = arith.index_cast %get3A_468 : i32 to index
      %get3A_470 = arith.index_cast %add3A_343 : i32 to index
      %get3A_471 = tpu.vector_load %arg11[%get3A_469, %get3A_470] {strides = array<i32>} : memref<32x1024xf32, #tpu.memory_space<vmem>>, vector<1x16xf32>,
      %get3A_472 = vector.shape_cast %get3A_471 : vector<1x16xf32> to vector<16xf32>
      %add3A_473 = arith.addf %add3A_425, %get3A_472 : vector<16xf32>
      %get3A_474 = arith.constant 23 : i32
      %get3A_475 = arith.index_cast %get3A_474 : i32 to index
      %get3A_476 = arith.index_cast %add3A_343 : i32 to index
      %get3A_477 = tpu.vector_load %arg11[%get3A_475, %get3A_476] {strides = array<i32>} : memref<32x1024xf32, #tpu.memory_space<vmem>>, vector<1x16xf32>,
      %get3A_478 = vector.shape_cast %get3A_477 : vector<1x16xf32> to vector<16xf32>
      %add3A_479 = arith.addf %add3A_431, %get3A_478 : vector<16xf32>
      %get3A_480 = arith.constant 24 : i32
      %get3A_481 = arith.index_cast %get3A_480 : i32 to index
      %get3A_482 = arith.index_cast %add3A_343 : i32 to index
      %get3A_483 = tpu.vector_load %arg11[%get3A_481, %get3A_482] {strides = array<i32>} : memref<32x1024xf32, #tpu.memory_space<vmem>>, vector<1x16xf32>,
      %get3A_484 = vector.shape_cast %get3A_483 : vector<1x16xf32> to vector<16xf32>
      %add3A_485 = arith.addf %add3A_437, %get3A_484 : vector<16xf32>
      %get3A_486 = arith.constant 25 : i32
      %get3A_487 = arith.index_cast %get3A_486 : i32 to index
      %get3A_488 = arith.index_cast %add3A_343 : i32 to index
      %get3A_489 = tpu.vector_load %arg11[%get3A_487, %get3A_488] {strides = array<i32>} : memref<32x1024xf32, #tpu.memory_space<vmem>>, vector<1x16xf32>,
      %get3A_490 = vector.shape_cast %get3A_489 : vector<1x16xf32> to vector<16xf32>
      %add3A_491 = arith.addf %add3A_443, %get3A_490 : vector<16xf32>
      %get3A_492 = arith.constant 26 : i32
      %get3A_493 = arith.index_cast %get3A_492 : i32 to index
      %get3A_494 = arith.index_cast %add3A_343 : i32 to index
      %get3A_495 = tpu.vector_load %arg11[%get3A_493, %get3A_494] {strides = array<i32>} : memref<32x1024xf32, #tpu.memory_space<vmem>>, vector<1x16xf32>,
      %get3A_496 = vector.shape_cast %get3A_495 : vector<1x16xf32> to vector<16xf32>
      %add3A_497 = arith.addf %add3A_449, %get3A_496 : vector<16xf32>
      %get3A_498 = arith.constant 27 : i32
      %get3A_499 = arith.index_cast %get3A_498 : i32 to index
      %get3A_500 = arith.index_cast %add3A_343 : i32 to index
      %get3A_501 = tpu.vector_load %arg11[%get3A_499, %get3A_500] {strides = array<i32>} : memref<32x1024xf32, #tpu.memory_space<vmem>>, vector<1x16xf32>,
      %get3A_502 = vector.shape_cast %get3A_501 : vector<1x16xf32> to vector<16xf32>
      %add3A_503 = arith.addf %add3A_455, %get3A_502 : vector<16xf32>
      %get3A_504 = arith.constant 28 : i32
      %get3A_505 = arith.index_cast %get3A_504 : i32 to index
      %get3A_506 = arith.index_cast %add3A_343 : i32 to index
      %get3A_507 = tpu.vector_load %arg11[%get3A_505, %get3A_506] {strides = array<i32>} : memref<32x1024xf32, #tpu.memory_space<vmem>>, vector<1x16xf32>,
      %get3A_508 = vector.shape_cast %get3A_507 : vector<1x16xf32> to vector<16xf32>
      %add3A_509 = arith.addf %add3A_461, %get3A_508 : vector<16xf32>
      %get3A_510 = arith.constant 29 : i32
      %get3A_511 = arith.index_cast %get3A_510 : i32 to index
      %get3A_512 = arith.index_cast %add3A_343 : i32 to index
      %get3A_513 = tpu.vector_load %arg11[%get3A_511, %get3A_512] {strides = array<i32>} : memref<32x1024xf32, #tpu.memory_space<vmem>>, vector<1x16xf32>,
      %get3A_514 = vector.shape_cast %get3A_513 : vector<1x16xf32> to vector<16xf32>
      %add3A_515 = arith.addf %add3A_467, %get3A_514 : vector<16xf32>
      %get3A_516 = arith.constant 30 : i32
      %get3A_517 = arith.index_cast %get3A_516 : i32 to index
      %get3A_518 = arith.index_cast %add3A_343 : i32 to index
      %get3A_519 = tpu.vector_load %arg11[%get3A_517, %get3A_518] {strides = array<i32>} : memref<32x1024xf32, #tpu.memory_space<vmem>>, vector<1x16xf32>,
      %get3A_520 = vector.shape_cast %get3A_519 : vector<1x16xf32> to vector<16xf32>
      %add3A_521 = arith.addf %add3A_473, %get3A_520 : vector<16xf32>
      %get3A_522 = arith.constant 31 : i32
      %get3A_523 = arith.index_cast %get3A_522 : i32 to index
      %get3A_524 = arith.index_cast %add3A_343 : i32 to index
      %get3A_525 = tpu.vector_load %arg11[%get3A_523, %get3A_524] {strides = array<i32>} : memref<32x1024xf32, #tpu.memory_space<vmem>>, vector<1x16xf32>,
      %get3A_526 = vector.shape_cast %get3A_525 : vector<1x16xf32> to vector<16xf32>
      %add3A_527 = arith.addf %add3A_479, %get3A_526 : vector<16xf32>
      %add3A_528 = arith.addf %add3A_485, %add3A_491 : vector<16xf32>
      %add3A_529 = arith.addf %add3A_497, %add3A_503 : vector<16xf32>
      %add3A_530 = arith.addf %add3A_528, %add3A_529 : vector<16xf32>
      %add3A_531 = arith.addf %add3A_509, %add3A_515 : vector<16xf32>
      %add3A_532 = arith.addf %add3A_521, %add3A_527 : vector<16xf32>
      %add3A_533 = arith.addf %add3A_531, %add3A_532 : vector<16xf32>
      %add3A_534 = arith.addf %add3A_530, %add3A_533 : vector<16xf32>
      %get3A_535 = arith.index_cast %add3A_343 : i32 to index
      %get3A_536 = tpu.vector_load %arg12[%get3A_535] {strides = array<i32>} : memref<1024xf32, #tpu.memory_space<vmem>>, vector<16xf32>,
      %get3A_537 = vector.shape_cast %get3A_536 : vector<16xf32> to vector<16xf32>
      %add3A_538 = arith.addf %get3A_537, %add3A_534 : vector<16xf32>
      %swap3A_539 = arith.index_cast %add3A_343 : i32 to index
      %swap3A_540 = tpu.vector_load %arg12[%swap3A_539] {strides = array<i32>} : memref<1024xf32, #tpu.memory_space<vmem>>, vector<16xf32>,
      %swap3A_541 = vector.shape_cast %swap3A_540 : vector<16xf32> to vector<16xf32>
      %swap3A_542 = vector.shape_cast %add3A_538 : vector<16xf32> to vector<16xf32>
      tpu.vector_store %arg12[%swap3A_539], %swap3A_542 {strides = array<i32>} : memref<1024xf32, #tpu.memory_space<vmem>>, vector<16xf32>,
    }
    %scan3A_62 = arith.constant 32 : i32
    %dma_wait3A_63 = arith.constant 96 : i32
    %dma_wait3A_64 = tpu.memref_slice %arg8[%dma_wait3A_63] : memref<256xi32, #tpu.memory_space<vmem>> -> memref<32xi32, #tpu.memory_space<vmem>>
    %dma_wait3A_65 = arith.constant 0 : i32
    %dma_wait3A_66 = arith.constant 0 : i32
    %dma_wait3A_67 = tpu.memref_slice %arg4[%dma_wait3A_65, %dma_wait3A_66] : memref<32128x1024xf32, #tpu.memory_space<hbm>> -> memref<32128x1024xf32, #tpu.memory_space<hbm>>
    tpu.wait_indirect_dma semaphore(%arg15 : memref<!tpu.dma_semaphore, #tpu.memory_space<semaphore_mem>>) src(%dma_wait3A_67 : memref<32128x1024xf32, #tpu.memory_space<hbm>>) dst(%arg9 : memref<32x1024xf32, #tpu.memory_space<vmem>>)
    %dma_start3A_68 = arith.constant 160 : i32
    %dma_start3A_69 = tpu.memref_slice %arg8[%dma_start3A_68] : memref<256xi32, #tpu.memory_space<vmem>> -> memref<32xi32, #tpu.memory_space<vmem>>
    %dma_start3A_70 = arith.constant 0 : i32
    %dma_start3A_71 = arith.constant 0 : i32
    %dma_start3A_72 = tpu.memref_slice %arg4[%dma_start3A_70, %dma_start3A_71] : memref<32128x1024xf32, #tpu.memory_space<hbm>> -> memref<32128x1024xf32, #tpu.memory_space<hbm>>
    tpu.enqueue_indirect_dma source(%dma_start3A_72 : memref<32128x1024xf32, #tpu.memory_space<hbm>>) target(%arg11 : memref<32x1024xf32, #tpu.memory_space<vmem>>) offsets(%dma_start3A_69 : memref<32xi32, #tpu.memory_space<vmem>>) semaphore(%arg17 : memref<!tpu.dma_semaphore, #tpu.memory_space<semaphore_mem>>)
    %scan3A_73 = arith.constant 0 : i32
    %scan3A_74 = arith.constant 0 : i32
    %scan3A_75 = arith.constant 32 : i32
    %scan3A_76 = arith.addi %scan3A_74, %scan3A_75 : i32
    %scan3A_77 = arith.constant 1 : i32
    scf.for %scan3A_138 = %scan3A_74 to %scan3A_76 step %scan3A_77  : i32 {
      %mul3A_139 = arith.constant 32 : i32
      %mul3A_140 = arith.muli %scan3A_138, %mul3A_139 : i32
      %add3A_141 = arith.constant 0 : i32
      %add3A_142 = arith.addi %mul3A_140, %add3A_141 : i32
      %get3A = arith.constant 0 : i32
      %get3A_143 = arith.index_cast %get3A : i32 to index
      %get3A_144 = arith.index_cast %add3A_142 : i32 to index
      %get3A_145 = tpu.vector_load %arg9[%get3A_143, %get3A_144] {strides = array<i32>} : memref<32x1024xf32, #tpu.memory_space<vmem>>, vector<1x16xf32>,
      %get3A_146 = vector.shape_cast %get3A_145 : vector<1x16xf32> to vector<16xf32>
      %get3A_147 = arith.constant 1 : i32
      %get3A_148 = arith.index_cast %get3A_147 : i32 to index
      %get3A_149 = arith.index_cast %add3A_142 : i32 to index
      %get3A_150 = tpu.vector_load %arg9[%get3A_148, %get3A_149] {strides = array<i32>} : memref<32x1024xf32, #tpu.memory_space<vmem>>, vector<1x16xf32>,
      %get3A_151 = vector.shape_cast %get3A_150 : vector<1x16xf32> to vector<16xf32>
      %get3A_152 = arith.constant 2 : i32
      %get3A_153 = arith.index_cast %get3A_152 : i32 to index
      %get3A_154 = arith.index_cast %add3A_142 : i32 to index
      %get3A_155 = tpu.vector_load %arg9[%get3A_153, %get3A_154] {strides = array<i32>} : memref<32x1024xf32, #tpu.memory_space<vmem>>, vector<1x16xf32>,
      %get3A_156 = vector.shape_cast %get3A_155 : vector<1x16xf32> to vector<16xf32>
      %get3A_157 = arith.constant 3 : i32
      %get3A_158 = arith.index_cast %get3A_157 : i32 to index
      %get3A_159 = arith.index_cast %add3A_142 : i32 to index
      %get3A_160 = tpu.vector_load %arg9[%get3A_158, %get3A_159] {strides = array<i32>} : memref<32x1024xf32, #tpu.memory_space<vmem>>, vector<1x16xf32>,
      %get3A_161 = vector.shape_cast %get3A_160 : vector<1x16xf32> to vector<16xf32>
      %get3A_162 = arith.constant 4 : i32
      %get3A_163 = arith.index_cast %get3A_162 : i32 to index
      %get3A_164 = arith.index_cast %add3A_142 : i32 to index
      %get3A_165 = tpu.vector_load %arg9[%get3A_163, %get3A_164] {strides = array<i32>} : memref<32x1024xf32, #tpu.memory_space<vmem>>, vector<1x16xf32>,
      %get3A_166 = vector.shape_cast %get3A_165 : vector<1x16xf32> to vector<16xf32>
      %get3A_167 = arith.constant 5 : i32
      %get3A_168 = arith.index_cast %get3A_167 : i32 to index
      %get3A_169 = arith.index_cast %add3A_142 : i32 to index
      %get3A_170 = tpu.vector_load %arg9[%get3A_168, %get3A_169] {strides = array<i32>} : memref<32x1024xf32, #tpu.memory_space<vmem>>, vector<1x16xf32>,
      %get3A_171 = vector.shape_cast %get3A_170 : vector<1x16xf32> to vector<16xf32>
      %get3A_172 = arith.constant 6 : i32
      %get3A_173 = arith.index_cast %get3A_172 : i32 to index
      %get3A_174 = arith.index_cast %add3A_142 : i32 to index
      %get3A_175 = tpu.vector_load %arg9[%get3A_173, %get3A_174] {strides = array<i32>} : memref<32x1024xf32, #tpu.memory_space<vmem>>, vector<1x16xf32>,
      %get3A_176 = vector.shape_cast %get3A_175 : vector<1x16xf32> to vector<16xf32>
      %get3A_177 = arith.constant 7 : i32
      %get3A_178 = arith.index_cast %get3A_177 : i32 to index
      %get3A_179 = arith.index_cast %add3A_142 : i32 to index
      %get3A_180 = tpu.vector_load %arg9[%get3A_178, %get3A_179] {strides = array<i32>} : memref<32x1024xf32, #tpu.memory_space<vmem>>, vector<1x16xf32>,
      %get3A_181 = vector.shape_cast %get3A_180 : vector<1x16xf32> to vector<16xf32>
      %get3A_182 = arith.constant 8 : i32
      %get3A_183 = arith.index_cast %get3A_182 : i32 to index
      %get3A_184 = arith.index_cast %add3A_142 : i32 to index
      %get3A_185 = tpu.vector_load %arg9[%get3A_183, %get3A_184] {strides = array<i32>} : memref<32x1024xf32, #tpu.memory_space<vmem>>, vector<1x16xf32>,
      %get3A_186 = vector.shape_cast %get3A_185 : vector<1x16xf32> to vector<16xf32>
      %add3A_187 = arith.addf %get3A_146, %get3A_186 : vector<16xf32>
      %get3A_188 = arith.constant 9 : i32
      %get3A_189 = arith.index_cast %get3A_188 : i32 to index
      %get3A_190 = arith.index_cast %add3A_142 : i32 to index
      %get3A_191 = tpu.vector_load %arg9[%get3A_189, %get3A_190] {strides = array<i32>} : memref<32x1024xf32, #tpu.memory_space<vmem>>, vector<1x16xf32>,
      %get3A_192 = vector.shape_cast %get3A_191 : vector<1x16xf32> to vector<16xf32>
      %add3A_193 = arith.addf %get3A_151, %get3A_192 : vector<16xf32>
      %get3A_194 = arith.constant 10 : i32
      %get3A_195 = arith.index_cast %get3A_194 : i32 to index
      %get3A_196 = arith.index_cast %add3A_142 : i32 to index
      %get3A_197 = tpu.vector_load %arg9[%get3A_195, %get3A_196] {strides = array<i32>} : memref<32x1024xf32, #tpu.memory_space<vmem>>, vector<1x16xf32>,
      %get3A_198 = vector.shape_cast %get3A_197 : vector<1x16xf32> to vector<16xf32>
      %add3A_199 = arith.addf %get3A_156, %get3A_198 : vector<16xf32>
      %get3A_200 = arith.constant 11 : i32
      %get3A_201 = arith.index_cast %get3A_200 : i32 to index
      %get3A_202 = arith.index_cast %add3A_142 : i32 to index
      %get3A_203 = tpu.vector_load %arg9[%get3A_201, %get3A_202] {strides = array<i32>} : memref<32x1024xf32, #tpu.memory_space<vmem>>, vector<1x16xf32>,
      %get3A_204 = vector.shape_cast %get3A_203 : vector<1x16xf32> to vector<16xf32>
      %add3A_205 = arith.addf %get3A_161, %get3A_204 : vector<16xf32>
      %get3A_206 = arith.constant 12 : i32
      %get3A_207 = arith.index_cast %get3A_206 : i32 to index
      %get3A_208 = arith.index_cast %add3A_142 : i32 to index
      %get3A_209 = tpu.vector_load %arg9[%get3A_207, %get3A_208] {strides = array<i32>} : memref<32x1024xf32, #tpu.memory_space<vmem>>, vector<1x16xf32>,
      %get3A_210 = vector.shape_cast %get3A_209 : vector<1x16xf32> to vector<16xf32>
      %add3A_211 = arith.addf %get3A_166, %get3A_210 : vector<16xf32>
      %get3A_212 = arith.constant 13 : i32
      %get3A_213 = arith.index_cast %get3A_212 : i32 to index
      %get3A_214 = arith.index_cast %add3A_142 : i32 to index
      %get3A_215 = tpu.vector_load %arg9[%get3A_213, %get3A_214] {strides = array<i32>} : memref<32x1024xf32, #tpu.memory_space<vmem>>, vector<1x16xf32>,
      %get3A_216 = vector.shape_cast %get3A_215 : vector<1x16xf32> to vector<16xf32>
      %add3A_217 = arith.addf %get3A_171, %get3A_216 : vector<16xf32>
      %get3A_218 = arith.constant 14 : i32
      %get3A_219 = arith.index_cast %get3A_218 : i32 to index
      %get3A_220 = arith.index_cast %add3A_142 : i32 to index
      %get3A_221 = tpu.vector_load %arg9[%get3A_219, %get3A_220] {strides = array<i32>} : memref<32x1024xf32, #tpu.memory_space<vmem>>, vector<1x16xf32>,
      %get3A_222 = vector.shape_cast %get3A_221 : vector<1x16xf32> to vector<16xf32>
      %add3A_223 = arith.addf %get3A_176, %get3A_222 : vector<16xf32>
      %get3A_224 = arith.constant 15 : i32
      %get3A_225 = arith.index_cast %get3A_224 : i32 to index
      %get3A_226 = arith.index_cast %add3A_142 : i32 to index
      %get3A_227 = tpu.vector_load %arg9[%get3A_225, %get3A_226] {strides = array<i32>} : memref<32x1024xf32, #tpu.memory_space<vmem>>, vector<1x16xf32>,
      %get3A_228 = vector.shape_cast %get3A_227 : vector<1x16xf32> to vector<16xf32>
      %add3A_229 = arith.addf %get3A_181, %get3A_228 : vector<16xf32>
      %get3A_230 = arith.constant 16 : i32
      %get3A_231 = arith.index_cast %get3A_230 : i32 to index
      %get3A_232 = arith.index_cast %add3A_142 : i32 to index
      %get3A_233 = tpu.vector_load %arg9[%get3A_231, %get3A_232] {strides = array<i32>} : memref<32x1024xf32, #tpu.memory_space<vmem>>, vector<1x16xf32>,
      %get3A_234 = vector.shape_cast %get3A_233 : vector<1x16xf32> to vector<16xf32>
      %add3A_235 = arith.addf %add3A_187, %get3A_234 : vector<16xf32>
      %get3A_236 = arith.constant 17 : i32
      %get3A_237 = arith.index_cast %get3A_236 : i32 to index
      %get3A_238 = arith.index_cast %add3A_142 : i32 to index
      %get3A_239 = tpu.vector_load %arg9[%get3A_237, %get3A_238] {strides = array<i32>} : memref<32x1024xf32, #tpu.memory_space<vmem>>, vector<1x16xf32>,
      %get3A_240 = vector.shape_cast %get3A_239 : vector<1x16xf32> to vector<16xf32>
      %add3A_241 = arith.addf %add3A_193, %get3A_240 : vector<16xf32>
      %get3A_242 = arith.constant 18 : i32
      %get3A_243 = arith.index_cast %get3A_242 : i32 to index
      %get3A_244 = arith.index_cast %add3A_142 : i32 to index
      %get3A_245 = tpu.vector_load %arg9[%get3A_243, %get3A_244] {strides = array<i32>} : memref<32x1024xf32, #tpu.memory_space<vmem>>, vector<1x16xf32>,
      %get3A_246 = vector.shape_cast %get3A_245 : vector<1x16xf32> to vector<16xf32>
      %add3A_247 = arith.addf %add3A_199, %get3A_246 : vector<16xf32>
      %get3A_248 = arith.constant 19 : i32
      %get3A_249 = arith.index_cast %get3A_248 : i32 to index
      %get3A_250 = arith.index_cast %add3A_142 : i32 to index
      %get3A_251 = tpu.vector_load %arg9[%get3A_249, %get3A_250] {strides = array<i32>} : memref<32x1024xf32, #tpu.memory_space<vmem>>, vector<1x16xf32>,
      %get3A_252 = vector.shape_cast %get3A_251 : vector<1x16xf32> to vector<16xf32>
      %add3A_253 = arith.addf %add3A_205, %get3A_252 : vector<16xf32>
      %get3A_254 = arith.constant 20 : i32
      %get3A_255 = arith.index_cast %get3A_254 : i32 to index
      %get3A_256 = arith.index_cast %add3A_142 : i32 to index
      %get3A_257 = tpu.vector_load %arg9[%get3A_255, %get3A_256] {strides = array<i32>} : memref<32x1024xf32, #tpu.memory_space<vmem>>, vector<1x16xf32>,
      %get3A_258 = vector.shape_cast %get3A_257 : vector<1x16xf32> to vector<16xf32>
      %add3A_259 = arith.addf %add3A_211, %get3A_258 : vector<16xf32>
      %get3A_260 = arith.constant 21 : i32
      %get3A_261 = arith.index_cast %get3A_260 : i32 to index
      %get3A_262 = arith.index_cast %add3A_142 : i32 to index
      %get3A_263 = tpu.vector_load %arg9[%get3A_261, %get3A_262] {strides = array<i32>} : memref<32x1024xf32, #tpu.memory_space<vmem>>, vector<1x16xf32>,
      %get3A_264 = vector.shape_cast %get3A_263 : vector<1x16xf32> to vector<16xf32>
      %add3A_265 = arith.addf %add3A_217, %get3A_264 : vector<16xf32>
      %get3A_266 = arith.constant 22 : i32
      %get3A_267 = arith.index_cast %get3A_266 : i32 to index
      %get3A_268 = arith.index_cast %add3A_142 : i32 to index
      %get3A_269 = tpu.vector_load %arg9[%get3A_267, %get3A_268] {strides = array<i32>} : memref<32x1024xf32, #tpu.memory_space<vmem>>, vector<1x16xf32>,
      %get3A_270 = vector.shape_cast %get3A_269 : vector<1x16xf32> to vector<16xf32>
      %add3A_271 = arith.addf %add3A_223, %get3A_270 : vector<16xf32>
      %get3A_272 = arith.constant 23 : i32
      %get3A_273 = arith.index_cast %get3A_272 : i32 to index
      %get3A_274 = arith.index_cast %add3A_142 : i32 to index
      %get3A_275 = tpu.vector_load %arg9[%get3A_273, %get3A_274] {strides = array<i32>} : memref<32x1024xf32, #tpu.memory_space<vmem>>, vector<1x16xf32>,
      %get3A_276 = vector.shape_cast %get3A_275 : vector<1x16xf32> to vector<16xf32>
      %add3A_277 = arith.addf %add3A_229, %get3A_276 : vector<16xf32>
      %get3A_278 = arith.constant 24 : i32
      %get3A_279 = arith.index_cast %get3A_278 : i32 to index
      %get3A_280 = arith.index_cast %add3A_142 : i32 to index
      %get3A_281 = tpu.vector_load %arg9[%get3A_279, %get3A_280] {strides = array<i32>} : memref<32x1024xf32, #tpu.memory_space<vmem>>, vector<1x16xf32>,
      %get3A_282 = vector.shape_cast %get3A_281 : vector<1x16xf32> to vector<16xf32>
      %add3A_283 = arith.addf %add3A_235, %get3A_282 : vector<16xf32>
      %get3A_284 = arith.constant 25 : i32
      %get3A_285 = arith.index_cast %get3A_284 : i32 to index
      %get3A_286 = arith.index_cast %add3A_142 : i32 to index
      %get3A_287 = tpu.vector_load %arg9[%get3A_285, %get3A_286] {strides = array<i32>} : memref<32x1024xf32, #tpu.memory_space<vmem>>, vector<1x16xf32>,
      %get3A_288 = vector.shape_cast %get3A_287 : vector<1x16xf32> to vector<16xf32>
      %add3A_289 = arith.addf %add3A_241, %get3A_288 : vector<16xf32>
      %get3A_290 = arith.constant 26 : i32
      %get3A_291 = arith.index_cast %get3A_290 : i32 to index
      %get3A_292 = arith.index_cast %add3A_142 : i32 to index
      %get3A_293 = tpu.vector_load %arg9[%get3A_291, %get3A_292] {strides = array<i32>} : memref<32x1024xf32, #tpu.memory_space<vmem>>, vector<1x16xf32>,
      %get3A_294 = vector.shape_cast %get3A_293 : vector<1x16xf32> to vector<16xf32>
      %add3A_295 = arith.addf %add3A_247, %get3A_294 : vector<16xf32>
      %get3A_296 = arith.constant 27 : i32
      %get3A_297 = arith.index_cast %get3A_296 : i32 to index
      %get3A_298 = arith.index_cast %add3A_142 : i32 to index
      %get3A_299 = tpu.vector_load %arg9[%get3A_297, %get3A_298] {strides = array<i32>} : memref<32x1024xf32, #tpu.memory_space<vmem>>, vector<1x16xf32>,
      %get3A_300 = vector.shape_cast %get3A_299 : vector<1x16xf32> to vector<16xf32>
      %add3A_301 = arith.addf %add3A_253, %get3A_300 : vector<16xf32>
      %get3A_302 = arith.constant 28 : i32
      %get3A_303 = arith.index_cast %get3A_302 : i32 to index
      %get3A_304 = arith.index_cast %add3A_142 : i32 to index
      %get3A_305 = tpu.vector_load %arg9[%get3A_303, %get3A_304] {strides = array<i32>} : memref<32x1024xf32, #tpu.memory_space<vmem>>, vector<1x16xf32>,
      %get3A_306 = vector.shape_cast %get3A_305 : vector<1x16xf32> to vector<16xf32>
      %add3A_307 = arith.addf %add3A_259, %get3A_306 : vector<16xf32>
      %get3A_308 = arith.constant 29 : i32
      %get3A_309 = arith.index_cast %get3A_308 : i32 to index
      %get3A_310 = arith.index_cast %add3A_142 : i32 to index
      %get3A_311 = tpu.vector_load %arg9[%get3A_309, %get3A_310] {strides = array<i32>} : memref<32x1024xf32, #tpu.memory_space<vmem>>, vector<1x16xf32>,
      %get3A_312 = vector.shape_cast %get3A_311 : vector<1x16xf32> to vector<16xf32>
      %add3A_313 = arith.addf %add3A_265, %get3A_312 : vector<16xf32>
      %get3A_314 = arith.constant 30 : i32
      %get3A_315 = arith.index_cast %get3A_314 : i32 to index
      %get3A_316 = arith.index_cast %add3A_142 : i32 to index
      %get3A_317 = tpu.vector_load %arg9[%get3A_315, %get3A_316] {strides = array<i32>} : memref<32x1024xf32, #tpu.memory_space<vmem>>, vector<1x16xf32>,
      %get3A_318 = vector.shape_cast %get3A_317 : vector<1x16xf32> to vector<16xf32>
      %add3A_319 = arith.addf %add3A_271, %get3A_318 : vector<16xf32>
      %get3A_320 = arith.constant 31 : i32
      %get3A_321 = arith.index_cast %get3A_320 : i32 to index
      %get3A_322 = arith.index_cast %add3A_142 : i32 to index
      %get3A_323 = tpu.vector_load %arg9[%get3A_321, %get3A_322] {strides = array<i32>} : memref<32x1024xf32, #tpu.memory_space<vmem>>, vector<1x16xf32>,
      %get3A_324 = vector.shape_cast %get3A_323 : vector<1x16xf32> to vector<16xf32>
      %add3A_325 = arith.addf %add3A_277, %get3A_324 : vector<16xf32>
      %add3A_326 = arith.addf %add3A_283, %add3A_289 : vector<16xf32>
      %add3A_327 = arith.addf %add3A_295, %add3A_301 : vector<16xf32>
      %add3A_328 = arith.addf %add3A_326, %add3A_327 : vector<16xf32>
      %add3A_329 = arith.addf %add3A_307, %add3A_313 : vector<16xf32>
      %add3A_330 = arith.addf %add3A_319, %add3A_325 : vector<16xf32>
      %add3A_331 = arith.addf %add3A_329, %add3A_330 : vector<16xf32>
      %add3A_332 = arith.addf %add3A_328, %add3A_331 : vector<16xf32>
      %get3A_333 = arith.index_cast %add3A_142 : i32 to index
      %get3A_334 = tpu.vector_load %arg12[%get3A_333] {strides = array<i32>} : memref<1024xf32, #tpu.memory_space<vmem>>, vector<16xf32>,
      %get3A_335 = vector.shape_cast %get3A_334 : vector<16xf32> to vector<16xf32>
      %add3A_336 = arith.addf %get3A_335, %add3A_332 : vector<16xf32>
      %swap3A = arith.index_cast %add3A_142 : i32 to index
      %swap3A_337 = tpu.vector_load %arg12[%swap3A] {strides = array<i32>} : memref<1024xf32, #tpu.memory_space<vmem>>, vector<16xf32>,
      %swap3A_338 = vector.shape_cast %swap3A_337 : vector<16xf32> to vector<16xf32>
      %swap3A_339 = vector.shape_cast %add3A_336 : vector<16xf32> to vector<16xf32>
      tpu.vector_store %arg12[%swap3A], %swap3A_339 {strides = array<i32>} : memref<1024xf32, #tpu.memory_space<vmem>>, vector<16xf32>,
      %mul3A_340 = arith.constant 32 : i32
      %mul3A_341 = arith.muli %scan3A_138, %mul3A_340 : i32
      %add3A_342 = arith.constant 16 : i32
      %add3A_343 = arith.addi %mul3A_341, %add3A_342 : i32
      %get3A_344 = arith.constant 0 : i32
      %get3A_345 = arith.index_cast %get3A_344 : i32 to index
      %get3A_346 = arith.index_cast %add3A_343 : i32 to index
      %get3A_347 = tpu.vector_load %arg9[%get3A_345, %get3A_346] {strides = array<i32>} : memref<32x1024xf32, #tpu.memory_space<vmem>>, vector<1x16xf32>,
      %get3A_348 = vector.shape_cast %get3A_347 : vector<1x16xf32> to vector<16xf32>
      %get3A_349 = arith.constant 1 : i32
      %get3A_350 = arith.index_cast %get3A_349 : i32 to index
      %get3A_351 = arith.index_cast %add3A_343 : i32 to index
      %get3A_352 = tpu.vector_load %arg9[%get3A_350, %get3A_351] {strides = array<i32>} : memref<32x1024xf32, #tpu.memory_space<vmem>>, vector<1x16xf32>,
      %get3A_353 = vector.shape_cast %get3A_352 : vector<1x16xf32> to vector<16xf32>
      %get3A_354 = arith.constant 2 : i32
      %get3A_355 = arith.index_cast %get3A_354 : i32 to index
      %get3A_356 = arith.index_cast %add3A_343 : i32 to index
      %get3A_357 = tpu.vector_load %arg9[%get3A_355, %get3A_356] {strides = array<i32>} : memref<32x1024xf32, #tpu.memory_space<vmem>>, vector<1x16xf32>,
      %get3A_358 = vector.shape_cast %get3A_357 : vector<1x16xf32> to vector<16xf32>
      %get3A_359 = arith.constant 3 : i32
      %get3A_360 = arith.index_cast %get3A_359 : i32 to index
      %get3A_361 = arith.index_cast %add3A_343 : i32 to index
      %get3A_362 = tpu.vector_load %arg9[%get3A_360, %get3A_361] {strides = array<i32>} : memref<32x1024xf32, #tpu.memory_space<vmem>>, vector<1x16xf32>,
      %get3A_363 = vector.shape_cast %get3A_362 : vector<1x16xf32> to vector<16xf32>
      %get3A_364 = arith.constant 4 : i32
      %get3A_365 = arith.index_cast %get3A_364 : i32 to index
      %get3A_366 = arith.index_cast %add3A_343 : i32 to index
      %get3A_367 = tpu.vector_load %arg9[%get3A_365, %get3A_366] {strides = array<i32>} : memref<32x1024xf32, #tpu.memory_space<vmem>>, vector<1x16xf32>,
      %get3A_368 = vector.shape_cast %get3A_367 : vector<1x16xf32> to vector<16xf32>
      %get3A_369 = arith.constant 5 : i32
      %get3A_370 = arith.index_cast %get3A_369 : i32 to index
      %get3A_371 = arith.index_cast %add3A_343 : i32 to index
      %get3A_372 = tpu.vector_load %arg9[%get3A_370, %get3A_371] {strides = array<i32>} : memref<32x1024xf32, #tpu.memory_space<vmem>>, vector<1x16xf32>,
      %get3A_373 = vector.shape_cast %get3A_372 : vector<1x16xf32> to vector<16xf32>
      %get3A_374 = arith.constant 6 : i32
      %get3A_375 = arith.index_cast %get3A_374 : i32 to index
      %get3A_376 = arith.index_cast %add3A_343 : i32 to index
      %get3A_377 = tpu.vector_load %arg9[%get3A_375, %get3A_376] {strides = array<i32>} : memref<32x1024xf32, #tpu.memory_space<vmem>>, vector<1x16xf32>,
      %get3A_378 = vector.shape_cast %get3A_377 : vector<1x16xf32> to vector<16xf32>
      %get3A_379 = arith.constant 7 : i32
      %get3A_380 = arith.index_cast %get3A_379 : i32 to index
      %get3A_381 = arith.index_cast %add3A_343 : i32 to index
      %get3A_382 = tpu.vector_load %arg9[%get3A_380, %get3A_381] {strides = array<i32>} : memref<32x1024xf32, #tpu.memory_space<vmem>>, vector<1x16xf32>,
      %get3A_383 = vector.shape_cast %get3A_382 : vector<1x16xf32> to vector<16xf32>
      %get3A_384 = arith.constant 8 : i32
      %get3A_385 = arith.index_cast %get3A_384 : i32 to index
      %get3A_386 = arith.index_cast %add3A_343 : i32 to index
      %get3A_387 = tpu.vector_load %arg9[%get3A_385, %get3A_386] {strides = array<i32>} : memref<32x1024xf32, #tpu.memory_space<vmem>>, vector<1x16xf32>,
      %get3A_388 = vector.shape_cast %get3A_387 : vector<1x16xf32> to vector<16xf32>
      %add3A_389 = arith.addf %get3A_348, %get3A_388 : vector<16xf32>
      %get3A_390 = arith.constant 9 : i32
      %get3A_391 = arith.index_cast %get3A_390 : i32 to index
      %get3A_392 = arith.index_cast %add3A_343 : i32 to index
      %get3A_393 = tpu.vector_load %arg9[%get3A_391, %get3A_392] {strides = array<i32>} : memref<32x1024xf32, #tpu.memory_space<vmem>>, vector<1x16xf32>,
      %get3A_394 = vector.shape_cast %get3A_393 : vector<1x16xf32> to vector<16xf32>
      %add3A_395 = arith.addf %get3A_353, %get3A_394 : vector<16xf32>
      %get3A_396 = arith.constant 10 : i32
      %get3A_397 = arith.index_cast %get3A_396 : i32 to index
      %get3A_398 = arith.index_cast %add3A_343 : i32 to index
      %get3A_399 = tpu.vector_load %arg9[%get3A_397, %get3A_398] {strides = array<i32>} : memref<32x1024xf32, #tpu.memory_space<vmem>>, vector<1x16xf32>,
      %get3A_400 = vector.shape_cast %get3A_399 : vector<1x16xf32> to vector<16xf32>
      %add3A_401 = arith.addf %get3A_358, %get3A_400 : vector<16xf32>
      %get3A_402 = arith.constant 11 : i32
      %get3A_403 = arith.index_cast %get3A_402 : i32 to index
      %get3A_404 = arith.index_cast %add3A_343 : i32 to index
      %get3A_405 = tpu.vector_load %arg9[%get3A_403, %get3A_404] {strides = array<i32>} : memref<32x1024xf32, #tpu.memory_space<vmem>>, vector<1x16xf32>,
      %get3A_406 = vector.shape_cast %get3A_405 : vector<1x16xf32> to vector<16xf32>
      %add3A_407 = arith.addf %get3A_363, %get3A_406 : vector<16xf32>
      %get3A_408 = arith.constant 12 : i32
      %get3A_409 = arith.index_cast %get3A_408 : i32 to index
      %get3A_410 = arith.index_cast %add3A_343 : i32 to index
      %get3A_411 = tpu.vector_load %arg9[%get3A_409, %get3A_410] {strides = array<i32>} : memref<32x1024xf32, #tpu.memory_space<vmem>>, vector<1x16xf32>,
      %get3A_412 = vector.shape_cast %get3A_411 : vector<1x16xf32> to vector<16xf32>
      %add3A_413 = arith.addf %get3A_368, %get3A_412 : vector<16xf32>
      %get3A_414 = arith.constant 13 : i32
      %get3A_415 = arith.index_cast %get3A_414 : i32 to index
      %get3A_416 = arith.index_cast %add3A_343 : i32 to index
      %get3A_417 = tpu.vector_load %arg9[%get3A_415, %get3A_416] {strides = array<i32>} : memref<32x1024xf32, #tpu.memory_space<vmem>>, vector<1x16xf32>,
      %get3A_418 = vector.shape_cast %get3A_417 : vector<1x16xf32> to vector<16xf32>
      %add3A_419 = arith.addf %get3A_373, %get3A_418 : vector<16xf32>
      %get3A_420 = arith.constant 14 : i32
      %get3A_421 = arith.index_cast %get3A_420 : i32 to index
      %get3A_422 = arith.index_cast %add3A_343 : i32 to index
      %get3A_423 = tpu.vector_load %arg9[%get3A_421, %get3A_422] {strides = array<i32>} : memref<32x1024xf32, #tpu.memory_space<vmem>>, vector<1x16xf32>,
      %get3A_424 = vector.shape_cast %get3A_423 : vector<1x16xf32> to vector<16xf32>
      %add3A_425 = arith.addf %get3A_378, %get3A_424 : vector<16xf32>
      %get3A_426 = arith.constant 15 : i32
      %get3A_427 = arith.index_cast %get3A_426 : i32 to index
      %get3A_428 = arith.index_cast %add3A_343 : i32 to index
      %get3A_429 = tpu.vector_load %arg9[%get3A_427, %get3A_428] {strides = array<i32>} : memref<32x1024xf32, #tpu.memory_space<vmem>>, vector<1x16xf32>,
      %get3A_430 = vector.shape_cast %get3A_429 : vector<1x16xf32> to vector<16xf32>
      %add3A_431 = arith.addf %get3A_383, %get3A_430 : vector<16xf32>
      %get3A_432 = arith.constant 16 : i32
      %get3A_433 = arith.index_cast %get3A_432 : i32 to index
      %get3A_434 = arith.index_cast %add3A_343 : i32 to index
      %get3A_435 = tpu.vector_load %arg9[%get3A_433, %get3A_434] {strides = array<i32>} : memref<32x1024xf32, #tpu.memory_space<vmem>>, vector<1x16xf32>,
      %get3A_436 = vector.shape_cast %get3A_435 : vector<1x16xf32> to vector<16xf32>
      %add3A_437 = arith.addf %add3A_389, %get3A_436 : vector<16xf32>
      %get3A_438 = arith.constant 17 : i32
      %get3A_439 = arith.index_cast %get3A_438 : i32 to index
      %get3A_440 = arith.index_cast %add3A_343 : i32 to index
      %get3A_441 = tpu.vector_load %arg9[%get3A_439, %get3A_440] {strides = array<i32>} : memref<32x1024xf32, #tpu.memory_space<vmem>>, vector<1x16xf32>,
      %get3A_442 = vector.shape_cast %get3A_441 : vector<1x16xf32> to vector<16xf32>
      %add3A_443 = arith.addf %add3A_395, %get3A_442 : vector<16xf32>
      %get3A_444 = arith.constant 18 : i32
      %get3A_445 = arith.index_cast %get3A_444 : i32 to index
      %get3A_446 = arith.index_cast %add3A_343 : i32 to index
      %get3A_447 = tpu.vector_load %arg9[%get3A_445, %get3A_446] {strides = array<i32>} : memref<32x1024xf32, #tpu.memory_space<vmem>>, vector<1x16xf32>,
      %get3A_448 = vector.shape_cast %get3A_447 : vector<1x16xf32> to vector<16xf32>
      %add3A_449 = arith.addf %add3A_401, %get3A_448 : vector<16xf32>
      %get3A_450 = arith.constant 19 : i32
      %get3A_451 = arith.index_cast %get3A_450 : i32 to index
      %get3A_452 = arith.index_cast %add3A_343 : i32 to index
      %get3A_453 = tpu.vector_load %arg9[%get3A_451, %get3A_452] {strides = array<i32>} : memref<32x1024xf32, #tpu.memory_space<vmem>>, vector<1x16xf32>,
      %get3A_454 = vector.shape_cast %get3A_453 : vector<1x16xf32> to vector<16xf32>
      %add3A_455 = arith.addf %add3A_407, %get3A_454 : vector<16xf32>
      %get3A_456 = arith.constant 20 : i32
      %get3A_457 = arith.index_cast %get3A_456 : i32 to index
      %get3A_458 = arith.index_cast %add3A_343 : i32 to index
      %get3A_459 = tpu.vector_load %arg9[%get3A_457, %get3A_458] {strides = array<i32>} : memref<32x1024xf32, #tpu.memory_space<vmem>>, vector<1x16xf32>,
      %get3A_460 = vector.shape_cast %get3A_459 : vector<1x16xf32> to vector<16xf32>
      %add3A_461 = arith.addf %add3A_413, %get3A_460 : vector<16xf32>
      %get3A_462 = arith.constant 21 : i32
      %get3A_463 = arith.index_cast %get3A_462 : i32 to index
      %get3A_464 = arith.index_cast %add3A_343 : i32 to index
      %get3A_465 = tpu.vector_load %arg9[%get3A_463, %get3A_464] {strides = array<i32>} : memref<32x1024xf32, #tpu.memory_space<vmem>>, vector<1x16xf32>,
      %get3A_466 = vector.shape_cast %get3A_465 : vector<1x16xf32> to vector<16xf32>
      %add3A_467 = arith.addf %add3A_419, %get3A_466 : vector<16xf32>
      %get3A_468 = arith.constant 22 : i32
      %get3A_469 = arith.index_cast %get3A_468 : i32 to index
      %get3A_470 = arith.index_cast %add3A_343 : i32 to index
      %get3A_471 = tpu.vector_load %arg9[%get3A_469, %get3A_470] {strides = array<i32>} : memref<32x1024xf32, #tpu.memory_space<vmem>>, vector<1x16xf32>,
      %get3A_472 = vector.shape_cast %get3A_471 : vector<1x16xf32> to vector<16xf32>
      %add3A_473 = arith.addf %add3A_425, %get3A_472 : vector<16xf32>
      %get3A_474 = arith.constant 23 : i32
      %get3A_475 = arith.index_cast %get3A_474 : i32 to index
      %get3A_476 = arith.index_cast %add3A_343 : i32 to index
      %get3A_477 = tpu.vector_load %arg9[%get3A_475, %get3A_476] {strides = array<i32>} : memref<32x1024xf32, #tpu.memory_space<vmem>>, vector<1x16xf32>,
      %get3A_478 = vector.shape_cast %get3A_477 : vector<1x16xf32> to vector<16xf32>
      %add3A_479 = arith.addf %add3A_431, %get3A_478 : vector<16xf32>
      %get3A_480 = arith.constant 24 : i32
      %get3A_481 = arith.index_cast %get3A_480 : i32 to index
      %get3A_482 = arith.index_cast %add3A_343 : i32 to index
      %get3A_483 = tpu.vector_load %arg9[%get3A_481, %get3A_482] {strides = array<i32>} : memref<32x1024xf32, #tpu.memory_space<vmem>>, vector<1x16xf32>,
      %get3A_484 = vector.shape_cast %get3A_483 : vector<1x16xf32> to vector<16xf32>
      %add3A_485 = arith.addf %add3A_437, %get3A_484 : vector<16xf32>
      %get3A_486 = arith.constant 25 : i32
      %get3A_487 = arith.index_cast %get3A_486 : i32 to index
      %get3A_488 = arith.index_cast %add3A_343 : i32 to index
      %get3A_489 = tpu.vector_load %arg9[%get3A_487, %get3A_488] {strides = array<i32>} : memref<32x1024xf32, #tpu.memory_space<vmem>>, vector<1x16xf32>,
      %get3A_490 = vector.shape_cast %get3A_489 : vector<1x16xf32> to vector<16xf32>
      %add3A_491 = arith.addf %add3A_443, %get3A_490 : vector<16xf32>
      %get3A_492 = arith.constant 26 : i32
      %get3A_493 = arith.index_cast %get3A_492 : i32 to index
      %get3A_494 = arith.index_cast %add3A_343 : i32 to index
      %get3A_495 = tpu.vector_load %arg9[%get3A_493, %get3A_494] {strides = array<i32>} : memref<32x1024xf32, #tpu.memory_space<vmem>>, vector<1x16xf32>,
      %get3A_496 = vector.shape_cast %get3A_495 : vector<1x16xf32> to vector<16xf32>
      %add3A_497 = arith.addf %add3A_449, %get3A_496 : vector<16xf32>
      %get3A_498 = arith.constant 27 : i32
      %get3A_499 = arith.index_cast %get3A_498 : i32 to index
      %get3A_500 = arith.index_cast %add3A_343 : i32 to index
      %get3A_501 = tpu.vector_load %arg9[%get3A_499, %get3A_500] {strides = array<i32>} : memref<32x1024xf32, #tpu.memory_space<vmem>>, vector<1x16xf32>,
      %get3A_502 = vector.shape_cast %get3A_501 : vector<1x16xf32> to vector<16xf32>
      %add3A_503 = arith.addf %add3A_455, %get3A_502 : vector<16xf32>
      %get3A_504 = arith.constant 28 : i32
      %get3A_505 = arith.index_cast %get3A_504 : i32 to index
      %get3A_506 = arith.index_cast %add3A_343 : i32 to index
      %get3A_507 = tpu.vector_load %arg9[%get3A_505, %get3A_506] {strides = array<i32>} : memref<32x1024xf32, #tpu.memory_space<vmem>>, vector<1x16xf32>,
      %get3A_508 = vector.shape_cast %get3A_507 : vector<1x16xf32> to vector<16xf32>
      %add3A_509 = arith.addf %add3A_461, %get3A_508 : vector<16xf32>
      %get3A_510 = arith.constant 29 : i32
      %get3A_511 = arith.index_cast %get3A_510 : i32 to index
      %get3A_512 = arith.index_cast %add3A_343 : i32 to index
      %get3A_513 = tpu.vector_load %arg9[%get3A_511, %get3A_512] {strides = array<i32>} : memref<32x1024xf32, #tpu.memory_space<vmem>>, vector<1x16xf32>,
      %get3A_514 = vector.shape_cast %get3A_513 : vector<1x16xf32> to vector<16xf32>
      %add3A_515 = arith.addf %add3A_467, %get3A_514 : vector<16xf32>
      %get3A_516 = arith.constant 30 : i32
      %get3A_517 = arith.index_cast %get3A_516 : i32 to index
      %get3A_518 = arith.index_cast %add3A_343 : i32 to index
      %get3A_519 = tpu.vector_load %arg9[%get3A_517, %get3A_518] {strides = array<i32>} : memref<32x1024xf32, #tpu.memory_space<vmem>>, vector<1x16xf32>,
      %get3A_520 = vector.shape_cast %get3A_519 : vector<1x16xf32> to vector<16xf32>
      %add3A_521 = arith.addf %add3A_473, %get3A_520 : vector<16xf32>
      %get3A_522 = arith.constant 31 : i32
      %get3A_523 = arith.index_cast %get3A_522 : i32 to index
      %get3A_524 = arith.index_cast %add3A_343 : i32 to index
      %get3A_525 = tpu.vector_load %arg9[%get3A_523, %get3A_524] {strides = array<i32>} : memref<32x1024xf32, #tpu.memory_space<vmem>>, vector<1x16xf32>,
      %get3A_526 = vector.shape_cast %get3A_525 : vector<1x16xf32> to vector<16xf32>
      %add3A_527 = arith.addf %add3A_479, %get3A_526 : vector<16xf32>
      %add3A_528 = arith.addf %add3A_485, %add3A_491 : vector<16xf32>
      %add3A_529 = arith.addf %add3A_497, %add3A_503 : vector<16xf32>
      %add3A_530 = arith.addf %add3A_528, %add3A_529 : vector<16xf32>
      %add3A_531 = arith.addf %add3A_509, %add3A_515 : vector<16xf32>
      %add3A_532 = arith.addf %add3A_521, %add3A_527 : vector<16xf32>
      %add3A_533 = arith.addf %add3A_531, %add3A_532 : vector<16xf32>
      %add3A_534 = arith.addf %add3A_530, %add3A_533 : vector<16xf32>
      %get3A_535 = arith.index_cast %add3A_343 : i32 to index
      %get3A_536 = tpu.vector_load %arg12[%get3A_535] {strides = array<i32>} : memref<1024xf32, #tpu.memory_space<vmem>>, vector<16xf32>,
      %get3A_537 = vector.shape_cast %get3A_536 : vector<16xf32> to vector<16xf32>
      %add3A_538 = arith.addf %get3A_537, %add3A_534 : vector<16xf32>
      %swap3A_539 = arith.index_cast %add3A_343 : i32 to index
      %swap3A_540 = tpu.vector_load %arg12[%swap3A_539] {strides = array<i32>} : memref<1024xf32, #tpu.memory_space<vmem>>, vector<16xf32>,
      %swap3A_541 = vector.shape_cast %swap3A_540 : vector<16xf32> to vector<16xf32>
      %swap3A_542 = vector.shape_cast %add3A_538 : vector<16xf32> to vector<16xf32>
      tpu.vector_store %arg12[%swap3A_539], %swap3A_542 {strides = array<i32>} : memref<1024xf32, #tpu.memory_space<vmem>>, vector<16xf32>,
    }
    %scan3A_78 = arith.constant 32 : i32
    %dma_wait3A_79 = arith.constant 128 : i32
    %dma_wait3A_80 = tpu.memref_slice %arg8[%dma_wait3A_79] : memref<256xi32, #tpu.memory_space<vmem>> -> memref<32xi32, #tpu.memory_space<vmem>>
    %dma_wait3A_81 = arith.constant 0 : i32
    %dma_wait3A_82 = arith.constant 0 : i32
    %dma_wait3A_83 = tpu.memref_slice %arg4[%dma_wait3A_81, %dma_wait3A_82] : memref<32128x1024xf32, #tpu.memory_space<hbm>> -> memref<32128x1024xf32, #tpu.memory_space<hbm>>
    tpu.wait_indirect_dma semaphore(%arg16 : memref<!tpu.dma_semaphore, #tpu.memory_space<semaphore_mem>>) src(%dma_wait3A_83 : memref<32128x1024xf32, #tpu.memory_space<hbm>>) dst(%arg10 : memref<32x1024xf32, #tpu.memory_space<vmem>>)
    %dma_start3A_84 = arith.constant 192 : i32
    %dma_start3A_85 = tpu.memref_slice %arg8[%dma_start3A_84] : memref<256xi32, #tpu.memory_space<vmem>> -> memref<32xi32, #tpu.memory_space<vmem>>
    %dma_start3A_86 = arith.constant 0 : i32
    %dma_start3A_87 = arith.constant 0 : i32
    %dma_start3A_88 = tpu.memref_slice %arg4[%dma_start3A_86, %dma_start3A_87] : memref<32128x1024xf32, #tpu.memory_space<hbm>> -> memref<32128x1024xf32, #tpu.memory_space<hbm>>
    tpu.enqueue_indirect_dma source(%dma_start3A_88 : memref<32128x1024xf32, #tpu.memory_space<hbm>>) target(%arg9 : memref<32x1024xf32, #tpu.memory_space<vmem>>) offsets(%dma_start3A_85 : memref<32xi32, #tpu.memory_space<vmem>>) semaphore(%arg15 : memref<!tpu.dma_semaphore, #tpu.memory_space<semaphore_mem>>)
    %scan3A_89 = arith.constant 0 : i32
    %scan3A_90 = arith.constant 0 : i32
    %scan3A_91 = arith.constant 32 : i32
    %scan3A_92 = arith.addi %scan3A_90, %scan3A_91 : i32
    %scan3A_93 = arith.constant 1 : i32
    scf.for %scan3A_138 = %scan3A_90 to %scan3A_92 step %scan3A_93  : i32 {
      %mul3A_139 = arith.constant 32 : i32
      %mul3A_140 = arith.muli %scan3A_138, %mul3A_139 : i32
      %add3A_141 = arith.constant 0 : i32
      %add3A_142 = arith.addi %mul3A_140, %add3A_141 : i32
      %get3A = arith.constant 0 : i32
      %get3A_143 = arith.index_cast %get3A : i32 to index
      %get3A_144 = arith.index_cast %add3A_142 : i32 to index
      %get3A_145 = tpu.vector_load %arg10[%get3A_143, %get3A_144] {strides = array<i32>} : memref<32x1024xf32, #tpu.memory_space<vmem>>, vector<1x16xf32>,
      %get3A_146 = vector.shape_cast %get3A_145 : vector<1x16xf32> to vector<16xf32>
      %get3A_147 = arith.constant 1 : i32
      %get3A_148 = arith.index_cast %get3A_147 : i32 to index
      %get3A_149 = arith.index_cast %add3A_142 : i32 to index
      %get3A_150 = tpu.vector_load %arg10[%get3A_148, %get3A_149] {strides = array<i32>} : memref<32x1024xf32, #tpu.memory_space<vmem>>, vector<1x16xf32>,
      %get3A_151 = vector.shape_cast %get3A_150 : vector<1x16xf32> to vector<16xf32>
      %get3A_152 = arith.constant 2 : i32
      %get3A_153 = arith.index_cast %get3A_152 : i32 to index
      %get3A_154 = arith.index_cast %add3A_142 : i32 to index
      %get3A_155 = tpu.vector_load %arg10[%get3A_153, %get3A_154] {strides = array<i32>} : memref<32x1024xf32, #tpu.memory_space<vmem>>, vector<1x16xf32>,
      %get3A_156 = vector.shape_cast %get3A_155 : vector<1x16xf32> to vector<16xf32>
      %get3A_157 = arith.constant 3 : i32
      %get3A_158 = arith.index_cast %get3A_157 : i32 to index
      %get3A_159 = arith.index_cast %add3A_142 : i32 to index
      %get3A_160 = tpu.vector_load %arg10[%get3A_158, %get3A_159] {strides = array<i32>} : memref<32x1024xf32, #tpu.memory_space<vmem>>, vector<1x16xf32>,
      %get3A_161 = vector.shape_cast %get3A_160 : vector<1x16xf32> to vector<16xf32>
      %get3A_162 = arith.constant 4 : i32
      %get3A_163 = arith.index_cast %get3A_162 : i32 to index
      %get3A_164 = arith.index_cast %add3A_142 : i32 to index
      %get3A_165 = tpu.vector_load %arg10[%get3A_163, %get3A_164] {strides = array<i32>} : memref<32x1024xf32, #tpu.memory_space<vmem>>, vector<1x16xf32>,
      %get3A_166 = vector.shape_cast %get3A_165 : vector<1x16xf32> to vector<16xf32>
      %get3A_167 = arith.constant 5 : i32
      %get3A_168 = arith.index_cast %get3A_167 : i32 to index
      %get3A_169 = arith.index_cast %add3A_142 : i32 to index
      %get3A_170 = tpu.vector_load %arg10[%get3A_168, %get3A_169] {strides = array<i32>} : memref<32x1024xf32, #tpu.memory_space<vmem>>, vector<1x16xf32>,
      %get3A_171 = vector.shape_cast %get3A_170 : vector<1x16xf32> to vector<16xf32>
      %get3A_172 = arith.constant 6 : i32
      %get3A_173 = arith.index_cast %get3A_172 : i32 to index
      %get3A_174 = arith.index_cast %add3A_142 : i32 to index
      %get3A_175 = tpu.vector_load %arg10[%get3A_173, %get3A_174] {strides = array<i32>} : memref<32x1024xf32, #tpu.memory_space<vmem>>, vector<1x16xf32>,
      %get3A_176 = vector.shape_cast %get3A_175 : vector<1x16xf32> to vector<16xf32>
      %get3A_177 = arith.constant 7 : i32
      %get3A_178 = arith.index_cast %get3A_177 : i32 to index
      %get3A_179 = arith.index_cast %add3A_142 : i32 to index
      %get3A_180 = tpu.vector_load %arg10[%get3A_178, %get3A_179] {strides = array<i32>} : memref<32x1024xf32, #tpu.memory_space<vmem>>, vector<1x16xf32>,
      %get3A_181 = vector.shape_cast %get3A_180 : vector<1x16xf32> to vector<16xf32>
      %get3A_182 = arith.constant 8 : i32
      %get3A_183 = arith.index_cast %get3A_182 : i32 to index
      %get3A_184 = arith.index_cast %add3A_142 : i32 to index
      %get3A_185 = tpu.vector_load %arg10[%get3A_183, %get3A_184] {strides = array<i32>} : memref<32x1024xf32, #tpu.memory_space<vmem>>, vector<1x16xf32>,
      %get3A_186 = vector.shape_cast %get3A_185 : vector<1x16xf32> to vector<16xf32>
      %add3A_187 = arith.addf %get3A_146, %get3A_186 : vector<16xf32>
      %get3A_188 = arith.constant 9 : i32
      %get3A_189 = arith.index_cast %get3A_188 : i32 to index
      %get3A_190 = arith.index_cast %add3A_142 : i32 to index
      %get3A_191 = tpu.vector_load %arg10[%get3A_189, %get3A_190] {strides = array<i32>} : memref<32x1024xf32, #tpu.memory_space<vmem>>, vector<1x16xf32>,
      %get3A_192 = vector.shape_cast %get3A_191 : vector<1x16xf32> to vector<16xf32>
      %add3A_193 = arith.addf %get3A_151, %get3A_192 : vector<16xf32>
      %get3A_194 = arith.constant 10 : i32
      %get3A_195 = arith.index_cast %get3A_194 : i32 to index
      %get3A_196 = arith.index_cast %add3A_142 : i32 to index
      %get3A_197 = tpu.vector_load %arg10[%get3A_195, %get3A_196] {strides = array<i32>} : memref<32x1024xf32, #tpu.memory_space<vmem>>, vector<1x16xf32>,
      %get3A_198 = vector.shape_cast %get3A_197 : vector<1x16xf32> to vector<16xf32>
      %add3A_199 = arith.addf %get3A_156, %get3A_198 : vector<16xf32>
      %get3A_200 = arith.constant 11 : i32
      %get3A_201 = arith.index_cast %get3A_200 : i32 to index
      %get3A_202 = arith.index_cast %add3A_142 : i32 to index
      %get3A_203 = tpu.vector_load %arg10[%get3A_201, %get3A_202] {strides = array<i32>} : memref<32x1024xf32, #tpu.memory_space<vmem>>, vector<1x16xf32>,
      %get3A_204 = vector.shape_cast %get3A_203 : vector<1x16xf32> to vector<16xf32>
      %add3A_205 = arith.addf %get3A_161, %get3A_204 : vector<16xf32>
      %get3A_206 = arith.constant 12 : i32
      %get3A_207 = arith.index_cast %get3A_206 : i32 to index
      %get3A_208 = arith.index_cast %add3A_142 : i32 to index
      %get3A_209 = tpu.vector_load %arg10[%get3A_207, %get3A_208] {strides = array<i32>} : memref<32x1024xf32, #tpu.memory_space<vmem>>, vector<1x16xf32>,
      %get3A_210 = vector.shape_cast %get3A_209 : vector<1x16xf32> to vector<16xf32>
      %add3A_211 = arith.addf %get3A_166, %get3A_210 : vector<16xf32>
      %get3A_212 = arith.constant 13 : i32
      %get3A_213 = arith.index_cast %get3A_212 : i32 to index
      %get3A_214 = arith.index_cast %add3A_142 : i32 to index
      %get3A_215 = tpu.vector_load %arg10[%get3A_213, %get3A_214] {strides = array<i32>} : memref<32x1024xf32, #tpu.memory_space<vmem>>, vector<1x16xf32>,
      %get3A_216 = vector.shape_cast %get3A_215 : vector<1x16xf32> to vector<16xf32>
      %add3A_217 = arith.addf %get3A_171, %get3A_216 : vector<16xf32>
      %get3A_218 = arith.constant 14 : i32
      %get3A_219 = arith.index_cast %get3A_218 : i32 to index
      %get3A_220 = arith.index_cast %add3A_142 : i32 to index
      %get3A_221 = tpu.vector_load %arg10[%get3A_219, %get3A_220] {strides = array<i32>} : memref<32x1024xf32, #tpu.memory_space<vmem>>, vector<1x16xf32>,
      %get3A_222 = vector.shape_cast %get3A_221 : vector<1x16xf32> to vector<16xf32>
      %add3A_223 = arith.addf %get3A_176, %get3A_222 : vector<16xf32>
      %get3A_224 = arith.constant 15 : i32
      %get3A_225 = arith.index_cast %get3A_224 : i32 to index
      %get3A_226 = arith.index_cast %add3A_142 : i32 to index
      %get3A_227 = tpu.vector_load %arg10[%get3A_225, %get3A_226] {strides = array<i32>} : memref<32x1024xf32, #tpu.memory_space<vmem>>, vector<1x16xf32>,
      %get3A_228 = vector.shape_cast %get3A_227 : vector<1x16xf32> to vector<16xf32>
      %add3A_229 = arith.addf %get3A_181, %get3A_228 : vector<16xf32>
      %get3A_230 = arith.constant 16 : i32
      %get3A_231 = arith.index_cast %get3A_230 : i32 to index
      %get3A_232 = arith.index_cast %add3A_142 : i32 to index
      %get3A_233 = tpu.vector_load %arg10[%get3A_231, %get3A_232] {strides = array<i32>} : memref<32x1024xf32, #tpu.memory_space<vmem>>, vector<1x16xf32>,
      %get3A_234 = vector.shape_cast %get3A_233 : vector<1x16xf32> to vector<16xf32>
      %add3A_235 = arith.addf %add3A_187, %get3A_234 : vector<16xf32>
      %get3A_236 = arith.constant 17 : i32
      %get3A_237 = arith.index_cast %get3A_236 : i32 to index
      %get3A_238 = arith.index_cast %add3A_142 : i32 to index
      %get3A_239 = tpu.vector_load %arg10[%get3A_237, %get3A_238] {strides = array<i32>} : memref<32x1024xf32, #tpu.memory_space<vmem>>, vector<1x16xf32>,
      %get3A_240 = vector.shape_cast %get3A_239 : vector<1x16xf32> to vector<16xf32>
      %add3A_241 = arith.addf %add3A_193, %get3A_240 : vector<16xf32>
      %get3A_242 = arith.constant 18 : i32
      %get3A_243 = arith.index_cast %get3A_242 : i32 to index
      %get3A_244 = arith.index_cast %add3A_142 : i32 to index
      %get3A_245 = tpu.vector_load %arg10[%get3A_243, %get3A_244] {strides = array<i32>} : memref<32x1024xf32, #tpu.memory_space<vmem>>, vector<1x16xf32>,
      %get3A_246 = vector.shape_cast %get3A_245 : vector<1x16xf32> to vector<16xf32>
      %add3A_247 = arith.addf %add3A_199, %get3A_246 : vector<16xf32>
      %get3A_248 = arith.constant 19 : i32
      %get3A_249 = arith.index_cast %get3A_248 : i32 to index
      %get3A_250 = arith.index_cast %add3A_142 : i32 to index
      %get3A_251 = tpu.vector_load %arg10[%get3A_249, %get3A_250] {strides = array<i32>} : memref<32x1024xf32, #tpu.memory_space<vmem>>, vector<1x16xf32>,
      %get3A_252 = vector.shape_cast %get3A_251 : vector<1x16xf32> to vector<16xf32>
      %add3A_253 = arith.addf %add3A_205, %get3A_252 : vector<16xf32>
      %get3A_254 = arith.constant 20 : i32
      %get3A_255 = arith.index_cast %get3A_254 : i32 to index
      %get3A_256 = arith.index_cast %add3A_142 : i32 to index
      %get3A_257 = tpu.vector_load %arg10[%get3A_255, %get3A_256] {strides = array<i32>} : memref<32x1024xf32, #tpu.memory_space<vmem>>, vector<1x16xf32>,
      %get3A_258 = vector.shape_cast %get3A_257 : vector<1x16xf32> to vector<16xf32>
      %add3A_259 = arith.addf %add3A_211, %get3A_258 : vector<16xf32>
      %get3A_260 = arith.constant 21 : i32
      %get3A_261 = arith.index_cast %get3A_260 : i32 to index
      %get3A_262 = arith.index_cast %add3A_142 : i32 to index
      %get3A_263 = tpu.vector_load %arg10[%get3A_261, %get3A_262] {strides = array<i32>} : memref<32x1024xf32, #tpu.memory_space<vmem>>, vector<1x16xf32>,
      %get3A_264 = vector.shape_cast %get3A_263 : vector<1x16xf32> to vector<16xf32>
      %add3A_265 = arith.addf %add3A_217, %get3A_264 : vector<16xf32>
      %get3A_266 = arith.constant 22 : i32
      %get3A_267 = arith.index_cast %get3A_266 : i32 to index
      %get3A_268 = arith.index_cast %add3A_142 : i32 to index
      %get3A_269 = tpu.vector_load %arg10[%get3A_267, %get3A_268] {strides = array<i32>} : memref<32x1024xf32, #tpu.memory_space<vmem>>, vector<1x16xf32>,
      %get3A_270 = vector.shape_cast %get3A_269 : vector<1x16xf32> to vector<16xf32>
      %add3A_271 = arith.addf %add3A_223, %get3A_270 : vector<16xf32>
      %get3A_272 = arith.constant 23 : i32
      %get3A_273 = arith.index_cast %get3A_272 : i32 to index
      %get3A_274 = arith.index_cast %add3A_142 : i32 to index
      %get3A_275 = tpu.vector_load %arg10[%get3A_273, %get3A_274] {strides = array<i32>} : memref<32x1024xf32, #tpu.memory_space<vmem>>, vector<1x16xf32>,
      %get3A_276 = vector.shape_cast %get3A_275 : vector<1x16xf32> to vector<16xf32>
      %add3A_277 = arith.addf %add3A_229, %get3A_276 : vector<16xf32>
      %get3A_278 = arith.constant 24 : i32
      %get3A_279 = arith.index_cast %get3A_278 : i32 to index
      %get3A_280 = arith.index_cast %add3A_142 : i32 to index
      %get3A_281 = tpu.vector_load %arg10[%get3A_279, %get3A_280] {strides = array<i32>} : memref<32x1024xf32, #tpu.memory_space<vmem>>, vector<1x16xf32>,
      %get3A_282 = vector.shape_cast %get3A_281 : vector<1x16xf32> to vector<16xf32>
      %add3A_283 = arith.addf %add3A_235, %get3A_282 : vector<16xf32>
      %get3A_284 = arith.constant 25 : i32
      %get3A_285 = arith.index_cast %get3A_284 : i32 to index
      %get3A_286 = arith.index_cast %add3A_142 : i32 to index
      %get3A_287 = tpu.vector_load %arg10[%get3A_285, %get3A_286] {strides = array<i32>} : memref<32x1024xf32, #tpu.memory_space<vmem>>, vector<1x16xf32>,
      %get3A_288 = vector.shape_cast %get3A_287 : vector<1x16xf32> to vector<16xf32>
      %add3A_289 = arith.addf %add3A_241, %get3A_288 : vector<16xf32>
      %get3A_290 = arith.constant 26 : i32
      %get3A_291 = arith.index_cast %get3A_290 : i32 to index
      %get3A_292 = arith.index_cast %add3A_142 : i32 to index
      %get3A_293 = tpu.vector_load %arg10[%get3A_291, %get3A_292] {strides = array<i32>} : memref<32x1024xf32, #tpu.memory_space<vmem>>, vector<1x16xf32>,
      %get3A_294 = vector.shape_cast %get3A_293 : vector<1x16xf32> to vector<16xf32>
      %add3A_295 = arith.addf %add3A_247, %get3A_294 : vector<16xf32>
      %get3A_296 = arith.constant 27 : i32
      %get3A_297 = arith.index_cast %get3A_296 : i32 to index
      %get3A_298 = arith.index_cast %add3A_142 : i32 to index
      %get3A_299 = tpu.vector_load %arg10[%get3A_297, %get3A_298] {strides = array<i32>} : memref<32x1024xf32, #tpu.memory_space<vmem>>, vector<1x16xf32>,
      %get3A_300 = vector.shape_cast %get3A_299 : vector<1x16xf32> to vector<16xf32>
      %add3A_301 = arith.addf %add3A_253, %get3A_300 : vector<16xf32>
      %get3A_302 = arith.constant 28 : i32
      %get3A_303 = arith.index_cast %get3A_302 : i32 to index
      %get3A_304 = arith.index_cast %add3A_142 : i32 to index
      %get3A_305 = tpu.vector_load %arg10[%get3A_303, %get3A_304] {strides = array<i32>} : memref<32x1024xf32, #tpu.memory_space<vmem>>, vector<1x16xf32>,
      %get3A_306 = vector.shape_cast %get3A_305 : vector<1x16xf32> to vector<16xf32>
      %add3A_307 = arith.addf %add3A_259, %get3A_306 : vector<16xf32>
      %get3A_308 = arith.constant 29 : i32
      %get3A_309 = arith.index_cast %get3A_308 : i32 to index
      %get3A_310 = arith.index_cast %add3A_142 : i32 to index
      %get3A_311 = tpu.vector_load %arg10[%get3A_309, %get3A_310] {strides = array<i32>} : memref<32x1024xf32, #tpu.memory_space<vmem>>, vector<1x16xf32>,
      %get3A_312 = vector.shape_cast %get3A_311 : vector<1x16xf32> to vector<16xf32>
      %add3A_313 = arith.addf %add3A_265, %get3A_312 : vector<16xf32>
      %get3A_314 = arith.constant 30 : i32
      %get3A_315 = arith.index_cast %get3A_314 : i32 to index
      %get3A_316 = arith.index_cast %add3A_142 : i32 to index
      %get3A_317 = tpu.vector_load %arg10[%get3A_315, %get3A_316] {strides = array<i32>} : memref<32x1024xf32, #tpu.memory_space<vmem>>, vector<1x16xf32>,
      %get3A_318 = vector.shape_cast %get3A_317 : vector<1x16xf32> to vector<16xf32>
      %add3A_319 = arith.addf %add3A_271, %get3A_318 : vector<16xf32>
      %get3A_320 = arith.constant 31 : i32
      %get3A_321 = arith.index_cast %get3A_320 : i32 to index
      %get3A_322 = arith.index_cast %add3A_142 : i32 to index
      %get3A_323 = tpu.vector_load %arg10[%get3A_321, %get3A_322] {strides = array<i32>} : memref<32x1024xf32, #tpu.memory_space<vmem>>, vector<1x16xf32>,
      %get3A_324 = vector.shape_cast %get3A_323 : vector<1x16xf32> to vector<16xf32>
      %add3A_325 = arith.addf %add3A_277, %get3A_324 : vector<16xf32>
      %add3A_326 = arith.addf %add3A_283, %add3A_289 : vector<16xf32>
      %add3A_327 = arith.addf %add3A_295, %add3A_301 : vector<16xf32>
      %add3A_328 = arith.addf %add3A_326, %add3A_327 : vector<16xf32>
      %add3A_329 = arith.addf %add3A_307, %add3A_313 : vector<16xf32>
      %add3A_330 = arith.addf %add3A_319, %add3A_325 : vector<16xf32>
      %add3A_331 = arith.addf %add3A_329, %add3A_330 : vector<16xf32>
      %add3A_332 = arith.addf %add3A_328, %add3A_331 : vector<16xf32>
      %get3A_333 = arith.index_cast %add3A_142 : i32 to index
      %get3A_334 = tpu.vector_load %arg12[%get3A_333] {strides = array<i32>} : memref<1024xf32, #tpu.memory_space<vmem>>, vector<16xf32>,
      %get3A_335 = vector.shape_cast %get3A_334 : vector<16xf32> to vector<16xf32>
      %add3A_336 = arith.addf %get3A_335, %add3A_332 : vector<16xf32>
      %swap3A = arith.index_cast %add3A_142 : i32 to index
      %swap3A_337 = tpu.vector_load %arg12[%swap3A] {strides = array<i32>} : memref<1024xf32, #tpu.memory_space<vmem>>, vector<16xf32>,
      %swap3A_338 = vector.shape_cast %swap3A_337 : vector<16xf32> to vector<16xf32>
      %swap3A_339 = vector.shape_cast %add3A_336 : vector<16xf32> to vector<16xf32>
      tpu.vector_store %arg12[%swap3A], %swap3A_339 {strides = array<i32>} : memref<1024xf32, #tpu.memory_space<vmem>>, vector<16xf32>,
      %mul3A_340 = arith.constant 32 : i32
      %mul3A_341 = arith.muli %scan3A_138, %mul3A_340 : i32
      %add3A_342 = arith.constant 16 : i32
      %add3A_343 = arith.addi %mul3A_341, %add3A_342 : i32
      %get3A_344 = arith.constant 0 : i32
      %get3A_345 = arith.index_cast %get3A_344 : i32 to index
      %get3A_346 = arith.index_cast %add3A_343 : i32 to index
      %get3A_347 = tpu.vector_load %arg10[%get3A_345, %get3A_346] {strides = array<i32>} : memref<32x1024xf32, #tpu.memory_space<vmem>>, vector<1x16xf32>,
      %get3A_348 = vector.shape_cast %get3A_347 : vector<1x16xf32> to vector<16xf32>
      %get3A_349 = arith.constant 1 : i32
      %get3A_350 = arith.index_cast %get3A_349 : i32 to index
      %get3A_351 = arith.index_cast %add3A_343 : i32 to index
      %get3A_352 = tpu.vector_load %arg10[%get3A_350, %get3A_351] {strides = array<i32>} : memref<32x1024xf32, #tpu.memory_space<vmem>>, vector<1x16xf32>,
      %get3A_353 = vector.shape_cast %get3A_352 : vector<1x16xf32> to vector<16xf32>
      %get3A_354 = arith.constant 2 : i32
      %get3A_355 = arith.index_cast %get3A_354 : i32 to index
      %get3A_356 = arith.index_cast %add3A_343 : i32 to index
      %get3A_357 = tpu.vector_load %arg10[%get3A_355, %get3A_356] {strides = array<i32>} : memref<32x1024xf32, #tpu.memory_space<vmem>>, vector<1x16xf32>,
      %get3A_358 = vector.shape_cast %get3A_357 : vector<1x16xf32> to vector<16xf32>
      %get3A_359 = arith.constant 3 : i32
      %get3A_360 = arith.index_cast %get3A_359 : i32 to index
      %get3A_361 = arith.index_cast %add3A_343 : i32 to index
      %get3A_362 = tpu.vector_load %arg10[%get3A_360, %get3A_361] {strides = array<i32>} : memref<32x1024xf32, #tpu.memory_space<vmem>>, vector<1x16xf32>,
      %get3A_363 = vector.shape_cast %get3A_362 : vector<1x16xf32> to vector<16xf32>
      %get3A_364 = arith.constant 4 : i32
      %get3A_365 = arith.index_cast %get3A_364 : i32 to index
      %get3A_366 = arith.index_cast %add3A_343 : i32 to index
      %get3A_367 = tpu.vector_load %arg10[%get3A_365, %get3A_366] {strides = array<i32>} : memref<32x1024xf32, #tpu.memory_space<vmem>>, vector<1x16xf32>,
      %get3A_368 = vector.shape_cast %get3A_367 : vector<1x16xf32> to vector<16xf32>
      %get3A_369 = arith.constant 5 : i32
      %get3A_370 = arith.index_cast %get3A_369 : i32 to index
      %get3A_371 = arith.index_cast %add3A_343 : i32 to index
      %get3A_372 = tpu.vector_load %arg10[%get3A_370, %get3A_371] {strides = array<i32>} : memref<32x1024xf32, #tpu.memory_space<vmem>>, vector<1x16xf32>,
      %get3A_373 = vector.shape_cast %get3A_372 : vector<1x16xf32> to vector<16xf32>
      %get3A_374 = arith.constant 6 : i32
      %get3A_375 = arith.index_cast %get3A_374 : i32 to index
      %get3A_376 = arith.index_cast %add3A_343 : i32 to index
      %get3A_377 = tpu.vector_load %arg10[%get3A_375, %get3A_376] {strides = array<i32>} : memref<32x1024xf32, #tpu.memory_space<vmem>>, vector<1x16xf32>,
      %get3A_378 = vector.shape_cast %get3A_377 : vector<1x16xf32> to vector<16xf32>
      %get3A_379 = arith.constant 7 : i32
      %get3A_380 = arith.index_cast %get3A_379 : i32 to index
      %get3A_381 = arith.index_cast %add3A_343 : i32 to index
      %get3A_382 = tpu.vector_load %arg10[%get3A_380, %get3A_381] {strides = array<i32>} : memref<32x1024xf32, #tpu.memory_space<vmem>>, vector<1x16xf32>,
      %get3A_383 = vector.shape_cast %get3A_382 : vector<1x16xf32> to vector<16xf32>
      %get3A_384 = arith.constant 8 : i32
      %get3A_385 = arith.index_cast %get3A_384 : i32 to index
      %get3A_386 = arith.index_cast %add3A_343 : i32 to index
      %get3A_387 = tpu.vector_load %arg10[%get3A_385, %get3A_386] {strides = array<i32>} : memref<32x1024xf32, #tpu.memory_space<vmem>>, vector<1x16xf32>,
      %get3A_388 = vector.shape_cast %get3A_387 : vector<1x16xf32> to vector<16xf32>
      %add3A_389 = arith.addf %get3A_348, %get3A_388 : vector<16xf32>
      %get3A_390 = arith.constant 9 : i32
      %get3A_391 = arith.index_cast %get3A_390 : i32 to index
      %get3A_392 = arith.index_cast %add3A_343 : i32 to index
      %get3A_393 = tpu.vector_load %arg10[%get3A_391, %get3A_392] {strides = array<i32>} : memref<32x1024xf32, #tpu.memory_space<vmem>>, vector<1x16xf32>,
      %get3A_394 = vector.shape_cast %get3A_393 : vector<1x16xf32> to vector<16xf32>
      %add3A_395 = arith.addf %get3A_353, %get3A_394 : vector<16xf32>
      %get3A_396 = arith.constant 10 : i32
      %get3A_397 = arith.index_cast %get3A_396 : i32 to index
      %get3A_398 = arith.index_cast %add3A_343 : i32 to index
      %get3A_399 = tpu.vector_load %arg10[%get3A_397, %get3A_398] {strides = array<i32>} : memref<32x1024xf32, #tpu.memory_space<vmem>>, vector<1x16xf32>,
      %get3A_400 = vector.shape_cast %get3A_399 : vector<1x16xf32> to vector<16xf32>
      %add3A_401 = arith.addf %get3A_358, %get3A_400 : vector<16xf32>
      %get3A_402 = arith.constant 11 : i32
      %get3A_403 = arith.index_cast %get3A_402 : i32 to index
      %get3A_404 = arith.index_cast %add3A_343 : i32 to index
      %get3A_405 = tpu.vector_load %arg10[%get3A_403, %get3A_404] {strides = array<i32>} : memref<32x1024xf32, #tpu.memory_space<vmem>>, vector<1x16xf32>,
      %get3A_406 = vector.shape_cast %get3A_405 : vector<1x16xf32> to vector<16xf32>
      %add3A_407 = arith.addf %get3A_363, %get3A_406 : vector<16xf32>
      %get3A_408 = arith.constant 12 : i32
      %get3A_409 = arith.index_cast %get3A_408 : i32 to index
      %get3A_410 = arith.index_cast %add3A_343 : i32 to index
      %get3A_411 = tpu.vector_load %arg10[%get3A_409, %get3A_410] {strides = array<i32>} : memref<32x1024xf32, #tpu.memory_space<vmem>>, vector<1x16xf32>,
      %get3A_412 = vector.shape_cast %get3A_411 : vector<1x16xf32> to vector<16xf32>
      %add3A_413 = arith.addf %get3A_368, %get3A_412 : vector<16xf32>
      %get3A_414 = arith.constant 13 : i32
      %get3A_415 = arith.index_cast %get3A_414 : i32 to index
      %get3A_416 = arith.index_cast %add3A_343 : i32 to index
      %get3A_417 = tpu.vector_load %arg10[%get3A_415, %get3A_416] {strides = array<i32>} : memref<32x1024xf32, #tpu.memory_space<vmem>>, vector<1x16xf32>,
      %get3A_418 = vector.shape_cast %get3A_417 : vector<1x16xf32> to vector<16xf32>
      %add3A_419 = arith.addf %get3A_373, %get3A_418 : vector<16xf32>
      %get3A_420 = arith.constant 14 : i32
      %get3A_421 = arith.index_cast %get3A_420 : i32 to index
      %get3A_422 = arith.index_cast %add3A_343 : i32 to index
      %get3A_423 = tpu.vector_load %arg10[%get3A_421, %get3A_422] {strides = array<i32>} : memref<32x1024xf32, #tpu.memory_space<vmem>>, vector<1x16xf32>,
      %get3A_424 = vector.shape_cast %get3A_423 : vector<1x16xf32> to vector<16xf32>
      %add3A_425 = arith.addf %get3A_378, %get3A_424 : vector<16xf32>
      %get3A_426 = arith.constant 15 : i32
      %get3A_427 = arith.index_cast %get3A_426 : i32 to index
      %get3A_428 = arith.index_cast %add3A_343 : i32 to index
      %get3A_429 = tpu.vector_load %arg10[%get3A_427, %get3A_428] {strides = array<i32>} : memref<32x1024xf32, #tpu.memory_space<vmem>>, vector<1x16xf32>,
      %get3A_430 = vector.shape_cast %get3A_429 : vector<1x16xf32> to vector<16xf32>
      %add3A_431 = arith.addf %get3A_383, %get3A_430 : vector<16xf32>
      %get3A_432 = arith.constant 16 : i32
      %get3A_433 = arith.index_cast %get3A_432 : i32 to index
      %get3A_434 = arith.index_cast %add3A_343 : i32 to index
      %get3A_435 = tpu.vector_load %arg10[%get3A_433, %get3A_434] {strides = array<i32>} : memref<32x1024xf32, #tpu.memory_space<vmem>>, vector<1x16xf32>,
      %get3A_436 = vector.shape_cast %get3A_435 : vector<1x16xf32> to vector<16xf32>
      %add3A_437 = arith.addf %add3A_389, %get3A_436 : vector<16xf32>
      %get3A_438 = arith.constant 17 : i32
      %get3A_439 = arith.index_cast %get3A_438 : i32 to index
      %get3A_440 = arith.index_cast %add3A_343 : i32 to index
      %get3A_441 = tpu.vector_load %arg10[%get3A_439, %get3A_440] {strides = array<i32>} : memref<32x1024xf32, #tpu.memory_space<vmem>>, vector<1x16xf32>,
      %get3A_442 = vector.shape_cast %get3A_441 : vector<1x16xf32> to vector<16xf32>
      %add3A_443 = arith.addf %add3A_395, %get3A_442 : vector<16xf32>
      %get3A_444 = arith.constant 18 : i32
      %get3A_445 = arith.index_cast %get3A_444 : i32 to index
      %get3A_446 = arith.index_cast %add3A_343 : i32 to index
      %get3A_447 = tpu.vector_load %arg10[%get3A_445, %get3A_446] {strides = array<i32>} : memref<32x1024xf32, #tpu.memory_space<vmem>>, vector<1x16xf32>,
      %get3A_448 = vector.shape_cast %get3A_447 : vector<1x16xf32> to vector<16xf32>
      %add3A_449 = arith.addf %add3A_401, %get3A_448 : vector<16xf32>
      %get3A_450 = arith.constant 19 : i32
      %get3A_451 = arith.index_cast %get3A_450 : i32 to index
      %get3A_452 = arith.index_cast %add3A_343 : i32 to index
      %get3A_453 = tpu.vector_load %arg10[%get3A_451, %get3A_452] {strides = array<i32>} : memref<32x1024xf32, #tpu.memory_space<vmem>>, vector<1x16xf32>,
      %get3A_454 = vector.shape_cast %get3A_453 : vector<1x16xf32> to vector<16xf32>
      %add3A_455 = arith.addf %add3A_407, %get3A_454 : vector<16xf32>
      %get3A_456 = arith.constant 20 : i32
      %get3A_457 = arith.index_cast %get3A_456 : i32 to index
      %get3A_458 = arith.index_cast %add3A_343 : i32 to index
      %get3A_459 = tpu.vector_load %arg10[%get3A_457, %get3A_458] {strides = array<i32>} : memref<32x1024xf32, #tpu.memory_space<vmem>>, vector<1x16xf32>,
      %get3A_460 = vector.shape_cast %get3A_459 : vector<1x16xf32> to vector<16xf32>
      %add3A_461 = arith.addf %add3A_413, %get3A_460 : vector<16xf32>
      %get3A_462 = arith.constant 21 : i32
      %get3A_463 = arith.index_cast %get3A_462 : i32 to index
      %get3A_464 = arith.index_cast %add3A_343 : i32 to index
      %get3A_465 = tpu.vector_load %arg10[%get3A_463, %get3A_464] {strides = array<i32>} : memref<32x1024xf32, #tpu.memory_space<vmem>>, vector<1x16xf32>,
      %get3A_466 = vector.shape_cast %get3A_465 : vector<1x16xf32> to vector<16xf32>
      %add3A_467 = arith.addf %add3A_419, %get3A_466 : vector<16xf32>
      %get3A_468 = arith.constant 22 : i32
      %get3A_469 = arith.index_cast %get3A_468 : i32 to index
      %get3A_470 = arith.index_cast %add3A_343 : i32 to index
      %get3A_471 = tpu.vector_load %arg10[%get3A_469, %get3A_470] {strides = array<i32>} : memref<32x1024xf32, #tpu.memory_space<vmem>>, vector<1x16xf32>,
      %get3A_472 = vector.shape_cast %get3A_471 : vector<1x16xf32> to vector<16xf32>
      %add3A_473 = arith.addf %add3A_425, %get3A_472 : vector<16xf32>
      %get3A_474 = arith.constant 23 : i32
      %get3A_475 = arith.index_cast %get3A_474 : i32 to index
      %get3A_476 = arith.index_cast %add3A_343 : i32 to index
      %get3A_477 = tpu.vector_load %arg10[%get3A_475, %get3A_476] {strides = array<i32>} : memref<32x1024xf32, #tpu.memory_space<vmem>>, vector<1x16xf32>,
      %get3A_478 = vector.shape_cast %get3A_477 : vector<1x16xf32> to vector<16xf32>
      %add3A_479 = arith.addf %add3A_431, %get3A_478 : vector<16xf32>
      %get3A_480 = arith.constant 24 : i32
      %get3A_481 = arith.index_cast %get3A_480 : i32 to index
      %get3A_482 = arith.index_cast %add3A_343 : i32 to index
      %get3A_483 = tpu.vector_load %arg10[%get3A_481, %get3A_482] {strides = array<i32>} : memref<32x1024xf32, #tpu.memory_space<vmem>>, vector<1x16xf32>,
      %get3A_484 = vector.shape_cast %get3A_483 : vector<1x16xf32> to vector<16xf32>
      %add3A_485 = arith.addf %add3A_437, %get3A_484 : vector<16xf32>
      %get3A_486 = arith.constant 25 : i32
      %get3A_487 = arith.index_cast %get3A_486 : i32 to index
      %get3A_488 = arith.index_cast %add3A_343 : i32 to index
      %get3A_489 = tpu.vector_load %arg10[%get3A_487, %get3A_488] {strides = array<i32>} : memref<32x1024xf32, #tpu.memory_space<vmem>>, vector<1x16xf32>,
      %get3A_490 = vector.shape_cast %get3A_489 : vector<1x16xf32> to vector<16xf32>
      %add3A_491 = arith.addf %add3A_443, %get3A_490 : vector<16xf32>
      %get3A_492 = arith.constant 26 : i32
      %get3A_493 = arith.index_cast %get3A_492 : i32 to index
      %get3A_494 = arith.index_cast %add3A_343 : i32 to index
      %get3A_495 = tpu.vector_load %arg10[%get3A_493, %get3A_494] {strides = array<i32>} : memref<32x1024xf32, #tpu.memory_space<vmem>>, vector<1x16xf32>,
      %get3A_496 = vector.shape_cast %get3A_495 : vector<1x16xf32> to vector<16xf32>
      %add3A_497 = arith.addf %add3A_449, %get3A_496 : vector<16xf32>
      %get3A_498 = arith.constant 27 : i32
      %get3A_499 = arith.index_cast %get3A_498 : i32 to index
      %get3A_500 = arith.index_cast %add3A_343 : i32 to index
      %get3A_501 = tpu.vector_load %arg10[%get3A_499, %get3A_500] {strides = array<i32>} : memref<32x1024xf32, #tpu.memory_space<vmem>>, vector<1x16xf32>,
      %get3A_502 = vector.shape_cast %get3A_501 : vector<1x16xf32> to vector<16xf32>
      %add3A_503 = arith.addf %add3A_455, %get3A_502 : vector<16xf32>
      %get3A_504 = arith.constant 28 : i32
      %get3A_505 = arith.index_cast %get3A_504 : i32 to index
      %get3A_506 = arith.index_cast %add3A_343 : i32 to index
      %get3A_507 = tpu.vector_load %arg10[%get3A_505, %get3A_506] {strides = array<i32>} : memref<32x1024xf32, #tpu.memory_space<vmem>>, vector<1x16xf32>,
      %get3A_508 = vector.shape_cast %get3A_507 : vector<1x16xf32> to vector<16xf32>
      %add3A_509 = arith.addf %add3A_461, %get3A_508 : vector<16xf32>
      %get3A_510 = arith.constant 29 : i32
      %get3A_511 = arith.index_cast %get3A_510 : i32 to index
      %get3A_512 = arith.index_cast %add3A_343 : i32 to index
      %get3A_513 = tpu.vector_load %arg10[%get3A_511, %get3A_512] {strides = array<i32>} : memref<32x1024xf32, #tpu.memory_space<vmem>>, vector<1x16xf32>,
      %get3A_514 = vector.shape_cast %get3A_513 : vector<1x16xf32> to vector<16xf32>
      %add3A_515 = arith.addf %add3A_467, %get3A_514 : vector<16xf32>
      %get3A_516 = arith.constant 30 : i32
      %get3A_517 = arith.index_cast %get3A_516 : i32 to index
      %get3A_518 = arith.index_cast %add3A_343 : i32 to index
      %get3A_519 = tpu.vector_load %arg10[%get3A_517, %get3A_518] {strides = array<i32>} : memref<32x1024xf32, #tpu.memory_space<vmem>>, vector<1x16xf32>,
      %get3A_520 = vector.shape_cast %get3A_519 : vector<1x16xf32> to vector<16xf32>
      %add3A_521 = arith.addf %add3A_473, %get3A_520 : vector<16xf32>
      %get3A_522 = arith.constant 31 : i32
      %get3A_523 = arith.index_cast %get3A_522 : i32 to index
      %get3A_524 = arith.index_cast %add3A_343 : i32 to index
      %get3A_525 = tpu.vector_load %arg10[%get3A_523, %get3A_524] {strides = array<i32>} : memref<32x1024xf32, #tpu.memory_space<vmem>>, vector<1x16xf32>,
      %get3A_526 = vector.shape_cast %get3A_525 : vector<1x16xf32> to vector<16xf32>
      %add3A_527 = arith.addf %add3A_479, %get3A_526 : vector<16xf32>
      %add3A_528 = arith.addf %add3A_485, %add3A_491 : vector<16xf32>
      %add3A_529 = arith.addf %add3A_497, %add3A_503 : vector<16xf32>
      %add3A_530 = arith.addf %add3A_528, %add3A_529 : vector<16xf32>
      %add3A_531 = arith.addf %add3A_509, %add3A_515 : vector<16xf32>
      %add3A_532 = arith.addf %add3A_521, %add3A_527 : vector<16xf32>
      %add3A_533 = arith.addf %add3A_531, %add3A_532 : vector<16xf32>
      %add3A_534 = arith.addf %add3A_530, %add3A_533 : vector<16xf32>
      %get3A_535 = arith.index_cast %add3A_343 : i32 to index
      %get3A_536 = tpu.vector_load %arg12[%get3A_535] {strides = array<i32>} : memref<1024xf32, #tpu.memory_space<vmem>>, vector<16xf32>,
      %get3A_537 = vector.shape_cast %get3A_536 : vector<16xf32> to vector<16xf32>
      %add3A_538 = arith.addf %get3A_537, %add3A_534 : vector<16xf32>
      %swap3A_539 = arith.index_cast %add3A_343 : i32 to index
      %swap3A_540 = tpu.vector_load %arg12[%swap3A_539] {strides = array<i32>} : memref<1024xf32, #tpu.memory_space<vmem>>, vector<16xf32>,
      %swap3A_541 = vector.shape_cast %swap3A_540 : vector<16xf32> to vector<16xf32>
      %swap3A_542 = vector.shape_cast %add3A_538 : vector<16xf32> to vector<16xf32>
      tpu.vector_store %arg12[%swap3A_539], %swap3A_542 {strides = array<i32>} : memref<1024xf32, #tpu.memory_space<vmem>>, vector<16xf32>,
    }
    %scan3A_94 = arith.constant 32 : i32
    %dma_wait3A_95 = arith.constant 160 : i32
    %dma_wait3A_96 = tpu.memref_slice %arg8[%dma_wait3A_95] : memref<256xi32, #tpu.memory_space<vmem>> -> memref<32xi32, #tpu.memory_space<vmem>>
    %dma_wait3A_97 = arith.constant 0 : i32
    %dma_wait3A_98 = arith.constant 0 : i32
    %dma_wait3A_99 = tpu.memref_slice %arg4[%dma_wait3A_97, %dma_wait3A_98] : memref<32128x1024xf32, #tpu.memory_space<hbm>> -> memref<32128x1024xf32, #tpu.memory_space<hbm>>
    tpu.wait_indirect_dma semaphore(%arg17 : memref<!tpu.dma_semaphore, #tpu.memory_space<semaphore_mem>>) src(%dma_wait3A_99 : memref<32128x1024xf32, #tpu.memory_space<hbm>>) dst(%arg11 : memref<32x1024xf32, #tpu.memory_space<vmem>>)
    %dma_start3A_100 = arith.constant 224 : i32
    %dma_start3A_101 = tpu.memref_slice %arg8[%dma_start3A_100] : memref<256xi32, #tpu.memory_space<vmem>> -> memref<32xi32, #tpu.memory_space<vmem>>
    %dma_start3A_102 = arith.constant 0 : i32
    %dma_start3A_103 = arith.constant 0 : i32
    %dma_start3A_104 = tpu.memref_slice %arg4[%dma_start3A_102, %dma_start3A_103] : memref<32128x1024xf32, #tpu.memory_space<hbm>> -> memref<32128x1024xf32, #tpu.memory_space<hbm>>
    tpu.enqueue_indirect_dma source(%dma_start3A_104 : memref<32128x1024xf32, #tpu.memory_space<hbm>>) target(%arg10 : memref<32x1024xf32, #tpu.memory_space<vmem>>) offsets(%dma_start3A_101 : memref<32xi32, #tpu.memory_space<vmem>>) semaphore(%arg16 : memref<!tpu.dma_semaphore, #tpu.memory_space<semaphore_mem>>)
    %scan3A_105 = arith.constant 0 : i32
    %scan3A_106 = arith.constant 0 : i32
    %scan3A_107 = arith.constant 32 : i32
    %scan3A_108 = arith.addi %scan3A_106, %scan3A_107 : i32
    %scan3A_109 = arith.constant 1 : i32
    scf.for %scan3A_138 = %scan3A_106 to %scan3A_108 step %scan3A_109  : i32 {
      %mul3A_139 = arith.constant 32 : i32
      %mul3A_140 = arith.muli %scan3A_138, %mul3A_139 : i32
      %add3A_141 = arith.constant 0 : i32
      %add3A_142 = arith.addi %mul3A_140, %add3A_141 : i32
      %get3A = arith.constant 0 : i32
      %get3A_143 = arith.index_cast %get3A : i32 to index
      %get3A_144 = arith.index_cast %add3A_142 : i32 to index
      %get3A_145 = tpu.vector_load %arg11[%get3A_143, %get3A_144] {strides = array<i32>} : memref<32x1024xf32, #tpu.memory_space<vmem>>, vector<1x16xf32>,
      %get3A_146 = vector.shape_cast %get3A_145 : vector<1x16xf32> to vector<16xf32>
      %get3A_147 = arith.constant 1 : i32
      %get3A_148 = arith.index_cast %get3A_147 : i32 to index
      %get3A_149 = arith.index_cast %add3A_142 : i32 to index
      %get3A_150 = tpu.vector_load %arg11[%get3A_148, %get3A_149] {strides = array<i32>} : memref<32x1024xf32, #tpu.memory_space<vmem>>, vector<1x16xf32>,
      %get3A_151 = vector.shape_cast %get3A_150 : vector<1x16xf32> to vector<16xf32>
      %get3A_152 = arith.constant 2 : i32
      %get3A_153 = arith.index_cast %get3A_152 : i32 to index
      %get3A_154 = arith.index_cast %add3A_142 : i32 to index
      %get3A_155 = tpu.vector_load %arg11[%get3A_153, %get3A_154] {strides = array<i32>} : memref<32x1024xf32, #tpu.memory_space<vmem>>, vector<1x16xf32>,
      %get3A_156 = vector.shape_cast %get3A_155 : vector<1x16xf32> to vector<16xf32>
      %get3A_157 = arith.constant 3 : i32
      %get3A_158 = arith.index_cast %get3A_157 : i32 to index
      %get3A_159 = arith.index_cast %add3A_142 : i32 to index
      %get3A_160 = tpu.vector_load %arg11[%get3A_158, %get3A_159] {strides = array<i32>} : memref<32x1024xf32, #tpu.memory_space<vmem>>, vector<1x16xf32>,
      %get3A_161 = vector.shape_cast %get3A_160 : vector<1x16xf32> to vector<16xf32>
      %get3A_162 = arith.constant 4 : i32
      %get3A_163 = arith.index_cast %get3A_162 : i32 to index
      %get3A_164 = arith.index_cast %add3A_142 : i32 to index
      %get3A_165 = tpu.vector_load %arg11[%get3A_163, %get3A_164] {strides = array<i32>} : memref<32x1024xf32, #tpu.memory_space<vmem>>, vector<1x16xf32>,
      %get3A_166 = vector.shape_cast %get3A_165 : vector<1x16xf32> to vector<16xf32>
      %get3A_167 = arith.constant 5 : i32
      %get3A_168 = arith.index_cast %get3A_167 : i32 to index
      %get3A_169 = arith.index_cast %add3A_142 : i32 to index
      %get3A_170 = tpu.vector_load %arg11[%get3A_168, %get3A_169] {strides = array<i32>} : memref<32x1024xf32, #tpu.memory_space<vmem>>, vector<1x16xf32>,
      %get3A_171 = vector.shape_cast %get3A_170 : vector<1x16xf32> to vector<16xf32>
      %get3A_172 = arith.constant 6 : i32
      %get3A_173 = arith.index_cast %get3A_172 : i32 to index
      %get3A_174 = arith.index_cast %add3A_142 : i32 to index
      %get3A_175 = tpu.vector_load %arg11[%get3A_173, %get3A_174] {strides = array<i32>} : memref<32x1024xf32, #tpu.memory_space<vmem>>, vector<1x16xf32>,
      %get3A_176 = vector.shape_cast %get3A_175 : vector<1x16xf32> to vector<16xf32>
      %get3A_177 = arith.constant 7 : i32
      %get3A_178 = arith.index_cast %get3A_177 : i32 to index
      %get3A_179 = arith.index_cast %add3A_142 : i32 to index
      %get3A_180 = tpu.vector_load %arg11[%get3A_178, %get3A_179] {strides = array<i32>} : memref<32x1024xf32, #tpu.memory_space<vmem>>, vector<1x16xf32>,
      %get3A_181 = vector.shape_cast %get3A_180 : vector<1x16xf32> to vector<16xf32>
      %get3A_182 = arith.constant 8 : i32
      %get3A_183 = arith.index_cast %get3A_182 : i32 to index
      %get3A_184 = arith.index_cast %add3A_142 : i32 to index
      %get3A_185 = tpu.vector_load %arg11[%get3A_183, %get3A_184] {strides = array<i32>} : memref<32x1024xf32, #tpu.memory_space<vmem>>, vector<1x16xf32>,
      %get3A_186 = vector.shape_cast %get3A_185 : vector<1x16xf32> to vector<16xf32>
      %add3A_187 = arith.addf %get3A_146, %get3A_186 : vector<16xf32>
      %get3A_188 = arith.constant 9 : i32
      %get3A_189 = arith.index_cast %get3A_188 : i32 to index
      %get3A_190 = arith.index_cast %add3A_142 : i32 to index
      %get3A_191 = tpu.vector_load %arg11[%get3A_189, %get3A_190] {strides = array<i32>} : memref<32x1024xf32, #tpu.memory_space<vmem>>, vector<1x16xf32>,
      %get3A_192 = vector.shape_cast %get3A_191 : vector<1x16xf32> to vector<16xf32>
      %add3A_193 = arith.addf %get3A_151, %get3A_192 : vector<16xf32>
      %get3A_194 = arith.constant 10 : i32
      %get3A_195 = arith.index_cast %get3A_194 : i32 to index
      %get3A_196 = arith.index_cast %add3A_142 : i32 to index
      %get3A_197 = tpu.vector_load %arg11[%get3A_195, %get3A_196] {strides = array<i32>} : memref<32x1024xf32, #tpu.memory_space<vmem>>, vector<1x16xf32>,
      %get3A_198 = vector.shape_cast %get3A_197 : vector<1x16xf32> to vector<16xf32>
      %add3A_199 = arith.addf %get3A_156, %get3A_198 : vector<16xf32>
      %get3A_200 = arith.constant 11 : i32
      %get3A_201 = arith.index_cast %get3A_200 : i32 to index
      %get3A_202 = arith.index_cast %add3A_142 : i32 to index
      %get3A_203 = tpu.vector_load %arg11[%get3A_201, %get3A_202] {strides = array<i32>} : memref<32x1024xf32, #tpu.memory_space<vmem>>, vector<1x16xf32>,
      %get3A_204 = vector.shape_cast %get3A_203 : vector<1x16xf32> to vector<16xf32>
      %add3A_205 = arith.addf %get3A_161, %get3A_204 : vector<16xf32>
      %get3A_206 = arith.constant 12 : i32
      %get3A_207 = arith.index_cast %get3A_206 : i32 to index
      %get3A_208 = arith.index_cast %add3A_142 : i32 to index
      %get3A_209 = tpu.vector_load %arg11[%get3A_207, %get3A_208] {strides = array<i32>} : memref<32x1024xf32, #tpu.memory_space<vmem>>, vector<1x16xf32>,
      %get3A_210 = vector.shape_cast %get3A_209 : vector<1x16xf32> to vector<16xf32>
      %add3A_211 = arith.addf %get3A_166, %get3A_210 : vector<16xf32>
      %get3A_212 = arith.constant 13 : i32
      %get3A_213 = arith.index_cast %get3A_212 : i32 to index
      %get3A_214 = arith.index_cast %add3A_142 : i32 to index
      %get3A_215 = tpu.vector_load %arg11[%get3A_213, %get3A_214] {strides = array<i32>} : memref<32x1024xf32, #tpu.memory_space<vmem>>, vector<1x16xf32>,
      %get3A_216 = vector.shape_cast %get3A_215 : vector<1x16xf32> to vector<16xf32>
      %add3A_217 = arith.addf %get3A_171, %get3A_216 : vector<16xf32>
      %get3A_218 = arith.constant 14 : i32
      %get3A_219 = arith.index_cast %get3A_218 : i32 to index
      %get3A_220 = arith.index_cast %add3A_142 : i32 to index
      %get3A_221 = tpu.vector_load %arg11[%get3A_219, %get3A_220] {strides = array<i32>} : memref<32x1024xf32, #tpu.memory_space<vmem>>, vector<1x16xf32>,
      %get3A_222 = vector.shape_cast %get3A_221 : vector<1x16xf32> to vector<16xf32>
      %add3A_223 = arith.addf %get3A_176, %get3A_222 : vector<16xf32>
      %get3A_224 = arith.constant 15 : i32
      %get3A_225 = arith.index_cast %get3A_224 : i32 to index
      %get3A_226 = arith.index_cast %add3A_142 : i32 to index
      %get3A_227 = tpu.vector_load %arg11[%get3A_225, %get3A_226] {strides = array<i32>} : memref<32x1024xf32, #tpu.memory_space<vmem>>, vector<1x16xf32>,
      %get3A_228 = vector.shape_cast %get3A_227 : vector<1x16xf32> to vector<16xf32>
      %add3A_229 = arith.addf %get3A_181, %get3A_228 : vector<16xf32>
      %get3A_230 = arith.constant 16 : i32
      %get3A_231 = arith.index_cast %get3A_230 : i32 to index
      %get3A_232 = arith.index_cast %add3A_142 : i32 to index
      %get3A_233 = tpu.vector_load %arg11[%get3A_231, %get3A_232] {strides = array<i32>} : memref<32x1024xf32, #tpu.memory_space<vmem>>, vector<1x16xf32>,
      %get3A_234 = vector.shape_cast %get3A_233 : vector<1x16xf32> to vector<16xf32>
      %add3A_235 = arith.addf %add3A_187, %get3A_234 : vector<16xf32>
      %get3A_236 = arith.constant 17 : i32
      %get3A_237 = arith.index_cast %get3A_236 : i32 to index
      %get3A_238 = arith.index_cast %add3A_142 : i32 to index
      %get3A_239 = tpu.vector_load %arg11[%get3A_237, %get3A_238] {strides = array<i32>} : memref<32x1024xf32, #tpu.memory_space<vmem>>, vector<1x16xf32>,
      %get3A_240 = vector.shape_cast %get3A_239 : vector<1x16xf32> to vector<16xf32>
      %add3A_241 = arith.addf %add3A_193, %get3A_240 : vector<16xf32>
      %get3A_242 = arith.constant 18 : i32
      %get3A_243 = arith.index_cast %get3A_242 : i32 to index
      %get3A_244 = arith.index_cast %add3A_142 : i32 to index
      %get3A_245 = tpu.vector_load %arg11[%get3A_243, %get3A_244] {strides = array<i32>} : memref<32x1024xf32, #tpu.memory_space<vmem>>, vector<1x16xf32>,
      %get3A_246 = vector.shape_cast %get3A_245 : vector<1x16xf32> to vector<16xf32>
      %add3A_247 = arith.addf %add3A_199, %get3A_246 : vector<16xf32>
      %get3A_248 = arith.constant 19 : i32
      %get3A_249 = arith.index_cast %get3A_248 : i32 to index
      %get3A_250 = arith.index_cast %add3A_142 : i32 to index
      %get3A_251 = tpu.vector_load %arg11[%get3A_249, %get3A_250] {strides = array<i32>} : memref<32x1024xf32, #tpu.memory_space<vmem>>, vector<1x16xf32>,
      %get3A_252 = vector.shape_cast %get3A_251 : vector<1x16xf32> to vector<16xf32>
      %add3A_253 = arith.addf %add3A_205, %get3A_252 : vector<16xf32>
      %get3A_254 = arith.constant 20 : i32
      %get3A_255 = arith.index_cast %get3A_254 : i32 to index
      %get3A_256 = arith.index_cast %add3A_142 : i32 to index
      %get3A_257 = tpu.vector_load %arg11[%get3A_255, %get3A_256] {strides = array<i32>} : memref<32x1024xf32, #tpu.memory_space<vmem>>, vector<1x16xf32>,
      %get3A_258 = vector.shape_cast %get3A_257 : vector<1x16xf32> to vector<16xf32>
      %add3A_259 = arith.addf %add3A_211, %get3A_258 : vector<16xf32>
      %get3A_260 = arith.constant 21 : i32
      %get3A_261 = arith.index_cast %get3A_260 : i32 to index
      %get3A_262 = arith.index_cast %add3A_142 : i32 to index
      %get3A_263 = tpu.vector_load %arg11[%get3A_261, %get3A_262] {strides = array<i32>} : memref<32x1024xf32, #tpu.memory_space<vmem>>, vector<1x16xf32>,
      %get3A_264 = vector.shape_cast %get3A_263 : vector<1x16xf32> to vector<16xf32>
      %add3A_265 = arith.addf %add3A_217, %get3A_264 : vector<16xf32>
      %get3A_266 = arith.constant 22 : i32
      %get3A_267 = arith.index_cast %get3A_266 : i32 to index
      %get3A_268 = arith.index_cast %add3A_142 : i32 to index
      %get3A_269 = tpu.vector_load %arg11[%get3A_267, %get3A_268] {strides = array<i32>} : memref<32x1024xf32, #tpu.memory_space<vmem>>, vector<1x16xf32>,
      %get3A_270 = vector.shape_cast %get3A_269 : vector<1x16xf32> to vector<16xf32>
      %add3A_271 = arith.addf %add3A_223, %get3A_270 : vector<16xf32>
      %get3A_272 = arith.constant 23 : i32
      %get3A_273 = arith.index_cast %get3A_272 : i32 to index
      %get3A_274 = arith.index_cast %add3A_142 : i32 to index
      %get3A_275 = tpu.vector_load %arg11[%get3A_273, %get3A_274] {strides = array<i32>} : memref<32x1024xf32, #tpu.memory_space<vmem>>, vector<1x16xf32>,
      %get3A_276 = vector.shape_cast %get3A_275 : vector<1x16xf32> to vector<16xf32>
      %add3A_277 = arith.addf %add3A_229, %get3A_276 : vector<16xf32>
      %get3A_278 = arith.constant 24 : i32
      %get3A_279 = arith.index_cast %get3A_278 : i32 to index
      %get3A_280 = arith.index_cast %add3A_142 : i32 to index
      %get3A_281 = tpu.vector_load %arg11[%get3A_279, %get3A_280] {strides = array<i32>} : memref<32x1024xf32, #tpu.memory_space<vmem>>, vector<1x16xf32>,
      %get3A_282 = vector.shape_cast %get3A_281 : vector<1x16xf32> to vector<16xf32>
      %add3A_283 = arith.addf %add3A_235, %get3A_282 : vector<16xf32>
      %get3A_284 = arith.constant 25 : i32
      %get3A_285 = arith.index_cast %get3A_284 : i32 to index
      %get3A_286 = arith.index_cast %add3A_142 : i32 to index
      %get3A_287 = tpu.vector_load %arg11[%get3A_285, %get3A_286] {strides = array<i32>} : memref<32x1024xf32, #tpu.memory_space<vmem>>, vector<1x16xf32>,
      %get3A_288 = vector.shape_cast %get3A_287 : vector<1x16xf32> to vector<16xf32>
      %add3A_289 = arith.addf %add3A_241, %get3A_288 : vector<16xf32>
      %get3A_290 = arith.constant 26 : i32
      %get3A_291 = arith.index_cast %get3A_290 : i32 to index
      %get3A_292 = arith.index_cast %add3A_142 : i32 to index
      %get3A_293 = tpu.vector_load %arg11[%get3A_291, %get3A_292] {strides = array<i32>} : memref<32x1024xf32, #tpu.memory_space<vmem>>, vector<1x16xf32>,
      %get3A_294 = vector.shape_cast %get3A_293 : vector<1x16xf32> to vector<16xf32>
      %add3A_295 = arith.addf %add3A_247, %get3A_294 : vector<16xf32>
      %get3A_296 = arith.constant 27 : i32
      %get3A_297 = arith.index_cast %get3A_296 : i32 to index
      %get3A_298 = arith.index_cast %add3A_142 : i32 to index
      %get3A_299 = tpu.vector_load %arg11[%get3A_297, %get3A_298] {strides = array<i32>} : memref<32x1024xf32, #tpu.memory_space<vmem>>, vector<1x16xf32>,
      %get3A_300 = vector.shape_cast %get3A_299 : vector<1x16xf32> to vector<16xf32>
      %add3A_301 = arith.addf %add3A_253, %get3A_300 : vector<16xf32>
      %get3A_302 = arith.constant 28 : i32
      %get3A_303 = arith.index_cast %get3A_302 : i32 to index
      %get3A_304 = arith.index_cast %add3A_142 : i32 to index
      %get3A_305 = tpu.vector_load %arg11[%get3A_303, %get3A_304] {strides = array<i32>} : memref<32x1024xf32, #tpu.memory_space<vmem>>, vector<1x16xf32>,
      %get3A_306 = vector.shape_cast %get3A_305 : vector<1x16xf32> to vector<16xf32>
      %add3A_307 = arith.addf %add3A_259, %get3A_306 : vector<16xf32>
      %get3A_308 = arith.constant 29 : i32
      %get3A_309 = arith.index_cast %get3A_308 : i32 to index
      %get3A_310 = arith.index_cast %add3A_142 : i32 to index
      %get3A_311 = tpu.vector_load %arg11[%get3A_309, %get3A_310] {strides = array<i32>} : memref<32x1024xf32, #tpu.memory_space<vmem>>, vector<1x16xf32>,
      %get3A_312 = vector.shape_cast %get3A_311 : vector<1x16xf32> to vector<16xf32>
      %add3A_313 = arith.addf %add3A_265, %get3A_312 : vector<16xf32>
      %get3A_314 = arith.constant 30 : i32
      %get3A_315 = arith.index_cast %get3A_314 : i32 to index
      %get3A_316 = arith.index_cast %add3A_142 : i32 to index
      %get3A_317 = tpu.vector_load %arg11[%get3A_315, %get3A_316] {strides = array<i32>} : memref<32x1024xf32, #tpu.memory_space<vmem>>, vector<1x16xf32>,
      %get3A_318 = vector.shape_cast %get3A_317 : vector<1x16xf32> to vector<16xf32>
      %add3A_319 = arith.addf %add3A_271, %get3A_318 : vector<16xf32>
      %get3A_320 = arith.constant 31 : i32
      %get3A_321 = arith.index_cast %get3A_320 : i32 to index
      %get3A_322 = arith.index_cast %add3A_142 : i32 to index
      %get3A_323 = tpu.vector_load %arg11[%get3A_321, %get3A_322] {strides = array<i32>} : memref<32x1024xf32, #tpu.memory_space<vmem>>, vector<1x16xf32>,
      %get3A_324 = vector.shape_cast %get3A_323 : vector<1x16xf32> to vector<16xf32>
      %add3A_325 = arith.addf %add3A_277, %get3A_324 : vector<16xf32>
      %add3A_326 = arith.addf %add3A_283, %add3A_289 : vector<16xf32>
      %add3A_327 = arith.addf %add3A_295, %add3A_301 : vector<16xf32>
      %add3A_328 = arith.addf %add3A_326, %add3A_327 : vector<16xf32>
      %add3A_329 = arith.addf %add3A_307, %add3A_313 : vector<16xf32>
      %add3A_330 = arith.addf %add3A_319, %add3A_325 : vector<16xf32>
      %add3A_331 = arith.addf %add3A_329, %add3A_330 : vector<16xf32>
      %add3A_332 = arith.addf %add3A_328, %add3A_331 : vector<16xf32>
      %get3A_333 = arith.index_cast %add3A_142 : i32 to index
      %get3A_334 = tpu.vector_load %arg12[%get3A_333] {strides = array<i32>} : memref<1024xf32, #tpu.memory_space<vmem>>, vector<16xf32>,
      %get3A_335 = vector.shape_cast %get3A_334 : vector<16xf32> to vector<16xf32>
      %add3A_336 = arith.addf %get3A_335, %add3A_332 : vector<16xf32>
      %swap3A = arith.index_cast %add3A_142 : i32 to index
      %swap3A_337 = tpu.vector_load %arg12[%swap3A] {strides = array<i32>} : memref<1024xf32, #tpu.memory_space<vmem>>, vector<16xf32>,
      %swap3A_338 = vector.shape_cast %swap3A_337 : vector<16xf32> to vector<16xf32>
      %swap3A_339 = vector.shape_cast %add3A_336 : vector<16xf32> to vector<16xf32>
      tpu.vector_store %arg12[%swap3A], %swap3A_339 {strides = array<i32>} : memref<1024xf32, #tpu.memory_space<vmem>>, vector<16xf32>,
      %mul3A_340 = arith.constant 32 : i32
      %mul3A_341 = arith.muli %scan3A_138, %mul3A_340 : i32
      %add3A_342 = arith.constant 16 : i32
      %add3A_343 = arith.addi %mul3A_341, %add3A_342 : i32
      %get3A_344 = arith.constant 0 : i32
      %get3A_345 = arith.index_cast %get3A_344 : i32 to index
      %get3A_346 = arith.index_cast %add3A_343 : i32 to index
      %get3A_347 = tpu.vector_load %arg11[%get3A_345, %get3A_346] {strides = array<i32>} : memref<32x1024xf32, #tpu.memory_space<vmem>>, vector<1x16xf32>,
      %get3A_348 = vector.shape_cast %get3A_347 : vector<1x16xf32> to vector<16xf32>
      %get3A_349 = arith.constant 1 : i32
      %get3A_350 = arith.index_cast %get3A_349 : i32 to index
      %get3A_351 = arith.index_cast %add3A_343 : i32 to index
      %get3A_352 = tpu.vector_load %arg11[%get3A_350, %get3A_351] {strides = array<i32>} : memref<32x1024xf32, #tpu.memory_space<vmem>>, vector<1x16xf32>,
      %get3A_353 = vector.shape_cast %get3A_352 : vector<1x16xf32> to vector<16xf32>
      %get3A_354 = arith.constant 2 : i32
      %get3A_355 = arith.index_cast %get3A_354 : i32 to index
      %get3A_356 = arith.index_cast %add3A_343 : i32 to index
      %get3A_357 = tpu.vector_load %arg11[%get3A_355, %get3A_356] {strides = array<i32>} : memref<32x1024xf32, #tpu.memory_space<vmem>>, vector<1x16xf32>,
      %get3A_358 = vector.shape_cast %get3A_357 : vector<1x16xf32> to vector<16xf32>
      %get3A_359 = arith.constant 3 : i32
      %get3A_360 = arith.index_cast %get3A_359 : i32 to index
      %get3A_361 = arith.index_cast %add3A_343 : i32 to index
      %get3A_362 = tpu.vector_load %arg11[%get3A_360, %get3A_361] {strides = array<i32>} : memref<32x1024xf32, #tpu.memory_space<vmem>>, vector<1x16xf32>,
      %get3A_363 = vector.shape_cast %get3A_362 : vector<1x16xf32> to vector<16xf32>
      %get3A_364 = arith.constant 4 : i32
      %get3A_365 = arith.index_cast %get3A_364 : i32 to index
      %get3A_366 = arith.index_cast %add3A_343 : i32 to index
      %get3A_367 = tpu.vector_load %arg11[%get3A_365, %get3A_366] {strides = array<i32>} : memref<32x1024xf32, #tpu.memory_space<vmem>>, vector<1x16xf32>,
      %get3A_368 = vector.shape_cast %get3A_367 : vector<1x16xf32> to vector<16xf32>
      %get3A_369 = arith.constant 5 : i32
      %get3A_370 = arith.index_cast %get3A_369 : i32 to index
      %get3A_371 = arith.index_cast %add3A_343 : i32 to index
      %get3A_372 = tpu.vector_load %arg11[%get3A_370, %get3A_371] {strides = array<i32>} : memref<32x1024xf32, #tpu.memory_space<vmem>>, vector<1x16xf32>,
      %get3A_373 = vector.shape_cast %get3A_372 : vector<1x16xf32> to vector<16xf32>
      %get3A_374 = arith.constant 6 : i32
      %get3A_375 = arith.index_cast %get3A_374 : i32 to index
      %get3A_376 = arith.index_cast %add3A_343 : i32 to index
      %get3A_377 = tpu.vector_load %arg11[%get3A_375, %get3A_376] {strides = array<i32>} : memref<32x1024xf32, #tpu.memory_space<vmem>>, vector<1x16xf32>,
      %get3A_378 = vector.shape_cast %get3A_377 : vector<1x16xf32> to vector<16xf32>
      %get3A_379 = arith.constant 7 : i32
      %get3A_380 = arith.index_cast %get3A_379 : i32 to index
      %get3A_381 = arith.index_cast %add3A_343 : i32 to index
      %get3A_382 = tpu.vector_load %arg11[%get3A_380, %get3A_381] {strides = array<i32>} : memref<32x1024xf32, #tpu.memory_space<vmem>>, vector<1x16xf32>,
      %get3A_383 = vector.shape_cast %get3A_382 : vector<1x16xf32> to vector<16xf32>
      %get3A_384 = arith.constant 8 : i32
      %get3A_385 = arith.index_cast %get3A_384 : i32 to index
      %get3A_386 = arith.index_cast %add3A_343 : i32 to index
      %get3A_387 = tpu.vector_load %arg11[%get3A_385, %get3A_386] {strides = array<i32>} : memref<32x1024xf32, #tpu.memory_space<vmem>>, vector<1x16xf32>,
      %get3A_388 = vector.shape_cast %get3A_387 : vector<1x16xf32> to vector<16xf32>
      %add3A_389 = arith.addf %get3A_348, %get3A_388 : vector<16xf32>
      %get3A_390 = arith.constant 9 : i32
      %get3A_391 = arith.index_cast %get3A_390 : i32 to index
      %get3A_392 = arith.index_cast %add3A_343 : i32 to index
      %get3A_393 = tpu.vector_load %arg11[%get3A_391, %get3A_392] {strides = array<i32>} : memref<32x1024xf32, #tpu.memory_space<vmem>>, vector<1x16xf32>,
      %get3A_394 = vector.shape_cast %get3A_393 : vector<1x16xf32> to vector<16xf32>
      %add3A_395 = arith.addf %get3A_353, %get3A_394 : vector<16xf32>
      %get3A_396 = arith.constant 10 : i32
      %get3A_397 = arith.index_cast %get3A_396 : i32 to index
      %get3A_398 = arith.index_cast %add3A_343 : i32 to index
      %get3A_399 = tpu.vector_load %arg11[%get3A_397, %get3A_398] {strides = array<i32>} : memref<32x1024xf32, #tpu.memory_space<vmem>>, vector<1x16xf32>,
      %get3A_400 = vector.shape_cast %get3A_399 : vector<1x16xf32> to vector<16xf32>
      %add3A_401 = arith.addf %get3A_358, %get3A_400 : vector<16xf32>
      %get3A_402 = arith.constant 11 : i32
      %get3A_403 = arith.index_cast %get3A_402 : i32 to index
      %get3A_404 = arith.index_cast %add3A_343 : i32 to index
      %get3A_405 = tpu.vector_load %arg11[%get3A_403, %get3A_404] {strides = array<i32>} : memref<32x1024xf32, #tpu.memory_space<vmem>>, vector<1x16xf32>,
      %get3A_406 = vector.shape_cast %get3A_405 : vector<1x16xf32> to vector<16xf32>
      %add3A_407 = arith.addf %get3A_363, %get3A_406 : vector<16xf32>
      %get3A_408 = arith.constant 12 : i32
      %get3A_409 = arith.index_cast %get3A_408 : i32 to index
      %get3A_410 = arith.index_cast %add3A_343 : i32 to index
      %get3A_411 = tpu.vector_load %arg11[%get3A_409, %get3A_410] {strides = array<i32>} : memref<32x1024xf32, #tpu.memory_space<vmem>>, vector<1x16xf32>,
      %get3A_412 = vector.shape_cast %get3A_411 : vector<1x16xf32> to vector<16xf32>
      %add3A_413 = arith.addf %get3A_368, %get3A_412 : vector<16xf32>
      %get3A_414 = arith.constant 13 : i32
      %get3A_415 = arith.index_cast %get3A_414 : i32 to index
      %get3A_416 = arith.index_cast %add3A_343 : i32 to index
      %get3A_417 = tpu.vector_load %arg11[%get3A_415, %get3A_416] {strides = array<i32>} : memref<32x1024xf32, #tpu.memory_space<vmem>>, vector<1x16xf32>,
      %get3A_418 = vector.shape_cast %get3A_417 : vector<1x16xf32> to vector<16xf32>
      %add3A_419 = arith.addf %get3A_373, %get3A_418 : vector<16xf32>
      %get3A_420 = arith.constant 14 : i32
      %get3A_421 = arith.index_cast %get3A_420 : i32 to index
      %get3A_422 = arith.index_cast %add3A_343 : i32 to index
      %get3A_423 = tpu.vector_load %arg11[%get3A_421, %get3A_422] {strides = array<i32>} : memref<32x1024xf32, #tpu.memory_space<vmem>>, vector<1x16xf32>,
      %get3A_424 = vector.shape_cast %get3A_423 : vector<1x16xf32> to vector<16xf32>
      %add3A_425 = arith.addf %get3A_378, %get3A_424 : vector<16xf32>
      %get3A_426 = arith.constant 15 : i32
      %get3A_427 = arith.index_cast %get3A_426 : i32 to index
      %get3A_428 = arith.index_cast %add3A_343 : i32 to index
      %get3A_429 = tpu.vector_load %arg11[%get3A_427, %get3A_428] {strides = array<i32>} : memref<32x1024xf32, #tpu.memory_space<vmem>>, vector<1x16xf32>,
      %get3A_430 = vector.shape_cast %get3A_429 : vector<1x16xf32> to vector<16xf32>
      %add3A_431 = arith.addf %get3A_383, %get3A_430 : vector<16xf32>
      %get3A_432 = arith.constant 16 : i32
      %get3A_433 = arith.index_cast %get3A_432 : i32 to index
      %get3A_434 = arith.index_cast %add3A_343 : i32 to index
      %get3A_435 = tpu.vector_load %arg11[%get3A_433, %get3A_434] {strides = array<i32>} : memref<32x1024xf32, #tpu.memory_space<vmem>>, vector<1x16xf32>,
      %get3A_436 = vector.shape_cast %get3A_435 : vector<1x16xf32> to vector<16xf32>
      %add3A_437 = arith.addf %add3A_389, %get3A_436 : vector<16xf32>
      %get3A_438 = arith.constant 17 : i32
      %get3A_439 = arith.index_cast %get3A_438 : i32 to index
      %get3A_440 = arith.index_cast %add3A_343 : i32 to index
      %get3A_441 = tpu.vector_load %arg11[%get3A_439, %get3A_440] {strides = array<i32>} : memref<32x1024xf32, #tpu.memory_space<vmem>>, vector<1x16xf32>,
      %get3A_442 = vector.shape_cast %get3A_441 : vector<1x16xf32> to vector<16xf32>
      %add3A_443 = arith.addf %add3A_395, %get3A_442 : vector<16xf32>
      %get3A_444 = arith.constant 18 : i32
      %get3A_445 = arith.index_cast %get3A_444 : i32 to index
      %get3A_446 = arith.index_cast %add3A_343 : i32 to index
      %get3A_447 = tpu.vector_load %arg11[%get3A_445, %get3A_446] {strides = array<i32>} : memref<32x1024xf32, #tpu.memory_space<vmem>>, vector<1x16xf32>,
      %get3A_448 = vector.shape_cast %get3A_447 : vector<1x16xf32> to vector<16xf32>
      %add3A_449 = arith.addf %add3A_401, %get3A_448 : vector<16xf32>
      %get3A_450 = arith.constant 19 : i32
      %get3A_451 = arith.index_cast %get3A_450 : i32 to index
      %get3A_452 = arith.index_cast %add3A_343 : i32 to index
      %get3A_453 = tpu.vector_load %arg11[%get3A_451, %get3A_452] {strides = array<i32>} : memref<32x1024xf32, #tpu.memory_space<vmem>>, vector<1x16xf32>,
      %get3A_454 = vector.shape_cast %get3A_453 : vector<1x16xf32> to vector<16xf32>
      %add3A_455 = arith.addf %add3A_407, %get3A_454 : vector<16xf32>
      %get3A_456 = arith.constant 20 : i32
      %get3A_457 = arith.index_cast %get3A_456 : i32 to index
      %get3A_458 = arith.index_cast %add3A_343 : i32 to index
      %get3A_459 = tpu.vector_load %arg11[%get3A_457, %get3A_458] {strides = array<i32>} : memref<32x1024xf32, #tpu.memory_space<vmem>>, vector<1x16xf32>,
      %get3A_460 = vector.shape_cast %get3A_459 : vector<1x16xf32> to vector<16xf32>
      %add3A_461 = arith.addf %add3A_413, %get3A_460 : vector<16xf32>
      %get3A_462 = arith.constant 21 : i32
      %get3A_463 = arith.index_cast %get3A_462 : i32 to index
      %get3A_464 = arith.index_cast %add3A_343 : i32 to index
      %get3A_465 = tpu.vector_load %arg11[%get3A_463, %get3A_464] {strides = array<i32>} : memref<32x1024xf32, #tpu.memory_space<vmem>>, vector<1x16xf32>,
      %get3A_466 = vector.shape_cast %get3A_465 : vector<1x16xf32> to vector<16xf32>
      %add3A_467 = arith.addf %add3A_419, %get3A_466 : vector<16xf32>
      %get3A_468 = arith.constant 22 : i32
      %get3A_469 = arith.index_cast %get3A_468 : i32 to index
      %get3A_470 = arith.index_cast %add3A_343 : i32 to index
      %get3A_471 = tpu.vector_load %arg11[%get3A_469, %get3A_470] {strides = array<i32>} : memref<32x1024xf32, #tpu.memory_space<vmem>>, vector<1x16xf32>,
      %get3A_472 = vector.shape_cast %get3A_471 : vector<1x16xf32> to vector<16xf32>
      %add3A_473 = arith.addf %add3A_425, %get3A_472 : vector<16xf32>
      %get3A_474 = arith.constant 23 : i32
      %get3A_475 = arith.index_cast %get3A_474 : i32 to index
      %get3A_476 = arith.index_cast %add3A_343 : i32 to index
      %get3A_477 = tpu.vector_load %arg11[%get3A_475, %get3A_476] {strides = array<i32>} : memref<32x1024xf32, #tpu.memory_space<vmem>>, vector<1x16xf32>,
      %get3A_478 = vector.shape_cast %get3A_477 : vector<1x16xf32> to vector<16xf32>
      %add3A_479 = arith.addf %add3A_431, %get3A_478 : vector<16xf32>
      %get3A_480 = arith.constant 24 : i32
      %get3A_481 = arith.index_cast %get3A_480 : i32 to index
      %get3A_482 = arith.index_cast %add3A_343 : i32 to index
      %get3A_483 = tpu.vector_load %arg11[%get3A_481, %get3A_482] {strides = array<i32>} : memref<32x1024xf32, #tpu.memory_space<vmem>>, vector<1x16xf32>,
      %get3A_484 = vector.shape_cast %get3A_483 : vector<1x16xf32> to vector<16xf32>
      %add3A_485 = arith.addf %add3A_437, %get3A_484 : vector<16xf32>
      %get3A_486 = arith.constant 25 : i32
      %get3A_487 = arith.index_cast %get3A_486 : i32 to index
      %get3A_488 = arith.index_cast %add3A_343 : i32 to index
      %get3A_489 = tpu.vector_load %arg11[%get3A_487, %get3A_488] {strides = array<i32>} : memref<32x1024xf32, #tpu.memory_space<vmem>>, vector<1x16xf32>,
      %get3A_490 = vector.shape_cast %get3A_489 : vector<1x16xf32> to vector<16xf32>
      %add3A_491 = arith.addf %add3A_443, %get3A_490 : vector<16xf32>
      %get3A_492 = arith.constant 26 : i32
      %get3A_493 = arith.index_cast %get3A_492 : i32 to index
      %get3A_494 = arith.index_cast %add3A_343 : i32 to index
      %get3A_495 = tpu.vector_load %arg11[%get3A_493, %get3A_494] {strides = array<i32>} : memref<32x1024xf32, #tpu.memory_space<vmem>>, vector<1x16xf32>,
      %get3A_496 = vector.shape_cast %get3A_495 : vector<1x16xf32> to vector<16xf32>
      %add3A_497 = arith.addf %add3A_449, %get3A_496 : vector<16xf32>
      %get3A_498 = arith.constant 27 : i32
      %get3A_499 = arith.index_cast %get3A_498 : i32 to index
      %get3A_500 = arith.index_cast %add3A_343 : i32 to index
      %get3A_501 = tpu.vector_load %arg11[%get3A_499, %get3A_500] {strides = array<i32>} : memref<32x1024xf32, #tpu.memory_space<vmem>>, vector<1x16xf32>,
      %get3A_502 = vector.shape_cast %get3A_501 : vector<1x16xf32> to vector<16xf32>
      %add3A_503 = arith.addf %add3A_455, %get3A_502 : vector<16xf32>
      %get3A_504 = arith.constant 28 : i32
      %get3A_505 = arith.index_cast %get3A_504 : i32 to index
      %get3A_506 = arith.index_cast %add3A_343 : i32 to index
      %get3A_507 = tpu.vector_load %arg11[%get3A_505, %get3A_506] {strides = array<i32>} : memref<32x1024xf32, #tpu.memory_space<vmem>>, vector<1x16xf32>,
      %get3A_508 = vector.shape_cast %get3A_507 : vector<1x16xf32> to vector<16xf32>
      %add3A_509 = arith.addf %add3A_461, %get3A_508 : vector<16xf32>
      %get3A_510 = arith.constant 29 : i32
      %get3A_511 = arith.index_cast %get3A_510 : i32 to index
      %get3A_512 = arith.index_cast %add3A_343 : i32 to index
      %get3A_513 = tpu.vector_load %arg11[%get3A_511, %get3A_512] {strides = array<i32>} : memref<32x1024xf32, #tpu.memory_space<vmem>>, vector<1x16xf32>,
      %get3A_514 = vector.shape_cast %get3A_513 : vector<1x16xf32> to vector<16xf32>
      %add3A_515 = arith.addf %add3A_467, %get3A_514 : vector<16xf32>
      %get3A_516 = arith.constant 30 : i32
      %get3A_517 = arith.index_cast %get3A_516 : i32 to index
      %get3A_518 = arith.index_cast %add3A_343 : i32 to index
      %get3A_519 = tpu.vector_load %arg11[%get3A_517, %get3A_518] {strides = array<i32>} : memref<32x1024xf32, #tpu.memory_space<vmem>>, vector<1x16xf32>,
      %get3A_520 = vector.shape_cast %get3A_519 : vector<1x16xf32> to vector<16xf32>
      %add3A_521 = arith.addf %add3A_473, %get3A_520 : vector<16xf32>
      %get3A_522 = arith.constant 31 : i32
      %get3A_523 = arith.index_cast %get3A_522 : i32 to index
      %get3A_524 = arith.index_cast %add3A_343 : i32 to index
      %get3A_525 = tpu.vector_load %arg11[%get3A_523, %get3A_524] {strides = array<i32>} : memref<32x1024xf32, #tpu.memory_space<vmem>>, vector<1x16xf32>,
      %get3A_526 = vector.shape_cast %get3A_525 : vector<1x16xf32> to vector<16xf32>
      %add3A_527 = arith.addf %add3A_479, %get3A_526 : vector<16xf32>
      %add3A_528 = arith.addf %add3A_485, %add3A_491 : vector<16xf32>
      %add3A_529 = arith.addf %add3A_497, %add3A_503 : vector<16xf32>
      %add3A_530 = arith.addf %add3A_528, %add3A_529 : vector<16xf32>
      %add3A_531 = arith.addf %add3A_509, %add3A_515 : vector<16xf32>
      %add3A_532 = arith.addf %add3A_521, %add3A_527 : vector<16xf32>
      %add3A_533 = arith.addf %add3A_531, %add3A_532 : vector<16xf32>
      %add3A_534 = arith.addf %add3A_530, %add3A_533 : vector<16xf32>
      %get3A_535 = arith.index_cast %add3A_343 : i32 to index
      %get3A_536 = tpu.vector_load %arg12[%get3A_535] {strides = array<i32>} : memref<1024xf32, #tpu.memory_space<vmem>>, vector<16xf32>,
      %get3A_537 = vector.shape_cast %get3A_536 : vector<16xf32> to vector<16xf32>
      %add3A_538 = arith.addf %get3A_537, %add3A_534 : vector<16xf32>
      %swap3A_539 = arith.index_cast %add3A_343 : i32 to index
      %swap3A_540 = tpu.vector_load %arg12[%swap3A_539] {strides = array<i32>} : memref<1024xf32, #tpu.memory_space<vmem>>, vector<16xf32>,
      %swap3A_541 = vector.shape_cast %swap3A_540 : vector<16xf32> to vector<16xf32>
      %swap3A_542 = vector.shape_cast %add3A_538 : vector<16xf32> to vector<16xf32>
      tpu.vector_store %arg12[%swap3A_539], %swap3A_542 {strides = array<i32>} : memref<1024xf32, #tpu.memory_space<vmem>>, vector<16xf32>,
    }
    %scan3A_110 = arith.constant 32 : i32
    %dma_wait3A_111 = arith.constant 192 : i32
    %dma_wait3A_112 = tpu.memref_slice %arg8[%dma_wait3A_111] : memref<256xi32, #tpu.memory_space<vmem>> -> memref<32xi32, #tpu.memory_space<vmem>>
    %dma_wait3A_113 = arith.constant 0 : i32
    %dma_wait3A_114 = arith.constant 0 : i32
    %dma_wait3A_115 = tpu.memref_slice %arg4[%dma_wait3A_113, %dma_wait3A_114] : memref<32128x1024xf32, #tpu.memory_space<hbm>> -> memref<32128x1024xf32, #tpu.memory_space<hbm>>
    tpu.wait_indirect_dma semaphore(%arg15 : memref<!tpu.dma_semaphore, #tpu.memory_space<semaphore_mem>>) src(%dma_wait3A_115 : memref<32128x1024xf32, #tpu.memory_space<hbm>>) dst(%arg9 : memref<32x1024xf32, #tpu.memory_space<vmem>>)
    %scan3A_116 = arith.constant 0 : i32
    %scan3A_117 = arith.constant 0 : i32
    %scan3A_118 = arith.constant 32 : i32
    %scan3A_119 = arith.addi %scan3A_117, %scan3A_118 : i32
    %scan3A_120 = arith.constant 1 : i32
    scf.for %scan3A_138 = %scan3A_117 to %scan3A_119 step %scan3A_120  : i32 {
      %mul3A_139 = arith.constant 32 : i32
      %mul3A_140 = arith.muli %scan3A_138, %mul3A_139 : i32
      %add3A_141 = arith.constant 0 : i32
      %add3A_142 = arith.addi %mul3A_140, %add3A_141 : i32
      %get3A = arith.constant 0 : i32
      %get3A_143 = arith.index_cast %get3A : i32 to index
      %get3A_144 = arith.index_cast %add3A_142 : i32 to index
      %get3A_145 = tpu.vector_load %arg9[%get3A_143, %get3A_144] {strides = array<i32>} : memref<32x1024xf32, #tpu.memory_space<vmem>>, vector<1x16xf32>,
      %get3A_146 = vector.shape_cast %get3A_145 : vector<1x16xf32> to vector<16xf32>
      %get3A_147 = arith.constant 1 : i32
      %get3A_148 = arith.index_cast %get3A_147 : i32 to index
      %get3A_149 = arith.index_cast %add3A_142 : i32 to index
      %get3A_150 = tpu.vector_load %arg9[%get3A_148, %get3A_149] {strides = array<i32>} : memref<32x1024xf32, #tpu.memory_space<vmem>>, vector<1x16xf32>,
      %get3A_151 = vector.shape_cast %get3A_150 : vector<1x16xf32> to vector<16xf32>
      %get3A_152 = arith.constant 2 : i32
      %get3A_153 = arith.index_cast %get3A_152 : i32 to index
      %get3A_154 = arith.index_cast %add3A_142 : i32 to index
      %get3A_155 = tpu.vector_load %arg9[%get3A_153, %get3A_154] {strides = array<i32>} : memref<32x1024xf32, #tpu.memory_space<vmem>>, vector<1x16xf32>,
      %get3A_156 = vector.shape_cast %get3A_155 : vector<1x16xf32> to vector<16xf32>
      %get3A_157 = arith.constant 3 : i32
      %get3A_158 = arith.index_cast %get3A_157 : i32 to index
      %get3A_159 = arith.index_cast %add3A_142 : i32 to index
      %get3A_160 = tpu.vector_load %arg9[%get3A_158, %get3A_159] {strides = array<i32>} : memref<32x1024xf32, #tpu.memory_space<vmem>>, vector<1x16xf32>,
      %get3A_161 = vector.shape_cast %get3A_160 : vector<1x16xf32> to vector<16xf32>
      %get3A_162 = arith.constant 4 : i32
      %get3A_163 = arith.index_cast %get3A_162 : i32 to index
      %get3A_164 = arith.index_cast %add3A_142 : i32 to index
      %get3A_165 = tpu.vector_load %arg9[%get3A_163, %get3A_164] {strides = array<i32>} : memref<32x1024xf32, #tpu.memory_space<vmem>>, vector<1x16xf32>,
      %get3A_166 = vector.shape_cast %get3A_165 : vector<1x16xf32> to vector<16xf32>
      %get3A_167 = arith.constant 5 : i32
      %get3A_168 = arith.index_cast %get3A_167 : i32 to index
      %get3A_169 = arith.index_cast %add3A_142 : i32 to index
      %get3A_170 = tpu.vector_load %arg9[%get3A_168, %get3A_169] {strides = array<i32>} : memref<32x1024xf32, #tpu.memory_space<vmem>>, vector<1x16xf32>,
      %get3A_171 = vector.shape_cast %get3A_170 : vector<1x16xf32> to vector<16xf32>
      %get3A_172 = arith.constant 6 : i32
      %get3A_173 = arith.index_cast %get3A_172 : i32 to index
      %get3A_174 = arith.index_cast %add3A_142 : i32 to index
      %get3A_175 = tpu.vector_load %arg9[%get3A_173, %get3A_174] {strides = array<i32>} : memref<32x1024xf32, #tpu.memory_space<vmem>>, vector<1x16xf32>,
      %get3A_176 = vector.shape_cast %get3A_175 : vector<1x16xf32> to vector<16xf32>
      %get3A_177 = arith.constant 7 : i32
      %get3A_178 = arith.index_cast %get3A_177 : i32 to index
      %get3A_179 = arith.index_cast %add3A_142 : i32 to index
      %get3A_180 = tpu.vector_load %arg9[%get3A_178, %get3A_179] {strides = array<i32>} : memref<32x1024xf32, #tpu.memory_space<vmem>>, vector<1x16xf32>,
      %get3A_181 = vector.shape_cast %get3A_180 : vector<1x16xf32> to vector<16xf32>
      %get3A_182 = arith.constant 8 : i32
      %get3A_183 = arith.index_cast %get3A_182 : i32 to index
      %get3A_184 = arith.index_cast %add3A_142 : i32 to index
      %get3A_185 = tpu.vector_load %arg9[%get3A_183, %get3A_184] {strides = array<i32>} : memref<32x1024xf32, #tpu.memory_space<vmem>>, vector<1x16xf32>,
      %get3A_186 = vector.shape_cast %get3A_185 : vector<1x16xf32> to vector<16xf32>
      %add3A_187 = arith.addf %get3A_146, %get3A_186 : vector<16xf32>
      %get3A_188 = arith.constant 9 : i32
      %get3A_189 = arith.index_cast %get3A_188 : i32 to index
      %get3A_190 = arith.index_cast %add3A_142 : i32 to index
      %get3A_191 = tpu.vector_load %arg9[%get3A_189, %get3A_190] {strides = array<i32>} : memref<32x1024xf32, #tpu.memory_space<vmem>>, vector<1x16xf32>,
      %get3A_192 = vector.shape_cast %get3A_191 : vector<1x16xf32> to vector<16xf32>
      %add3A_193 = arith.addf %get3A_151, %get3A_192 : vector<16xf32>
      %get3A_194 = arith.constant 10 : i32
      %get3A_195 = arith.index_cast %get3A_194 : i32 to index
      %get3A_196 = arith.index_cast %add3A_142 : i32 to index
      %get3A_197 = tpu.vector_load %arg9[%get3A_195, %get3A_196] {strides = array<i32>} : memref<32x1024xf32, #tpu.memory_space<vmem>>, vector<1x16xf32>,
      %get3A_198 = vector.shape_cast %get3A_197 : vector<1x16xf32> to vector<16xf32>
      %add3A_199 = arith.addf %get3A_156, %get3A_198 : vector<16xf32>
      %get3A_200 = arith.constant 11 : i32
      %get3A_201 = arith.index_cast %get3A_200 : i32 to index
      %get3A_202 = arith.index_cast %add3A_142 : i32 to index
      %get3A_203 = tpu.vector_load %arg9[%get3A_201, %get3A_202] {strides = array<i32>} : memref<32x1024xf32, #tpu.memory_space<vmem>>, vector<1x16xf32>,
      %get3A_204 = vector.shape_cast %get3A_203 : vector<1x16xf32> to vector<16xf32>
      %add3A_205 = arith.addf %get3A_161, %get3A_204 : vector<16xf32>
      %get3A_206 = arith.constant 12 : i32
      %get3A_207 = arith.index_cast %get3A_206 : i32 to index
      %get3A_208 = arith.index_cast %add3A_142 : i32 to index
      %get3A_209 = tpu.vector_load %arg9[%get3A_207, %get3A_208] {strides = array<i32>} : memref<32x1024xf32, #tpu.memory_space<vmem>>, vector<1x16xf32>,
      %get3A_210 = vector.shape_cast %get3A_209 : vector<1x16xf32> to vector<16xf32>
      %add3A_211 = arith.addf %get3A_166, %get3A_210 : vector<16xf32>
      %get3A_212 = arith.constant 13 : i32
      %get3A_213 = arith.index_cast %get3A_212 : i32 to index
      %get3A_214 = arith.index_cast %add3A_142 : i32 to index
      %get3A_215 = tpu.vector_load %arg9[%get3A_213, %get3A_214] {strides = array<i32>} : memref<32x1024xf32, #tpu.memory_space<vmem>>, vector<1x16xf32>,
      %get3A_216 = vector.shape_cast %get3A_215 : vector<1x16xf32> to vector<16xf32>
      %add3A_217 = arith.addf %get3A_171, %get3A_216 : vector<16xf32>
      %get3A_218 = arith.constant 14 : i32
      %get3A_219 = arith.index_cast %get3A_218 : i32 to index
      %get3A_220 = arith.index_cast %add3A_142 : i32 to index
      %get3A_221 = tpu.vector_load %arg9[%get3A_219, %get3A_220] {strides = array<i32>} : memref<32x1024xf32, #tpu.memory_space<vmem>>, vector<1x16xf32>,
      %get3A_222 = vector.shape_cast %get3A_221 : vector<1x16xf32> to vector<16xf32>
      %add3A_223 = arith.addf %get3A_176, %get3A_222 : vector<16xf32>
      %get3A_224 = arith.constant 15 : i32
      %get3A_225 = arith.index_cast %get3A_224 : i32 to index
      %get3A_226 = arith.index_cast %add3A_142 : i32 to index
      %get3A_227 = tpu.vector_load %arg9[%get3A_225, %get3A_226] {strides = array<i32>} : memref<32x1024xf32, #tpu.memory_space<vmem>>, vector<1x16xf32>,
      %get3A_228 = vector.shape_cast %get3A_227 : vector<1x16xf32> to vector<16xf32>
      %add3A_229 = arith.addf %get3A_181, %get3A_228 : vector<16xf32>
      %get3A_230 = arith.constant 16 : i32
      %get3A_231 = arith.index_cast %get3A_230 : i32 to index
      %get3A_232 = arith.index_cast %add3A_142 : i32 to index
      %get3A_233 = tpu.vector_load %arg9[%get3A_231, %get3A_232] {strides = array<i32>} : memref<32x1024xf32, #tpu.memory_space<vmem>>, vector<1x16xf32>,
      %get3A_234 = vector.shape_cast %get3A_233 : vector<1x16xf32> to vector<16xf32>
      %add3A_235 = arith.addf %add3A_187, %get3A_234 : vector<16xf32>
      %get3A_236 = arith.constant 17 : i32
      %get3A_237 = arith.index_cast %get3A_236 : i32 to index
      %get3A_238 = arith.index_cast %add3A_142 : i32 to index
      %get3A_239 = tpu.vector_load %arg9[%get3A_237, %get3A_238] {strides = array<i32>} : memref<32x1024xf32, #tpu.memory_space<vmem>>, vector<1x16xf32>,
      %get3A_240 = vector.shape_cast %get3A_239 : vector<1x16xf32> to vector<16xf32>
      %add3A_241 = arith.addf %add3A_193, %get3A_240 : vector<16xf32>
      %get3A_242 = arith.constant 18 : i32
      %get3A_243 = arith.index_cast %get3A_242 : i32 to index
      %get3A_244 = arith.index_cast %add3A_142 : i32 to index
      %get3A_245 = tpu.vector_load %arg9[%get3A_243, %get3A_244] {strides = array<i32>} : memref<32x1024xf32, #tpu.memory_space<vmem>>, vector<1x16xf32>,
      %get3A_246 = vector.shape_cast %get3A_245 : vector<1x16xf32> to vector<16xf32>
      %add3A_247 = arith.addf %add3A_199, %get3A_246 : vector<16xf32>
      %get3A_248 = arith.constant 19 : i32
      %get3A_249 = arith.index_cast %get3A_248 : i32 to index
      %get3A_250 = arith.index_cast %add3A_142 : i32 to index
      %get3A_251 = tpu.vector_load %arg9[%get3A_249, %get3A_250] {strides = array<i32>} : memref<32x1024xf32, #tpu.memory_space<vmem>>, vector<1x16xf32>,
      %get3A_252 = vector.shape_cast %get3A_251 : vector<1x16xf32> to vector<16xf32>
      %add3A_253 = arith.addf %add3A_205, %get3A_252 : vector<16xf32>
      %get3A_254 = arith.constant 20 : i32
      %get3A_255 = arith.index_cast %get3A_254 : i32 to index
      %get3A_256 = arith.index_cast %add3A_142 : i32 to index
      %get3A_257 = tpu.vector_load %arg9[%get3A_255, %get3A_256] {strides = array<i32>} : memref<32x1024xf32, #tpu.memory_space<vmem>>, vector<1x16xf32>,
      %get3A_258 = vector.shape_cast %get3A_257 : vector<1x16xf32> to vector<16xf32>
      %add3A_259 = arith.addf %add3A_211, %get3A_258 : vector<16xf32>
      %get3A_260 = arith.constant 21 : i32
      %get3A_261 = arith.index_cast %get3A_260 : i32 to index
      %get3A_262 = arith.index_cast %add3A_142 : i32 to index
      %get3A_263 = tpu.vector_load %arg9[%get3A_261, %get3A_262] {strides = array<i32>} : memref<32x1024xf32, #tpu.memory_space<vmem>>, vector<1x16xf32>,
      %get3A_264 = vector.shape_cast %get3A_263 : vector<1x16xf32> to vector<16xf32>
      %add3A_265 = arith.addf %add3A_217, %get3A_264 : vector<16xf32>
      %get3A_266 = arith.constant 22 : i32
      %get3A_267 = arith.index_cast %get3A_266 : i32 to index
      %get3A_268 = arith.index_cast %add3A_142 : i32 to index
      %get3A_269 = tpu.vector_load %arg9[%get3A_267, %get3A_268] {strides = array<i32>} : memref<32x1024xf32, #tpu.memory_space<vmem>>, vector<1x16xf32>,
      %get3A_270 = vector.shape_cast %get3A_269 : vector<1x16xf32> to vector<16xf32>
      %add3A_271 = arith.addf %add3A_223, %get3A_270 : vector<16xf32>
      %get3A_272 = arith.constant 23 : i32
      %get3A_273 = arith.index_cast %get3A_272 : i32 to index
      %get3A_274 = arith.index_cast %add3A_142 : i32 to index
      %get3A_275 = tpu.vector_load %arg9[%get3A_273, %get3A_274] {strides = array<i32>} : memref<32x1024xf32, #tpu.memory_space<vmem>>, vector<1x16xf32>,
      %get3A_276 = vector.shape_cast %get3A_275 : vector<1x16xf32> to vector<16xf32>
      %add3A_277 = arith.addf %add3A_229, %get3A_276 : vector<16xf32>
      %get3A_278 = arith.constant 24 : i32
      %get3A_279 = arith.index_cast %get3A_278 : i32 to index
      %get3A_280 = arith.index_cast %add3A_142 : i32 to index
      %get3A_281 = tpu.vector_load %arg9[%get3A_279, %get3A_280] {strides = array<i32>} : memref<32x1024xf32, #tpu.memory_space<vmem>>, vector<1x16xf32>,
      %get3A_282 = vector.shape_cast %get3A_281 : vector<1x16xf32> to vector<16xf32>
      %add3A_283 = arith.addf %add3A_235, %get3A_282 : vector<16xf32>
      %get3A_284 = arith.constant 25 : i32
      %get3A_285 = arith.index_cast %get3A_284 : i32 to index
      %get3A_286 = arith.index_cast %add3A_142 : i32 to index
      %get3A_287 = tpu.vector_load %arg9[%get3A_285, %get3A_286] {strides = array<i32>} : memref<32x1024xf32, #tpu.memory_space<vmem>>, vector<1x16xf32>,
      %get3A_288 = vector.shape_cast %get3A_287 : vector<1x16xf32> to vector<16xf32>
      %add3A_289 = arith.addf %add3A_241, %get3A_288 : vector<16xf32>
      %get3A_290 = arith.constant 26 : i32
      %get3A_291 = arith.index_cast %get3A_290 : i32 to index
      %get3A_292 = arith.index_cast %add3A_142 : i32 to index
      %get3A_293 = tpu.vector_load %arg9[%get3A_291, %get3A_292] {strides = array<i32>} : memref<32x1024xf32, #tpu.memory_space<vmem>>, vector<1x16xf32>,
      %get3A_294 = vector.shape_cast %get3A_293 : vector<1x16xf32> to vector<16xf32>
      %add3A_295 = arith.addf %add3A_247, %get3A_294 : vector<16xf32>
      %get3A_296 = arith.constant 27 : i32
      %get3A_297 = arith.index_cast %get3A_296 : i32 to index
      %get3A_298 = arith.index_cast %add3A_142 : i32 to index
      %get3A_299 = tpu.vector_load %arg9[%get3A_297, %get3A_298] {strides = array<i32>} : memref<32x1024xf32, #tpu.memory_space<vmem>>, vector<1x16xf32>,
      %get3A_300 = vector.shape_cast %get3A_299 : vector<1x16xf32> to vector<16xf32>
      %add3A_301 = arith.addf %add3A_253, %get3A_300 : vector<16xf32>
      %get3A_302 = arith.constant 28 : i32
      %get3A_303 = arith.index_cast %get3A_302 : i32 to index
      %get3A_304 = arith.index_cast %add3A_142 : i32 to index
      %get3A_305 = tpu.vector_load %arg9[%get3A_303, %get3A_304] {strides = array<i32>} : memref<32x1024xf32, #tpu.memory_space<vmem>>, vector<1x16xf32>,
      %get3A_306 = vector.shape_cast %get3A_305 : vector<1x16xf32> to vector<16xf32>
      %add3A_307 = arith.addf %add3A_259, %get3A_306 : vector<16xf32>
      %get3A_308 = arith.constant 29 : i32
      %get3A_309 = arith.index_cast %get3A_308 : i32 to index
      %get3A_310 = arith.index_cast %add3A_142 : i32 to index
      %get3A_311 = tpu.vector_load %arg9[%get3A_309, %get3A_310] {strides = array<i32>} : memref<32x1024xf32, #tpu.memory_space<vmem>>, vector<1x16xf32>,
      %get3A_312 = vector.shape_cast %get3A_311 : vector<1x16xf32> to vector<16xf32>
      %add3A_313 = arith.addf %add3A_265, %get3A_312 : vector<16xf32>
      %get3A_314 = arith.constant 30 : i32
      %get3A_315 = arith.index_cast %get3A_314 : i32 to index
      %get3A_316 = arith.index_cast %add3A_142 : i32 to index
      %get3A_317 = tpu.vector_load %arg9[%get3A_315, %get3A_316] {strides = array<i32>} : memref<32x1024xf32, #tpu.memory_space<vmem>>, vector<1x16xf32>,
      %get3A_318 = vector.shape_cast %get3A_317 : vector<1x16xf32> to vector<16xf32>
      %add3A_319 = arith.addf %add3A_271, %get3A_318 : vector<16xf32>
      %get3A_320 = arith.constant 31 : i32
      %get3A_321 = arith.index_cast %get3A_320 : i32 to index
      %get3A_322 = arith.index_cast %add3A_142 : i32 to index
      %get3A_323 = tpu.vector_load %arg9[%get3A_321, %get3A_322] {strides = array<i32>} : memref<32x1024xf32, #tpu.memory_space<vmem>>, vector<1x16xf32>,
      %get3A_324 = vector.shape_cast %get3A_323 : vector<1x16xf32> to vector<16xf32>
      %add3A_325 = arith.addf %add3A_277, %get3A_324 : vector<16xf32>
      %add3A_326 = arith.addf %add3A_283, %add3A_289 : vector<16xf32>
      %add3A_327 = arith.addf %add3A_295, %add3A_301 : vector<16xf32>
      %add3A_328 = arith.addf %add3A_326, %add3A_327 : vector<16xf32>
      %add3A_329 = arith.addf %add3A_307, %add3A_313 : vector<16xf32>
      %add3A_330 = arith.addf %add3A_319, %add3A_325 : vector<16xf32>
      %add3A_331 = arith.addf %add3A_329, %add3A_330 : vector<16xf32>
      %add3A_332 = arith.addf %add3A_328, %add3A_331 : vector<16xf32>
      %get3A_333 = arith.index_cast %add3A_142 : i32 to index
      %get3A_334 = tpu.vector_load %arg12[%get3A_333] {strides = array<i32>} : memref<1024xf32, #tpu.memory_space<vmem>>, vector<16xf32>,
      %get3A_335 = vector.shape_cast %get3A_334 : vector<16xf32> to vector<16xf32>
      %add3A_336 = arith.addf %get3A_335, %add3A_332 : vector<16xf32>
      %swap3A = arith.index_cast %add3A_142 : i32 to index
      %swap3A_337 = tpu.vector_load %arg12[%swap3A] {strides = array<i32>} : memref<1024xf32, #tpu.memory_space<vmem>>, vector<16xf32>,
      %swap3A_338 = vector.shape_cast %swap3A_337 : vector<16xf32> to vector<16xf32>
      %swap3A_339 = vector.shape_cast %add3A_336 : vector<16xf32> to vector<16xf32>
      tpu.vector_store %arg12[%swap3A], %swap3A_339 {strides = array<i32>} : memref<1024xf32, #tpu.memory_space<vmem>>, vector<16xf32>,
      %mul3A_340 = arith.constant 32 : i32
      %mul3A_341 = arith.muli %scan3A_138, %mul3A_340 : i32
      %add3A_342 = arith.constant 16 : i32
      %add3A_343 = arith.addi %mul3A_341, %add3A_342 : i32
      %get3A_344 = arith.constant 0 : i32
      %get3A_345 = arith.index_cast %get3A_344 : i32 to index
      %get3A_346 = arith.index_cast %add3A_343 : i32 to index
      %get3A_347 = tpu.vector_load %arg9[%get3A_345, %get3A_346] {strides = array<i32>} : memref<32x1024xf32, #tpu.memory_space<vmem>>, vector<1x16xf32>,
      %get3A_348 = vector.shape_cast %get3A_347 : vector<1x16xf32> to vector<16xf32>
      %get3A_349 = arith.constant 1 : i32
      %get3A_350 = arith.index_cast %get3A_349 : i32 to index
      %get3A_351 = arith.index_cast %add3A_343 : i32 to index
      %get3A_352 = tpu.vector_load %arg9[%get3A_350, %get3A_351] {strides = array<i32>} : memref<32x1024xf32, #tpu.memory_space<vmem>>, vector<1x16xf32>,
      %get3A_353 = vector.shape_cast %get3A_352 : vector<1x16xf32> to vector<16xf32>
      %get3A_354 = arith.constant 2 : i32
      %get3A_355 = arith.index_cast %get3A_354 : i32 to index
      %get3A_356 = arith.index_cast %add3A_343 : i32 to index
      %get3A_357 = tpu.vector_load %arg9[%get3A_355, %get3A_356] {strides = array<i32>} : memref<32x1024xf32, #tpu.memory_space<vmem>>, vector<1x16xf32>,
      %get3A_358 = vector.shape_cast %get3A_357 : vector<1x16xf32> to vector<16xf32>
      %get3A_359 = arith.constant 3 : i32
      %get3A_360 = arith.index_cast %get3A_359 : i32 to index
      %get3A_361 = arith.index_cast %add3A_343 : i32 to index
      %get3A_362 = tpu.vector_load %arg9[%get3A_360, %get3A_361] {strides = array<i32>} : memref<32x1024xf32, #tpu.memory_space<vmem>>, vector<1x16xf32>,
      %get3A_363 = vector.shape_cast %get3A_362 : vector<1x16xf32> to vector<16xf32>
      %get3A_364 = arith.constant 4 : i32
      %get3A_365 = arith.index_cast %get3A_364 : i32 to index
      %get3A_366 = arith.index_cast %add3A_343 : i32 to index
      %get3A_367 = tpu.vector_load %arg9[%get3A_365, %get3A_366] {strides = array<i32>} : memref<32x1024xf32, #tpu.memory_space<vmem>>, vector<1x16xf32>,
      %get3A_368 = vector.shape_cast %get3A_367 : vector<1x16xf32> to vector<16xf32>
      %get3A_369 = arith.constant 5 : i32
      %get3A_370 = arith.index_cast %get3A_369 : i32 to index
      %get3A_371 = arith.index_cast %add3A_343 : i32 to index
      %get3A_372 = tpu.vector_load %arg9[%get3A_370, %get3A_371] {strides = array<i32>} : memref<32x1024xf32, #tpu.memory_space<vmem>>, vector<1x16xf32>,
      %get3A_373 = vector.shape_cast %get3A_372 : vector<1x16xf32> to vector<16xf32>
      %get3A_374 = arith.constant 6 : i32
      %get3A_375 = arith.index_cast %get3A_374 : i32 to index
      %get3A_376 = arith.index_cast %add3A_343 : i32 to index
      %get3A_377 = tpu.vector_load %arg9[%get3A_375, %get3A_376] {strides = array<i32>} : memref<32x1024xf32, #tpu.memory_space<vmem>>, vector<1x16xf32>,
      %get3A_378 = vector.shape_cast %get3A_377 : vector<1x16xf32> to vector<16xf32>
      %get3A_379 = arith.constant 7 : i32
      %get3A_380 = arith.index_cast %get3A_379 : i32 to index
      %get3A_381 = arith.index_cast %add3A_343 : i32 to index
      %get3A_382 = tpu.vector_load %arg9[%get3A_380, %get3A_381] {strides = array<i32>} : memref<32x1024xf32, #tpu.memory_space<vmem>>, vector<1x16xf32>,
      %get3A_383 = vector.shape_cast %get3A_382 : vector<1x16xf32> to vector<16xf32>
      %get3A_384 = arith.constant 8 : i32
      %get3A_385 = arith.index_cast %get3A_384 : i32 to index
      %get3A_386 = arith.index_cast %add3A_343 : i32 to index
      %get3A_387 = tpu.vector_load %arg9[%get3A_385, %get3A_386] {strides = array<i32>} : memref<32x1024xf32, #tpu.memory_space<vmem>>, vector<1x16xf32>,
      %get3A_388 = vector.shape_cast %get3A_387 : vector<1x16xf32> to vector<16xf32>
      %add3A_389 = arith.addf %get3A_348, %get3A_388 : vector<16xf32>
      %get3A_390 = arith.constant 9 : i32
      %get3A_391 = arith.index_cast %get3A_390 : i32 to index
      %get3A_392 = arith.index_cast %add3A_343 : i32 to index
      %get3A_393 = tpu.vector_load %arg9[%get3A_391, %get3A_392] {strides = array<i32>} : memref<32x1024xf32, #tpu.memory_space<vmem>>, vector<1x16xf32>,
      %get3A_394 = vector.shape_cast %get3A_393 : vector<1x16xf32> to vector<16xf32>
      %add3A_395 = arith.addf %get3A_353, %get3A_394 : vector<16xf32>
      %get3A_396 = arith.constant 10 : i32
      %get3A_397 = arith.index_cast %get3A_396 : i32 to index
      %get3A_398 = arith.index_cast %add3A_343 : i32 to index
      %get3A_399 = tpu.vector_load %arg9[%get3A_397, %get3A_398] {strides = array<i32>} : memref<32x1024xf32, #tpu.memory_space<vmem>>, vector<1x16xf32>,
      %get3A_400 = vector.shape_cast %get3A_399 : vector<1x16xf32> to vector<16xf32>
      %add3A_401 = arith.addf %get3A_358, %get3A_400 : vector<16xf32>
      %get3A_402 = arith.constant 11 : i32
      %get3A_403 = arith.index_cast %get3A_402 : i32 to index
      %get3A_404 = arith.index_cast %add3A_343 : i32 to index
      %get3A_405 = tpu.vector_load %arg9[%get3A_403, %get3A_404] {strides = array<i32>} : memref<32x1024xf32, #tpu.memory_space<vmem>>, vector<1x16xf32>,
      %get3A_406 = vector.shape_cast %get3A_405 : vector<1x16xf32> to vector<16xf32>
      %add3A_407 = arith.addf %get3A_363, %get3A_406 : vector<16xf32>
      %get3A_408 = arith.constant 12 : i32
      %get3A_409 = arith.index_cast %get3A_408 : i32 to index
      %get3A_410 = arith.index_cast %add3A_343 : i32 to index
      %get3A_411 = tpu.vector_load %arg9[%get3A_409, %get3A_410] {strides = array<i32>} : memref<32x1024xf32, #tpu.memory_space<vmem>>, vector<1x16xf32>,
      %get3A_412 = vector.shape_cast %get3A_411 : vector<1x16xf32> to vector<16xf32>
      %add3A_413 = arith.addf %get3A_368, %get3A_412 : vector<16xf32>
      %get3A_414 = arith.constant 13 : i32
      %get3A_415 = arith.index_cast %get3A_414 : i32 to index
      %get3A_416 = arith.index_cast %add3A_343 : i32 to index
      %get3A_417 = tpu.vector_load %arg9[%get3A_415, %get3A_416] {strides = array<i32>} : memref<32x1024xf32, #tpu.memory_space<vmem>>, vector<1x16xf32>,
      %get3A_418 = vector.shape_cast %get3A_417 : vector<1x16xf32> to vector<16xf32>
      %add3A_419 = arith.addf %get3A_373, %get3A_418 : vector<16xf32>
      %get3A_420 = arith.constant 14 : i32
      %get3A_421 = arith.index_cast %get3A_420 : i32 to index
      %get3A_422 = arith.index_cast %add3A_343 : i32 to index
      %get3A_423 = tpu.vector_load %arg9[%get3A_421, %get3A_422] {strides = array<i32>} : memref<32x1024xf32, #tpu.memory_space<vmem>>, vector<1x16xf32>,
      %get3A_424 = vector.shape_cast %get3A_423 : vector<1x16xf32> to vector<16xf32>
      %add3A_425 = arith.addf %get3A_378, %get3A_424 : vector<16xf32>
      %get3A_426 = arith.constant 15 : i32
      %get3A_427 = arith.index_cast %get3A_426 : i32 to index
      %get3A_428 = arith.index_cast %add3A_343 : i32 to index
      %get3A_429 = tpu.vector_load %arg9[%get3A_427, %get3A_428] {strides = array<i32>} : memref<32x1024xf32, #tpu.memory_space<vmem>>, vector<1x16xf32>,
      %get3A_430 = vector.shape_cast %get3A_429 : vector<1x16xf32> to vector<16xf32>
      %add3A_431 = arith.addf %get3A_383, %get3A_430 : vector<16xf32>
      %get3A_432 = arith.constant 16 : i32
      %get3A_433 = arith.index_cast %get3A_432 : i32 to index
      %get3A_434 = arith.index_cast %add3A_343 : i32 to index
      %get3A_435 = tpu.vector_load %arg9[%get3A_433, %get3A_434] {strides = array<i32>} : memref<32x1024xf32, #tpu.memory_space<vmem>>, vector<1x16xf32>,
      %get3A_436 = vector.shape_cast %get3A_435 : vector<1x16xf32> to vector<16xf32>
      %add3A_437 = arith.addf %add3A_389, %get3A_436 : vector<16xf32>
      %get3A_438 = arith.constant 17 : i32
      %get3A_439 = arith.index_cast %get3A_438 : i32 to index
      %get3A_440 = arith.index_cast %add3A_343 : i32 to index
      %get3A_441 = tpu.vector_load %arg9[%get3A_439, %get3A_440] {strides = array<i32>} : memref<32x1024xf32, #tpu.memory_space<vmem>>, vector<1x16xf32>,
      %get3A_442 = vector.shape_cast %get3A_441 : vector<1x16xf32> to vector<16xf32>
      %add3A_443 = arith.addf %add3A_395, %get3A_442 : vector<16xf32>
      %get3A_444 = arith.constant 18 : i32
      %get3A_445 = arith.index_cast %get3A_444 : i32 to index
      %get3A_446 = arith.index_cast %add3A_343 : i32 to index
      %get3A_447 = tpu.vector_load %arg9[%get3A_445, %get3A_446] {strides = array<i32>} : memref<32x1024xf32, #tpu.memory_space<vmem>>, vector<1x16xf32>,
      %get3A_448 = vector.shape_cast %get3A_447 : vector<1x16xf32> to vector<16xf32>
      %add3A_449 = arith.addf %add3A_401, %get3A_448 : vector<16xf32>
      %get3A_450 = arith.constant 19 : i32
      %get3A_451 = arith.index_cast %get3A_450 : i32 to index
      %get3A_452 = arith.index_cast %add3A_343 : i32 to index
      %get3A_453 = tpu.vector_load %arg9[%get3A_451, %get3A_452] {strides = array<i32>} : memref<32x1024xf32, #tpu.memory_space<vmem>>, vector<1x16xf32>,
      %get3A_454 = vector.shape_cast %get3A_453 : vector<1x16xf32> to vector<16xf32>
      %add3A_455 = arith.addf %add3A_407, %get3A_454 : vector<16xf32>
      %get3A_456 = arith.constant 20 : i32
      %get3A_457 = arith.index_cast %get3A_456 : i32 to index
      %get3A_458 = arith.index_cast %add3A_343 : i32 to index
      %get3A_459 = tpu.vector_load %arg9[%get3A_457, %get3A_458] {strides = array<i32>} : memref<32x1024xf32, #tpu.memory_space<vmem>>, vector<1x16xf32>,
      %get3A_460 = vector.shape_cast %get3A_459 : vector<1x16xf32> to vector<16xf32>
      %add3A_461 = arith.addf %add3A_413, %get3A_460 : vector<16xf32>
      %get3A_462 = arith.constant 21 : i32
      %get3A_463 = arith.index_cast %get3A_462 : i32 to index
      %get3A_464 = arith.index_cast %add3A_343 : i32 to index
      %get3A_465 = tpu.vector_load %arg9[%get3A_463, %get3A_464] {strides = array<i32>} : memref<32x1024xf32, #tpu.memory_space<vmem>>, vector<1x16xf32>,
      %get3A_466 = vector.shape_cast %get3A_465 : vector<1x16xf32> to vector<16xf32>
      %add3A_467 = arith.addf %add3A_419, %get3A_466 : vector<16xf32>
      %get3A_468 = arith.constant 22 : i32
      %get3A_469 = arith.index_cast %get3A_468 : i32 to index
      %get3A_470 = arith.index_cast %add3A_343 : i32 to index
      %get3A_471 = tpu.vector_load %arg9[%get3A_469, %get3A_470] {strides = array<i32>} : memref<32x1024xf32, #tpu.memory_space<vmem>>, vector<1x16xf32>,
      %get3A_472 = vector.shape_cast %get3A_471 : vector<1x16xf32> to vector<16xf32>
      %add3A_473 = arith.addf %add3A_425, %get3A_472 : vector<16xf32>
      %get3A_474 = arith.constant 23 : i32
      %get3A_475 = arith.index_cast %get3A_474 : i32 to index
      %get3A_476 = arith.index_cast %add3A_343 : i32 to index
      %get3A_477 = tpu.vector_load %arg9[%get3A_475, %get3A_476] {strides = array<i32>} : memref<32x1024xf32, #tpu.memory_space<vmem>>, vector<1x16xf32>,
      %get3A_478 = vector.shape_cast %get3A_477 : vector<1x16xf32> to vector<16xf32>
      %add3A_479 = arith.addf %add3A_431, %get3A_478 : vector<16xf32>
      %get3A_480 = arith.constant 24 : i32
      %get3A_481 = arith.index_cast %get3A_480 : i32 to index
      %get3A_482 = arith.index_cast %add3A_343 : i32 to index
      %get3A_483 = tpu.vector_load %arg9[%get3A_481, %get3A_482] {strides = array<i32>} : memref<32x1024xf32, #tpu.memory_space<vmem>>, vector<1x16xf32>,
      %get3A_484 = vector.shape_cast %get3A_483 : vector<1x16xf32> to vector<16xf32>
      %add3A_485 = arith.addf %add3A_437, %get3A_484 : vector<16xf32>
      %get3A_486 = arith.constant 25 : i32
      %get3A_487 = arith.index_cast %get3A_486 : i32 to index
      %get3A_488 = arith.index_cast %add3A_343 : i32 to index
      %get3A_489 = tpu.vector_load %arg9[%get3A_487, %get3A_488] {strides = array<i32>} : memref<32x1024xf32, #tpu.memory_space<vmem>>, vector<1x16xf32>,
      %get3A_490 = vector.shape_cast %get3A_489 : vector<1x16xf32> to vector<16xf32>
      %add3A_491 = arith.addf %add3A_443, %get3A_490 : vector<16xf32>
      %get3A_492 = arith.constant 26 : i32
      %get3A_493 = arith.index_cast %get3A_492 : i32 to index
      %get3A_494 = arith.index_cast %add3A_343 : i32 to index
      %get3A_495 = tpu.vector_load %arg9[%get3A_493, %get3A_494] {strides = array<i32>} : memref<32x1024xf32, #tpu.memory_space<vmem>>, vector<1x16xf32>,
      %get3A_496 = vector.shape_cast %get3A_495 : vector<1x16xf32> to vector<16xf32>
      %add3A_497 = arith.addf %add3A_449, %get3A_496 : vector<16xf32>
      %get3A_498 = arith.constant 27 : i32
      %get3A_499 = arith.index_cast %get3A_498 : i32 to index
      %get3A_500 = arith.index_cast %add3A_343 : i32 to index
      %get3A_501 = tpu.vector_load %arg9[%get3A_499, %get3A_500] {strides = array<i32>} : memref<32x1024xf32, #tpu.memory_space<vmem>>, vector<1x16xf32>,
      %get3A_502 = vector.shape_cast %get3A_501 : vector<1x16xf32> to vector<16xf32>
      %add3A_503 = arith.addf %add3A_455, %get3A_502 : vector<16xf32>
      %get3A_504 = arith.constant 28 : i32
      %get3A_505 = arith.index_cast %get3A_504 : i32 to index
      %get3A_506 = arith.index_cast %add3A_343 : i32 to index
      %get3A_507 = tpu.vector_load %arg9[%get3A_505, %get3A_506] {strides = array<i32>} : memref<32x1024xf32, #tpu.memory_space<vmem>>, vector<1x16xf32>,
      %get3A_508 = vector.shape_cast %get3A_507 : vector<1x16xf32> to vector<16xf32>
      %add3A_509 = arith.addf %add3A_461, %get3A_508 : vector<16xf32>
      %get3A_510 = arith.constant 29 : i32
      %get3A_511 = arith.index_cast %get3A_510 : i32 to index
      %get3A_512 = arith.index_cast %add3A_343 : i32 to index
      %get3A_513 = tpu.vector_load %arg9[%get3A_511, %get3A_512] {strides = array<i32>} : memref<32x1024xf32, #tpu.memory_space<vmem>>, vector<1x16xf32>,
      %get3A_514 = vector.shape_cast %get3A_513 : vector<1x16xf32> to vector<16xf32>
      %add3A_515 = arith.addf %add3A_467, %get3A_514 : vector<16xf32>
      %get3A_516 = arith.constant 30 : i32
      %get3A_517 = arith.index_cast %get3A_516 : i32 to index
      %get3A_518 = arith.index_cast %add3A_343 : i32 to index
      %get3A_519 = tpu.vector_load %arg9[%get3A_517, %get3A_518] {strides = array<i32>} : memref<32x1024xf32, #tpu.memory_space<vmem>>, vector<1x16xf32>,
      %get3A_520 = vector.shape_cast %get3A_519 : vector<1x16xf32> to vector<16xf32>
      %add3A_521 = arith.addf %add3A_473, %get3A_520 : vector<16xf32>
      %get3A_522 = arith.constant 31 : i32
      %get3A_523 = arith.index_cast %get3A_522 : i32 to index
      %get3A_524 = arith.index_cast %add3A_343 : i32 to index
      %get3A_525 = tpu.vector_load %arg9[%get3A_523, %get3A_524] {strides = array<i32>} : memref<32x1024xf32, #tpu.memory_space<vmem>>, vector<1x16xf32>,
      %get3A_526 = vector.shape_cast %get3A_525 : vector<1x16xf32> to vector<16xf32>
      %add3A_527 = arith.addf %add3A_479, %get3A_526 : vector<16xf32>
      %add3A_528 = arith.addf %add3A_485, %add3A_491 : vector<16xf32>
      %add3A_529 = arith.addf %add3A_497, %add3A_503 : vector<16xf32>
      %add3A_530 = arith.addf %add3A_528, %add3A_529 : vector<16xf32>
      %add3A_531 = arith.addf %add3A_509, %add3A_515 : vector<16xf32>
      %add3A_532 = arith.addf %add3A_521, %add3A_527 : vector<16xf32>
      %add3A_533 = arith.addf %add3A_531, %add3A_532 : vector<16xf32>
      %add3A_534 = arith.addf %add3A_530, %add3A_533 : vector<16xf32>
      %get3A_535 = arith.index_cast %add3A_343 : i32 to index
      %get3A_536 = tpu.vector_load %arg12[%get3A_535] {strides = array<i32>} : memref<1024xf32, #tpu.memory_space<vmem>>, vector<16xf32>,
      %get3A_537 = vector.shape_cast %get3A_536 : vector<16xf32> to vector<16xf32>
      %add3A_538 = arith.addf %get3A_537, %add3A_534 : vector<16xf32>
      %swap3A_539 = arith.index_cast %add3A_343 : i32 to index
      %swap3A_540 = tpu.vector_load %arg12[%swap3A_539] {strides = array<i32>} : memref<1024xf32, #tpu.memory_space<vmem>>, vector<16xf32>,
      %swap3A_541 = vector.shape_cast %swap3A_540 : vector<16xf32> to vector<16xf32>
      %swap3A_542 = vector.shape_cast %add3A_538 : vector<16xf32> to vector<16xf32>
      tpu.vector_store %arg12[%swap3A_539], %swap3A_542 {strides = array<i32>} : memref<1024xf32, #tpu.memory_space<vmem>>, vector<16xf32>,
    }
    %scan3A_121 = arith.constant 32 : i32
    %dma_wait3A_122 = arith.constant 224 : i32
    %dma_wait3A_123 = tpu.memref_slice %arg8[%dma_wait3A_122] : memref<256xi32, #tpu.memory_space<vmem>> -> memref<32xi32, #tpu.memory_space<vmem>>
    %dma_wait3A_124 = arith.constant 0 : i32
    %dma_wait3A_125 = arith.constant 0 : i32
    %dma_wait3A_126 = tpu.memref_slice %arg4[%dma_wait3A_124, %dma_wait3A_125] : memref<32128x1024xf32, #tpu.memory_space<hbm>> -> memref<32128x1024xf32, #tpu.memory_space<hbm>>
    tpu.wait_indirect_dma semaphore(%arg16 : memref<!tpu.dma_semaphore, #tpu.memory_space<semaphore_mem>>) src(%dma_wait3A_126 : memref<32128x1024xf32, #tpu.memory_space<hbm>>) dst(%arg10 : memref<32x1024xf32, #tpu.memory_space<vmem>>)
    %scan3A_127 = arith.constant 0 : i32
    %scan3A_128 = arith.constant 0 : i32
    %scan3A_129 = arith.constant 32 : i32
    %scan3A_130 = arith.addi %scan3A_128, %scan3A_129 : i32
    %scan3A_131 = arith.constant 1 : i32
    scf.for %scan3A_138 = %scan3A_128 to %scan3A_130 step %scan3A_131  : i32 {
      %mul3A_139 = arith.constant 32 : i32
      %mul3A_140 = arith.muli %scan3A_138, %mul3A_139 : i32
      %add3A_141 = arith.constant 0 : i32
      %add3A_142 = arith.addi %mul3A_140, %add3A_141 : i32
      %get3A = arith.constant 0 : i32
      %get3A_143 = arith.index_cast %get3A : i32 to index
      %get3A_144 = arith.index_cast %add3A_142 : i32 to index
      %get3A_145 = tpu.vector_load %arg10[%get3A_143, %get3A_144] {strides = array<i32>} : memref<32x1024xf32, #tpu.memory_space<vmem>>, vector<1x16xf32>,
      %get3A_146 = vector.shape_cast %get3A_145 : vector<1x16xf32> to vector<16xf32>
      %get3A_147 = arith.constant 1 : i32
      %get3A_148 = arith.index_cast %get3A_147 : i32 to index
      %get3A_149 = arith.index_cast %add3A_142 : i32 to index
      %get3A_150 = tpu.vector_load %arg10[%get3A_148, %get3A_149] {strides = array<i32>} : memref<32x1024xf32, #tpu.memory_space<vmem>>, vector<1x16xf32>,
      %get3A_151 = vector.shape_cast %get3A_150 : vector<1x16xf32> to vector<16xf32>
      %get3A_152 = arith.constant 2 : i32
      %get3A_153 = arith.index_cast %get3A_152 : i32 to index
      %get3A_154 = arith.index_cast %add3A_142 : i32 to index
      %get3A_155 = tpu.vector_load %arg10[%get3A_153, %get3A_154] {strides = array<i32>} : memref<32x1024xf32, #tpu.memory_space<vmem>>, vector<1x16xf32>,
      %get3A_156 = vector.shape_cast %get3A_155 : vector<1x16xf32> to vector<16xf32>
      %get3A_157 = arith.constant 3 : i32
      %get3A_158 = arith.index_cast %get3A_157 : i32 to index
      %get3A_159 = arith.index_cast %add3A_142 : i32 to index
      %get3A_160 = tpu.vector_load %arg10[%get3A_158, %get3A_159] {strides = array<i32>} : memref<32x1024xf32, #tpu.memory_space<vmem>>, vector<1x16xf32>,
      %get3A_161 = vector.shape_cast %get3A_160 : vector<1x16xf32> to vector<16xf32>
      %get3A_162 = arith.constant 4 : i32
      %get3A_163 = arith.index_cast %get3A_162 : i32 to index
      %get3A_164 = arith.index_cast %add3A_142 : i32 to index
      %get3A_165 = tpu.vector_load %arg10[%get3A_163, %get3A_164] {strides = array<i32>} : memref<32x1024xf32, #tpu.memory_space<vmem>>, vector<1x16xf32>,
      %get3A_166 = vector.shape_cast %get3A_165 : vector<1x16xf32> to vector<16xf32>
      %get3A_167 = arith.constant 5 : i32
      %get3A_168 = arith.index_cast %get3A_167 : i32 to index
      %get3A_169 = arith.index_cast %add3A_142 : i32 to index
      %get3A_170 = tpu.vector_load %arg10[%get3A_168, %get3A_169] {strides = array<i32>} : memref<32x1024xf32, #tpu.memory_space<vmem>>, vector<1x16xf32>,
      %get3A_171 = vector.shape_cast %get3A_170 : vector<1x16xf32> to vector<16xf32>
      %get3A_172 = arith.constant 6 : i32
      %get3A_173 = arith.index_cast %get3A_172 : i32 to index
      %get3A_174 = arith.index_cast %add3A_142 : i32 to index
      %get3A_175 = tpu.vector_load %arg10[%get3A_173, %get3A_174] {strides = array<i32>} : memref<32x1024xf32, #tpu.memory_space<vmem>>, vector<1x16xf32>,
      %get3A_176 = vector.shape_cast %get3A_175 : vector<1x16xf32> to vector<16xf32>
      %get3A_177 = arith.constant 7 : i32
      %get3A_178 = arith.index_cast %get3A_177 : i32 to index
      %get3A_179 = arith.index_cast %add3A_142 : i32 to index
      %get3A_180 = tpu.vector_load %arg10[%get3A_178, %get3A_179] {strides = array<i32>} : memref<32x1024xf32, #tpu.memory_space<vmem>>, vector<1x16xf32>,
      %get3A_181 = vector.shape_cast %get3A_180 : vector<1x16xf32> to vector<16xf32>
      %get3A_182 = arith.constant 8 : i32
      %get3A_183 = arith.index_cast %get3A_182 : i32 to index
      %get3A_184 = arith.index_cast %add3A_142 : i32 to index
      %get3A_185 = tpu.vector_load %arg10[%get3A_183, %get3A_184] {strides = array<i32>} : memref<32x1024xf32, #tpu.memory_space<vmem>>, vector<1x16xf32>,
      %get3A_186 = vector.shape_cast %get3A_185 : vector<1x16xf32> to vector<16xf32>
      %add3A_187 = arith.addf %get3A_146, %get3A_186 : vector<16xf32>
      %get3A_188 = arith.constant 9 : i32
      %get3A_189 = arith.index_cast %get3A_188 : i32 to index
      %get3A_190 = arith.index_cast %add3A_142 : i32 to index
      %get3A_191 = tpu.vector_load %arg10[%get3A_189, %get3A_190] {strides = array<i32>} : memref<32x1024xf32, #tpu.memory_space<vmem>>, vector<1x16xf32>,
      %get3A_192 = vector.shape_cast %get3A_191 : vector<1x16xf32> to vector<16xf32>
      %add3A_193 = arith.addf %get3A_151, %get3A_192 : vector<16xf32>
      %get3A_194 = arith.constant 10 : i32
      %get3A_195 = arith.index_cast %get3A_194 : i32 to index
      %get3A_196 = arith.index_cast %add3A_142 : i32 to index
      %get3A_197 = tpu.vector_load %arg10[%get3A_195, %get3A_196] {strides = array<i32>} : memref<32x1024xf32, #tpu.memory_space<vmem>>, vector<1x16xf32>,
      %get3A_198 = vector.shape_cast %get3A_197 : vector<1x16xf32> to vector<16xf32>
      %add3A_199 = arith.addf %get3A_156, %get3A_198 : vector<16xf32>
      %get3A_200 = arith.constant 11 : i32
      %get3A_201 = arith.index_cast %get3A_200 : i32 to index
      %get3A_202 = arith.index_cast %add3A_142 : i32 to index
      %get3A_203 = tpu.vector_load %arg10[%get3A_201, %get3A_202] {strides = array<i32>} : memref<32x1024xf32, #tpu.memory_space<vmem>>, vector<1x16xf32>,
      %get3A_204 = vector.shape_cast %get3A_203 : vector<1x16xf32> to vector<16xf32>
      %add3A_205 = arith.addf %get3A_161, %get3A_204 : vector<16xf32>
      %get3A_206 = arith.constant 12 : i32
      %get3A_207 = arith.index_cast %get3A_206 : i32 to index
      %get3A_208 = arith.index_cast %add3A_142 : i32 to index
      %get3A_209 = tpu.vector_load %arg10[%get3A_207, %get3A_208] {strides = array<i32>} : memref<32x1024xf32, #tpu.memory_space<vmem>>, vector<1x16xf32>,
      %get3A_210 = vector.shape_cast %get3A_209 : vector<1x16xf32> to vector<16xf32>
      %add3A_211 = arith.addf %get3A_166, %get3A_210 : vector<16xf32>
      %get3A_212 = arith.constant 13 : i32
      %get3A_213 = arith.index_cast %get3A_212 : i32 to index
      %get3A_214 = arith.index_cast %add3A_142 : i32 to index
      %get3A_215 = tpu.vector_load %arg10[%get3A_213, %get3A_214] {strides = array<i32>} : memref<32x1024xf32, #tpu.memory_space<vmem>>, vector<1x16xf32>,
      %get3A_216 = vector.shape_cast %get3A_215 : vector<1x16xf32> to vector<16xf32>
      %add3A_217 = arith.addf %get3A_171, %get3A_216 : vector<16xf32>
      %get3A_218 = arith.constant 14 : i32
      %get3A_219 = arith.index_cast %get3A_218 : i32 to index
      %get3A_220 = arith.index_cast %add3A_142 : i32 to index
      %get3A_221 = tpu.vector_load %arg10[%get3A_219, %get3A_220] {strides = array<i32>} : memref<32x1024xf32, #tpu.memory_space<vmem>>, vector<1x16xf32>,
      %get3A_222 = vector.shape_cast %get3A_221 : vector<1x16xf32> to vector<16xf32>
      %add3A_223 = arith.addf %get3A_176, %get3A_222 : vector<16xf32>
      %get3A_224 = arith.constant 15 : i32
      %get3A_225 = arith.index_cast %get3A_224 : i32 to index
      %get3A_226 = arith.index_cast %add3A_142 : i32 to index
      %get3A_227 = tpu.vector_load %arg10[%get3A_225, %get3A_226] {strides = array<i32>} : memref<32x1024xf32, #tpu.memory_space<vmem>>, vector<1x16xf32>,
      %get3A_228 = vector.shape_cast %get3A_227 : vector<1x16xf32> to vector<16xf32>
      %add3A_229 = arith.addf %get3A_181, %get3A_228 : vector<16xf32>
      %get3A_230 = arith.constant 16 : i32
      %get3A_231 = arith.index_cast %get3A_230 : i32 to index
      %get3A_232 = arith.index_cast %add3A_142 : i32 to index
      %get3A_233 = tpu.vector_load %arg10[%get3A_231, %get3A_232] {strides = array<i32>} : memref<32x1024xf32, #tpu.memory_space<vmem>>, vector<1x16xf32>,
      %get3A_234 = vector.shape_cast %get3A_233 : vector<1x16xf32> to vector<16xf32>
      %add3A_235 = arith.addf %add3A_187, %get3A_234 : vector<16xf32>
      %get3A_236 = arith.constant 17 : i32
      %get3A_237 = arith.index_cast %get3A_236 : i32 to index
      %get3A_238 = arith.index_cast %add3A_142 : i32 to index
      %get3A_239 = tpu.vector_load %arg10[%get3A_237, %get3A_238] {strides = array<i32>} : memref<32x1024xf32, #tpu.memory_space<vmem>>, vector<1x16xf32>,
      %get3A_240 = vector.shape_cast %get3A_239 : vector<1x16xf32> to vector<16xf32>
      %add3A_241 = arith.addf %add3A_193, %get3A_240 : vector<16xf32>
      %get3A_242 = arith.constant 18 : i32
      %get3A_243 = arith.index_cast %get3A_242 : i32 to index
      %get3A_244 = arith.index_cast %add3A_142 : i32 to index
      %get3A_245 = tpu.vector_load %arg10[%get3A_243, %get3A_244] {strides = array<i32>} : memref<32x1024xf32, #tpu.memory_space<vmem>>, vector<1x16xf32>,
      %get3A_246 = vector.shape_cast %get3A_245 : vector<1x16xf32> to vector<16xf32>
      %add3A_247 = arith.addf %add3A_199, %get3A_246 : vector<16xf32>
      %get3A_248 = arith.constant 19 : i32
      %get3A_249 = arith.index_cast %get3A_248 : i32 to index
      %get3A_250 = arith.index_cast %add3A_142 : i32 to index
      %get3A_251 = tpu.vector_load %arg10[%get3A_249, %get3A_250] {strides = array<i32>} : memref<32x1024xf32, #tpu.memory_space<vmem>>, vector<1x16xf32>,
      %get3A_252 = vector.shape_cast %get3A_251 : vector<1x16xf32> to vector<16xf32>
      %add3A_253 = arith.addf %add3A_205, %get3A_252 : vector<16xf32>
      %get3A_254 = arith.constant 20 : i32
      %get3A_255 = arith.index_cast %get3A_254 : i32 to index
      %get3A_256 = arith.index_cast %add3A_142 : i32 to index
      %get3A_257 = tpu.vector_load %arg10[%get3A_255, %get3A_256] {strides = array<i32>} : memref<32x1024xf32, #tpu.memory_space<vmem>>, vector<1x16xf32>,
      %get3A_258 = vector.shape_cast %get3A_257 : vector<1x16xf32> to vector<16xf32>
      %add3A_259 = arith.addf %add3A_211, %get3A_258 : vector<16xf32>
      %get3A_260 = arith.constant 21 : i32
      %get3A_261 = arith.index_cast %get3A_260 : i32 to index
      %get3A_262 = arith.index_cast %add3A_142 : i32 to index
      %get3A_263 = tpu.vector_load %arg10[%get3A_261, %get3A_262] {strides = array<i32>} : memref<32x1024xf32, #tpu.memory_space<vmem>>, vector<1x16xf32>,
      %get3A_264 = vector.shape_cast %get3A_263 : vector<1x16xf32> to vector<16xf32>
      %add3A_265 = arith.addf %add3A_217, %get3A_264 : vector<16xf32>
      %get3A_266 = arith.constant 22 : i32
      %get3A_267 = arith.index_cast %get3A_266 : i32 to index
      %get3A_268 = arith.index_cast %add3A_142 : i32 to index
      %get3A_269 = tpu.vector_load %arg10[%get3A_267, %get3A_268] {strides = array<i32>} : memref<32x1024xf32, #tpu.memory_space<vmem>>, vector<1x16xf32>,
      %get3A_270 = vector.shape_cast %get3A_269 : vector<1x16xf32> to vector<16xf32>
      %add3A_271 = arith.addf %add3A_223, %get3A_270 : vector<16xf32>
      %get3A_272 = arith.constant 23 : i32
      %get3A_273 = arith.index_cast %get3A_272 : i32 to index
      %get3A_274 = arith.index_cast %add3A_142 : i32 to index
      %get3A_275 = tpu.vector_load %arg10[%get3A_273, %get3A_274] {strides = array<i32>} : memref<32x1024xf32, #tpu.memory_space<vmem>>, vector<1x16xf32>,
      %get3A_276 = vector.shape_cast %get3A_275 : vector<1x16xf32> to vector<16xf32>
      %add3A_277 = arith.addf %add3A_229, %get3A_276 : vector<16xf32>
      %get3A_278 = arith.constant 24 : i32
      %get3A_279 = arith.index_cast %get3A_278 : i32 to index
      %get3A_280 = arith.index_cast %add3A_142 : i32 to index
      %get3A_281 = tpu.vector_load %arg10[%get3A_279, %get3A_280] {strides = array<i32>} : memref<32x1024xf32, #tpu.memory_space<vmem>>, vector<1x16xf32>,
      %get3A_282 = vector.shape_cast %get3A_281 : vector<1x16xf32> to vector<16xf32>
      %add3A_283 = arith.addf %add3A_235, %get3A_282 : vector<16xf32>
      %get3A_284 = arith.constant 25 : i32
      %get3A_285 = arith.index_cast %get3A_284 : i32 to index
      %get3A_286 = arith.index_cast %add3A_142 : i32 to index
      %get3A_287 = tpu.vector_load %arg10[%get3A_285, %get3A_286] {strides = array<i32>} : memref<32x1024xf32, #tpu.memory_space<vmem>>, vector<1x16xf32>,
      %get3A_288 = vector.shape_cast %get3A_287 : vector<1x16xf32> to vector<16xf32>
      %add3A_289 = arith.addf %add3A_241, %get3A_288 : vector<16xf32>
      %get3A_290 = arith.constant 26 : i32
      %get3A_291 = arith.index_cast %get3A_290 : i32 to index
      %get3A_292 = arith.index_cast %add3A_142 : i32 to index
      %get3A_293 = tpu.vector_load %arg10[%get3A_291, %get3A_292] {strides = array<i32>} : memref<32x1024xf32, #tpu.memory_space<vmem>>, vector<1x16xf32>,
      %get3A_294 = vector.shape_cast %get3A_293 : vector<1x16xf32> to vector<16xf32>
      %add3A_295 = arith.addf %add3A_247, %get3A_294 : vector<16xf32>
      %get3A_296 = arith.constant 27 : i32
      %get3A_297 = arith.index_cast %get3A_296 : i32 to index
      %get3A_298 = arith.index_cast %add3A_142 : i32 to index
      %get3A_299 = tpu.vector_load %arg10[%get3A_297, %get3A_298] {strides = array<i32>} : memref<32x1024xf32, #tpu.memory_space<vmem>>, vector<1x16xf32>,
      %get3A_300 = vector.shape_cast %get3A_299 : vector<1x16xf32> to vector<16xf32>
      %add3A_301 = arith.addf %add3A_253, %get3A_300 : vector<16xf32>
      %get3A_302 = arith.constant 28 : i32
      %get3A_303 = arith.index_cast %get3A_302 : i32 to index
      %get3A_304 = arith.index_cast %add3A_142 : i32 to index
      %get3A_305 = tpu.vector_load %arg10[%get3A_303, %get3A_304] {strides = array<i32>} : memref<32x1024xf32, #tpu.memory_space<vmem>>, vector<1x16xf32>,
      %get3A_306 = vector.shape_cast %get3A_305 : vector<1x16xf32> to vector<16xf32>
      %add3A_307 = arith.addf %add3A_259, %get3A_306 : vector<16xf32>
      %get3A_308 = arith.constant 29 : i32
      %get3A_309 = arith.index_cast %get3A_308 : i32 to index
      %get3A_310 = arith.index_cast %add3A_142 : i32 to index
      %get3A_311 = tpu.vector_load %arg10[%get3A_309, %get3A_310] {strides = array<i32>} : memref<32x1024xf32, #tpu.memory_space<vmem>>, vector<1x16xf32>,
      %get3A_312 = vector.shape_cast %get3A_311 : vector<1x16xf32> to vector<16xf32>
      %add3A_313 = arith.addf %add3A_265, %get3A_312 : vector<16xf32>
      %get3A_314 = arith.constant 30 : i32
      %get3A_315 = arith.index_cast %get3A_314 : i32 to index
      %get3A_316 = arith.index_cast %add3A_142 : i32 to index
      %get3A_317 = tpu.vector_load %arg10[%get3A_315, %get3A_316] {strides = array<i32>} : memref<32x1024xf32, #tpu.memory_space<vmem>>, vector<1x16xf32>,
      %get3A_318 = vector.shape_cast %get3A_317 : vector<1x16xf32> to vector<16xf32>
      %add3A_319 = arith.addf %add3A_271, %get3A_318 : vector<16xf32>
      %get3A_320 = arith.constant 31 : i32
      %get3A_321 = arith.index_cast %get3A_320 : i32 to index
      %get3A_322 = arith.index_cast %add3A_142 : i32 to index
      %get3A_323 = tpu.vector_load %arg10[%get3A_321, %get3A_322] {strides = array<i32>} : memref<32x1024xf32, #tpu.memory_space<vmem>>, vector<1x16xf32>,
      %get3A_324 = vector.shape_cast %get3A_323 : vector<1x16xf32> to vector<16xf32>
      %add3A_325 = arith.addf %add3A_277, %get3A_324 : vector<16xf32>
      %add3A_326 = arith.addf %add3A_283, %add3A_289 : vector<16xf32>
      %add3A_327 = arith.addf %add3A_295, %add3A_301 : vector<16xf32>
      %add3A_328 = arith.addf %add3A_326, %add3A_327 : vector<16xf32>
      %add3A_329 = arith.addf %add3A_307, %add3A_313 : vector<16xf32>
      %add3A_330 = arith.addf %add3A_319, %add3A_325 : vector<16xf32>
      %add3A_331 = arith.addf %add3A_329, %add3A_330 : vector<16xf32>
      %add3A_332 = arith.addf %add3A_328, %add3A_331 : vector<16xf32>
      %get3A_333 = arith.index_cast %add3A_142 : i32 to index
      %get3A_334 = tpu.vector_load %arg12[%get3A_333] {strides = array<i32>} : memref<1024xf32, #tpu.memory_space<vmem>>, vector<16xf32>,
      %get3A_335 = vector.shape_cast %get3A_334 : vector<16xf32> to vector<16xf32>
      %add3A_336 = arith.addf %get3A_335, %add3A_332 : vector<16xf32>
      %swap3A = arith.index_cast %add3A_142 : i32 to index
      %swap3A_337 = tpu.vector_load %arg12[%swap3A] {strides = array<i32>} : memref<1024xf32, #tpu.memory_space<vmem>>, vector<16xf32>,
      %swap3A_338 = vector.shape_cast %swap3A_337 : vector<16xf32> to vector<16xf32>
      %swap3A_339 = vector.shape_cast %add3A_336 : vector<16xf32> to vector<16xf32>
      tpu.vector_store %arg12[%swap3A], %swap3A_339 {strides = array<i32>} : memref<1024xf32, #tpu.memory_space<vmem>>, vector<16xf32>,
      %mul3A_340 = arith.constant 32 : i32
      %mul3A_341 = arith.muli %scan3A_138, %mul3A_340 : i32
      %add3A_342 = arith.constant 16 : i32
      %add3A_343 = arith.addi %mul3A_341, %add3A_342 : i32
      %get3A_344 = arith.constant 0 : i32
      %get3A_345 = arith.index_cast %get3A_344 : i32 to index
      %get3A_346 = arith.index_cast %add3A_343 : i32 to index
      %get3A_347 = tpu.vector_load %arg10[%get3A_345, %get3A_346] {strides = array<i32>} : memref<32x1024xf32, #tpu.memory_space<vmem>>, vector<1x16xf32>,
      %get3A_348 = vector.shape_cast %get3A_347 : vector<1x16xf32> to vector<16xf32>
      %get3A_349 = arith.constant 1 : i32
      %get3A_350 = arith.index_cast %get3A_349 : i32 to index
      %get3A_351 = arith.index_cast %add3A_343 : i32 to index
      %get3A_352 = tpu.vector_load %arg10[%get3A_350, %get3A_351] {strides = array<i32>} : memref<32x1024xf32, #tpu.memory_space<vmem>>, vector<1x16xf32>,
      %get3A_353 = vector.shape_cast %get3A_352 : vector<1x16xf32> to vector<16xf32>
      %get3A_354 = arith.constant 2 : i32
      %get3A_355 = arith.index_cast %get3A_354 : i32 to index
      %get3A_356 = arith.index_cast %add3A_343 : i32 to index
      %get3A_357 = tpu.vector_load %arg10[%get3A_355, %get3A_356] {strides = array<i32>} : memref<32x1024xf32, #tpu.memory_space<vmem>>, vector<1x16xf32>,
      %get3A_358 = vector.shape_cast %get3A_357 : vector<1x16xf32> to vector<16xf32>
      %get3A_359 = arith.constant 3 : i32
      %get3A_360 = arith.index_cast %get3A_359 : i32 to index
      %get3A_361 = arith.index_cast %add3A_343 : i32 to index
      %get3A_362 = tpu.vector_load %arg10[%get3A_360, %get3A_361] {strides = array<i32>} : memref<32x1024xf32, #tpu.memory_space<vmem>>, vector<1x16xf32>,
      %get3A_363 = vector.shape_cast %get3A_362 : vector<1x16xf32> to vector<16xf32>
      %get3A_364 = arith.constant 4 : i32
      %get3A_365 = arith.index_cast %get3A_364 : i32 to index
      %get3A_366 = arith.index_cast %add3A_343 : i32 to index
      %get3A_367 = tpu.vector_load %arg10[%get3A_365, %get3A_366] {strides = array<i32>} : memref<32x1024xf32, #tpu.memory_space<vmem>>, vector<1x16xf32>,
      %get3A_368 = vector.shape_cast %get3A_367 : vector<1x16xf32> to vector<16xf32>
      %get3A_369 = arith.constant 5 : i32
      %get3A_370 = arith.index_cast %get3A_369 : i32 to index
      %get3A_371 = arith.index_cast %add3A_343 : i32 to index
      %get3A_372 = tpu.vector_load %arg10[%get3A_370, %get3A_371] {strides = array<i32>} : memref<32x1024xf32, #tpu.memory_space<vmem>>, vector<1x16xf32>,
      %get3A_373 = vector.shape_cast %get3A_372 : vector<1x16xf32> to vector<16xf32>
      %get3A_374 = arith.constant 6 : i32
      %get3A_375 = arith.index_cast %get3A_374 : i32 to index
      %get3A_376 = arith.index_cast %add3A_343 : i32 to index
      %get3A_377 = tpu.vector_load %arg10[%get3A_375, %get3A_376] {strides = array<i32>} : memref<32x1024xf32, #tpu.memory_space<vmem>>, vector<1x16xf32>,
      %get3A_378 = vector.shape_cast %get3A_377 : vector<1x16xf32> to vector<16xf32>
      %get3A_379 = arith.constant 7 : i32
      %get3A_380 = arith.index_cast %get3A_379 : i32 to index
      %get3A_381 = arith.index_cast %add3A_343 : i32 to index
      %get3A_382 = tpu.vector_load %arg10[%get3A_380, %get3A_381] {strides = array<i32>} : memref<32x1024xf32, #tpu.memory_space<vmem>>, vector<1x16xf32>,
      %get3A_383 = vector.shape_cast %get3A_382 : vector<1x16xf32> to vector<16xf32>
      %get3A_384 = arith.constant 8 : i32
      %get3A_385 = arith.index_cast %get3A_384 : i32 to index
      %get3A_386 = arith.index_cast %add3A_343 : i32 to index
      %get3A_387 = tpu.vector_load %arg10[%get3A_385, %get3A_386] {strides = array<i32>} : memref<32x1024xf32, #tpu.memory_space<vmem>>, vector<1x16xf32>,
      %get3A_388 = vector.shape_cast %get3A_387 : vector<1x16xf32> to vector<16xf32>
      %add3A_389 = arith.addf %get3A_348, %get3A_388 : vector<16xf32>
      %get3A_390 = arith.constant 9 : i32
      %get3A_391 = arith.index_cast %get3A_390 : i32 to index
      %get3A_392 = arith.index_cast %add3A_343 : i32 to index
      %get3A_393 = tpu.vector_load %arg10[%get3A_391, %get3A_392] {strides = array<i32>} : memref<32x1024xf32, #tpu.memory_space<vmem>>, vector<1x16xf32>,
      %get3A_394 = vector.shape_cast %get3A_393 : vector<1x16xf32> to vector<16xf32>
      %add3A_395 = arith.addf %get3A_353, %get3A_394 : vector<16xf32>
      %get3A_396 = arith.constant 10 : i32
      %get3A_397 = arith.index_cast %get3A_396 : i32 to index
      %get3A_398 = arith.index_cast %add3A_343 : i32 to index
      %get3A_399 = tpu.vector_load %arg10[%get3A_397, %get3A_398] {strides = array<i32>} : memref<32x1024xf32, #tpu.memory_space<vmem>>, vector<1x16xf32>,
      %get3A_400 = vector.shape_cast %get3A_399 : vector<1x16xf32> to vector<16xf32>
      %add3A_401 = arith.addf %get3A_358, %get3A_400 : vector<16xf32>
      %get3A_402 = arith.constant 11 : i32
      %get3A_403 = arith.index_cast %get3A_402 : i32 to index
      %get3A_404 = arith.index_cast %add3A_343 : i32 to index
      %get3A_405 = tpu.vector_load %arg10[%get3A_403, %get3A_404] {strides = array<i32>} : memref<32x1024xf32, #tpu.memory_space<vmem>>, vector<1x16xf32>,
      %get3A_406 = vector.shape_cast %get3A_405 : vector<1x16xf32> to vector<16xf32>
      %add3A_407 = arith.addf %get3A_363, %get3A_406 : vector<16xf32>
      %get3A_408 = arith.constant 12 : i32
      %get3A_409 = arith.index_cast %get3A_408 : i32 to index
      %get3A_410 = arith.index_cast %add3A_343 : i32 to index
      %get3A_411 = tpu.vector_load %arg10[%get3A_409, %get3A_410] {strides = array<i32>} : memref<32x1024xf32, #tpu.memory_space<vmem>>, vector<1x16xf32>,
      %get3A_412 = vector.shape_cast %get3A_411 : vector<1x16xf32> to vector<16xf32>
      %add3A_413 = arith.addf %get3A_368, %get3A_412 : vector<16xf32>
      %get3A_414 = arith.constant 13 : i32
      %get3A_415 = arith.index_cast %get3A_414 : i32 to index
      %get3A_416 = arith.index_cast %add3A_343 : i32 to index
      %get3A_417 = tpu.vector_load %arg10[%get3A_415, %get3A_416] {strides = array<i32>} : memref<32x1024xf32, #tpu.memory_space<vmem>>, vector<1x16xf32>,
      %get3A_418 = vector.shape_cast %get3A_417 : vector<1x16xf32> to vector<16xf32>
      %add3A_419 = arith.addf %get3A_373, %get3A_418 : vector<16xf32>
      %get3A_420 = arith.constant 14 : i32
      %get3A_421 = arith.index_cast %get3A_420 : i32 to index
      %get3A_422 = arith.index_cast %add3A_343 : i32 to index
      %get3A_423 = tpu.vector_load %arg10[%get3A_421, %get3A_422] {strides = array<i32>} : memref<32x1024xf32, #tpu.memory_space<vmem>>, vector<1x16xf32>,
      %get3A_424 = vector.shape_cast %get3A_423 : vector<1x16xf32> to vector<16xf32>
      %add3A_425 = arith.addf %get3A_378, %get3A_424 : vector<16xf32>
      %get3A_426 = arith.constant 15 : i32
      %get3A_427 = arith.index_cast %get3A_426 : i32 to index
      %get3A_428 = arith.index_cast %add3A_343 : i32 to index
      %get3A_429 = tpu.vector_load %arg10[%get3A_427, %get3A_428] {strides = array<i32>} : memref<32x1024xf32, #tpu.memory_space<vmem>>, vector<1x16xf32>,
      %get3A_430 = vector.shape_cast %get3A_429 : vector<1x16xf32> to vector<16xf32>
      %add3A_431 = arith.addf %get3A_383, %get3A_430 : vector<16xf32>
      %get3A_432 = arith.constant 16 : i32
      %get3A_433 = arith.index_cast %get3A_432 : i32 to index
      %get3A_434 = arith.index_cast %add3A_343 : i32 to index
      %get3A_435 = tpu.vector_load %arg10[%get3A_433, %get3A_434] {strides = array<i32>} : memref<32x1024xf32, #tpu.memory_space<vmem>>, vector<1x16xf32>,
      %get3A_436 = vector.shape_cast %get3A_435 : vector<1x16xf32> to vector<16xf32>
      %add3A_437 = arith.addf %add3A_389, %get3A_436 : vector<16xf32>
      %get3A_438 = arith.constant 17 : i32
      %get3A_439 = arith.index_cast %get3A_438 : i32 to index
      %get3A_440 = arith.index_cast %add3A_343 : i32 to index
      %get3A_441 = tpu.vector_load %arg10[%get3A_439, %get3A_440] {strides = array<i32>} : memref<32x1024xf32, #tpu.memory_space<vmem>>, vector<1x16xf32>,
      %get3A_442 = vector.shape_cast %get3A_441 : vector<1x16xf32> to vector<16xf32>
      %add3A_443 = arith.addf %add3A_395, %get3A_442 : vector<16xf32>
      %get3A_444 = arith.constant 18 : i32
      %get3A_445 = arith.index_cast %get3A_444 : i32 to index
      %get3A_446 = arith.index_cast %add3A_343 : i32 to index
      %get3A_447 = tpu.vector_load %arg10[%get3A_445, %get3A_446] {strides = array<i32>} : memref<32x1024xf32, #tpu.memory_space<vmem>>, vector<1x16xf32>,
      %get3A_448 = vector.shape_cast %get3A_447 : vector<1x16xf32> to vector<16xf32>
      %add3A_449 = arith.addf %add3A_401, %get3A_448 : vector<16xf32>
      %get3A_450 = arith.constant 19 : i32
      %get3A_451 = arith.index_cast %get3A_450 : i32 to index
      %get3A_452 = arith.index_cast %add3A_343 : i32 to index
      %get3A_453 = tpu.vector_load %arg10[%get3A_451, %get3A_452] {strides = array<i32>} : memref<32x1024xf32, #tpu.memory_space<vmem>>, vector<1x16xf32>,
      %get3A_454 = vector.shape_cast %get3A_453 : vector<1x16xf32> to vector<16xf32>
      %add3A_455 = arith.addf %add3A_407, %get3A_454 : vector<16xf32>
      %get3A_456 = arith.constant 20 : i32
      %get3A_457 = arith.index_cast %get3A_456 : i32 to index
      %get3A_458 = arith.index_cast %add3A_343 : i32 to index
      %get3A_459 = tpu.vector_load %arg10[%get3A_457, %get3A_458] {strides = array<i32>} : memref<32x1024xf32, #tpu.memory_space<vmem>>, vector<1x16xf32>,
      %get3A_460 = vector.shape_cast %get3A_459 : vector<1x16xf32> to vector<16xf32>
      %add3A_461 = arith.addf %add3A_413, %get3A_460 : vector<16xf32>
      %get3A_462 = arith.constant 21 : i32
      %get3A_463 = arith.index_cast %get3A_462 : i32 to index
      %get3A_464 = arith.index_cast %add3A_343 : i32 to index
      %get3A_465 = tpu.vector_load %arg10[%get3A_463, %get3A_464] {strides = array<i32>} : memref<32x1024xf32, #tpu.memory_space<vmem>>, vector<1x16xf32>,
      %get3A_466 = vector.shape_cast %get3A_465 : vector<1x16xf32> to vector<16xf32>
      %add3A_467 = arith.addf %add3A_419, %get3A_466 : vector<16xf32>
      %get3A_468 = arith.constant 22 : i32
      %get3A_469 = arith.index_cast %get3A_468 : i32 to index
      %get3A_470 = arith.index_cast %add3A_343 : i32 to index
      %get3A_471 = tpu.vector_load %arg10[%get3A_469, %get3A_470] {strides = array<i32>} : memref<32x1024xf32, #tpu.memory_space<vmem>>, vector<1x16xf32>,
      %get3A_472 = vector.shape_cast %get3A_471 : vector<1x16xf32> to vector<16xf32>
      %add3A_473 = arith.addf %add3A_425, %get3A_472 : vector<16xf32>
      %get3A_474 = arith.constant 23 : i32
      %get3A_475 = arith.index_cast %get3A_474 : i32 to index
      %get3A_476 = arith.index_cast %add3A_343 : i32 to index
      %get3A_477 = tpu.vector_load %arg10[%get3A_475, %get3A_476] {strides = array<i32>} : memref<32x1024xf32, #tpu.memory_space<vmem>>, vector<1x16xf32>,
      %get3A_478 = vector.shape_cast %get3A_477 : vector<1x16xf32> to vector<16xf32>
      %add3A_479 = arith.addf %add3A_431, %get3A_478 : vector<16xf32>
      %get3A_480 = arith.constant 24 : i32
      %get3A_481 = arith.index_cast %get3A_480 : i32 to index
      %get3A_482 = arith.index_cast %add3A_343 : i32 to index
      %get3A_483 = tpu.vector_load %arg10[%get3A_481, %get3A_482] {strides = array<i32>} : memref<32x1024xf32, #tpu.memory_space<vmem>>, vector<1x16xf32>,
      %get3A_484 = vector.shape_cast %get3A_483 : vector<1x16xf32> to vector<16xf32>
      %add3A_485 = arith.addf %add3A_437, %get3A_484 : vector<16xf32>
      %get3A_486 = arith.constant 25 : i32
      %get3A_487 = arith.index_cast %get3A_486 : i32 to index
      %get3A_488 = arith.index_cast %add3A_343 : i32 to index
      %get3A_489 = tpu.vector_load %arg10[%get3A_487, %get3A_488] {strides = array<i32>} : memref<32x1024xf32, #tpu.memory_space<vmem>>, vector<1x16xf32>,
      %get3A_490 = vector.shape_cast %get3A_489 : vector<1x16xf32> to vector<16xf32>
      %add3A_491 = arith.addf %add3A_443, %get3A_490 : vector<16xf32>
      %get3A_492 = arith.constant 26 : i32
      %get3A_493 = arith.index_cast %get3A_492 : i32 to index
      %get3A_494 = arith.index_cast %add3A_343 : i32 to index
      %get3A_495 = tpu.vector_load %arg10[%get3A_493, %get3A_494] {strides = array<i32>} : memref<32x1024xf32, #tpu.memory_space<vmem>>, vector<1x16xf32>,
      %get3A_496 = vector.shape_cast %get3A_495 : vector<1x16xf32> to vector<16xf32>
      %add3A_497 = arith.addf %add3A_449, %get3A_496 : vector<16xf32>
      %get3A_498 = arith.constant 27 : i32
      %get3A_499 = arith.index_cast %get3A_498 : i32 to index
      %get3A_500 = arith.index_cast %add3A_343 : i32 to index
      %get3A_501 = tpu.vector_load %arg10[%get3A_499, %get3A_500] {strides = array<i32>} : memref<32x1024xf32, #tpu.memory_space<vmem>>, vector<1x16xf32>,
      %get3A_502 = vector.shape_cast %get3A_501 : vector<1x16xf32> to vector<16xf32>
      %add3A_503 = arith.addf %add3A_455, %get3A_502 : vector<16xf32>
      %get3A_504 = arith.constant 28 : i32
      %get3A_505 = arith.index_cast %get3A_504 : i32 to index
      %get3A_506 = arith.index_cast %add3A_343 : i32 to index
      %get3A_507 = tpu.vector_load %arg10[%get3A_505, %get3A_506] {strides = array<i32>} : memref<32x1024xf32, #tpu.memory_space<vmem>>, vector<1x16xf32>,
      %get3A_508 = vector.shape_cast %get3A_507 : vector<1x16xf32> to vector<16xf32>
      %add3A_509 = arith.addf %add3A_461, %get3A_508 : vector<16xf32>
      %get3A_510 = arith.constant 29 : i32
      %get3A_511 = arith.index_cast %get3A_510 : i32 to index
      %get3A_512 = arith.index_cast %add3A_343 : i32 to index
      %get3A_513 = tpu.vector_load %arg10[%get3A_511, %get3A_512] {strides = array<i32>} : memref<32x1024xf32, #tpu.memory_space<vmem>>, vector<1x16xf32>,
      %get3A_514 = vector.shape_cast %get3A_513 : vector<1x16xf32> to vector<16xf32>
      %add3A_515 = arith.addf %add3A_467, %get3A_514 : vector<16xf32>
      %get3A_516 = arith.constant 30 : i32
      %get3A_517 = arith.index_cast %get3A_516 : i32 to index
      %get3A_518 = arith.index_cast %add3A_343 : i32 to index
      %get3A_519 = tpu.vector_load %arg10[%get3A_517, %get3A_518] {strides = array<i32>} : memref<32x1024xf32, #tpu.memory_space<vmem>>, vector<1x16xf32>,
      %get3A_520 = vector.shape_cast %get3A_519 : vector<1x16xf32> to vector<16xf32>
      %add3A_521 = arith.addf %add3A_473, %get3A_520 : vector<16xf32>
      %get3A_522 = arith.constant 31 : i32
      %get3A_523 = arith.index_cast %get3A_522 : i32 to index
      %get3A_524 = arith.index_cast %add3A_343 : i32 to index
      %get3A_525 = tpu.vector_load %arg10[%get3A_523, %get3A_524] {strides = array<i32>} : memref<32x1024xf32, #tpu.memory_space<vmem>>, vector<1x16xf32>,
      %get3A_526 = vector.shape_cast %get3A_525 : vector<1x16xf32> to vector<16xf32>
      %add3A_527 = arith.addf %add3A_479, %get3A_526 : vector<16xf32>
      %add3A_528 = arith.addf %add3A_485, %add3A_491 : vector<16xf32>
      %add3A_529 = arith.addf %add3A_497, %add3A_503 : vector<16xf32>
      %add3A_530 = arith.addf %add3A_528, %add3A_529 : vector<16xf32>
      %add3A_531 = arith.addf %add3A_509, %add3A_515 : vector<16xf32>
      %add3A_532 = arith.addf %add3A_521, %add3A_527 : vector<16xf32>
      %add3A_533 = arith.addf %add3A_531, %add3A_532 : vector<16xf32>
      %add3A_534 = arith.addf %add3A_530, %add3A_533 : vector<16xf32>
      %get3A_535 = arith.index_cast %add3A_343 : i32 to index
      %get3A_536 = tpu.vector_load %arg12[%get3A_535] {strides = array<i32>} : memref<1024xf32, #tpu.memory_space<vmem>>, vector<16xf32>,
      %get3A_537 = vector.shape_cast %get3A_536 : vector<16xf32> to vector<16xf32>
      %add3A_538 = arith.addf %get3A_537, %add3A_534 : vector<16xf32>
      %swap3A_539 = arith.index_cast %add3A_343 : i32 to index
      %swap3A_540 = tpu.vector_load %arg12[%swap3A_539] {strides = array<i32>} : memref<1024xf32, #tpu.memory_space<vmem>>, vector<16xf32>,
      %swap3A_541 = vector.shape_cast %swap3A_540 : vector<16xf32> to vector<16xf32>
      %swap3A_542 = vector.shape_cast %add3A_538 : vector<16xf32> to vector<16xf32>
      tpu.vector_store %arg12[%swap3A_539], %swap3A_542 {strides = array<i32>} : memref<1024xf32, #tpu.memory_space<vmem>>, vector<16xf32>,
    }
    %scan3A_132 = arith.constant 32 : i32
    "tpu.region"() ({
      %run_scoped3A = tpu.sem_alloc : memref<!tpu.dma_semaphore, #tpu.memory_space<semaphore_mem>>
      %dma_start3A_138 = arith.constant 0 : i32
      %dma_start3A_139 = tpu.memref_slice %arg6[%add3A, %dma_start3A_138] : memref<32x1024xf32, #tpu.memory_space<hbm>> -> memref<1x1024xf32, #tpu.memory_space<hbm>>
      %dma_start3A_140 = tpu.memref_squeeze %dma_start3A_139 : memref<1x1024xf32, #tpu.memory_space<hbm>> -> memref<1024xf32, #tpu.memory_space<hbm>>
      %dma_start3A_141 = arith.constant 0 : i32
      %dma_start3A_142 = tpu.memref_slice %arg6[%add3A, %dma_start3A_141] : memref<32x1024xf32, #tpu.memory_space<hbm>> -> memref<1x1024xf32, #tpu.memory_space<hbm>>
      %dma_start3A_143 = tpu.memref_squeeze %dma_start3A_142 : memref<1x1024xf32, #tpu.memory_space<hbm>> -> memref<1024xf32, #tpu.memory_space<hbm>>
      tpu.enqueue_dma source(%arg12 : memref<1024xf32, #tpu.memory_space<vmem>>) target(%dma_start3A_143 : memref<1024xf32, #tpu.memory_space<hbm>>) target_semaphore(%run_scoped3A : memref<!tpu.dma_semaphore, #tpu.memory_space<semaphore_mem>>)
      %dma_wait3A_144 = arith.constant 0 : i32
      %dma_wait3A_145 = tpu.memref_slice %arg6[%add3A, %dma_wait3A_144] : memref<32x1024xf32, #tpu.memory_space<hbm>> -> memref<1x1024xf32, #tpu.memory_space<hbm>>
      %dma_wait3A_146 = tpu.memref_squeeze %dma_wait3A_145 : memref<1x1024xf32, #tpu.memory_space<hbm>> -> memref<1024xf32, #tpu.memory_space<hbm>>
      %dma_wait3A_147 = arith.constant 0 : i32
      %dma_wait3A_148 = tpu.memref_slice %arg6[%add3A, %dma_wait3A_147] : memref<32x1024xf32, #tpu.memory_space<hbm>> -> memref<1x1024xf32, #tpu.memory_space<hbm>>
      %dma_wait3A_149 = tpu.memref_squeeze %dma_wait3A_148 : memref<1x1024xf32, #tpu.memory_space<hbm>> -> memref<1024xf32, #tpu.memory_space<hbm>>
      tpu.wait_dma2 semaphore(%run_scoped3A : memref<!tpu.dma_semaphore, #tpu.memory_space<semaphore_mem>>) src(%arg12 : memref<1024xf32, #tpu.memory_space<vmem>>) dst(%dma_wait3A_149 : memref<1024xf32, #tpu.memory_space<hbm>>)
      tpu.yield
    }) : () -> ()
    %dma_wait3A_133 = arith.constant 0 : i32
    %dma_wait3A_134 = arith.constant 0 : i32
    %dma_wait3A_135 = tpu.memref_slice %arg5[%dma_wait3A_133, %dma_wait3A_134] : memref<32128x1024xf32, #tpu.memory_space<hbm>> -> memref<32128x1024xf32, #tpu.memory_space<hbm>>
    tpu.wait_indirect_dma semaphore(%arg18 : memref<!tpu.dma_semaphore, #tpu.memory_space<semaphore_mem>>) src(%dma_wait3A_135 : memref<32128x1024xf32, #tpu.memory_space<hbm>>) dst(%arg14 : memref<8x1024xf32, #tpu.memory_space<vmem>>)
    %mul3A_136 = arith.constant 8 : i32
    %mul3A_137 = arith.muli %add3A, %mul3A_136 : i32
    "tpu.region"() ({
      %run_scoped3A = tpu.sem_alloc : memref<!tpu.dma_semaphore, #tpu.memory_space<semaphore_mem>>
      %dma_start3A_138 = arith.constant 0 : i32
      %dma_start3A_139 = tpu.memref_slice %arg7[%mul3A_137, %dma_start3A_138] : memref<256x1024xf32, #tpu.memory_space<hbm>> -> memref<8x1024xf32, #tpu.memory_space<hbm>>
      %dma_start3A_140 = arith.constant 0 : i32
      %dma_start3A_141 = tpu.memref_slice %arg7[%mul3A_137, %dma_start3A_140] : memref<256x1024xf32, #tpu.memory_space<hbm>> -> memref<8x1024xf32, #tpu.memory_space<hbm>>
      tpu.enqueue_dma source(%arg14 : memref<8x1024xf32, #tpu.memory_space<vmem>>) target(%dma_start3A_141 : memref<8x1024xf32, #tpu.memory_space<hbm>>) target_semaphore(%run_scoped3A : memref<!tpu.dma_semaphore, #tpu.memory_space<semaphore_mem>>)
      %dma_wait3A_142 = arith.constant 0 : i32
      %dma_wait3A_143 = tpu.memref_slice %arg7[%mul3A_137, %dma_wait3A_142] : memref<256x1024xf32, #tpu.memory_space<hbm>> -> memref<8x1024xf32, #tpu.memory_space<hbm>>
      %dma_wait3A_144 = arith.constant 0 : i32
      %dma_wait3A_145 = tpu.memref_slice %arg7[%mul3A_137, %dma_wait3A_144] : memref<256x1024xf32, #tpu.memory_space<hbm>> -> memref<8x1024xf32, #tpu.memory_space<hbm>>
      tpu.wait_dma2 semaphore(%run_scoped3A : memref<!tpu.dma_semaphore, #tpu.memory_space<semaphore_mem>>) src(%arg14 : memref<8x1024xf32, #tpu.memory_space<vmem>>) dst(%dma_wait3A_145 : memref<8x1024xf32, #tpu.memory_space<hbm>>)
      tpu.yield
    }) : () -> ()
    return
  }
}

module attributes {stable_mosaic.version = 14 : i64} {
  func.func @_fused_body(%arg0: i32, %arg1: memref<32x1024xf32, #tpu.memory_space<vmem>>, %arg2: memref<4x1x2048xf32, #tpu.memory_space<vmem>>, %arg3: memref<4x64x1024xf32, #tpu.memory_space<vmem>>, %arg4: memref<4x64x1xf32, #tpu.memory_space<vmem>>, %arg5: memref<1024x1024xf32, #tpu.memory_space<vmem>>, %arg6: memref<1024x256xf32, #tpu.memory_space<vmem>>, %arg7: memref<1024x256xf32, #tpu.memory_space<vmem>>, %arg8: memref<256x8xf32, #tpu.memory_space<vmem>>, %arg9: memref<8x1024xf32, #tpu.memory_space<vmem>>, %arg10: memref<1024x1024xf32, #tpu.memory_space<vmem>>, %arg11: memref<1024x2048xf32, #tpu.memory_space<vmem>>, %arg12: memref<4x4096x8xf32, #tpu.memory_space<vmem>>, %arg13: memref<256x2048xf32, #tpu.memory_space<vmem>>, %arg14: memref<256x1024xf32, #tpu.memory_space<vmem>>) attributes {dimension_semantics = [#tpu.dimension_semantics<arbitrary>], iteration_bounds = array<i64: 16>, scalar_prefetch = 0 : i64, scratch_operands = 1 : i64, tpu.core_type = #tpu.core_type<tc>, window_params = [{pipeline_mode = #tpu.pipeline_mode<synchronous>, transform_indices = @transform_0, window_bounds = array<i64: 32, 1024>}, {pipeline_mode = #tpu.pipeline_mode<synchronous>, transform_indices = @transform_1, window_bounds = array<i64: 4, 1, 2048>}, {pipeline_mode = #tpu.pipeline_mode<synchronous>, transform_indices = @transform_2, window_bounds = array<i64: 4, 64, 1024>}, {pipeline_mode = #tpu.pipeline_mode<synchronous>, transform_indices = @transform_3, window_bounds = array<i64: 4, 64, 1>}, {pipeline_mode = #tpu.pipeline_mode<synchronous>, transform_indices = @transform_4, window_bounds = array<i64: 1024, 1024>}, {pipeline_mode = #tpu.pipeline_mode<synchronous>, transform_indices = @transform_5, window_bounds = array<i64: 1024, 256>}, {pipeline_mode = #tpu.pipeline_mode<synchronous>, transform_indices = @transform_6, window_bounds = array<i64: 1024, 256>}, {pipeline_mode = #tpu.pipeline_mode<synchronous>, transform_indices = @transform_7, window_bounds = array<i64: 256, 8>}, {pipeline_mode = #tpu.pipeline_mode<synchronous>, transform_indices = @transform_8, window_bounds = array<i64: 8, 1024>}, {pipeline_mode = #tpu.pipeline_mode<synchronous>, transform_indices = @transform_9, window_bounds = array<i64: 1024, 1024>}, {transform_indices = @transform_10, window_bounds = array<i64: 1024, 2048>}, {pipeline_mode = #tpu.pipeline_mode<synchronous>, transform_indices = @transform_11, window_bounds = array<i64: 4, 4096, 8>}, {transform_indices = @transform_12, window_bounds = array<i64: 256, 2048>}]} {
    %eq3A = arith.constant 0 : i32
    %eq3A_0 = arith.cmpi eq, %arg0, %eq3A : i32
    %convert_element_type3A = arith.extui %eq3A_0 : i1 to i32
    %cond3A = arith.constant 0 : i32
    %cond3A_1 = arith.cmpi ne, %convert_element_type3A, %cond3A : i32
    scf.if %cond3A_1 {
      %get3A_10 = arith.constant 0 : index
      %get3A_11 = arith.constant 0 : index
      %get3A_12 = arith.constant 0 : index
      %get3A_13 = vector.load %arg2[%get3A_10, %get3A_11, %get3A_12] : memref<4x1x2048xf32, #tpu.memory_space<vmem>>, vector<1x1x2048xf32>
      %get3A_14 = vector.shape_cast %get3A_13 : vector<1x1x2048xf32> to vector<1x2048xf32>
      %reduce_sum3A = vector.shape_cast %get3A_14 : vector<1x2048xf32> to vector<1x1x2048xf32>
      %reduce_sum3A_15 = arith.constant dense<0.000000e+00> : vector<1xf32>
      %reduce_sum3A_16 = vector.multi_reduction <add>, %reduce_sum3A, %reduce_sum3A_15 [1, 2] : vector<1x1x2048xf32> to vector<1xf32>
      %reduce_sum3A_17 = vector.shape_cast %reduce_sum3A_16 : vector<1xf32> to vector<1x1x1xf32>
      %reduce_sum3A_18 = vector.extract %reduce_sum3A_17[0, 0, 0] : f32 from vector<1x1x1xf32>
      %add3A = arith.constant 9.99999997E-7 : f32
      %add3A_19 = arith.addf %reduce_sum3A_18, %add3A : f32
      %get3A_20 = arith.constant 0 : index
      %get3A_21 = arith.constant 0 : index
      %get3A_22 = vector.load %arg1[%get3A_20, %get3A_21] : memref<32x1024xf32, #tpu.memory_space<vmem>>, vector<8x1024xf32>
      %reduce_sum3A_23 = arith.constant dense<0.000000e+00> : vector<1024xf32>
      %reduce_sum3A_24 = vector.multi_reduction <add>, %get3A_22, %reduce_sum3A_23 [0] : vector<8x1024xf32> to vector<1024xf32>
      %broadcast_in_dim3A = vector.shape_cast %reduce_sum3A_24 : vector<1024xf32> to vector<1x1024xf32>
      %div3A = vector.broadcast %add3A_19 : f32 to vector<1x1024xf32>
      %div3A_25 = arith.divf %broadcast_in_dim3A, %div3A : vector<1x1024xf32>
      %get3A_26 = arith.constant 0 : index
      %get3A_27 = arith.constant 0 : index
      %get3A_28 = vector.load %arg5[%get3A_26, %get3A_27] : memref<1024x1024xf32, #tpu.memory_space<vmem>>, vector<1024x1024xf32>
      %dot_general3A_29 = arith.constant dense<0.000000e+00> : vector<1x1024xf32>
      %dot_general3A_30 = tpu.matmul %div3A_25, %get3A_28, %dot_general3A_29 {dimension_numbers = #tpu.dot_dimension_numbers<[1], [0], [0], [1], [0, 0, 1, 1], [], []>, transpose_lhs_hint = false} : vector<1x1024xf32>, vector<1024x1024xf32>, vector<1x1024xf32> -> vector<1x1024xf32>
      %tanh3A = math.tanh %dot_general3A_30 : vector<1x1024xf32>
      %get3A_31 = arith.constant 0 : index
      %get3A_32 = arith.constant 0 : index
      %get3A_33 = arith.constant 0 : index
      %get3A_34 = vector.load %arg3[%get3A_31, %get3A_32, %get3A_33] : memref<4x64x1024xf32, #tpu.memory_space<vmem>>, vector<1x64x1024xf32>
      %get3A_35 = vector.shape_cast %get3A_34 : vector<1x64x1024xf32> to vector<64x1024xf32>
      %add3A_36 = vector.broadcast %tanh3A : vector<1x1024xf32> to vector<64x1024xf32>
      %add3A_37 = arith.addf %get3A_35, %add3A_36 : vector<64x1024xf32>
      %get3A_38 = arith.constant 0 : index
      %get3A_39 = arith.constant 0 : index
      %get3A_40 = arith.constant 0 : index
      %get3A_41 = vector.load %arg4[%get3A_38, %get3A_39, %get3A_40] : memref<4x64x1xf32, #tpu.memory_space<vmem>>, vector<1x64x1xf32>
      %get3A_42 = vector.shape_cast %get3A_41 : vector<1x64x1xf32> to vector<64x1xf32>
      %mul3A = vector.broadcast %get3A_42 : vector<64x1xf32> to vector<64x1024xf32>
      %mul3A_43 = arith.mulf %add3A_37, %mul3A : vector<64x1024xf32>
      %get3A_44 = arith.constant 0 : index
      %get3A_45 = arith.constant 0 : index
      %get3A_46 = vector.load %arg6[%get3A_44, %get3A_45] : memref<1024x256xf32, #tpu.memory_space<vmem>>, vector<1024x256xf32>
      %dot_general3A_47 = arith.constant dense<0.000000e+00> : vector<64x256xf32>
      %dot_general3A_48 = tpu.matmul %mul3A_43, %get3A_46, %dot_general3A_47 {dimension_numbers = #tpu.dot_dimension_numbers<[1], [0], [0], [1], [0, 0, 1, 1], [], []>, transpose_lhs_hint = false} : vector<64x1024xf32>, vector<1024x256xf32>, vector<64x256xf32> -> vector<64x256xf32>
      %get3A_49 = arith.constant 0 : index
      %get3A_50 = arith.constant 0 : index
      %get3A_51 = vector.load %arg7[%get3A_49, %get3A_50] : memref<1024x256xf32, #tpu.memory_space<vmem>>, vector<1024x256xf32>
      %dot_general3A_52 = arith.constant dense<0.000000e+00> : vector<64x256xf32>
      %dot_general3A_53 = tpu.matmul %mul3A_43, %get3A_51, %dot_general3A_52 {dimension_numbers = #tpu.dot_dimension_numbers<[1], [0], [0], [1], [0, 0, 1, 1], [], []>, transpose_lhs_hint = false} : vector<64x1024xf32>, vector<1024x256xf32>, vector<64x256xf32> -> vector<64x256xf32>
      %broadcast_in_dim3A_54 = vector.shape_cast %dot_general3A_53 : vector<64x256xf32> to vector<64x1x256xf32>
      %broadcast_in_dim3A_55 = vector.shape_cast %dot_general3A_48 : vector<64x256xf32> to vector<1x64x256xf32>
      %add3A_56 = vector.broadcast %broadcast_in_dim3A_54 : vector<64x1x256xf32> to vector<64x64x256xf32>
      %add3A_57 = vector.broadcast %broadcast_in_dim3A_55 : vector<1x64x256xf32> to vector<64x64x256xf32>
      %add3A_58 = arith.addf %add3A_56, %add3A_57 : vector<64x64x256xf32>
      %max3A = arith.constant 0.000000e+00 : f32
      %max3A_59 = vector.broadcast %max3A : f32 to vector<64x64x256xf32>
      %max3A_60 = arith.maximumf %add3A_58, %max3A_59 : vector<64x64x256xf32>
      %reshape3A = vector.shape_cast %max3A_60 : vector<64x64x256xf32> to vector<4096x256xf32>
      %get3A_61 = arith.constant 0 : index
      %get3A_62 = arith.constant 0 : index
      %get3A_63 = vector.load %arg8[%get3A_61, %get3A_62] : memref<256x8xf32, #tpu.memory_space<vmem>>, vector<256x8xf32>
      %dot_general3A_64 = arith.constant dense<0.000000e+00> : vector<4096x8xf32>
      %dot_general3A_65 = tpu.matmul %reshape3A, %get3A_63, %dot_general3A_64 {dimension_numbers = #tpu.dot_dimension_numbers<[1], [0], [0], [1], [0, 0, 1, 1], [], []>, transpose_lhs_hint = false} : vector<4096x256xf32>, vector<256x8xf32>, vector<4096x8xf32> -> vector<4096x8xf32>
      %reduce_max3A = arith.constant dense<0xFF800000> : vector<4096xf32>
      %reduce_max3A_66 = vector.multi_reduction <maximumf>, %dot_general3A_65, %reduce_max3A [1] : vector<4096x8xf32> to vector<4096xf32>
      %broadcast_in_dim3A_67 = vector.shape_cast %reduce_max3A_66 : vector<4096xf32> to vector<4096x1xf32>
      %ge3A = vector.broadcast %broadcast_in_dim3A_67 : vector<4096x1xf32> to vector<4096x8xf32>
      %ge3A_68 = arith.cmpf oge, %dot_general3A_65, %ge3A : vector<4096x8xf32>
      %convert_element_type3A_69 = arith.extui %ge3A_68 : vector<4096x8xi1> to vector<4096x8xi32>
      %convert_element_type3A_70 = arith.sitofp %convert_element_type3A_69 : vector<4096x8xi32> to vector<4096x8xf32>
      %iota3A = tpu.iota {dimensions = array<i32: 0>} : vector<8x1xi32>
      %ne3A = arith.constant 7 : i32
      %ne3A_71 = vector.broadcast %ne3A : i32 to vector<8x1xi32>
      %ne3A_72 = arith.cmpi ne, %iota3A, %ne3A_71 : vector<8x1xi32>
      %get3A_73 = arith.constant 0 : index
      %get3A_74 = arith.constant 0 : index
      %get3A_75 = vector.load %arg9[%get3A_73, %get3A_74] : memref<8x1024xf32, #tpu.memory_space<vmem>>, vector<8x1024xf32>
      %convert_element_type3A_76 = arith.extui %ne3A_72 : vector<8x1xi1> to vector<8x1xi32>
      %convert_element_type3A_77 = arith.sitofp %convert_element_type3A_76 : vector<8x1xi32> to vector<8x1xf32>
      %mul3A_78 = vector.broadcast %convert_element_type3A_77 : vector<8x1xf32> to vector<8x1024xf32>
      %mul3A_79 = arith.mulf %get3A_75, %mul3A_78 : vector<8x1024xf32>
      %broadcast_in_dim3A_80 = vector.shape_cast %mul3A_43 : vector<64x1024xf32> to vector<1x64x1024xf32>
      %broadcast_in_dim3A_81 = vector.shape_cast %broadcast_in_dim3A_80 : vector<1x64x1024xf32> to vector<1x64x1024xf32>
      %broadcast_in_dim3A_82 = vector.broadcast %broadcast_in_dim3A_81 : vector<1x64x1024xf32> to vector<8x64x1024xf32>
      %reshape3A_83 = vector.shape_cast %broadcast_in_dim3A_82 : vector<8x64x1024xf32> to vector<512x1024xf32>
      %slice3A = vector.extract_strided_slice %convert_element_type3A_70 {offsets = [0, 0], sizes = [512, 8], strides = [1, 1]} : vector<4096x8xf32> to vector<512x8xf32>
      %dot_general3A_84 = arith.constant dense<0.000000e+00> : vector<512x1024xf32>
      %dot_general3A_85 = tpu.matmul %slice3A, %mul3A_79, %dot_general3A_84 {dimension_numbers = #tpu.dot_dimension_numbers<[1], [0], [0], [1], [0, 0, 1, 1], [], []>, transpose_lhs_hint = false} : vector<512x8xf32>, vector<8x1024xf32>, vector<512x1024xf32> -> vector<512x1024xf32>
      %mul3A_86 = arith.mulf %dot_general3A_85, %reshape3A_83 : vector<512x1024xf32>
      %reshape3A_87 = vector.shape_cast %mul3A_86 : vector<512x1024xf32> to vector<8x64x1024xf32>
      %reduce_sum3A_88 = arith.constant dense<0.000000e+00> : vector<8x1024xf32>
      %reduce_sum3A_89 = vector.multi_reduction <add>, %reshape3A_87, %reduce_sum3A_88 [1] : vector<8x64x1024xf32> to vector<8x1024xf32>
      %slice3A_90 = vector.extract_strided_slice %convert_element_type3A_70 {offsets = [512, 0], sizes = [512, 8], strides = [1, 1]} : vector<4096x8xf32> to vector<512x8xf32>
      %dot_general3A_91 = arith.constant dense<0.000000e+00> : vector<512x1024xf32>
      %dot_general3A_92 = tpu.matmul %slice3A_90, %mul3A_79, %dot_general3A_91 {dimension_numbers = #tpu.dot_dimension_numbers<[1], [0], [0], [1], [0, 0, 1, 1], [], []>, transpose_lhs_hint = false} : vector<512x8xf32>, vector<8x1024xf32>, vector<512x1024xf32> -> vector<512x1024xf32>
      %mul3A_93 = arith.mulf %dot_general3A_92, %reshape3A_83 : vector<512x1024xf32>
      %reshape3A_94 = vector.shape_cast %mul3A_93 : vector<512x1024xf32> to vector<8x64x1024xf32>
      %reduce_sum3A_95 = arith.constant dense<0.000000e+00> : vector<8x1024xf32>
      %reduce_sum3A_96 = vector.multi_reduction <add>, %reshape3A_94, %reduce_sum3A_95 [1] : vector<8x64x1024xf32> to vector<8x1024xf32>
      %slice3A_97 = vector.extract_strided_slice %convert_element_type3A_70 {offsets = [1024, 0], sizes = [512, 8], strides = [1, 1]} : vector<4096x8xf32> to vector<512x8xf32>
      %dot_general3A_98 = arith.constant dense<0.000000e+00> : vector<512x1024xf32>
      %dot_general3A_99 = tpu.matmul %slice3A_97, %mul3A_79, %dot_general3A_98 {dimension_numbers = #tpu.dot_dimension_numbers<[1], [0], [0], [1], [0, 0, 1, 1], [], []>, transpose_lhs_hint = false} : vector<512x8xf32>, vector<8x1024xf32>, vector<512x1024xf32> -> vector<512x1024xf32>
      %mul3A_100 = arith.mulf %dot_general3A_99, %reshape3A_83 : vector<512x1024xf32>
      %reshape3A_101 = vector.shape_cast %mul3A_100 : vector<512x1024xf32> to vector<8x64x1024xf32>
      %reduce_sum3A_102 = arith.constant dense<0.000000e+00> : vector<8x1024xf32>
      %reduce_sum3A_103 = vector.multi_reduction <add>, %reshape3A_101, %reduce_sum3A_102 [1] : vector<8x64x1024xf32> to vector<8x1024xf32>
      %slice3A_104 = vector.extract_strided_slice %convert_element_type3A_70 {offsets = [1536, 0], sizes = [512, 8], strides = [1, 1]} : vector<4096x8xf32> to vector<512x8xf32>
      %dot_general3A_105 = arith.constant dense<0.000000e+00> : vector<512x1024xf32>
      %dot_general3A_106 = tpu.matmul %slice3A_104, %mul3A_79, %dot_general3A_105 {dimension_numbers = #tpu.dot_dimension_numbers<[1], [0], [0], [1], [0, 0, 1, 1], [], []>, transpose_lhs_hint = false} : vector<512x8xf32>, vector<8x1024xf32>, vector<512x1024xf32> -> vector<512x1024xf32>
      %mul3A_107 = arith.mulf %dot_general3A_106, %reshape3A_83 : vector<512x1024xf32>
      %reshape3A_108 = vector.shape_cast %mul3A_107 : vector<512x1024xf32> to vector<8x64x1024xf32>
      %reduce_sum3A_109 = arith.constant dense<0.000000e+00> : vector<8x1024xf32>
      %reduce_sum3A_110 = vector.multi_reduction <add>, %reshape3A_108, %reduce_sum3A_109 [1] : vector<8x64x1024xf32> to vector<8x1024xf32>
      %slice3A_111 = vector.extract_strided_slice %convert_element_type3A_70 {offsets = [2048, 0], sizes = [512, 8], strides = [1, 1]} : vector<4096x8xf32> to vector<512x8xf32>
      %dot_general3A_112 = arith.constant dense<0.000000e+00> : vector<512x1024xf32>
      %dot_general3A_113 = tpu.matmul %slice3A_111, %mul3A_79, %dot_general3A_112 {dimension_numbers = #tpu.dot_dimension_numbers<[1], [0], [0], [1], [0, 0, 1, 1], [], []>, transpose_lhs_hint = false} : vector<512x8xf32>, vector<8x1024xf32>, vector<512x1024xf32> -> vector<512x1024xf32>
      %mul3A_114 = arith.mulf %dot_general3A_113, %reshape3A_83 : vector<512x1024xf32>
      %reshape3A_115 = vector.shape_cast %mul3A_114 : vector<512x1024xf32> to vector<8x64x1024xf32>
      %reduce_sum3A_116 = arith.constant dense<0.000000e+00> : vector<8x1024xf32>
      %reduce_sum3A_117 = vector.multi_reduction <add>, %reshape3A_115, %reduce_sum3A_116 [1] : vector<8x64x1024xf32> to vector<8x1024xf32>
      %slice3A_118 = vector.extract_strided_slice %convert_element_type3A_70 {offsets = [2560, 0], sizes = [512, 8], strides = [1, 1]} : vector<4096x8xf32> to vector<512x8xf32>
      %dot_general3A_119 = arith.constant dense<0.000000e+00> : vector<512x1024xf32>
      %dot_general3A_120 = tpu.matmul %slice3A_118, %mul3A_79, %dot_general3A_119 {dimension_numbers = #tpu.dot_dimension_numbers<[1], [0], [0], [1], [0, 0, 1, 1], [], []>, transpose_lhs_hint = false} : vector<512x8xf32>, vector<8x1024xf32>, vector<512x1024xf32> -> vector<512x1024xf32>
      %mul3A_121 = arith.mulf %dot_general3A_120, %reshape3A_83 : vector<512x1024xf32>
      %reshape3A_122 = vector.shape_cast %mul3A_121 : vector<512x1024xf32> to vector<8x64x1024xf32>
      %reduce_sum3A_123 = arith.constant dense<0.000000e+00> : vector<8x1024xf32>
      %reduce_sum3A_124 = vector.multi_reduction <add>, %reshape3A_122, %reduce_sum3A_123 [1] : vector<8x64x1024xf32> to vector<8x1024xf32>
      %slice3A_125 = vector.extract_strided_slice %convert_element_type3A_70 {offsets = [3072, 0], sizes = [512, 8], strides = [1, 1]} : vector<4096x8xf32> to vector<512x8xf32>
      %dot_general3A_126 = arith.constant dense<0.000000e+00> : vector<512x1024xf32>
      %dot_general3A_127 = tpu.matmul %slice3A_125, %mul3A_79, %dot_general3A_126 {dimension_numbers = #tpu.dot_dimension_numbers<[1], [0], [0], [1], [0, 0, 1, 1], [], []>, transpose_lhs_hint = false} : vector<512x8xf32>, vector<8x1024xf32>, vector<512x1024xf32> -> vector<512x1024xf32>
      %mul3A_128 = arith.mulf %dot_general3A_127, %reshape3A_83 : vector<512x1024xf32>
      %reshape3A_129 = vector.shape_cast %mul3A_128 : vector<512x1024xf32> to vector<8x64x1024xf32>
      %reduce_sum3A_130 = arith.constant dense<0.000000e+00> : vector<8x1024xf32>
      %reduce_sum3A_131 = vector.multi_reduction <add>, %reshape3A_129, %reduce_sum3A_130 [1] : vector<8x64x1024xf32> to vector<8x1024xf32>
      %slice3A_132 = vector.extract_strided_slice %convert_element_type3A_70 {offsets = [3584, 0], sizes = [512, 8], strides = [1, 1]} : vector<4096x8xf32> to vector<512x8xf32>
      %dot_general3A_133 = arith.constant dense<0.000000e+00> : vector<512x1024xf32>
      %dot_general3A_134 = tpu.matmul %slice3A_132, %mul3A_79, %dot_general3A_133 {dimension_numbers = #tpu.dot_dimension_numbers<[1], [0], [0], [1], [0, 0, 1, 1], [], []>, transpose_lhs_hint = false} : vector<512x8xf32>, vector<8x1024xf32>, vector<512x1024xf32> -> vector<512x1024xf32>
      %mul3A_135 = arith.mulf %dot_general3A_134, %reshape3A_83 : vector<512x1024xf32>
      %reshape3A_136 = vector.shape_cast %mul3A_135 : vector<512x1024xf32> to vector<8x64x1024xf32>
      %reduce_sum3A_137 = arith.constant dense<0.000000e+00> : vector<8x1024xf32>
      %reduce_sum3A_138 = vector.multi_reduction <add>, %reshape3A_136, %reduce_sum3A_137 [1] : vector<8x64x1024xf32> to vector<8x1024xf32>
      %concatenate3A = tpu.concatenate %reduce_sum3A_89, %reduce_sum3A_96, %reduce_sum3A_103, %reduce_sum3A_110, %reduce_sum3A_117, %reduce_sum3A_124, %reduce_sum3A_131, %reduce_sum3A_138 in 0 : vector<8x1024xf32>, vector<8x1024xf32>, vector<8x1024xf32>, vector<8x1024xf32>, vector<8x1024xf32>, vector<8x1024xf32>, vector<8x1024xf32>, vector<8x1024xf32> -> vector<64x1024xf32>
      %slice3A_139 = vector.extract_strided_slice %convert_element_type3A_70 {offsets = [0, 7], sizes = [4096, 1], strides = [1, 1]} : vector<4096x8xf32> to vector<4096x1xf32>
      %sub3A = arith.constant 1.000000e+00 : f32
      %sub3A_140 = vector.broadcast %sub3A : f32 to vector<4096x1xf32>
      %sub3A_141 = arith.subf %sub3A_140, %slice3A_139 : vector<4096x1xf32>
      %reshape3A_142 = vector.shape_cast %sub3A_141 : vector<4096x1xf32> to vector<64x64x1xf32>
      %reduce_sum3A_143 = arith.constant dense<0.000000e+00> : vector<64x1xf32>
      %reduce_sum3A_144 = vector.multi_reduction <add>, %reshape3A_142, %reduce_sum3A_143 [1] : vector<64x64x1xf32> to vector<64x1xf32>
      %max3A_145 = arith.constant 1.000000e+00 : f32
      %max3A_146 = vector.broadcast %max3A_145 : f32 to vector<64x1xf32>
      %max3A_147 = arith.maximumf %reduce_sum3A_144, %max3A_146 : vector<64x1xf32>
      %div3A_148 = vector.broadcast %max3A_147 : vector<64x1xf32> to vector<64x1024xf32>
      %div3A_149 = arith.divf %concatenate3A, %div3A_148 : vector<64x1024xf32>
      %get3A_150 = arith.constant 0 : index
      %get3A_151 = arith.constant 0 : index
      %get3A_152 = vector.load %arg10[%get3A_150, %get3A_151] : memref<1024x1024xf32, #tpu.memory_space<vmem>>, vector<1024x1024xf32>
      %dot_general3A_153 = arith.constant dense<0.000000e+00> : vector<64x1024xf32>
      %dot_general3A_154 = tpu.matmul %div3A_149, %get3A_152, %dot_general3A_153 {dimension_numbers = #tpu.dot_dimension_numbers<[1], [0], [0], [1], [0, 0, 1, 1], [], []>, transpose_lhs_hint = false} : vector<64x1024xf32>, vector<1024x1024xf32>, vector<64x1024xf32> -> vector<64x1024xf32>
      %add3A_155 = arith.addf %dot_general3A_154, %mul3A_43 : vector<64x1024xf32>
      %max3A_156 = arith.constant 0.000000e+00 : f32
      %max3A_157 = vector.broadcast %max3A_156 : f32 to vector<64x1024xf32>
      %max3A_158 = arith.maximumf %add3A_155, %max3A_157 : vector<64x1024xf32>
      %get3A_159 = arith.constant 0 : index
      %get3A_160 = arith.constant 0 : index
      %get3A_161 = vector.load %arg6[%get3A_159, %get3A_160] : memref<1024x256xf32, #tpu.memory_space<vmem>>, vector<1024x256xf32>
      %dot_general3A_162 = arith.constant dense<0.000000e+00> : vector<64x256xf32>
      %dot_general3A_163 = tpu.matmul %max3A_158, %get3A_161, %dot_general3A_162 {dimension_numbers = #tpu.dot_dimension_numbers<[1], [0], [0], [1], [0, 0, 1, 1], [], []>, transpose_lhs_hint = false} : vector<64x1024xf32>, vector<1024x256xf32>, vector<64x256xf32> -> vector<64x256xf32>
      %get3A_164 = arith.constant 0 : index
      %get3A_165 = arith.constant 0 : index
      %get3A_166 = vector.load %arg7[%get3A_164, %get3A_165] : memref<1024x256xf32, #tpu.memory_space<vmem>>, vector<1024x256xf32>
      %dot_general3A_167 = arith.constant dense<0.000000e+00> : vector<64x256xf32>
      %dot_general3A_168 = tpu.matmul %max3A_158, %get3A_166, %dot_general3A_167 {dimension_numbers = #tpu.dot_dimension_numbers<[1], [0], [0], [1], [0, 0, 1, 1], [], []>, transpose_lhs_hint = false} : vector<64x1024xf32>, vector<1024x256xf32>, vector<64x256xf32> -> vector<64x256xf32>
      %broadcast_in_dim3A_169 = vector.shape_cast %dot_general3A_163 : vector<64x256xf32> to vector<64x1x256xf32>
      %broadcast_in_dim3A_170 = vector.shape_cast %dot_general3A_168 : vector<64x256xf32> to vector<1x64x256xf32>
      %add3A_171 = vector.broadcast %broadcast_in_dim3A_169 : vector<64x1x256xf32> to vector<64x64x256xf32>
      %add3A_172 = vector.broadcast %broadcast_in_dim3A_170 : vector<1x64x256xf32> to vector<64x64x256xf32>
      %add3A_173 = arith.addf %add3A_171, %add3A_172 : vector<64x64x256xf32>
      %max3A_174 = arith.constant 0.000000e+00 : f32
      %max3A_175 = vector.broadcast %max3A_174 : f32 to vector<64x64x256xf32>
      %max3A_176 = arith.maximumf %add3A_173, %max3A_175 : vector<64x64x256xf32>
      %reshape3A_177 = vector.shape_cast %max3A_176 : vector<64x64x256xf32> to vector<4096x256xf32>
      %get3A_178 = arith.constant 0 : index
      %get3A_179 = arith.constant 0 : index
      %get3A_180 = vector.load %arg8[%get3A_178, %get3A_179] : memref<256x8xf32, #tpu.memory_space<vmem>>, vector<256x8xf32>
      %dot_general3A_181 = arith.constant dense<0.000000e+00> : vector<4096x8xf32>
      %dot_general3A_182 = tpu.matmul %reshape3A_177, %get3A_180, %dot_general3A_181 {dimension_numbers = #tpu.dot_dimension_numbers<[1], [0], [0], [1], [0, 0, 1, 1], [], []>, transpose_lhs_hint = false} : vector<4096x256xf32>, vector<256x8xf32>, vector<4096x8xf32> -> vector<4096x8xf32>
      %swap3A_183 = arith.constant 0 : index
      %swap3A_184 = arith.constant 0 : index
      %swap3A_185 = arith.constant 0 : index
      %swap3A_186 = vector.load %arg12[%swap3A_183, %swap3A_184, %swap3A_185] : memref<4x4096x8xf32, #tpu.memory_space<vmem>>, vector<1x4096x8xf32>
      %swap3A_187 = vector.shape_cast %swap3A_186 : vector<1x4096x8xf32> to vector<4096x8xf32>
      %swap3A_188 = vector.shape_cast %dot_general3A_182 : vector<4096x8xf32> to vector<1x4096x8xf32>
      tpu.vector_store %arg12[%swap3A_183, %swap3A_184, %swap3A_185], %swap3A_188 {strides = array<i32>} : memref<4x4096x8xf32, #tpu.memory_space<vmem>>, vector<1x4096x8xf32>,
      %swap3A_189 = arith.constant 0 : index
      %swap3A_190 = arith.constant 0 : index
      %swap3A_191 = vector.load %arg14[%swap3A_189, %swap3A_190] : memref<256x1024xf32, #tpu.memory_space<vmem>>, vector<64x1024xf32>
      tpu.vector_store %arg14[%swap3A_189, %swap3A_190], %mul3A_43 {strides = array<i32>} : memref<256x1024xf32, #tpu.memory_space<vmem>>, vector<64x1024xf32>,
      %get3A_192 = arith.constant 1 : index
      %get3A_193 = arith.constant 0 : index
      %get3A_194 = arith.constant 0 : index
      %get3A_195 = vector.load %arg2[%get3A_192, %get3A_193, %get3A_194] : memref<4x1x2048xf32, #tpu.memory_space<vmem>>, vector<1x1x2048xf32>
      %get3A_196 = vector.shape_cast %get3A_195 : vector<1x1x2048xf32> to vector<1x2048xf32>
      %reduce_sum3A_197 = vector.shape_cast %get3A_196 : vector<1x2048xf32> to vector<1x1x2048xf32>
      %reduce_sum3A_198 = arith.constant dense<0.000000e+00> : vector<1xf32>
      %reduce_sum3A_199 = vector.multi_reduction <add>, %reduce_sum3A_197, %reduce_sum3A_198 [1, 2] : vector<1x1x2048xf32> to vector<1xf32>
      %reduce_sum3A_200 = vector.shape_cast %reduce_sum3A_199 : vector<1xf32> to vector<1x1x1xf32>
      %reduce_sum3A_201 = vector.extract %reduce_sum3A_200[0, 0, 0] : f32 from vector<1x1x1xf32>
      %add3A_202 = arith.constant 9.99999997E-7 : f32
      %add3A_203 = arith.addf %reduce_sum3A_201, %add3A_202 : f32
      %get3A_204 = arith.constant 8 : index
      %get3A_205 = arith.constant 0 : index
      %get3A_206 = vector.load %arg1[%get3A_204, %get3A_205] : memref<32x1024xf32, #tpu.memory_space<vmem>>, vector<8x1024xf32>
      %reduce_sum3A_207 = arith.constant dense<0.000000e+00> : vector<1024xf32>
      %reduce_sum3A_208 = vector.multi_reduction <add>, %get3A_206, %reduce_sum3A_207 [0] : vector<8x1024xf32> to vector<1024xf32>
      %broadcast_in_dim3A_209 = vector.shape_cast %reduce_sum3A_208 : vector<1024xf32> to vector<1x1024xf32>
      %div3A_210 = vector.broadcast %add3A_203 : f32 to vector<1x1024xf32>
      %div3A_211 = arith.divf %broadcast_in_dim3A_209, %div3A_210 : vector<1x1024xf32>
      %get3A_212 = arith.constant 0 : index
      %get3A_213 = arith.constant 0 : index
      %get3A_214 = vector.load %arg5[%get3A_212, %get3A_213] : memref<1024x1024xf32, #tpu.memory_space<vmem>>, vector<1024x1024xf32>
      %dot_general3A_215 = arith.constant dense<0.000000e+00> : vector<1x1024xf32>
      %dot_general3A_216 = tpu.matmul %div3A_211, %get3A_214, %dot_general3A_215 {dimension_numbers = #tpu.dot_dimension_numbers<[1], [0], [0], [1], [0, 0, 1, 1], [], []>, transpose_lhs_hint = false} : vector<1x1024xf32>, vector<1024x1024xf32>, vector<1x1024xf32> -> vector<1x1024xf32>
      %tanh3A_217 = math.tanh %dot_general3A_216 : vector<1x1024xf32>
      %get3A_218 = arith.constant 1 : index
      %get3A_219 = arith.constant 0 : index
      %get3A_220 = arith.constant 0 : index
      %get3A_221 = vector.load %arg3[%get3A_218, %get3A_219, %get3A_220] : memref<4x64x1024xf32, #tpu.memory_space<vmem>>, vector<1x64x1024xf32>
      %get3A_222 = vector.shape_cast %get3A_221 : vector<1x64x1024xf32> to vector<64x1024xf32>
      %add3A_223 = vector.broadcast %tanh3A_217 : vector<1x1024xf32> to vector<64x1024xf32>
      %add3A_224 = arith.addf %get3A_222, %add3A_223 : vector<64x1024xf32>
      %get3A_225 = arith.constant 1 : index
      %get3A_226 = arith.constant 0 : index
      %get3A_227 = arith.constant 0 : index
      %get3A_228 = vector.load %arg4[%get3A_225, %get3A_226, %get3A_227] : memref<4x64x1xf32, #tpu.memory_space<vmem>>, vector<1x64x1xf32>
      %get3A_229 = vector.shape_cast %get3A_228 : vector<1x64x1xf32> to vector<64x1xf32>
      %mul3A_230 = vector.broadcast %get3A_229 : vector<64x1xf32> to vector<64x1024xf32>
      %mul3A_231 = arith.mulf %add3A_224, %mul3A_230 : vector<64x1024xf32>
      %get3A_232 = arith.constant 0 : index
      %get3A_233 = arith.constant 0 : index
      %get3A_234 = vector.load %arg6[%get3A_232, %get3A_233] : memref<1024x256xf32, #tpu.memory_space<vmem>>, vector<1024x256xf32>
      %dot_general3A_235 = arith.constant dense<0.000000e+00> : vector<64x256xf32>
      %dot_general3A_236 = tpu.matmul %mul3A_231, %get3A_234, %dot_general3A_235 {dimension_numbers = #tpu.dot_dimension_numbers<[1], [0], [0], [1], [0, 0, 1, 1], [], []>, transpose_lhs_hint = false} : vector<64x1024xf32>, vector<1024x256xf32>, vector<64x256xf32> -> vector<64x256xf32>
      %get3A_237 = arith.constant 0 : index
      %get3A_238 = arith.constant 0 : index
      %get3A_239 = vector.load %arg7[%get3A_237, %get3A_238] : memref<1024x256xf32, #tpu.memory_space<vmem>>, vector<1024x256xf32>
      %dot_general3A_240 = arith.constant dense<0.000000e+00> : vector<64x256xf32>
      %dot_general3A_241 = tpu.matmul %mul3A_231, %get3A_239, %dot_general3A_240 {dimension_numbers = #tpu.dot_dimension_numbers<[1], [0], [0], [1], [0, 0, 1, 1], [], []>, transpose_lhs_hint = false} : vector<64x1024xf32>, vector<1024x256xf32>, vector<64x256xf32> -> vector<64x256xf32>
      %broadcast_in_dim3A_242 = vector.shape_cast %dot_general3A_241 : vector<64x256xf32> to vector<64x1x256xf32>
      %broadcast_in_dim3A_243 = vector.shape_cast %dot_general3A_236 : vector<64x256xf32> to vector<1x64x256xf32>
      %add3A_244 = vector.broadcast %broadcast_in_dim3A_242 : vector<64x1x256xf32> to vector<64x64x256xf32>
      %add3A_245 = vector.broadcast %broadcast_in_dim3A_243 : vector<1x64x256xf32> to vector<64x64x256xf32>
      %add3A_246 = arith.addf %add3A_244, %add3A_245 : vector<64x64x256xf32>
      %max3A_247 = arith.constant 0.000000e+00 : f32
      %max3A_248 = vector.broadcast %max3A_247 : f32 to vector<64x64x256xf32>
      %max3A_249 = arith.maximumf %add3A_246, %max3A_248 : vector<64x64x256xf32>
      %reshape3A_250 = vector.shape_cast %max3A_249 : vector<64x64x256xf32> to vector<4096x256xf32>
      %get3A_251 = arith.constant 0 : index
      %get3A_252 = arith.constant 0 : index
      %get3A_253 = vector.load %arg8[%get3A_251, %get3A_252] : memref<256x8xf32, #tpu.memory_space<vmem>>, vector<256x8xf32>
      %dot_general3A_254 = arith.constant dense<0.000000e+00> : vector<4096x8xf32>
      %dot_general3A_255 = tpu.matmul %reshape3A_250, %get3A_253, %dot_general3A_254 {dimension_numbers = #tpu.dot_dimension_numbers<[1], [0], [0], [1], [0, 0, 1, 1], [], []>, transpose_lhs_hint = false} : vector<4096x256xf32>, vector<256x8xf32>, vector<4096x8xf32> -> vector<4096x8xf32>
      %reduce_max3A_256 = arith.constant dense<0xFF800000> : vector<4096xf32>
      %reduce_max3A_257 = vector.multi_reduction <maximumf>, %dot_general3A_255, %reduce_max3A_256 [1] : vector<4096x8xf32> to vector<4096xf32>
      %broadcast_in_dim3A_258 = vector.shape_cast %reduce_max3A_257 : vector<4096xf32> to vector<4096x1xf32>
      %ge3A_259 = vector.broadcast %broadcast_in_dim3A_258 : vector<4096x1xf32> to vector<4096x8xf32>
      %ge3A_260 = arith.cmpf oge, %dot_general3A_255, %ge3A_259 : vector<4096x8xf32>
      %convert_element_type3A_261 = arith.extui %ge3A_260 : vector<4096x8xi1> to vector<4096x8xi32>
      %convert_element_type3A_262 = arith.sitofp %convert_element_type3A_261 : vector<4096x8xi32> to vector<4096x8xf32>
      %iota3A_263 = tpu.iota {dimensions = array<i32: 0>} : vector<8x1xi32>
      %ne3A_264 = arith.constant 7 : i32
      %ne3A_265 = vector.broadcast %ne3A_264 : i32 to vector<8x1xi32>
      %ne3A_266 = arith.cmpi ne, %iota3A_263, %ne3A_265 : vector<8x1xi32>
      %get3A_267 = arith.constant 0 : index
      %get3A_268 = arith.constant 0 : index
      %get3A_269 = vector.load %arg9[%get3A_267, %get3A_268] : memref<8x1024xf32, #tpu.memory_space<vmem>>, vector<8x1024xf32>
      %convert_element_type3A_270 = arith.extui %ne3A_266 : vector<8x1xi1> to vector<8x1xi32>
      %convert_element_type3A_271 = arith.sitofp %convert_element_type3A_270 : vector<8x1xi32> to vector<8x1xf32>
      %mul3A_272 = vector.broadcast %convert_element_type3A_271 : vector<8x1xf32> to vector<8x1024xf32>
      %mul3A_273 = arith.mulf %get3A_269, %mul3A_272 : vector<8x1024xf32>
      %broadcast_in_dim3A_274 = vector.shape_cast %mul3A_231 : vector<64x1024xf32> to vector<1x64x1024xf32>
      %broadcast_in_dim3A_275 = vector.shape_cast %broadcast_in_dim3A_274 : vector<1x64x1024xf32> to vector<1x64x1024xf32>
      %broadcast_in_dim3A_276 = vector.broadcast %broadcast_in_dim3A_275 : vector<1x64x1024xf32> to vector<8x64x1024xf32>
      %reshape3A_277 = vector.shape_cast %broadcast_in_dim3A_276 : vector<8x64x1024xf32> to vector<512x1024xf32>
      %slice3A_278 = vector.extract_strided_slice %convert_element_type3A_262 {offsets = [0, 0], sizes = [512, 8], strides = [1, 1]} : vector<4096x8xf32> to vector<512x8xf32>
      %dot_general3A_279 = arith.constant dense<0.000000e+00> : vector<512x1024xf32>
      %dot_general3A_280 = tpu.matmul %slice3A_278, %mul3A_273, %dot_general3A_279 {dimension_numbers = #tpu.dot_dimension_numbers<[1], [0], [0], [1], [0, 0, 1, 1], [], []>, transpose_lhs_hint = false} : vector<512x8xf32>, vector<8x1024xf32>, vector<512x1024xf32> -> vector<512x1024xf32>
      %mul3A_281 = arith.mulf %dot_general3A_280, %reshape3A_277 : vector<512x1024xf32>
      %reshape3A_282 = vector.shape_cast %mul3A_281 : vector<512x1024xf32> to vector<8x64x1024xf32>
      %reduce_sum3A_283 = arith.constant dense<0.000000e+00> : vector<8x1024xf32>
      %reduce_sum3A_284 = vector.multi_reduction <add>, %reshape3A_282, %reduce_sum3A_283 [1] : vector<8x64x1024xf32> to vector<8x1024xf32>
      %slice3A_285 = vector.extract_strided_slice %convert_element_type3A_262 {offsets = [512, 0], sizes = [512, 8], strides = [1, 1]} : vector<4096x8xf32> to vector<512x8xf32>
      %dot_general3A_286 = arith.constant dense<0.000000e+00> : vector<512x1024xf32>
      %dot_general3A_287 = tpu.matmul %slice3A_285, %mul3A_273, %dot_general3A_286 {dimension_numbers = #tpu.dot_dimension_numbers<[1], [0], [0], [1], [0, 0, 1, 1], [], []>, transpose_lhs_hint = false} : vector<512x8xf32>, vector<8x1024xf32>, vector<512x1024xf32> -> vector<512x1024xf32>
      %mul3A_288 = arith.mulf %dot_general3A_287, %reshape3A_277 : vector<512x1024xf32>
      %reshape3A_289 = vector.shape_cast %mul3A_288 : vector<512x1024xf32> to vector<8x64x1024xf32>
      %reduce_sum3A_290 = arith.constant dense<0.000000e+00> : vector<8x1024xf32>
      %reduce_sum3A_291 = vector.multi_reduction <add>, %reshape3A_289, %reduce_sum3A_290 [1] : vector<8x64x1024xf32> to vector<8x1024xf32>
      %slice3A_292 = vector.extract_strided_slice %convert_element_type3A_262 {offsets = [1024, 0], sizes = [512, 8], strides = [1, 1]} : vector<4096x8xf32> to vector<512x8xf32>
      %dot_general3A_293 = arith.constant dense<0.000000e+00> : vector<512x1024xf32>
      %dot_general3A_294 = tpu.matmul %slice3A_292, %mul3A_273, %dot_general3A_293 {dimension_numbers = #tpu.dot_dimension_numbers<[1], [0], [0], [1], [0, 0, 1, 1], [], []>, transpose_lhs_hint = false} : vector<512x8xf32>, vector<8x1024xf32>, vector<512x1024xf32> -> vector<512x1024xf32>
      %mul3A_295 = arith.mulf %dot_general3A_294, %reshape3A_277 : vector<512x1024xf32>
      %reshape3A_296 = vector.shape_cast %mul3A_295 : vector<512x1024xf32> to vector<8x64x1024xf32>
      %reduce_sum3A_297 = arith.constant dense<0.000000e+00> : vector<8x1024xf32>
      %reduce_sum3A_298 = vector.multi_reduction <add>, %reshape3A_296, %reduce_sum3A_297 [1] : vector<8x64x1024xf32> to vector<8x1024xf32>
      %slice3A_299 = vector.extract_strided_slice %convert_element_type3A_262 {offsets = [1536, 0], sizes = [512, 8], strides = [1, 1]} : vector<4096x8xf32> to vector<512x8xf32>
      %dot_general3A_300 = arith.constant dense<0.000000e+00> : vector<512x1024xf32>
      %dot_general3A_301 = tpu.matmul %slice3A_299, %mul3A_273, %dot_general3A_300 {dimension_numbers = #tpu.dot_dimension_numbers<[1], [0], [0], [1], [0, 0, 1, 1], [], []>, transpose_lhs_hint = false} : vector<512x8xf32>, vector<8x1024xf32>, vector<512x1024xf32> -> vector<512x1024xf32>
      %mul3A_302 = arith.mulf %dot_general3A_301, %reshape3A_277 : vector<512x1024xf32>
      %reshape3A_303 = vector.shape_cast %mul3A_302 : vector<512x1024xf32> to vector<8x64x1024xf32>
      %reduce_sum3A_304 = arith.constant dense<0.000000e+00> : vector<8x1024xf32>
      %reduce_sum3A_305 = vector.multi_reduction <add>, %reshape3A_303, %reduce_sum3A_304 [1] : vector<8x64x1024xf32> to vector<8x1024xf32>
      %slice3A_306 = vector.extract_strided_slice %convert_element_type3A_262 {offsets = [2048, 0], sizes = [512, 8], strides = [1, 1]} : vector<4096x8xf32> to vector<512x8xf32>
      %dot_general3A_307 = arith.constant dense<0.000000e+00> : vector<512x1024xf32>
      %dot_general3A_308 = tpu.matmul %slice3A_306, %mul3A_273, %dot_general3A_307 {dimension_numbers = #tpu.dot_dimension_numbers<[1], [0], [0], [1], [0, 0, 1, 1], [], []>, transpose_lhs_hint = false} : vector<512x8xf32>, vector<8x1024xf32>, vector<512x1024xf32> -> vector<512x1024xf32>
      %mul3A_309 = arith.mulf %dot_general3A_308, %reshape3A_277 : vector<512x1024xf32>
      %reshape3A_310 = vector.shape_cast %mul3A_309 : vector<512x1024xf32> to vector<8x64x1024xf32>
      %reduce_sum3A_311 = arith.constant dense<0.000000e+00> : vector<8x1024xf32>
      %reduce_sum3A_312 = vector.multi_reduction <add>, %reshape3A_310, %reduce_sum3A_311 [1] : vector<8x64x1024xf32> to vector<8x1024xf32>
      %slice3A_313 = vector.extract_strided_slice %convert_element_type3A_262 {offsets = [2560, 0], sizes = [512, 8], strides = [1, 1]} : vector<4096x8xf32> to vector<512x8xf32>
      %dot_general3A_314 = arith.constant dense<0.000000e+00> : vector<512x1024xf32>
      %dot_general3A_315 = tpu.matmul %slice3A_313, %mul3A_273, %dot_general3A_314 {dimension_numbers = #tpu.dot_dimension_numbers<[1], [0], [0], [1], [0, 0, 1, 1], [], []>, transpose_lhs_hint = false} : vector<512x8xf32>, vector<8x1024xf32>, vector<512x1024xf32> -> vector<512x1024xf32>
      %mul3A_316 = arith.mulf %dot_general3A_315, %reshape3A_277 : vector<512x1024xf32>
      %reshape3A_317 = vector.shape_cast %mul3A_316 : vector<512x1024xf32> to vector<8x64x1024xf32>
      %reduce_sum3A_318 = arith.constant dense<0.000000e+00> : vector<8x1024xf32>
      %reduce_sum3A_319 = vector.multi_reduction <add>, %reshape3A_317, %reduce_sum3A_318 [1] : vector<8x64x1024xf32> to vector<8x1024xf32>
      %slice3A_320 = vector.extract_strided_slice %convert_element_type3A_262 {offsets = [3072, 0], sizes = [512, 8], strides = [1, 1]} : vector<4096x8xf32> to vector<512x8xf32>
      %dot_general3A_321 = arith.constant dense<0.000000e+00> : vector<512x1024xf32>
      %dot_general3A_322 = tpu.matmul %slice3A_320, %mul3A_273, %dot_general3A_321 {dimension_numbers = #tpu.dot_dimension_numbers<[1], [0], [0], [1], [0, 0, 1, 1], [], []>, transpose_lhs_hint = false} : vector<512x8xf32>, vector<8x1024xf32>, vector<512x1024xf32> -> vector<512x1024xf32>
      %mul3A_323 = arith.mulf %dot_general3A_322, %reshape3A_277 : vector<512x1024xf32>
      %reshape3A_324 = vector.shape_cast %mul3A_323 : vector<512x1024xf32> to vector<8x64x1024xf32>
      %reduce_sum3A_325 = arith.constant dense<0.000000e+00> : vector<8x1024xf32>
      %reduce_sum3A_326 = vector.multi_reduction <add>, %reshape3A_324, %reduce_sum3A_325 [1] : vector<8x64x1024xf32> to vector<8x1024xf32>
      %slice3A_327 = vector.extract_strided_slice %convert_element_type3A_262 {offsets = [3584, 0], sizes = [512, 8], strides = [1, 1]} : vector<4096x8xf32> to vector<512x8xf32>
      %dot_general3A_328 = arith.constant dense<0.000000e+00> : vector<512x1024xf32>
      %dot_general3A_329 = tpu.matmul %slice3A_327, %mul3A_273, %dot_general3A_328 {dimension_numbers = #tpu.dot_dimension_numbers<[1], [0], [0], [1], [0, 0, 1, 1], [], []>, transpose_lhs_hint = false} : vector<512x8xf32>, vector<8x1024xf32>, vector<512x1024xf32> -> vector<512x1024xf32>
      %mul3A_330 = arith.mulf %dot_general3A_329, %reshape3A_277 : vector<512x1024xf32>
      %reshape3A_331 = vector.shape_cast %mul3A_330 : vector<512x1024xf32> to vector<8x64x1024xf32>
      %reduce_sum3A_332 = arith.constant dense<0.000000e+00> : vector<8x1024xf32>
      %reduce_sum3A_333 = vector.multi_reduction <add>, %reshape3A_331, %reduce_sum3A_332 [1] : vector<8x64x1024xf32> to vector<8x1024xf32>
      %concatenate3A_334 = tpu.concatenate %reduce_sum3A_284, %reduce_sum3A_291, %reduce_sum3A_298, %reduce_sum3A_305, %reduce_sum3A_312, %reduce_sum3A_319, %reduce_sum3A_326, %reduce_sum3A_333 in 0 : vector<8x1024xf32>, vector<8x1024xf32>, vector<8x1024xf32>, vector<8x1024xf32>, vector<8x1024xf32>, vector<8x1024xf32>, vector<8x1024xf32>, vector<8x1024xf32> -> vector<64x1024xf32>
      %slice3A_335 = vector.extract_strided_slice %convert_element_type3A_262 {offsets = [0, 7], sizes = [4096, 1], strides = [1, 1]} : vector<4096x8xf32> to vector<4096x1xf32>
      %sub3A_336 = arith.constant 1.000000e+00 : f32
      %sub3A_337 = vector.broadcast %sub3A_336 : f32 to vector<4096x1xf32>
      %sub3A_338 = arith.subf %sub3A_337, %slice3A_335 : vector<4096x1xf32>
      %reshape3A_339 = vector.shape_cast %sub3A_338 : vector<4096x1xf32> to vector<64x64x1xf32>
      %reduce_sum3A_340 = arith.constant dense<0.000000e+00> : vector<64x1xf32>
      %reduce_sum3A_341 = vector.multi_reduction <add>, %reshape3A_339, %reduce_sum3A_340 [1] : vector<64x64x1xf32> to vector<64x1xf32>
      %max3A_342 = arith.constant 1.000000e+00 : f32
      %max3A_343 = vector.broadcast %max3A_342 : f32 to vector<64x1xf32>
      %max3A_344 = arith.maximumf %reduce_sum3A_341, %max3A_343 : vector<64x1xf32>
      %div3A_345 = vector.broadcast %max3A_344 : vector<64x1xf32> to vector<64x1024xf32>
      %div3A_346 = arith.divf %concatenate3A_334, %div3A_345 : vector<64x1024xf32>
      %get3A_347 = arith.constant 0 : index
      %get3A_348 = arith.constant 0 : index
      %get3A_349 = vector.load %arg10[%get3A_347, %get3A_348] : memref<1024x1024xf32, #tpu.memory_space<vmem>>, vector<1024x1024xf32>
      %dot_general3A_350 = arith.constant dense<0.000000e+00> : vector<64x1024xf32>
      %dot_general3A_351 = tpu.matmul %div3A_346, %get3A_349, %dot_general3A_350 {dimension_numbers = #tpu.dot_dimension_numbers<[1], [0], [0], [1], [0, 0, 1, 1], [], []>, transpose_lhs_hint = false} : vector<64x1024xf32>, vector<1024x1024xf32>, vector<64x1024xf32> -> vector<64x1024xf32>
      %add3A_352 = arith.addf %dot_general3A_351, %mul3A_231 : vector<64x1024xf32>
      %max3A_353 = arith.constant 0.000000e+00 : f32
      %max3A_354 = vector.broadcast %max3A_353 : f32 to vector<64x1024xf32>
      %max3A_355 = arith.maximumf %add3A_352, %max3A_354 : vector<64x1024xf32>
      %get3A_356 = arith.constant 0 : index
      %get3A_357 = arith.constant 0 : index
      %get3A_358 = vector.load %arg6[%get3A_356, %get3A_357] : memref<1024x256xf32, #tpu.memory_space<vmem>>, vector<1024x256xf32>
      %dot_general3A_359 = arith.constant dense<0.000000e+00> : vector<64x256xf32>
      %dot_general3A_360 = tpu.matmul %max3A_355, %get3A_358, %dot_general3A_359 {dimension_numbers = #tpu.dot_dimension_numbers<[1], [0], [0], [1], [0, 0, 1, 1], [], []>, transpose_lhs_hint = false} : vector<64x1024xf32>, vector<1024x256xf32>, vector<64x256xf32> -> vector<64x256xf32>
      %get3A_361 = arith.constant 0 : index
      %get3A_362 = arith.constant 0 : index
      %get3A_363 = vector.load %arg7[%get3A_361, %get3A_362] : memref<1024x256xf32, #tpu.memory_space<vmem>>, vector<1024x256xf32>
      %dot_general3A_364 = arith.constant dense<0.000000e+00> : vector<64x256xf32>
      %dot_general3A_365 = tpu.matmul %max3A_355, %get3A_363, %dot_general3A_364 {dimension_numbers = #tpu.dot_dimension_numbers<[1], [0], [0], [1], [0, 0, 1, 1], [], []>, transpose_lhs_hint = false} : vector<64x1024xf32>, vector<1024x256xf32>, vector<64x256xf32> -> vector<64x256xf32>
      %broadcast_in_dim3A_366 = vector.shape_cast %dot_general3A_360 : vector<64x256xf32> to vector<64x1x256xf32>
      %broadcast_in_dim3A_367 = vector.shape_cast %dot_general3A_365 : vector<64x256xf32> to vector<1x64x256xf32>
      %add3A_368 = vector.broadcast %broadcast_in_dim3A_366 : vector<64x1x256xf32> to vector<64x64x256xf32>
      %add3A_369 = vector.broadcast %broadcast_in_dim3A_367 : vector<1x64x256xf32> to vector<64x64x256xf32>
      %add3A_370 = arith.addf %add3A_368, %add3A_369 : vector<64x64x256xf32>
      %max3A_371 = arith.constant 0.000000e+00 : f32
      %max3A_372 = vector.broadcast %max3A_371 : f32 to vector<64x64x256xf32>
      %max3A_373 = arith.maximumf %add3A_370, %max3A_372 : vector<64x64x256xf32>
      %reshape3A_374 = vector.shape_cast %max3A_373 : vector<64x64x256xf32> to vector<4096x256xf32>
      %get3A_375 = arith.constant 0 : index
      %get3A_376 = arith.constant 0 : index
      %get3A_377 = vector.load %arg8[%get3A_375, %get3A_376] : memref<256x8xf32, #tpu.memory_space<vmem>>, vector<256x8xf32>
      %dot_general3A_378 = arith.constant dense<0.000000e+00> : vector<4096x8xf32>
      %dot_general3A_379 = tpu.matmul %reshape3A_374, %get3A_377, %dot_general3A_378 {dimension_numbers = #tpu.dot_dimension_numbers<[1], [0], [0], [1], [0, 0, 1, 1], [], []>, transpose_lhs_hint = false} : vector<4096x256xf32>, vector<256x8xf32>, vector<4096x8xf32> -> vector<4096x8xf32>
      %swap3A_380 = arith.constant 1 : index
      %swap3A_381 = arith.constant 0 : index
      %swap3A_382 = arith.constant 0 : index
      %swap3A_383 = vector.load %arg12[%swap3A_380, %swap3A_381, %swap3A_382] : memref<4x4096x8xf32, #tpu.memory_space<vmem>>, vector<1x4096x8xf32>
      %swap3A_384 = vector.shape_cast %swap3A_383 : vector<1x4096x8xf32> to vector<4096x8xf32>
      %swap3A_385 = vector.shape_cast %dot_general3A_379 : vector<4096x8xf32> to vector<1x4096x8xf32>
      tpu.vector_store %arg12[%swap3A_380, %swap3A_381, %swap3A_382], %swap3A_385 {strides = array<i32>} : memref<4x4096x8xf32, #tpu.memory_space<vmem>>, vector<1x4096x8xf32>,
      %swap3A_386 = arith.constant 64 : index
      %swap3A_387 = arith.constant 0 : index
      %swap3A_388 = vector.load %arg14[%swap3A_386, %swap3A_387] : memref<256x1024xf32, #tpu.memory_space<vmem>>, vector<64x1024xf32>
      tpu.vector_store %arg14[%swap3A_386, %swap3A_387], %mul3A_231 {strides = array<i32>} : memref<256x1024xf32, #tpu.memory_space<vmem>>, vector<64x1024xf32>,
      %get3A_389 = arith.constant 2 : index
      %get3A_390 = arith.constant 0 : index
      %get3A_391 = arith.constant 0 : index
      %get3A_392 = vector.load %arg2[%get3A_389, %get3A_390, %get3A_391] : memref<4x1x2048xf32, #tpu.memory_space<vmem>>, vector<1x1x2048xf32>
      %get3A_393 = vector.shape_cast %get3A_392 : vector<1x1x2048xf32> to vector<1x2048xf32>
      %reduce_sum3A_394 = vector.shape_cast %get3A_393 : vector<1x2048xf32> to vector<1x1x2048xf32>
      %reduce_sum3A_395 = arith.constant dense<0.000000e+00> : vector<1xf32>
      %reduce_sum3A_396 = vector.multi_reduction <add>, %reduce_sum3A_394, %reduce_sum3A_395 [1, 2] : vector<1x1x2048xf32> to vector<1xf32>
      %reduce_sum3A_397 = vector.shape_cast %reduce_sum3A_396 : vector<1xf32> to vector<1x1x1xf32>
      %reduce_sum3A_398 = vector.extract %reduce_sum3A_397[0, 0, 0] : f32 from vector<1x1x1xf32>
      %add3A_399 = arith.constant 9.99999997E-7 : f32
      %add3A_400 = arith.addf %reduce_sum3A_398, %add3A_399 : f32
      %get3A_401 = arith.constant 16 : index
      %get3A_402 = arith.constant 0 : index
      %get3A_403 = vector.load %arg1[%get3A_401, %get3A_402] : memref<32x1024xf32, #tpu.memory_space<vmem>>, vector<8x1024xf32>
      %reduce_sum3A_404 = arith.constant dense<0.000000e+00> : vector<1024xf32>
      %reduce_sum3A_405 = vector.multi_reduction <add>, %get3A_403, %reduce_sum3A_404 [0] : vector<8x1024xf32> to vector<1024xf32>
      %broadcast_in_dim3A_406 = vector.shape_cast %reduce_sum3A_405 : vector<1024xf32> to vector<1x1024xf32>
      %div3A_407 = vector.broadcast %add3A_400 : f32 to vector<1x1024xf32>
      %div3A_408 = arith.divf %broadcast_in_dim3A_406, %div3A_407 : vector<1x1024xf32>
      %get3A_409 = arith.constant 0 : index
      %get3A_410 = arith.constant 0 : index
      %get3A_411 = vector.load %arg5[%get3A_409, %get3A_410] : memref<1024x1024xf32, #tpu.memory_space<vmem>>, vector<1024x1024xf32>
      %dot_general3A_412 = arith.constant dense<0.000000e+00> : vector<1x1024xf32>
      %dot_general3A_413 = tpu.matmul %div3A_408, %get3A_411, %dot_general3A_412 {dimension_numbers = #tpu.dot_dimension_numbers<[1], [0], [0], [1], [0, 0, 1, 1], [], []>, transpose_lhs_hint = false} : vector<1x1024xf32>, vector<1024x1024xf32>, vector<1x1024xf32> -> vector<1x1024xf32>
      %tanh3A_414 = math.tanh %dot_general3A_413 : vector<1x1024xf32>
      %get3A_415 = arith.constant 2 : index
      %get3A_416 = arith.constant 0 : index
      %get3A_417 = arith.constant 0 : index
      %get3A_418 = vector.load %arg3[%get3A_415, %get3A_416, %get3A_417] : memref<4x64x1024xf32, #tpu.memory_space<vmem>>, vector<1x64x1024xf32>
      %get3A_419 = vector.shape_cast %get3A_418 : vector<1x64x1024xf32> to vector<64x1024xf32>
      %add3A_420 = vector.broadcast %tanh3A_414 : vector<1x1024xf32> to vector<64x1024xf32>
      %add3A_421 = arith.addf %get3A_419, %add3A_420 : vector<64x1024xf32>
      %get3A_422 = arith.constant 2 : index
      %get3A_423 = arith.constant 0 : index
      %get3A_424 = arith.constant 0 : index
      %get3A_425 = vector.load %arg4[%get3A_422, %get3A_423, %get3A_424] : memref<4x64x1xf32, #tpu.memory_space<vmem>>, vector<1x64x1xf32>
      %get3A_426 = vector.shape_cast %get3A_425 : vector<1x64x1xf32> to vector<64x1xf32>
      %mul3A_427 = vector.broadcast %get3A_426 : vector<64x1xf32> to vector<64x1024xf32>
      %mul3A_428 = arith.mulf %add3A_421, %mul3A_427 : vector<64x1024xf32>
      %get3A_429 = arith.constant 0 : index
      %get3A_430 = arith.constant 0 : index
      %get3A_431 = vector.load %arg6[%get3A_429, %get3A_430] : memref<1024x256xf32, #tpu.memory_space<vmem>>, vector<1024x256xf32>
      %dot_general3A_432 = arith.constant dense<0.000000e+00> : vector<64x256xf32>
      %dot_general3A_433 = tpu.matmul %mul3A_428, %get3A_431, %dot_general3A_432 {dimension_numbers = #tpu.dot_dimension_numbers<[1], [0], [0], [1], [0, 0, 1, 1], [], []>, transpose_lhs_hint = false} : vector<64x1024xf32>, vector<1024x256xf32>, vector<64x256xf32> -> vector<64x256xf32>
      %get3A_434 = arith.constant 0 : index
      %get3A_435 = arith.constant 0 : index
      %get3A_436 = vector.load %arg7[%get3A_434, %get3A_435] : memref<1024x256xf32, #tpu.memory_space<vmem>>, vector<1024x256xf32>
      %dot_general3A_437 = arith.constant dense<0.000000e+00> : vector<64x256xf32>
      %dot_general3A_438 = tpu.matmul %mul3A_428, %get3A_436, %dot_general3A_437 {dimension_numbers = #tpu.dot_dimension_numbers<[1], [0], [0], [1], [0, 0, 1, 1], [], []>, transpose_lhs_hint = false} : vector<64x1024xf32>, vector<1024x256xf32>, vector<64x256xf32> -> vector<64x256xf32>
      %broadcast_in_dim3A_439 = vector.shape_cast %dot_general3A_438 : vector<64x256xf32> to vector<64x1x256xf32>
      %broadcast_in_dim3A_440 = vector.shape_cast %dot_general3A_433 : vector<64x256xf32> to vector<1x64x256xf32>
      %add3A_441 = vector.broadcast %broadcast_in_dim3A_439 : vector<64x1x256xf32> to vector<64x64x256xf32>
      %add3A_442 = vector.broadcast %broadcast_in_dim3A_440 : vector<1x64x256xf32> to vector<64x64x256xf32>
      %add3A_443 = arith.addf %add3A_441, %add3A_442 : vector<64x64x256xf32>
      %max3A_444 = arith.constant 0.000000e+00 : f32
      %max3A_445 = vector.broadcast %max3A_444 : f32 to vector<64x64x256xf32>
      %max3A_446 = arith.maximumf %add3A_443, %max3A_445 : vector<64x64x256xf32>
      %reshape3A_447 = vector.shape_cast %max3A_446 : vector<64x64x256xf32> to vector<4096x256xf32>
      %get3A_448 = arith.constant 0 : index
      %get3A_449 = arith.constant 0 : index
      %get3A_450 = vector.load %arg8[%get3A_448, %get3A_449] : memref<256x8xf32, #tpu.memory_space<vmem>>, vector<256x8xf32>
      %dot_general3A_451 = arith.constant dense<0.000000e+00> : vector<4096x8xf32>
      %dot_general3A_452 = tpu.matmul %reshape3A_447, %get3A_450, %dot_general3A_451 {dimension_numbers = #tpu.dot_dimension_numbers<[1], [0], [0], [1], [0, 0, 1, 1], [], []>, transpose_lhs_hint = false} : vector<4096x256xf32>, vector<256x8xf32>, vector<4096x8xf32> -> vector<4096x8xf32>
      %reduce_max3A_453 = arith.constant dense<0xFF800000> : vector<4096xf32>
      %reduce_max3A_454 = vector.multi_reduction <maximumf>, %dot_general3A_452, %reduce_max3A_453 [1] : vector<4096x8xf32> to vector<4096xf32>
      %broadcast_in_dim3A_455 = vector.shape_cast %reduce_max3A_454 : vector<4096xf32> to vector<4096x1xf32>
      %ge3A_456 = vector.broadcast %broadcast_in_dim3A_455 : vector<4096x1xf32> to vector<4096x8xf32>
      %ge3A_457 = arith.cmpf oge, %dot_general3A_452, %ge3A_456 : vector<4096x8xf32>
      %convert_element_type3A_458 = arith.extui %ge3A_457 : vector<4096x8xi1> to vector<4096x8xi32>
      %convert_element_type3A_459 = arith.sitofp %convert_element_type3A_458 : vector<4096x8xi32> to vector<4096x8xf32>
      %iota3A_460 = tpu.iota {dimensions = array<i32: 0>} : vector<8x1xi32>
      %ne3A_461 = arith.constant 7 : i32
      %ne3A_462 = vector.broadcast %ne3A_461 : i32 to vector<8x1xi32>
      %ne3A_463 = arith.cmpi ne, %iota3A_460, %ne3A_462 : vector<8x1xi32>
      %get3A_464 = arith.constant 0 : index
      %get3A_465 = arith.constant 0 : index
      %get3A_466 = vector.load %arg9[%get3A_464, %get3A_465] : memref<8x1024xf32, #tpu.memory_space<vmem>>, vector<8x1024xf32>
      %convert_element_type3A_467 = arith.extui %ne3A_463 : vector<8x1xi1> to vector<8x1xi32>
      %convert_element_type3A_468 = arith.sitofp %convert_element_type3A_467 : vector<8x1xi32> to vector<8x1xf32>
      %mul3A_469 = vector.broadcast %convert_element_type3A_468 : vector<8x1xf32> to vector<8x1024xf32>
      %mul3A_470 = arith.mulf %get3A_466, %mul3A_469 : vector<8x1024xf32>
      %broadcast_in_dim3A_471 = vector.shape_cast %mul3A_428 : vector<64x1024xf32> to vector<1x64x1024xf32>
      %broadcast_in_dim3A_472 = vector.shape_cast %broadcast_in_dim3A_471 : vector<1x64x1024xf32> to vector<1x64x1024xf32>
      %broadcast_in_dim3A_473 = vector.broadcast %broadcast_in_dim3A_472 : vector<1x64x1024xf32> to vector<8x64x1024xf32>
      %reshape3A_474 = vector.shape_cast %broadcast_in_dim3A_473 : vector<8x64x1024xf32> to vector<512x1024xf32>
      %slice3A_475 = vector.extract_strided_slice %convert_element_type3A_459 {offsets = [0, 0], sizes = [512, 8], strides = [1, 1]} : vector<4096x8xf32> to vector<512x8xf32>
      %dot_general3A_476 = arith.constant dense<0.000000e+00> : vector<512x1024xf32>
      %dot_general3A_477 = tpu.matmul %slice3A_475, %mul3A_470, %dot_general3A_476 {dimension_numbers = #tpu.dot_dimension_numbers<[1], [0], [0], [1], [0, 0, 1, 1], [], []>, transpose_lhs_hint = false} : vector<512x8xf32>, vector<8x1024xf32>, vector<512x1024xf32> -> vector<512x1024xf32>
      %mul3A_478 = arith.mulf %dot_general3A_477, %reshape3A_474 : vector<512x1024xf32>
      %reshape3A_479 = vector.shape_cast %mul3A_478 : vector<512x1024xf32> to vector<8x64x1024xf32>
      %reduce_sum3A_480 = arith.constant dense<0.000000e+00> : vector<8x1024xf32>
      %reduce_sum3A_481 = vector.multi_reduction <add>, %reshape3A_479, %reduce_sum3A_480 [1] : vector<8x64x1024xf32> to vector<8x1024xf32>
      %slice3A_482 = vector.extract_strided_slice %convert_element_type3A_459 {offsets = [512, 0], sizes = [512, 8], strides = [1, 1]} : vector<4096x8xf32> to vector<512x8xf32>
      %dot_general3A_483 = arith.constant dense<0.000000e+00> : vector<512x1024xf32>
      %dot_general3A_484 = tpu.matmul %slice3A_482, %mul3A_470, %dot_general3A_483 {dimension_numbers = #tpu.dot_dimension_numbers<[1], [0], [0], [1], [0, 0, 1, 1], [], []>, transpose_lhs_hint = false} : vector<512x8xf32>, vector<8x1024xf32>, vector<512x1024xf32> -> vector<512x1024xf32>
      %mul3A_485 = arith.mulf %dot_general3A_484, %reshape3A_474 : vector<512x1024xf32>
      %reshape3A_486 = vector.shape_cast %mul3A_485 : vector<512x1024xf32> to vector<8x64x1024xf32>
      %reduce_sum3A_487 = arith.constant dense<0.000000e+00> : vector<8x1024xf32>
      %reduce_sum3A_488 = vector.multi_reduction <add>, %reshape3A_486, %reduce_sum3A_487 [1] : vector<8x64x1024xf32> to vector<8x1024xf32>
      %slice3A_489 = vector.extract_strided_slice %convert_element_type3A_459 {offsets = [1024, 0], sizes = [512, 8], strides = [1, 1]} : vector<4096x8xf32> to vector<512x8xf32>
      %dot_general3A_490 = arith.constant dense<0.000000e+00> : vector<512x1024xf32>
      %dot_general3A_491 = tpu.matmul %slice3A_489, %mul3A_470, %dot_general3A_490 {dimension_numbers = #tpu.dot_dimension_numbers<[1], [0], [0], [1], [0, 0, 1, 1], [], []>, transpose_lhs_hint = false} : vector<512x8xf32>, vector<8x1024xf32>, vector<512x1024xf32> -> vector<512x1024xf32>
      %mul3A_492 = arith.mulf %dot_general3A_491, %reshape3A_474 : vector<512x1024xf32>
      %reshape3A_493 = vector.shape_cast %mul3A_492 : vector<512x1024xf32> to vector<8x64x1024xf32>
      %reduce_sum3A_494 = arith.constant dense<0.000000e+00> : vector<8x1024xf32>
      %reduce_sum3A_495 = vector.multi_reduction <add>, %reshape3A_493, %reduce_sum3A_494 [1] : vector<8x64x1024xf32> to vector<8x1024xf32>
      %slice3A_496 = vector.extract_strided_slice %convert_element_type3A_459 {offsets = [1536, 0], sizes = [512, 8], strides = [1, 1]} : vector<4096x8xf32> to vector<512x8xf32>
      %dot_general3A_497 = arith.constant dense<0.000000e+00> : vector<512x1024xf32>
      %dot_general3A_498 = tpu.matmul %slice3A_496, %mul3A_470, %dot_general3A_497 {dimension_numbers = #tpu.dot_dimension_numbers<[1], [0], [0], [1], [0, 0, 1, 1], [], []>, transpose_lhs_hint = false} : vector<512x8xf32>, vector<8x1024xf32>, vector<512x1024xf32> -> vector<512x1024xf32>
      %mul3A_499 = arith.mulf %dot_general3A_498, %reshape3A_474 : vector<512x1024xf32>
      %reshape3A_500 = vector.shape_cast %mul3A_499 : vector<512x1024xf32> to vector<8x64x1024xf32>
      %reduce_sum3A_501 = arith.constant dense<0.000000e+00> : vector<8x1024xf32>
      %reduce_sum3A_502 = vector.multi_reduction <add>, %reshape3A_500, %reduce_sum3A_501 [1] : vector<8x64x1024xf32> to vector<8x1024xf32>
      %slice3A_503 = vector.extract_strided_slice %convert_element_type3A_459 {offsets = [2048, 0], sizes = [512, 8], strides = [1, 1]} : vector<4096x8xf32> to vector<512x8xf32>
      %dot_general3A_504 = arith.constant dense<0.000000e+00> : vector<512x1024xf32>
      %dot_general3A_505 = tpu.matmul %slice3A_503, %mul3A_470, %dot_general3A_504 {dimension_numbers = #tpu.dot_dimension_numbers<[1], [0], [0], [1], [0, 0, 1, 1], [], []>, transpose_lhs_hint = false} : vector<512x8xf32>, vector<8x1024xf32>, vector<512x1024xf32> -> vector<512x1024xf32>
      %mul3A_506 = arith.mulf %dot_general3A_505, %reshape3A_474 : vector<512x1024xf32>
      %reshape3A_507 = vector.shape_cast %mul3A_506 : vector<512x1024xf32> to vector<8x64x1024xf32>
      %reduce_sum3A_508 = arith.constant dense<0.000000e+00> : vector<8x1024xf32>
      %reduce_sum3A_509 = vector.multi_reduction <add>, %reshape3A_507, %reduce_sum3A_508 [1] : vector<8x64x1024xf32> to vector<8x1024xf32>
      %slice3A_510 = vector.extract_strided_slice %convert_element_type3A_459 {offsets = [2560, 0], sizes = [512, 8], strides = [1, 1]} : vector<4096x8xf32> to vector<512x8xf32>
      %dot_general3A_511 = arith.constant dense<0.000000e+00> : vector<512x1024xf32>
      %dot_general3A_512 = tpu.matmul %slice3A_510, %mul3A_470, %dot_general3A_511 {dimension_numbers = #tpu.dot_dimension_numbers<[1], [0], [0], [1], [0, 0, 1, 1], [], []>, transpose_lhs_hint = false} : vector<512x8xf32>, vector<8x1024xf32>, vector<512x1024xf32> -> vector<512x1024xf32>
      %mul3A_513 = arith.mulf %dot_general3A_512, %reshape3A_474 : vector<512x1024xf32>
      %reshape3A_514 = vector.shape_cast %mul3A_513 : vector<512x1024xf32> to vector<8x64x1024xf32>
      %reduce_sum3A_515 = arith.constant dense<0.000000e+00> : vector<8x1024xf32>
      %reduce_sum3A_516 = vector.multi_reduction <add>, %reshape3A_514, %reduce_sum3A_515 [1] : vector<8x64x1024xf32> to vector<8x1024xf32>
      %slice3A_517 = vector.extract_strided_slice %convert_element_type3A_459 {offsets = [3072, 0], sizes = [512, 8], strides = [1, 1]} : vector<4096x8xf32> to vector<512x8xf32>
      %dot_general3A_518 = arith.constant dense<0.000000e+00> : vector<512x1024xf32>
      %dot_general3A_519 = tpu.matmul %slice3A_517, %mul3A_470, %dot_general3A_518 {dimension_numbers = #tpu.dot_dimension_numbers<[1], [0], [0], [1], [0, 0, 1, 1], [], []>, transpose_lhs_hint = false} : vector<512x8xf32>, vector<8x1024xf32>, vector<512x1024xf32> -> vector<512x1024xf32>
      %mul3A_520 = arith.mulf %dot_general3A_519, %reshape3A_474 : vector<512x1024xf32>
      %reshape3A_521 = vector.shape_cast %mul3A_520 : vector<512x1024xf32> to vector<8x64x1024xf32>
      %reduce_sum3A_522 = arith.constant dense<0.000000e+00> : vector<8x1024xf32>
      %reduce_sum3A_523 = vector.multi_reduction <add>, %reshape3A_521, %reduce_sum3A_522 [1] : vector<8x64x1024xf32> to vector<8x1024xf32>
      %slice3A_524 = vector.extract_strided_slice %convert_element_type3A_459 {offsets = [3584, 0], sizes = [512, 8], strides = [1, 1]} : vector<4096x8xf32> to vector<512x8xf32>
      %dot_general3A_525 = arith.constant dense<0.000000e+00> : vector<512x1024xf32>
      %dot_general3A_526 = tpu.matmul %slice3A_524, %mul3A_470, %dot_general3A_525 {dimension_numbers = #tpu.dot_dimension_numbers<[1], [0], [0], [1], [0, 0, 1, 1], [], []>, transpose_lhs_hint = false} : vector<512x8xf32>, vector<8x1024xf32>, vector<512x1024xf32> -> vector<512x1024xf32>
      %mul3A_527 = arith.mulf %dot_general3A_526, %reshape3A_474 : vector<512x1024xf32>
      %reshape3A_528 = vector.shape_cast %mul3A_527 : vector<512x1024xf32> to vector<8x64x1024xf32>
      %reduce_sum3A_529 = arith.constant dense<0.000000e+00> : vector<8x1024xf32>
      %reduce_sum3A_530 = vector.multi_reduction <add>, %reshape3A_528, %reduce_sum3A_529 [1] : vector<8x64x1024xf32> to vector<8x1024xf32>
      %concatenate3A_531 = tpu.concatenate %reduce_sum3A_481, %reduce_sum3A_488, %reduce_sum3A_495, %reduce_sum3A_502, %reduce_sum3A_509, %reduce_sum3A_516, %reduce_sum3A_523, %reduce_sum3A_530 in 0 : vector<8x1024xf32>, vector<8x1024xf32>, vector<8x1024xf32>, vector<8x1024xf32>, vector<8x1024xf32>, vector<8x1024xf32>, vector<8x1024xf32>, vector<8x1024xf32> -> vector<64x1024xf32>
      %slice3A_532 = vector.extract_strided_slice %convert_element_type3A_459 {offsets = [0, 7], sizes = [4096, 1], strides = [1, 1]} : vector<4096x8xf32> to vector<4096x1xf32>
      %sub3A_533 = arith.constant 1.000000e+00 : f32
      %sub3A_534 = vector.broadcast %sub3A_533 : f32 to vector<4096x1xf32>
      %sub3A_535 = arith.subf %sub3A_534, %slice3A_532 : vector<4096x1xf32>
      %reshape3A_536 = vector.shape_cast %sub3A_535 : vector<4096x1xf32> to vector<64x64x1xf32>
      %reduce_sum3A_537 = arith.constant dense<0.000000e+00> : vector<64x1xf32>
      %reduce_sum3A_538 = vector.multi_reduction <add>, %reshape3A_536, %reduce_sum3A_537 [1] : vector<64x64x1xf32> to vector<64x1xf32>
      %max3A_539 = arith.constant 1.000000e+00 : f32
      %max3A_540 = vector.broadcast %max3A_539 : f32 to vector<64x1xf32>
      %max3A_541 = arith.maximumf %reduce_sum3A_538, %max3A_540 : vector<64x1xf32>
      %div3A_542 = vector.broadcast %max3A_541 : vector<64x1xf32> to vector<64x1024xf32>
      %div3A_543 = arith.divf %concatenate3A_531, %div3A_542 : vector<64x1024xf32>
      %get3A_544 = arith.constant 0 : index
      %get3A_545 = arith.constant 0 : index
      %get3A_546 = vector.load %arg10[%get3A_544, %get3A_545] : memref<1024x1024xf32, #tpu.memory_space<vmem>>, vector<1024x1024xf32>
      %dot_general3A_547 = arith.constant dense<0.000000e+00> : vector<64x1024xf32>
      %dot_general3A_548 = tpu.matmul %div3A_543, %get3A_546, %dot_general3A_547 {dimension_numbers = #tpu.dot_dimension_numbers<[1], [0], [0], [1], [0, 0, 1, 1], [], []>, transpose_lhs_hint = false} : vector<64x1024xf32>, vector<1024x1024xf32>, vector<64x1024xf32> -> vector<64x1024xf32>
      %add3A_549 = arith.addf %dot_general3A_548, %mul3A_428 : vector<64x1024xf32>
      %max3A_550 = arith.constant 0.000000e+00 : f32
      %max3A_551 = vector.broadcast %max3A_550 : f32 to vector<64x1024xf32>
      %max3A_552 = arith.maximumf %add3A_549, %max3A_551 : vector<64x1024xf32>
      %get3A_553 = arith.constant 0 : index
      %get3A_554 = arith.constant 0 : index
      %get3A_555 = vector.load %arg6[%get3A_553, %get3A_554] : memref<1024x256xf32, #tpu.memory_space<vmem>>, vector<1024x256xf32>
      %dot_general3A_556 = arith.constant dense<0.000000e+00> : vector<64x256xf32>
      %dot_general3A_557 = tpu.matmul %max3A_552, %get3A_555, %dot_general3A_556 {dimension_numbers = #tpu.dot_dimension_numbers<[1], [0], [0], [1], [0, 0, 1, 1], [], []>, transpose_lhs_hint = false} : vector<64x1024xf32>, vector<1024x256xf32>, vector<64x256xf32> -> vector<64x256xf32>
      %get3A_558 = arith.constant 0 : index
      %get3A_559 = arith.constant 0 : index
      %get3A_560 = vector.load %arg7[%get3A_558, %get3A_559] : memref<1024x256xf32, #tpu.memory_space<vmem>>, vector<1024x256xf32>
      %dot_general3A_561 = arith.constant dense<0.000000e+00> : vector<64x256xf32>
      %dot_general3A_562 = tpu.matmul %max3A_552, %get3A_560, %dot_general3A_561 {dimension_numbers = #tpu.dot_dimension_numbers<[1], [0], [0], [1], [0, 0, 1, 1], [], []>, transpose_lhs_hint = false} : vector<64x1024xf32>, vector<1024x256xf32>, vector<64x256xf32> -> vector<64x256xf32>
      %broadcast_in_dim3A_563 = vector.shape_cast %dot_general3A_557 : vector<64x256xf32> to vector<64x1x256xf32>
      %broadcast_in_dim3A_564 = vector.shape_cast %dot_general3A_562 : vector<64x256xf32> to vector<1x64x256xf32>
      %add3A_565 = vector.broadcast %broadcast_in_dim3A_563 : vector<64x1x256xf32> to vector<64x64x256xf32>
      %add3A_566 = vector.broadcast %broadcast_in_dim3A_564 : vector<1x64x256xf32> to vector<64x64x256xf32>
      %add3A_567 = arith.addf %add3A_565, %add3A_566 : vector<64x64x256xf32>
      %max3A_568 = arith.constant 0.000000e+00 : f32
      %max3A_569 = vector.broadcast %max3A_568 : f32 to vector<64x64x256xf32>
      %max3A_570 = arith.maximumf %add3A_567, %max3A_569 : vector<64x64x256xf32>
      %reshape3A_571 = vector.shape_cast %max3A_570 : vector<64x64x256xf32> to vector<4096x256xf32>
      %get3A_572 = arith.constant 0 : index
      %get3A_573 = arith.constant 0 : index
      %get3A_574 = vector.load %arg8[%get3A_572, %get3A_573] : memref<256x8xf32, #tpu.memory_space<vmem>>, vector<256x8xf32>
      %dot_general3A_575 = arith.constant dense<0.000000e+00> : vector<4096x8xf32>
      %dot_general3A_576 = tpu.matmul %reshape3A_571, %get3A_574, %dot_general3A_575 {dimension_numbers = #tpu.dot_dimension_numbers<[1], [0], [0], [1], [0, 0, 1, 1], [], []>, transpose_lhs_hint = false} : vector<4096x256xf32>, vector<256x8xf32>, vector<4096x8xf32> -> vector<4096x8xf32>
      %swap3A_577 = arith.constant 2 : index
      %swap3A_578 = arith.constant 0 : index
      %swap3A_579 = arith.constant 0 : index
      %swap3A_580 = vector.load %arg12[%swap3A_577, %swap3A_578, %swap3A_579] : memref<4x4096x8xf32, #tpu.memory_space<vmem>>, vector<1x4096x8xf32>
      %swap3A_581 = vector.shape_cast %swap3A_580 : vector<1x4096x8xf32> to vector<4096x8xf32>
      %swap3A_582 = vector.shape_cast %dot_general3A_576 : vector<4096x8xf32> to vector<1x4096x8xf32>
      tpu.vector_store %arg12[%swap3A_577, %swap3A_578, %swap3A_579], %swap3A_582 {strides = array<i32>} : memref<4x4096x8xf32, #tpu.memory_space<vmem>>, vector<1x4096x8xf32>,
      %swap3A_583 = arith.constant 128 : index
      %swap3A_584 = arith.constant 0 : index
      %swap3A_585 = vector.load %arg14[%swap3A_583, %swap3A_584] : memref<256x1024xf32, #tpu.memory_space<vmem>>, vector<64x1024xf32>
      tpu.vector_store %arg14[%swap3A_583, %swap3A_584], %mul3A_428 {strides = array<i32>} : memref<256x1024xf32, #tpu.memory_space<vmem>>, vector<64x1024xf32>,
      %get3A_586 = arith.constant 3 : index
      %get3A_587 = arith.constant 0 : index
      %get3A_588 = arith.constant 0 : index
      %get3A_589 = vector.load %arg2[%get3A_586, %get3A_587, %get3A_588] : memref<4x1x2048xf32, #tpu.memory_space<vmem>>, vector<1x1x2048xf32>
      %get3A_590 = vector.shape_cast %get3A_589 : vector<1x1x2048xf32> to vector<1x2048xf32>
      %reduce_sum3A_591 = vector.shape_cast %get3A_590 : vector<1x2048xf32> to vector<1x1x2048xf32>
      %reduce_sum3A_592 = arith.constant dense<0.000000e+00> : vector<1xf32>
      %reduce_sum3A_593 = vector.multi_reduction <add>, %reduce_sum3A_591, %reduce_sum3A_592 [1, 2] : vector<1x1x2048xf32> to vector<1xf32>
      %reduce_sum3A_594 = vector.shape_cast %reduce_sum3A_593 : vector<1xf32> to vector<1x1x1xf32>
      %reduce_sum3A_595 = vector.extract %reduce_sum3A_594[0, 0, 0] : f32 from vector<1x1x1xf32>
      %add3A_596 = arith.constant 9.99999997E-7 : f32
      %add3A_597 = arith.addf %reduce_sum3A_595, %add3A_596 : f32
      %get3A_598 = arith.constant 24 : index
      %get3A_599 = arith.constant 0 : index
      %get3A_600 = vector.load %arg1[%get3A_598, %get3A_599] : memref<32x1024xf32, #tpu.memory_space<vmem>>, vector<8x1024xf32>
      %reduce_sum3A_601 = arith.constant dense<0.000000e+00> : vector<1024xf32>
      %reduce_sum3A_602 = vector.multi_reduction <add>, %get3A_600, %reduce_sum3A_601 [0] : vector<8x1024xf32> to vector<1024xf32>
      %broadcast_in_dim3A_603 = vector.shape_cast %reduce_sum3A_602 : vector<1024xf32> to vector<1x1024xf32>
      %div3A_604 = vector.broadcast %add3A_597 : f32 to vector<1x1024xf32>
      %div3A_605 = arith.divf %broadcast_in_dim3A_603, %div3A_604 : vector<1x1024xf32>
      %get3A_606 = arith.constant 0 : index
      %get3A_607 = arith.constant 0 : index
      %get3A_608 = vector.load %arg5[%get3A_606, %get3A_607] : memref<1024x1024xf32, #tpu.memory_space<vmem>>, vector<1024x1024xf32>
      %dot_general3A_609 = arith.constant dense<0.000000e+00> : vector<1x1024xf32>
      %dot_general3A_610 = tpu.matmul %div3A_605, %get3A_608, %dot_general3A_609 {dimension_numbers = #tpu.dot_dimension_numbers<[1], [0], [0], [1], [0, 0, 1, 1], [], []>, transpose_lhs_hint = false} : vector<1x1024xf32>, vector<1024x1024xf32>, vector<1x1024xf32> -> vector<1x1024xf32>
      %tanh3A_611 = math.tanh %dot_general3A_610 : vector<1x1024xf32>
      %get3A_612 = arith.constant 3 : index
      %get3A_613 = arith.constant 0 : index
      %get3A_614 = arith.constant 0 : index
      %get3A_615 = vector.load %arg3[%get3A_612, %get3A_613, %get3A_614] : memref<4x64x1024xf32, #tpu.memory_space<vmem>>, vector<1x64x1024xf32>
      %get3A_616 = vector.shape_cast %get3A_615 : vector<1x64x1024xf32> to vector<64x1024xf32>
      %add3A_617 = vector.broadcast %tanh3A_611 : vector<1x1024xf32> to vector<64x1024xf32>
      %add3A_618 = arith.addf %get3A_616, %add3A_617 : vector<64x1024xf32>
      %get3A_619 = arith.constant 3 : index
      %get3A_620 = arith.constant 0 : index
      %get3A_621 = arith.constant 0 : index
      %get3A_622 = vector.load %arg4[%get3A_619, %get3A_620, %get3A_621] : memref<4x64x1xf32, #tpu.memory_space<vmem>>, vector<1x64x1xf32>
      %get3A_623 = vector.shape_cast %get3A_622 : vector<1x64x1xf32> to vector<64x1xf32>
      %mul3A_624 = vector.broadcast %get3A_623 : vector<64x1xf32> to vector<64x1024xf32>
      %mul3A_625 = arith.mulf %add3A_618, %mul3A_624 : vector<64x1024xf32>
      %get3A_626 = arith.constant 0 : index
      %get3A_627 = arith.constant 0 : index
      %get3A_628 = vector.load %arg6[%get3A_626, %get3A_627] : memref<1024x256xf32, #tpu.memory_space<vmem>>, vector<1024x256xf32>
      %dot_general3A_629 = arith.constant dense<0.000000e+00> : vector<64x256xf32>
      %dot_general3A_630 = tpu.matmul %mul3A_625, %get3A_628, %dot_general3A_629 {dimension_numbers = #tpu.dot_dimension_numbers<[1], [0], [0], [1], [0, 0, 1, 1], [], []>, transpose_lhs_hint = false} : vector<64x1024xf32>, vector<1024x256xf32>, vector<64x256xf32> -> vector<64x256xf32>
      %get3A_631 = arith.constant 0 : index
      %get3A_632 = arith.constant 0 : index
      %get3A_633 = vector.load %arg7[%get3A_631, %get3A_632] : memref<1024x256xf32, #tpu.memory_space<vmem>>, vector<1024x256xf32>
      %dot_general3A_634 = arith.constant dense<0.000000e+00> : vector<64x256xf32>
      %dot_general3A_635 = tpu.matmul %mul3A_625, %get3A_633, %dot_general3A_634 {dimension_numbers = #tpu.dot_dimension_numbers<[1], [0], [0], [1], [0, 0, 1, 1], [], []>, transpose_lhs_hint = false} : vector<64x1024xf32>, vector<1024x256xf32>, vector<64x256xf32> -> vector<64x256xf32>
      %broadcast_in_dim3A_636 = vector.shape_cast %dot_general3A_635 : vector<64x256xf32> to vector<64x1x256xf32>
      %broadcast_in_dim3A_637 = vector.shape_cast %dot_general3A_630 : vector<64x256xf32> to vector<1x64x256xf32>
      %add3A_638 = vector.broadcast %broadcast_in_dim3A_636 : vector<64x1x256xf32> to vector<64x64x256xf32>
      %add3A_639 = vector.broadcast %broadcast_in_dim3A_637 : vector<1x64x256xf32> to vector<64x64x256xf32>
      %add3A_640 = arith.addf %add3A_638, %add3A_639 : vector<64x64x256xf32>
      %max3A_641 = arith.constant 0.000000e+00 : f32
      %max3A_642 = vector.broadcast %max3A_641 : f32 to vector<64x64x256xf32>
      %max3A_643 = arith.maximumf %add3A_640, %max3A_642 : vector<64x64x256xf32>
      %reshape3A_644 = vector.shape_cast %max3A_643 : vector<64x64x256xf32> to vector<4096x256xf32>
      %get3A_645 = arith.constant 0 : index
      %get3A_646 = arith.constant 0 : index
      %get3A_647 = vector.load %arg8[%get3A_645, %get3A_646] : memref<256x8xf32, #tpu.memory_space<vmem>>, vector<256x8xf32>
      %dot_general3A_648 = arith.constant dense<0.000000e+00> : vector<4096x8xf32>
      %dot_general3A_649 = tpu.matmul %reshape3A_644, %get3A_647, %dot_general3A_648 {dimension_numbers = #tpu.dot_dimension_numbers<[1], [0], [0], [1], [0, 0, 1, 1], [], []>, transpose_lhs_hint = false} : vector<4096x256xf32>, vector<256x8xf32>, vector<4096x8xf32> -> vector<4096x8xf32>
      %reduce_max3A_650 = arith.constant dense<0xFF800000> : vector<4096xf32>
      %reduce_max3A_651 = vector.multi_reduction <maximumf>, %dot_general3A_649, %reduce_max3A_650 [1] : vector<4096x8xf32> to vector<4096xf32>
      %broadcast_in_dim3A_652 = vector.shape_cast %reduce_max3A_651 : vector<4096xf32> to vector<4096x1xf32>
      %ge3A_653 = vector.broadcast %broadcast_in_dim3A_652 : vector<4096x1xf32> to vector<4096x8xf32>
      %ge3A_654 = arith.cmpf oge, %dot_general3A_649, %ge3A_653 : vector<4096x8xf32>
      %convert_element_type3A_655 = arith.extui %ge3A_654 : vector<4096x8xi1> to vector<4096x8xi32>
      %convert_element_type3A_656 = arith.sitofp %convert_element_type3A_655 : vector<4096x8xi32> to vector<4096x8xf32>
      %iota3A_657 = tpu.iota {dimensions = array<i32: 0>} : vector<8x1xi32>
      %ne3A_658 = arith.constant 7 : i32
      %ne3A_659 = vector.broadcast %ne3A_658 : i32 to vector<8x1xi32>
      %ne3A_660 = arith.cmpi ne, %iota3A_657, %ne3A_659 : vector<8x1xi32>
      %get3A_661 = arith.constant 0 : index
      %get3A_662 = arith.constant 0 : index
      %get3A_663 = vector.load %arg9[%get3A_661, %get3A_662] : memref<8x1024xf32, #tpu.memory_space<vmem>>, vector<8x1024xf32>
      %convert_element_type3A_664 = arith.extui %ne3A_660 : vector<8x1xi1> to vector<8x1xi32>
      %convert_element_type3A_665 = arith.sitofp %convert_element_type3A_664 : vector<8x1xi32> to vector<8x1xf32>
      %mul3A_666 = vector.broadcast %convert_element_type3A_665 : vector<8x1xf32> to vector<8x1024xf32>
      %mul3A_667 = arith.mulf %get3A_663, %mul3A_666 : vector<8x1024xf32>
      %broadcast_in_dim3A_668 = vector.shape_cast %mul3A_625 : vector<64x1024xf32> to vector<1x64x1024xf32>
      %broadcast_in_dim3A_669 = vector.shape_cast %broadcast_in_dim3A_668 : vector<1x64x1024xf32> to vector<1x64x1024xf32>
      %broadcast_in_dim3A_670 = vector.broadcast %broadcast_in_dim3A_669 : vector<1x64x1024xf32> to vector<8x64x1024xf32>
      %reshape3A_671 = vector.shape_cast %broadcast_in_dim3A_670 : vector<8x64x1024xf32> to vector<512x1024xf32>
      %slice3A_672 = vector.extract_strided_slice %convert_element_type3A_656 {offsets = [0, 0], sizes = [512, 8], strides = [1, 1]} : vector<4096x8xf32> to vector<512x8xf32>
      %dot_general3A_673 = arith.constant dense<0.000000e+00> : vector<512x1024xf32>
      %dot_general3A_674 = tpu.matmul %slice3A_672, %mul3A_667, %dot_general3A_673 {dimension_numbers = #tpu.dot_dimension_numbers<[1], [0], [0], [1], [0, 0, 1, 1], [], []>, transpose_lhs_hint = false} : vector<512x8xf32>, vector<8x1024xf32>, vector<512x1024xf32> -> vector<512x1024xf32>
      %mul3A_675 = arith.mulf %dot_general3A_674, %reshape3A_671 : vector<512x1024xf32>
      %reshape3A_676 = vector.shape_cast %mul3A_675 : vector<512x1024xf32> to vector<8x64x1024xf32>
      %reduce_sum3A_677 = arith.constant dense<0.000000e+00> : vector<8x1024xf32>
      %reduce_sum3A_678 = vector.multi_reduction <add>, %reshape3A_676, %reduce_sum3A_677 [1] : vector<8x64x1024xf32> to vector<8x1024xf32>
      %slice3A_679 = vector.extract_strided_slice %convert_element_type3A_656 {offsets = [512, 0], sizes = [512, 8], strides = [1, 1]} : vector<4096x8xf32> to vector<512x8xf32>
      %dot_general3A_680 = arith.constant dense<0.000000e+00> : vector<512x1024xf32>
      %dot_general3A_681 = tpu.matmul %slice3A_679, %mul3A_667, %dot_general3A_680 {dimension_numbers = #tpu.dot_dimension_numbers<[1], [0], [0], [1], [0, 0, 1, 1], [], []>, transpose_lhs_hint = false} : vector<512x8xf32>, vector<8x1024xf32>, vector<512x1024xf32> -> vector<512x1024xf32>
      %mul3A_682 = arith.mulf %dot_general3A_681, %reshape3A_671 : vector<512x1024xf32>
      %reshape3A_683 = vector.shape_cast %mul3A_682 : vector<512x1024xf32> to vector<8x64x1024xf32>
      %reduce_sum3A_684 = arith.constant dense<0.000000e+00> : vector<8x1024xf32>
      %reduce_sum3A_685 = vector.multi_reduction <add>, %reshape3A_683, %reduce_sum3A_684 [1] : vector<8x64x1024xf32> to vector<8x1024xf32>
      %slice3A_686 = vector.extract_strided_slice %convert_element_type3A_656 {offsets = [1024, 0], sizes = [512, 8], strides = [1, 1]} : vector<4096x8xf32> to vector<512x8xf32>
      %dot_general3A_687 = arith.constant dense<0.000000e+00> : vector<512x1024xf32>
      %dot_general3A_688 = tpu.matmul %slice3A_686, %mul3A_667, %dot_general3A_687 {dimension_numbers = #tpu.dot_dimension_numbers<[1], [0], [0], [1], [0, 0, 1, 1], [], []>, transpose_lhs_hint = false} : vector<512x8xf32>, vector<8x1024xf32>, vector<512x1024xf32> -> vector<512x1024xf32>
      %mul3A_689 = arith.mulf %dot_general3A_688, %reshape3A_671 : vector<512x1024xf32>
      %reshape3A_690 = vector.shape_cast %mul3A_689 : vector<512x1024xf32> to vector<8x64x1024xf32>
      %reduce_sum3A_691 = arith.constant dense<0.000000e+00> : vector<8x1024xf32>
      %reduce_sum3A_692 = vector.multi_reduction <add>, %reshape3A_690, %reduce_sum3A_691 [1] : vector<8x64x1024xf32> to vector<8x1024xf32>
      %slice3A_693 = vector.extract_strided_slice %convert_element_type3A_656 {offsets = [1536, 0], sizes = [512, 8], strides = [1, 1]} : vector<4096x8xf32> to vector<512x8xf32>
      %dot_general3A_694 = arith.constant dense<0.000000e+00> : vector<512x1024xf32>
      %dot_general3A_695 = tpu.matmul %slice3A_693, %mul3A_667, %dot_general3A_694 {dimension_numbers = #tpu.dot_dimension_numbers<[1], [0], [0], [1], [0, 0, 1, 1], [], []>, transpose_lhs_hint = false} : vector<512x8xf32>, vector<8x1024xf32>, vector<512x1024xf32> -> vector<512x1024xf32>
      %mul3A_696 = arith.mulf %dot_general3A_695, %reshape3A_671 : vector<512x1024xf32>
      %reshape3A_697 = vector.shape_cast %mul3A_696 : vector<512x1024xf32> to vector<8x64x1024xf32>
      %reduce_sum3A_698 = arith.constant dense<0.000000e+00> : vector<8x1024xf32>
      %reduce_sum3A_699 = vector.multi_reduction <add>, %reshape3A_697, %reduce_sum3A_698 [1] : vector<8x64x1024xf32> to vector<8x1024xf32>
      %slice3A_700 = vector.extract_strided_slice %convert_element_type3A_656 {offsets = [2048, 0], sizes = [512, 8], strides = [1, 1]} : vector<4096x8xf32> to vector<512x8xf32>
      %dot_general3A_701 = arith.constant dense<0.000000e+00> : vector<512x1024xf32>
      %dot_general3A_702 = tpu.matmul %slice3A_700, %mul3A_667, %dot_general3A_701 {dimension_numbers = #tpu.dot_dimension_numbers<[1], [0], [0], [1], [0, 0, 1, 1], [], []>, transpose_lhs_hint = false} : vector<512x8xf32>, vector<8x1024xf32>, vector<512x1024xf32> -> vector<512x1024xf32>
      %mul3A_703 = arith.mulf %dot_general3A_702, %reshape3A_671 : vector<512x1024xf32>
      %reshape3A_704 = vector.shape_cast %mul3A_703 : vector<512x1024xf32> to vector<8x64x1024xf32>
      %reduce_sum3A_705 = arith.constant dense<0.000000e+00> : vector<8x1024xf32>
      %reduce_sum3A_706 = vector.multi_reduction <add>, %reshape3A_704, %reduce_sum3A_705 [1] : vector<8x64x1024xf32> to vector<8x1024xf32>
      %slice3A_707 = vector.extract_strided_slice %convert_element_type3A_656 {offsets = [2560, 0], sizes = [512, 8], strides = [1, 1]} : vector<4096x8xf32> to vector<512x8xf32>
      %dot_general3A_708 = arith.constant dense<0.000000e+00> : vector<512x1024xf32>
      %dot_general3A_709 = tpu.matmul %slice3A_707, %mul3A_667, %dot_general3A_708 {dimension_numbers = #tpu.dot_dimension_numbers<[1], [0], [0], [1], [0, 0, 1, 1], [], []>, transpose_lhs_hint = false} : vector<512x8xf32>, vector<8x1024xf32>, vector<512x1024xf32> -> vector<512x1024xf32>
      %mul3A_710 = arith.mulf %dot_general3A_709, %reshape3A_671 : vector<512x1024xf32>
      %reshape3A_711 = vector.shape_cast %mul3A_710 : vector<512x1024xf32> to vector<8x64x1024xf32>
      %reduce_sum3A_712 = arith.constant dense<0.000000e+00> : vector<8x1024xf32>
      %reduce_sum3A_713 = vector.multi_reduction <add>, %reshape3A_711, %reduce_sum3A_712 [1] : vector<8x64x1024xf32> to vector<8x1024xf32>
      %slice3A_714 = vector.extract_strided_slice %convert_element_type3A_656 {offsets = [3072, 0], sizes = [512, 8], strides = [1, 1]} : vector<4096x8xf32> to vector<512x8xf32>
      %dot_general3A_715 = arith.constant dense<0.000000e+00> : vector<512x1024xf32>
      %dot_general3A_716 = tpu.matmul %slice3A_714, %mul3A_667, %dot_general3A_715 {dimension_numbers = #tpu.dot_dimension_numbers<[1], [0], [0], [1], [0, 0, 1, 1], [], []>, transpose_lhs_hint = false} : vector<512x8xf32>, vector<8x1024xf32>, vector<512x1024xf32> -> vector<512x1024xf32>
      %mul3A_717 = arith.mulf %dot_general3A_716, %reshape3A_671 : vector<512x1024xf32>
      %reshape3A_718 = vector.shape_cast %mul3A_717 : vector<512x1024xf32> to vector<8x64x1024xf32>
      %reduce_sum3A_719 = arith.constant dense<0.000000e+00> : vector<8x1024xf32>
      %reduce_sum3A_720 = vector.multi_reduction <add>, %reshape3A_718, %reduce_sum3A_719 [1] : vector<8x64x1024xf32> to vector<8x1024xf32>
      %slice3A_721 = vector.extract_strided_slice %convert_element_type3A_656 {offsets = [3584, 0], sizes = [512, 8], strides = [1, 1]} : vector<4096x8xf32> to vector<512x8xf32>
      %dot_general3A_722 = arith.constant dense<0.000000e+00> : vector<512x1024xf32>
      %dot_general3A_723 = tpu.matmul %slice3A_721, %mul3A_667, %dot_general3A_722 {dimension_numbers = #tpu.dot_dimension_numbers<[1], [0], [0], [1], [0, 0, 1, 1], [], []>, transpose_lhs_hint = false} : vector<512x8xf32>, vector<8x1024xf32>, vector<512x1024xf32> -> vector<512x1024xf32>
      %mul3A_724 = arith.mulf %dot_general3A_723, %reshape3A_671 : vector<512x1024xf32>
      %reshape3A_725 = vector.shape_cast %mul3A_724 : vector<512x1024xf32> to vector<8x64x1024xf32>
      %reduce_sum3A_726 = arith.constant dense<0.000000e+00> : vector<8x1024xf32>
      %reduce_sum3A_727 = vector.multi_reduction <add>, %reshape3A_725, %reduce_sum3A_726 [1] : vector<8x64x1024xf32> to vector<8x1024xf32>
      %concatenate3A_728 = tpu.concatenate %reduce_sum3A_678, %reduce_sum3A_685, %reduce_sum3A_692, %reduce_sum3A_699, %reduce_sum3A_706, %reduce_sum3A_713, %reduce_sum3A_720, %reduce_sum3A_727 in 0 : vector<8x1024xf32>, vector<8x1024xf32>, vector<8x1024xf32>, vector<8x1024xf32>, vector<8x1024xf32>, vector<8x1024xf32>, vector<8x1024xf32>, vector<8x1024xf32> -> vector<64x1024xf32>
      %slice3A_729 = vector.extract_strided_slice %convert_element_type3A_656 {offsets = [0, 7], sizes = [4096, 1], strides = [1, 1]} : vector<4096x8xf32> to vector<4096x1xf32>
      %sub3A_730 = arith.constant 1.000000e+00 : f32
      %sub3A_731 = vector.broadcast %sub3A_730 : f32 to vector<4096x1xf32>
      %sub3A_732 = arith.subf %sub3A_731, %slice3A_729 : vector<4096x1xf32>
      %reshape3A_733 = vector.shape_cast %sub3A_732 : vector<4096x1xf32> to vector<64x64x1xf32>
      %reduce_sum3A_734 = arith.constant dense<0.000000e+00> : vector<64x1xf32>
      %reduce_sum3A_735 = vector.multi_reduction <add>, %reshape3A_733, %reduce_sum3A_734 [1] : vector<64x64x1xf32> to vector<64x1xf32>
      %max3A_736 = arith.constant 1.000000e+00 : f32
      %max3A_737 = vector.broadcast %max3A_736 : f32 to vector<64x1xf32>
      %max3A_738 = arith.maximumf %reduce_sum3A_735, %max3A_737 : vector<64x1xf32>
      %div3A_739 = vector.broadcast %max3A_738 : vector<64x1xf32> to vector<64x1024xf32>
      %div3A_740 = arith.divf %concatenate3A_728, %div3A_739 : vector<64x1024xf32>
      %get3A_741 = arith.constant 0 : index
      %get3A_742 = arith.constant 0 : index
      %get3A_743 = vector.load %arg10[%get3A_741, %get3A_742] : memref<1024x1024xf32, #tpu.memory_space<vmem>>, vector<1024x1024xf32>
      %dot_general3A_744 = arith.constant dense<0.000000e+00> : vector<64x1024xf32>
      %dot_general3A_745 = tpu.matmul %div3A_740, %get3A_743, %dot_general3A_744 {dimension_numbers = #tpu.dot_dimension_numbers<[1], [0], [0], [1], [0, 0, 1, 1], [], []>, transpose_lhs_hint = false} : vector<64x1024xf32>, vector<1024x1024xf32>, vector<64x1024xf32> -> vector<64x1024xf32>
      %add3A_746 = arith.addf %dot_general3A_745, %mul3A_625 : vector<64x1024xf32>
      %max3A_747 = arith.constant 0.000000e+00 : f32
      %max3A_748 = vector.broadcast %max3A_747 : f32 to vector<64x1024xf32>
      %max3A_749 = arith.maximumf %add3A_746, %max3A_748 : vector<64x1024xf32>
      %get3A_750 = arith.constant 0 : index
      %get3A_751 = arith.constant 0 : index
      %get3A_752 = vector.load %arg6[%get3A_750, %get3A_751] : memref<1024x256xf32, #tpu.memory_space<vmem>>, vector<1024x256xf32>
      %dot_general3A_753 = arith.constant dense<0.000000e+00> : vector<64x256xf32>
      %dot_general3A_754 = tpu.matmul %max3A_749, %get3A_752, %dot_general3A_753 {dimension_numbers = #tpu.dot_dimension_numbers<[1], [0], [0], [1], [0, 0, 1, 1], [], []>, transpose_lhs_hint = false} : vector<64x1024xf32>, vector<1024x256xf32>, vector<64x256xf32> -> vector<64x256xf32>
      %get3A_755 = arith.constant 0 : index
      %get3A_756 = arith.constant 0 : index
      %get3A_757 = vector.load %arg7[%get3A_755, %get3A_756] : memref<1024x256xf32, #tpu.memory_space<vmem>>, vector<1024x256xf32>
      %dot_general3A_758 = arith.constant dense<0.000000e+00> : vector<64x256xf32>
      %dot_general3A_759 = tpu.matmul %max3A_749, %get3A_757, %dot_general3A_758 {dimension_numbers = #tpu.dot_dimension_numbers<[1], [0], [0], [1], [0, 0, 1, 1], [], []>, transpose_lhs_hint = false} : vector<64x1024xf32>, vector<1024x256xf32>, vector<64x256xf32> -> vector<64x256xf32>
      %broadcast_in_dim3A_760 = vector.shape_cast %dot_general3A_754 : vector<64x256xf32> to vector<64x1x256xf32>
      %broadcast_in_dim3A_761 = vector.shape_cast %dot_general3A_759 : vector<64x256xf32> to vector<1x64x256xf32>
      %add3A_762 = vector.broadcast %broadcast_in_dim3A_760 : vector<64x1x256xf32> to vector<64x64x256xf32>
      %add3A_763 = vector.broadcast %broadcast_in_dim3A_761 : vector<1x64x256xf32> to vector<64x64x256xf32>
      %add3A_764 = arith.addf %add3A_762, %add3A_763 : vector<64x64x256xf32>
      %max3A_765 = arith.constant 0.000000e+00 : f32
      %max3A_766 = vector.broadcast %max3A_765 : f32 to vector<64x64x256xf32>
      %max3A_767 = arith.maximumf %add3A_764, %max3A_766 : vector<64x64x256xf32>
      %reshape3A_768 = vector.shape_cast %max3A_767 : vector<64x64x256xf32> to vector<4096x256xf32>
      %get3A_769 = arith.constant 0 : index
      %get3A_770 = arith.constant 0 : index
      %get3A_771 = vector.load %arg8[%get3A_769, %get3A_770] : memref<256x8xf32, #tpu.memory_space<vmem>>, vector<256x8xf32>
      %dot_general3A_772 = arith.constant dense<0.000000e+00> : vector<4096x8xf32>
      %dot_general3A_773 = tpu.matmul %reshape3A_768, %get3A_771, %dot_general3A_772 {dimension_numbers = #tpu.dot_dimension_numbers<[1], [0], [0], [1], [0, 0, 1, 1], [], []>, transpose_lhs_hint = false} : vector<4096x256xf32>, vector<256x8xf32>, vector<4096x8xf32> -> vector<4096x8xf32>
      %swap3A_774 = arith.constant 3 : index
      %swap3A_775 = arith.constant 0 : index
      %swap3A_776 = arith.constant 0 : index
      %swap3A_777 = vector.load %arg12[%swap3A_774, %swap3A_775, %swap3A_776] : memref<4x4096x8xf32, #tpu.memory_space<vmem>>, vector<1x4096x8xf32>
      %swap3A_778 = vector.shape_cast %swap3A_777 : vector<1x4096x8xf32> to vector<4096x8xf32>
      %swap3A_779 = vector.shape_cast %dot_general3A_773 : vector<4096x8xf32> to vector<1x4096x8xf32>
      tpu.vector_store %arg12[%swap3A_774, %swap3A_775, %swap3A_776], %swap3A_779 {strides = array<i32>} : memref<4x4096x8xf32, #tpu.memory_space<vmem>>, vector<1x4096x8xf32>,
      %swap3A_780 = arith.constant 192 : index
      %swap3A_781 = arith.constant 0 : index
      %swap3A_782 = vector.load %arg14[%swap3A_780, %swap3A_781] : memref<256x1024xf32, #tpu.memory_space<vmem>>, vector<64x1024xf32>
      tpu.vector_store %arg14[%swap3A_780, %swap3A_781], %mul3A_625 {strides = array<i32>} : memref<256x1024xf32, #tpu.memory_space<vmem>>, vector<64x1024xf32>,
    } else {
    }
    %get3A = arith.constant 0 : index
    %get3A_2 = arith.constant 0 : index
    %get3A_3 = vector.load %arg14[%get3A, %get3A_2] : memref<256x1024xf32, #tpu.memory_space<vmem>>, vector<256x1024xf32>
    %get3A_4 = arith.constant 0 : index
    %get3A_5 = arith.constant 0 : index
    %get3A_6 = vector.load %arg11[%get3A_4, %get3A_5] : memref<1024x2048xf32, #tpu.memory_space<vmem>>, vector<1024x2048xf32>
    %dot_general3A = arith.constant dense<0.000000e+00> : vector<256x2048xf32>
    %dot_general3A_7 = tpu.matmul %get3A_3, %get3A_6, %dot_general3A {dimension_numbers = #tpu.dot_dimension_numbers<[1], [0], [0], [1], [0, 0, 1, 1], [], []>, transpose_lhs_hint = false} : vector<256x1024xf32>, vector<1024x2048xf32>, vector<256x2048xf32> -> vector<256x2048xf32>
    %swap3A = arith.constant 0 : index
    %swap3A_8 = arith.constant 0 : index
    %swap3A_9 = vector.load %arg13[%swap3A, %swap3A_8] : memref<256x2048xf32, #tpu.memory_space<vmem>>, vector<256x2048xf32>
    tpu.vector_store %arg13[%swap3A, %swap3A_8], %dot_general3A_7 {strides = array<i32>} : memref<256x2048xf32, #tpu.memory_space<vmem>>, vector<256x2048xf32>,
    return
  }
  func.func @transform_0(%arg0: i32) -> (i32, i32) {
    %c0_i32 = arith.constant 0 : i32
    %c0_i32_0 = arith.constant 0 : i32
    %c0_i32_1 = arith.constant 0 : i32
    return %c0_i32, %c0_i32_0 : i32, i32
  }
  func.func @transform_1(%arg0: i32) -> (i32, i32, i32) {
    %c0_i32 = arith.constant 0 : i32
    %c0_i32_0 = arith.constant 0 : i32
    %c0_i32_1 = arith.constant 0 : i32
    %c0_i32_2 = arith.constant 0 : i32
    return %c0_i32, %c0_i32_0, %c0_i32_1 : i32, i32, i32
  }
  func.func @transform_2(%arg0: i32) -> (i32, i32, i32) {
    %c0_i32 = arith.constant 0 : i32
    %c0_i32_0 = arith.constant 0 : i32
    %c0_i32_1 = arith.constant 0 : i32
    %c0_i32_2 = arith.constant 0 : i32
    return %c0_i32, %c0_i32_0, %c0_i32_1 : i32, i32, i32
  }
  func.func @transform_3(%arg0: i32) -> (i32, i32, i32) {
    %c0_i32 = arith.constant 0 : i32
    %c0_i32_0 = arith.constant 0 : i32
    %c0_i32_1 = arith.constant 0 : i32
    %c0_i32_2 = arith.constant 0 : i32
    return %c0_i32, %c0_i32_0, %c0_i32_1 : i32, i32, i32
  }
  func.func @transform_4(%arg0: i32) -> (i32, i32) {
    %c0_i32 = arith.constant 0 : i32
    %c0_i32_0 = arith.constant 0 : i32
    %c0_i32_1 = arith.constant 0 : i32
    return %c0_i32, %c0_i32_0 : i32, i32
  }
  func.func @transform_5(%arg0: i32) -> (i32, i32) {
    %c0_i32 = arith.constant 0 : i32
    %c0_i32_0 = arith.constant 0 : i32
    %c0_i32_1 = arith.constant 0 : i32
    return %c0_i32, %c0_i32_0 : i32, i32
  }
  func.func @transform_6(%arg0: i32) -> (i32, i32) {
    %c0_i32 = arith.constant 0 : i32
    %c0_i32_0 = arith.constant 0 : i32
    %c0_i32_1 = arith.constant 0 : i32
    return %c0_i32, %c0_i32_0 : i32, i32
  }
  func.func @transform_7(%arg0: i32) -> (i32, i32) {
    %c0_i32 = arith.constant 0 : i32
    %c0_i32_0 = arith.constant 0 : i32
    %c0_i32_1 = arith.constant 0 : i32
    return %c0_i32, %c0_i32_0 : i32, i32
  }
  func.func @transform_8(%arg0: i32) -> (i32, i32) {
    %c0_i32 = arith.constant 0 : i32
    %c0_i32_0 = arith.constant 0 : i32
    %c0_i32_1 = arith.constant 0 : i32
    return %c0_i32, %c0_i32_0 : i32, i32
  }
  func.func @transform_9(%arg0: i32) -> (i32, i32) {
    %c0_i32 = arith.constant 0 : i32
    %c0_i32_0 = arith.constant 0 : i32
    %c0_i32_1 = arith.constant 0 : i32
    return %c0_i32, %c0_i32_0 : i32, i32
  }
  func.func @transform_10(%arg0: i32) -> (i32, i32) {
    %c0_i32 = arith.constant 0 : i32
    %c0_i32_0 = arith.constant 0 : i32
    return %c0_i32, %arg0 : i32, i32
  }
  func.func @transform_11(%arg0: i32) -> (i32, i32, i32) {
    %c0_i32 = arith.constant 0 : i32
    %c0_i32_0 = arith.constant 0 : i32
    %c0_i32_1 = arith.constant 0 : i32
    %c0_i32_2 = arith.constant 0 : i32
    return %c0_i32, %c0_i32_0, %c0_i32_1 : i32, i32, i32
  }
  func.func @transform_12(%arg0: i32) -> (i32, i32) {
    %c0_i32 = arith.constant 0 : i32
    %c0_i32_0 = arith.constant 0 : i32
    return %c0_i32, %arg0 : i32, i32
  }
}

</mosaic_0001>

<sc_bundles>
// kernel: kernel.4.cloned.1.call-start
scs
__scs_entry_jumppad:
0x0: {  	(pc) =	sbr.rel $0x88, $3  }
0x1: {  	(tag) =	ssettag $0x0;
	lr =	simm.s32 $0x1  }
0x2: {  	[smem:$0x3F94] =	sst lr;
	_ =	strace $0xD0000000  }
0x3: {  	_ = 	snop  }
0x4: {  	_ = 	snop  }
0x5: {  	_ = 	snop  }
0x6: {  	_ = 	snop  }
0x7: {  	_ = 	snop  }
__scs_overlays_trampoline_lowered:
0x8: {  	[smem:$0x3FA3] =	sst s0  }
0x9: {  	[smem:$0x3FA4] =	sst s1  }
0xa: {  	[smem:$0x3FA5] =	sst s2  }
0xb: {  	[smem:$0x3FA6] =	sst s3  }
0xc: {  	[smem:$0x3FA7] =	sst s4  }
0xd: {  	[smem:$0x3FA8] =	sst s5  }
0xe: {  	[smem:$0x3FA9] =	sst s6  }
0xf: {  	[smem:$0x3FAA] =	sst s7  }
0x10: {  	[smem:$0x3FAB] =	sst s8  }
0x11: {  	[smem:$0x3FAC] =	sst s9;
	s0 =	simm.s32 @!p0 $0x0  }
0x12: {  	s1 =	sld [smem:$0x3F92];
	s0 =	simm.s32 @p0 $0x1  }
0x13: {  	[smem:$0x3FAD] =	sst s0;
	s0 =	simm.s32 @!p1 $0x0  }
0x14: {  	s2 =	sld [smem:$0x3F91];
	s0 =	simm.s32 @p1 $0x1  }
0x15: {  	[smem:$0x3FAE] =	sst s0;
	s0 =	simm.s32 @!p2 $0x0  }
0x16: {  	s3 =	sld [smem:$0x3FDB];
	s0 =	simm.s32 @p2 $0x1  }
0x17: {  	s4 =	simm.s32 $0x1BF5;
	[smem:$0x3FB0] =	sst s0  }
0x18: {  	s0 =	sld [smem:$0x3F93];
	_ =	swait.ge [sflag:s4], $0x0  }
0x19: {  	s7 =	sld [smem:$0x3F94]  }
0x1a: {  	s8 =	sadd.s32 $0xFFFFE003, lr  }
0x1b: {  	s9 =	sadd.s32 $0xFFFFFEF7, lr;
	s5 =	simm.s32 $0xFFFFFFFF;
	p2 =	slt.u32 s8, $0xFFFFF086  }
0x1c: {  	p1 =	slt.u32 s9, $0xF7A;
	s5 =	simm.s32 @!p2 $0x0  }
0x1d: {  	s5 =	simm.s32 @p1 $0x1;
	p0 =	seq.s32 s7, s2  }
0x1e: {  	s7 =	smul.u32 @!p0 $0xF7A, s2;
	p2 =	seq.s32 @!p0 s5, $0x0  }
0x1f: {  	s9 =	smul.u32 $0xF7A, s1;
	s8 =	simm.s32 @!p0 $0x1BF5;
	p2 =	por !p2, p0  }
0x20: {  	[sflag:s8] =	ssyncset.s32 @!p0 $0xFFFFF086;
	s6 =	sadd.s32 @!p0 s3, s7;
	s7 =	simm.s32 @!p0 $0x108  }
0x21: {  	s3 =	sadd.s32 s3, s9;
	s6 =	sadd.s32 @!p0 $0x88, s6;
	s7 =	simm.s32 @p2 $0x1082  }
0x22: {  	[simem:s7], [sflag:s8] =	dma.local @!p0 [hbm:s6], $0xF7A  }
0x23: {  	s9 =	sor.u32 $0xD0000000, s2;
	s6 =	simm.s32 $0x108;
	_ =	swait.ge @!p0 [sflag:s8], $0x0  }
0x24: {  	s3 =	sadd.s32 $0x88, s3;
	s6 =	simm.s32 @!p1 $0x1082;
	[sflag:s4] =	ssyncset.s32 $0xFFFFF086  }
0x25: {  	[simem:s6], [sflag:s4] =	dma.local [hbm:s3], $0xF7A  }
0x26: {  	[smem:$0x3F94] =	sst s1;
	(tag) =	ssettag s2;
	_ =	strace s9  }
0x27: {  	s1 =	sld [smem:$0x3FA4]  }
0x28: {  	s2 =	sld [smem:$0x3FA5]  }
0x29: {  	s4 =	sld [smem:$0x3FA7]  }
0x2a: {  	p0 =	seq.s32 s5, $0x0;
	s5 =	sld [smem:$0x3FA8]  }
0x2b: {  	s6 =	sld [smem:$0x3FA9]  }
0x2c: {  	s7 =	sld [smem:$0x3FAA]  }
0x2d: {  	s3 =	simm.s32 $0x108;
	s8 =	sld [smem:$0x3FAB]  }
0x2e: {  	s3 =	simm.s32 @!p0 $0x1082;
	s9 =	sld [smem:$0x3FAC]  }
0x2f: {  	lr =	sadd.s32 s0, s3;
	s0 =	sld [smem:$0x3FA3]  }
0x30: {  	s3 =	sld [smem:$0x3FA6]  }
0x31: {  	[smem:$0x3FAF] =	sst s10  }
0x32: {  	s10 =	sld [smem:$0x3FAD];
	_ =	sdelay $0x3  }
0x33: {  	p0 =	seq.s32 s10, $0x1;
	s10 =	sld [smem:$0x3FAF];
	_ =	sdelay $0x3  }
0x34: {  	[smem:$0x3FAF] =	sst s10  }
0x35: {  	s10 =	sld [smem:$0x3FAE];
	_ =	sdelay $0x3  }
0x36: {  	p1 =	seq.s32 s10, $0x1;
	s10 =	sld [smem:$0x3FAF];
	_ =	sdelay $0x3  }
0x37: {  	[smem:$0x3FAF] =	sst s10  }
0x38: {  	s10 =	sld [smem:$0x3FB0]  }
0x39: {  	_ = 	snop;
	(pc) =	sbr.ind lr, $3  }
0x3a: {  	_ = 	snop  }
0x3b: {  	_ = 	snop  }
0x3c: {  	p2 =	seq.s32 s10, $0x1;
	s10 =	sld [smem:$0x3FAF]  }
0x3d: {  	_ =	shalt  }
0x3e: {  	_ =	shalt  }
0x3f: {  	_ =	shalt  }
0x40: {  	_ =	shalt  }
0x41: {  	_ =	shalt  }
0x42: {  	_ =	shalt  }
0x43: {  	_ =	shalt  }
0x44: {  	_ =	shalt  }
0x45: {  	_ =	shalt  }
0x46: {  	_ =	shalt  }
0x47: {  	_ =	shalt  }
0x48: {  	_ =	shalt  }
0x49: {  	_ =	shalt  }
0x4a: {  	_ =	shalt  }
0x4b: {  	_ =	shalt  }
0x4c: {  	_ =	shalt  }
0x4d: {  	_ =	shalt  }
0x4e: {  	_ =	shalt  }
0x4f: {  	_ =	shalt  }
0x50: {  	_ =	shalt  }
0x51: {  	_ =	shalt  }
0x52: {  	_ =	shalt  }
0x53: {  	_ =	shalt  }
0x54: {  	_ =	shalt  }
0x55: {  	_ =	shalt  }
0x56: {  	_ =	shalt  }
0x57: {  	_ =	shalt  }
0x58: {  	_ =	shalt  }
0x59: {  	_ =	shalt  }
0x5a: {  	_ =	shalt  }
0x5b: {  	_ =	shalt  }
0x5c: {  	_ =	shalt  }
0x5d: {  	_ =	shalt  }
0x5e: {  	_ =	shalt  }
0x5f: {  	_ =	shalt  }
0x60: {  	_ =	shalt  }
0x61: {  	_ =	shalt  }
0x62: {  	_ =	shalt  }
0x63: {  	_ =	shalt  }
0x64: {  	_ =	shalt  }
0x65: {  	_ =	shalt  }
0x66: {  	_ =	shalt  }
0x67: {  	_ =	shalt  }
0x68: {  	_ =	shalt  }
0x69: {  	_ =	shalt  }
0x6a: {  	_ =	shalt  }
0x6b: {  	_ =	shalt  }
0x6c: {  	_ =	shalt  }
0x6d: {  	_ =	shalt  }
0x6e: {  	_ =	shalt  }
0x6f: {  	_ =	shalt  }
0x70: {  	_ =	shalt  }
0x71: {  	_ =	shalt  }
0x72: {  	_ =	shalt  }
0x73: {  	_ =	shalt  }
0x74: {  	_ =	shalt  }
0x75: {  	_ =	shalt  }
0x76: {  	_ =	shalt  }
0x77: {  	_ =	shalt  }
0x78: {  	_ =	shalt  }
0x79: {  	_ =	shalt  }
0x7a: {  	_ =	shalt  }
0x7b: {  	_ =	shalt  }
0x7c: {  	_ =	shalt  }
0x7d: {  	_ =	shalt  }
0x7e: {  	_ =	shalt  }
0x7f: {  	_ =	shalt  }
0x80: {  	_ =	shalt  }
0x81: {  	_ =	shalt  }
0x82: {  	_ =	shalt  }
0x83: {  	_ =	shalt  }
0x84: {  	_ =	shalt  }
0x85: {  	_ =	shalt  }
0x86: {  	_ =	shalt  }
0x87: {  	_ =	shalt  }
.Lfunc_end0:
.L_simem_size_0:
called_computation_lowered:
.L_overlay_start_0:
0x88: {  	s2 =	sld [smem:$0x3FD9]  }
0x89: {  	s3 =	sld [smem:$0x3FFE];
	_ =	sdelay $0x1  }
0x8a: {  	s1 =	srdreg.scid  }
0x8b: {  	s0 =	sand.u32 $0x1, s1  }
0x8c: {  	s14 =	sshll.u32 s0, $0xA;
	s2 =	sadd.s32 s3, s2  }
0x8d: {  	s2 =	sadd.s32 s2, s14  }
0x8e: {  	[smem:$0x3FBB] =	sst s2  }
0x8f: {  	_ = 	snop  }
0x90: {  	s2 =	sld [smem:$0x3FD0];
	_ =	sdelay $0x1  }
0x91: {  	s15 =	sld [smem:$0x3FC5]  }
0x92: {  	s5 =	simm.s32 $0xA;
	s6 =	simm.s32 $0x10;
	s4 =	sld [smem:$0x3FC4]  }
0x93: {  	[smem:s6], [sflag:s5] =	dma.local [hbm:s2], $0x1  }
0x94: {  	_ =	swait.eq [sflag:s5], $0x1  }
0x95: {  	[sflag:s5] =	ssyncset.done $0x0  }
0x96: {  	s16 =	sld [smem:$0x10];
	[sflag:s5] =	ssyncadd.s32 $0xFFFFFFFF  }
0x97: {  	s17 =	sld [smem:$0x11];
	(tm) =	ssettm $0x1  }
0x98: {  	s18 =	sld [smem:$0x3FFB];
	_ =	sdelay $0x3  }
0x99: {  	_ =	strace s18  }
0x9a: {  	s6 =	sld [smem:$0x3FFC];
	_ =	sdelay $0x3  }
0x9b: {  	_ =	strace s6  }
0x9c: {  	s6 =	sld [smem:$0x3FFD];
	_ =	sdelay $0x3  }
0x9d: {  	_ =	strace s6  }
0x9e: {  	_ =	strace $0x8FFFFFFF  }
0x9f: {  	s19 =	sld [smem:$0x3FDB];
	_ =	sdelay $0x1  }
0xa0: {  	s7 =	simm.s32 $_scs_section_size  }
0xa1: {  	s8 =	simm.s32 $_size__tile_overlayer_lowered;
	s9 =	simm.s32 $_tile_overlayer_lowered  }
0xa2: {  	s22 =	simm.s32 $0x1BFF;
	s21 =	sshll.u32 s9, $0x1;
	s6 =	sadd.s32 s7, s19  }
0xa3: {  	s10 =	simm.s32 $0x0;
	s20 =	sshll.u32 s8, $0x1;
	s8 =	sadd.s32 s21, s6  }
0xa4: {  	[timem:s10], [sflag:s22] =	dma.local [hbm:s8], s20  }
0xa5: {  	_ =	swait.ge [sflag:s22], s20  }
0xa6: {  	s7 =	ssub.s32 $0x0, s20;
	[sflag:s22] =	ssyncset.done $0x0  }
0xa7: {  	[sflag:s22] =	ssyncadd.s32 s7;
	_ =	sdelay $0x1  }
0xa8: {  	s23 =	simm.s32 $0x1B8B  }
0xa9: {  	_ =	swait.ge [sflag:s23], $0x1  }
0xaa: {  	[sflag:s23] =	ssyncset.done $0x0  }
0xab: {  	s25 =	simm.s32 $0x1B8E;
	s24 =	sld [smem:$0x3FFE];
	[sflag:s23] =	ssyncadd.s32 $0xFFFFFFFF  }
0xac: {  	s26 =	simm.s32 $execute0_lowered;
	[smem:$0x3FD2] =	sst s25  }
0xad: {  	s8 =	sshll.u32 s26, $0x1;
	_ =	strace $0x80000046;
	[dreg:$0x1] =	wrdreg $0xFFFFFFFF  }
0xae: {  	s28 =	simm.s32 $_size_execute0_lowered;
	s6 =	sadd.s32 s6, s8;
	[dreg:$0x0] =	wrdreg $0x0  }
0xaf: {  	s8 =	sshll.u32 s28, $0x1;
	[dreg:$0x2] =	wrdreg s6  }
0xb0: {  	[dreg:$0x3] =	wrdreg s8  }
0xb1: {  	[dreg:$0x4] =	wrdreg $0xC0  }
0xb2: {  	_ =	task [dreg:s10], $0x5FFFF  }
0xb3: {  	[dreg:$0x1] =	wrdreg $0xFFFFFFFF  }
0xb4: {  	[dreg:$0x0] =	wrdreg $0x60  }
0xb5: {  	[dreg:$0x2] =	wrdreg s24  }
0xb6: {  	[dreg:$0x3] =	wrdreg s15  }
0xb7: {  	[dreg:$0x4] =	wrdreg s4  }
0xb8: {  	[dreg:$0x5] =	wrdreg s16  }
0xb9: {  	[dreg:$0x6] =	wrdreg s17  }
0xba: {  	[dreg:$0x7] =	wrdreg $0x9  }
0xbb: {  	_ =	task.clear_ibuf [dreg:s10], $0x8FFFF;
	_ =	strace $0x90000046  }
0xbc: {  	s29 =	simm.s32 $0x9;
	_ =	strace $0x80000048  }
0xbd: {  	_ =	swait.ge [sflag:s29], $0x1  }
0xbe: {  	[sflag:s29] =	ssyncadd.s32 $0xFFFFFFFF  }
0xbf: {  	_ =	strace $0x90000048  }
0xc0: {  	_ =	sfence  }
0xc1: {  	s30 =	sld [smem:$0x0];
	_ =	sdelay $0x2  }
0xc2: {  	s31 =	sshll.u32 s1, $0xD;
	s1 =	sshrl.u32 s1, $0x2  }
0xc3: {  	s3 =	sand.u32 $0x4000, s31;
	s1 =	sadd.s32 s1, s30  }
0xc4: {  	s0 =	sor.u32 s3, s0;
	s1 =	sshll.u32 s1, $0x11  }
0xc5: {  	s0 =	sor.u32 s1, s0  }
0xc6: {  	s0 =	sadd.s32 $0x8F2B, s0  }
0xc7: {  	[sflag:s0] =	ssyncadd.remote.s32 $0x1  }
0xc8: {  	_ =	sfence.sel $0xFFFF  }
0xc9: {  	[dreg:$0x0] =	wrdreg $0xFFFFFFFF;
	(pc) =	sbr.abs _section_cstart, $3  }
0xca: {  	[dreg:$0x1] =	wrdreg $0xFFFFFFFF  }
0xcb: {  	_ =	task.clear_ibuf [dreg:s10], $0x2FFFF;
	_ =	strace $0x9FFFFFFF  }
0xcc: {  	(tm) =	ssettm $0x7FFFFFFF  }
0xcd: {  	_ =	shalt  }
tec
execute0_lowered:
.L_overlay_start_1:
0x0: {  	(tag) =	ssettag $0x1  }
0x1: {  	s0 =	rddreg [dreg:$0x0]  }
0x2: {  	s7 =	rddreg [dreg:$0x1]  }
0x3: {  	s8 =	rddreg [dreg:$0x2]  }
0x4: {  	s1 =	rddreg [dreg:$0x3]  }
0x5: {  	s2 =	rddreg [dreg:$0x4];
	s3 =	srdreg.scid  }
0x6: {  	s4 =	stileid.u32;
	s9 =	simm.s32 $0x0;
	s3 =	sand.u32 $0x1, s3  }
0x7: {  	s4 =	sshll.u32 s4, $0x1;
	[smem:$0x7FF] =	sst s9;
	s25 =	sadd.s32 $0x100, s8  }
0x8: {  	s26 =	sadd.s32 $0x200, s8;
	_ =	strace $0x80000047;
	[dreg:$0x7] =	wrdreg s25  }
0x9: {  	s28 =	sadd.s32 $0x300, s8;
	s29 =	sadd.s32 $0x100, s7;
	[dreg:$0x8] =	wrdreg s26  }
0xa: {  	s30 =	sadd.s32 $0x200, s7;
	s12 =	sadd.s32 $0x300, s7;
	[dreg:$0x9] =	wrdreg s28  }
0xb: {  	s4 =	sor.u32 s3, s4;
	s3 =	ssub.s32 $0x2, s3;
	[dreg:$0xb] =	wrdreg s29  }
0xc: {  	[dreg:$0xc] =	wrdreg s30;
	s5 =	sshll.u32 s4, $0x5;
	s6 =	sshrl.u32 s3, $0x1  }
0xd: {  	s24 =	sshll.u32 s4, $0xA;
	s5 =	sadd.s32 s5, s0;
	s0 =	sadd.s32 s4, s0  }
0xe: {  	s3 =	ssub.s32 s3, s6;
	s4 =	sshll.u32 s4, $0x7;
	s0 =	sadd.s32 $0x1E00, s0  }
0xf: {  	s4 =	sor.u32 s4, s24;
	s5 =	sadd.s32 $0x2000, s5;
	[dreg:$0x6] =	wrdreg s0  }
0x10: {  	s31 =	smax.u32 s3, $0x1;
	[dreg:$0xa] =	wrdreg s5;
	s4 =	sand.u32 $0x6380, s4  }
0x11: {  	v2 =	vlaneseq.u32;
	s0 =	sadd.s32 s2, s24;
	[dreg:$0xf] =	wrdreg s31;
	s4 =	sshrl.u32 s4, $0x3  }
0x12: {  	vm0 =	vmmov $0xffff;
	v1 =	vshrl.u32 v2, $0x3;
	s3 =	simm.s32 $0x18580;
	[dreg:$0xe] =	wrdreg s0;
	s1 =	sadd.s32 s1, s4  }
0x13: {  	v0 =	vand.u32 $0x7, v2;
	v2 =	vor.u32 $0x8, v2;
	v1 =	vmul.u32 $0x8, v1;
	s2 =	simm.s32 $0x5;
	[dreg:$0xd] =	wrdreg s1;
	s1 =	simm.s32 $0x0  }
.LBB2_1:
0x14: {  	[dreg:$0x10] =	wrdreg s1  }
0x15: {  	s0 =	rddreg [dreg:$0x6];
	s25 =	simm.s32 $0x18500  }
0x16: {  	[tilespmem:s25], [sflag:$0x5] =	stream.linear.gather [hbm4b:s0+s9], $0x8, $0x38;
	[tilespmem:$0x1A580] =	vst v63  }
0x17: {  	_ =	swait.ge [sflag:s2], $0x8  }
0x18: {  	[sflag:s2] =	ssyncset.done $0x0  }
0x19: {  	[sflag:s2] =	ssyncadd.s32 $0xFFFFFFF8  }
0x1a: {  	v3 =	vld.msk [tilespmem:$0x18500], $0xff;
	_ =	sdelay $0x4  }
0x1b: {  	v4 =	vshll.u32 v3, $0x3  }
0x1c: {  	v3 =	vand.u32 $0x7, v3;
	v4 =	vand.u32 $0xFFFFFFC0, v4  }
0x1d: {  	v3 =	vor.u32 v3, v4  }
0x1e: {  	v3 =	vperm.xlane v3, v0;
	_ =	sdelay $0x1  }
0x1f: {  	v3 =	vadd.s32 v1, v3;
	_ =	sdelay $0x3  }
0x20: {  	s26 =	rddreg [dreg:$0x2]  }
0x21: {  	[tilespmem:s3], [sflag:$0x4] =	stream.indirect_vreg.gather [hbm4b:s26+s9], $0x80, v3, vm0, $0xb8;
	[tilespmem:$0x1A580] =	vst v63  }
0x22: {  	s29 =	simm.s32 $0x18D80;
	s28 =	rddreg [dreg:$0x7]  }
0x23: {  	[tilespmem:s29], [sflag:$0x4] =	stream.indirect_vreg.gather [hbm4b:s28+s9], $0x80, v3, vm0, $0xb8;
	[tilespmem:$0x1A580] =	vst v63  }
0x24: {  	s31 =	simm.s32 $0x19580;
	s30 =	rddreg [dreg:$0x8]  }
0x25: {  	[tilespmem:s31], [sflag:$0x4] =	stream.indirect_vreg.gather [hbm4b:s30+s9], $0x80, v3, vm0, $0xb8;
	[tilespmem:$0x1A580] =	vst v63  }
0x26: {  	s1 =	rddreg [dreg:$0x9];
	s3 =	simm.s32 $0x19D80  }
0x27: {  	[tilespmem:s3], [sflag:$0x4] =	stream.indirect_vreg.gather [hbm4b:s1+s9], $0x80, v3, vm0, $0xb8;
	[tilespmem:$0x1A580] =	vst v63  }
0x28: {  	s4 =	rddreg [dreg:$0xa]  }
0x29: {  	[tilespmem:s9], [sflag:$0x5] =	stream.linear.gather [hbm4b:s4+s9], $0x100, $0x38;
	[tilespmem:$0x1A580] =	vst v63  }
0x2a: {  	_ =	swait.ge [sflag:s2], $0x100  }
0x2b: {  	[sflag:s2] =	ssyncset.done $0x0  }
0x2c: {  	[sflag:s2] =	ssyncadd.s32 $0xFFFFFF00  }
0x2d: {  	v3 =	vld [tilespmem:$0x0];
	_ =	sdelay $0x4  }
0x2e: {  	v58 =	vshll.u32 v3, $0x3  }
0x2f: {  	v3 =	vand.u32 $0x7, v3;
	v4 =	vand.u32 $0xFFFFFFC0, v58  }
0x30: {  	v3 =	vor.u32 v3, v4  }
0x31: {  	v4 =	vperm.xlane v3, v0;
	_ =	sdelay $0x1  }
0x32: {  	v4 =	vadd.s32 v1, v4;
	_ =	sdelay $0x3  }
0x33: {  	s5 =	simm.s32 $0x100;
	s0 =	rddreg [dreg:$0x1]  }
0x34: {  	[tilespmem:s5], [sflag:$0x1] =	stream.indirect_vreg.gather [hbm4b:s0+s9], $0x80, v4, vm0, $0xb8;
	[tilespmem:$0x1A580] =	vst v63  }
0x35: {  	s6 =	simm.s32 $0x900;
	s1 =	rddreg [dreg:$0xb];
	v3 =	vperm.xlane v3, v2  }
0x36: {  	[tilespmem:s6], [sflag:$0x1] =	stream.indirect_vreg.gather [hbm4b:s1+s9], $0x80, v4, vm0, $0xb8;
	[tilespmem:$0x1A580] =	vst v63  }
0x37: {  	s7 =	simm.s32 $0x1100;
	s2 =	rddreg [dreg:$0xc];
	v3 =	vadd.s32 v1, v3  }
0x38: {  	[tilespmem:s7], [sflag:$0x1] =	stream.indirect_vreg.gather [hbm4b:s2+s9], $0x80, v4, vm0, $0xb8;
	[tilespmem:$0x1A580] =	vst v63  }
0x39: {  	s8 =	simm.s32 $0x1900  }
0x3a: {  	[tilespmem:s8], [sflag:$0x1] =	stream.indirect_vreg.gather [hbm4b:s12+s9], $0x80, v4, vm0, $0xb8;
	[tilespmem:$0x1A580] =	vst v63  }
0x3b: {  	s10 =	simm.s32 $0x2100  }
0x3c: {  	[tilespmem:s10], [sflag:$0x1] =	stream.indirect_vreg.gather [hbm4b:s0+s9], $0x80, v3, vm0, $0xb8;
	[tilespmem:$0x1A580] =	vst v63  }
0x3d: {  	s11 =	simm.s32 $0x2900  }
0x3e: {  	[tilespmem:s11], [sflag:$0x1] =	stream.indirect_vreg.gather [hbm4b:s1+s9], $0x80, v3, vm0, $0xb8;
	[tilespmem:$0x1A580] =	vst v63  }
0x3f: {  	s13 =	simm.s32 $0x3100  }
0x40: {  	[tilespmem:s13], [sflag:$0x1] =	stream.indirect_vreg.gather [hbm4b:s2+s9], $0x80, v3, vm0, $0xb8;
	[tilespmem:$0x1A580] =	vst v63  }
0x41: {  	s14 =	simm.s32 $0x3900  }
0x42: {  	[tilespmem:s14], [sflag:$0x1] =	stream.indirect_vreg.gather [hbm4b:s12+s9], $0x80, v3, vm0, $0xb8;
	[tilespmem:$0x1A580] =	vst v63  }
0x43: {  	v3 =	vld [tilespmem:$0x10];
	_ =	sdelay $0x4  }
0x44: {  	v59 =	vshll.u32 v3, $0x3  }
0x45: {  	v3 =	vand.u32 $0x7, v3;
	v4 =	vand.u32 $0xFFFFFFC0, v59  }
0x46: {  	v3 =	vor.u32 v3, v4  }
0x47: {  	v4 =	vperm.xlane v3, v0;
	_ =	sdelay $0x1  }
0x48: {  	v4 =	vadd.s32 v1, v4;
	_ =	sdelay $0x3  }
0x49: {  	s15 =	simm.s32 $0x4100  }
0x4a: {  	[tilespmem:s15], [sflag:$0x1] =	stream.indirect_vreg.gather [hbm4b:s0+s9], $0x80, v4, vm0, $0xb8;
	[tilespmem:$0x1A580] =	vst v63  }
0x4b: {  	s16 =	simm.s32 $0x4900;
	v3 =	vperm.xlane v3, v2  }
0x4c: {  	[tilespmem:s16], [sflag:$0x1] =	stream.indirect_vreg.gather [hbm4b:s1+s9], $0x80, v4, vm0, $0xb8;
	[tilespmem:$0x1A580] =	vst v63  }
0x4d: {  	s17 =	simm.s32 $0x5100;
	v3 =	vadd.s32 v1, v3  }
0x4e: {  	[tilespmem:s17], [sflag:$0x1] =	stream.indirect_vreg.gather [hbm4b:s2+s9], $0x80, v4, vm0, $0xb8;
	[tilespmem:$0x1A580] =	vst v63  }
0x4f: {  	s18 =	simm.s32 $0x5900  }
0x50: {  	[tilespmem:s18], [sflag:$0x1] =	stream.indirect_vreg.gather [hbm4b:s12+s9], $0x80, v4, vm0, $0xb8;
	[tilespmem:$0x1A580] =	vst v63  }
0x51: {  	s19 =	simm.s32 $0x6100  }
0x52: {  	[tilespmem:s19], [sflag:$0x1] =	stream.indirect_vreg.gather [hbm4b:s0+s9], $0x80, v3, vm0, $0xb8;
	[tilespmem:$0x1A580] =	vst v63  }
0x53: {  	s20 =	simm.s32 $0x6900  }
0x54: {  	[tilespmem:s20], [sflag:$0x1] =	stream.indirect_vreg.gather [hbm4b:s1+s9], $0x80, v3, vm0, $0xb8;
	[tilespmem:$0x1A580] =	vst v63  }
0x55: {  	s21 =	simm.s32 $0x7100  }
0x56: {  	[tilespmem:s21], [sflag:$0x1] =	stream.indirect_vreg.gather [hbm4b:s2+s9], $0x80, v3, vm0, $0xb8;
	[tilespmem:$0x1A580] =	vst v63  }
0x57: {  	s22 =	simm.s32 $0x7900  }
0x58: {  	[tilespmem:s22], [sflag:$0x1] =	stream.indirect_vreg.gather [hbm4b:s12+s9], $0x80, v3, vm0, $0xb8;
	[tilespmem:$0x1A580] =	vst v63  }
0x59: {  	v3 =	vld [tilespmem:$0x20];
	_ =	sdelay $0x4  }
0x5a: {  	v60 =	vshll.u32 v3, $0x3  }
0x5b: {  	v3 =	vand.u32 $0x7, v3;
	v4 =	vand.u32 $0xFFFFFFC0, v60  }
0x5c: {  	v3 =	vor.u32 v3, v4  }
0x5d: {  	v4 =	vperm.xlane v3, v0;
	_ =	sdelay $0x1  }
0x5e: {  	v4 =	vadd.s32 v1, v4;
	_ =	sdelay $0x3  }
0x5f: {  	s23 =	simm.s32 $0x8100  }
0x60: {  	[tilespmem:s23], [sflag:$0x2] =	stream.indirect_vreg.gather [hbm4b:s0+s9], $0x80, v4, vm0, $0xb8;
	[tilespmem:$0x1A580] =	vst v63  }
0x61: {  	s24 =	simm.s32 $0x8900;
	v3 =	vperm.xlane v3, v2  }
0x62: {  	[tilespmem:s24], [sflag:$0x2] =	stream.indirect_vreg.gather [hbm4b:s1+s9], $0x80, v4, vm0, $0xb8;
	[tilespmem:$0x1A580] =	vst v63  }
0x63: {  	s25 =	simm.s32 $0x9100;
	v3 =	vadd.s32 v1, v3  }
0x64: {  	[tilespmem:s25], [sflag:$0x2] =	stream.indirect_vreg.gather [hbm4b:s2+s9], $0x80, v4, vm0, $0xb8;
	[tilespmem:$0x1A580] =	vst v63  }
0x65: {  	s26 =	simm.s32 $0x9900  }
0x66: {  	[tilespmem:s26], [sflag:$0x2] =	stream.indirect_vreg.gather [hbm4b:s12+s9], $0x80, v4, vm0, $0xb8;
	[tilespmem:$0x1A580] =	vst v63  }
0x67: {  	s28 =	simm.s32 $0xA100  }
0x68: {  	[tilespmem:s28], [sflag:$0x2] =	stream.indirect_vreg.gather [hbm4b:s0+s9], $0x80, v3, vm0, $0xb8;
	[tilespmem:$0x1A580] =	vst v63  }
0x69: {  	s29 =	simm.s32 $0xA900  }
0x6a: {  	[tilespmem:s29], [sflag:$0x2] =	stream.indirect_vreg.gather [hbm4b:s1+s9], $0x80, v3, vm0, $0xb8;
	[tilespmem:$0x1A580] =	vst v63  }
0x6b: {  	s30 =	simm.s32 $0xB100  }
0x6c: {  	[tilespmem:s30], [sflag:$0x2] =	stream.indirect_vreg.gather [hbm4b:s2+s9], $0x80, v3, vm0, $0xb8;
	[tilespmem:$0x1A580] =	vst v63  }
0x6d: {  	s31 =	simm.s32 $0xB900  }
0x6e: {  	[tilespmem:s31], [sflag:$0x2] =	stream.indirect_vreg.gather [hbm4b:s12+s9], $0x80, v3, vm0, $0xb8;
	[tilespmem:$0x1A580] =	vst v63  }
0x6f: {  	v3 =	vld [tilespmem:$0x30];
	_ =	sdelay $0x4  }
0x70: {  	v61 =	vshll.u32 v3, $0x3  }
0x71: {  	v3 =	vand.u32 $0x7, v3;
	v4 =	vand.u32 $0xFFFFFFC0, v61  }
0x72: {  	v3 =	vor.u32 v3, v4  }
0x73: {  	v4 =	vperm.xlane v3, v0;
	_ =	sdelay $0x1  }
0x74: {  	v4 =	vadd.s32 v1, v4;
	_ =	sdelay $0x3  }
0x75: {  	s4 =	simm.s32 $0xC100  }
0x76: {  	[tilespmem:s4], [sflag:$0x2] =	stream.indirect_vreg.gather [hbm4b:s0+s9], $0x80, v4, vm0, $0xb8;
	[tilespmem:$0x1A580] =	vst v63  }
0x77: {  	s5 =	simm.s32 $0xC900;
	v3 =	vperm.xlane v3, v2  }
0x78: {  	[tilespmem:s5], [sflag:$0x2] =	stream.indirect_vreg.gather [hbm4b:s1+s9], $0x80, v4, vm0, $0xb8;
	[tilespmem:$0x1A580] =	vst v63  }
0x79: {  	s6 =	simm.s32 $0xD100;
	v3 =	vadd.s32 v1, v3  }
0x7a: {  	[tilespmem:s6], [sflag:$0x2] =	stream.indirect_vreg.gather [hbm4b:s2+s9], $0x80, v4, vm0, $0xb8;
	[tilespmem:$0x1A580] =	vst v63  }
0x7b: {  	s7 =	simm.s32 $0xD900  }
0x7c: {  	[tilespmem:s7], [sflag:$0x2] =	stream.indirect_vreg.gather [hbm4b:s12+s9], $0x80, v4, vm0, $0xb8;
	[tilespmem:$0x1A580] =	vst v63  }
0x7d: {  	s8 =	simm.s32 $0xE100  }
0x7e: {  	[tilespmem:s8], [sflag:$0x2] =	stream.indirect_vreg.gather [hbm4b:s0+s9], $0x80, v3, vm0, $0xb8;
	[tilespmem:$0x1A580] =	vst v63  }
0x7f: {  	s10 =	simm.s32 $0xE900  }
0x80: {  	[tilespmem:s10], [sflag:$0x2] =	stream.indirect_vreg.gather [hbm4b:s1+s9], $0x80, v3, vm0, $0xb8;
	[tilespmem:$0x1A580] =	vst v63  }
0x81: {  	s11 =	simm.s32 $0xF100  }
0x82: {  	[tilespmem:s11], [sflag:$0x2] =	stream.indirect_vreg.gather [hbm4b:s2+s9], $0x80, v3, vm0, $0xb8;
	[tilespmem:$0x1A580] =	vst v63  }
0x83: {  	s13 =	simm.s32 $0xF900;
	s14 =	simm.s32 $0x1  }
0x84: {  	[tilespmem:s13], [sflag:$0x2] =	stream.indirect_vreg.gather [hbm4b:s12+s9], $0x80, v3, vm0, $0xb8;
	[tilespmem:$0x1A580] =	vst v63  }
0x85: {  	_ =	swait.ge [sflag:s14], $0x8000  }
0x86: {  	[sflag:s14] =	ssyncset.done $0x0  }
0x87: {  	[sflag:s14] =	ssyncadd.s32 $0xFFFF8000  }
0x88: {  	v3 =	vld [tilespmem:$0x40];
	_ =	sdelay $0x4  }
0x89: {  	v62 =	vshll.u32 v3, $0x3  }
0x8a: {  	v3 =	vand.u32 $0x7, v3;
	v4 =	vand.u32 $0xFFFFFFC0, v62  }
0x8b: {  	v3 =	vor.u32 v3, v4  }
0x8c: {  	v4 =	vperm.xlane v3, v0;
	_ =	sdelay $0x1  }
0x8d: {  	v4 =	vadd.s32 v1, v4;
	_ =	sdelay $0x3  }
0x8e: {  	s15 =	simm.s32 $0x10100  }
0x8f: {  	[tilespmem:s15], [sflag:$0x3] =	stream.indirect_vreg.gather [hbm4b:s0+s9], $0x80, v4, vm0, $0xb8;
	[tilespmem:$0x1A580] =	vst v63  }
0x90: {  	s16 =	simm.s32 $0x10900;
	v3 =	vperm.xlane v3, v2  }
0x91: {  	[tilespmem:s16], [sflag:$0x3] =	stream.indirect_vreg.gather [hbm4b:s1+s9], $0x80, v4, vm0, $0xb8;
	[tilespmem:$0x1A580] =	vst v63  }
0x92: {  	s17 =	simm.s32 $0x11100;
	v3 =	vadd.s32 v1, v3  }
0x93: {  	[tilespmem:s17], [sflag:$0x3] =	stream.indirect_vreg.gather [hbm4b:s2+s9], $0x80, v4, vm0, $0xb8;
	[tilespmem:$0x1A580] =	vst v63  }
0x94: {  	s18 =	simm.s32 $0x11900  }
0x95: {  	[tilespmem:s18], [sflag:$0x3] =	stream.indirect_vreg.gather [hbm4b:s12+s9], $0x80, v4, vm0, $0xb8;
	[tilespmem:$0x1A580] =	vst v63  }
0x96: {  	s19 =	simm.s32 $0x12100  }
0x97: {  	[tilespmem:s19], [sflag:$0x3] =	stream.indirect_vreg.gather [hbm4b:s0+s9], $0x80, v3, vm0, $0xb8;
	[tilespmem:$0x1A580] =	vst v63  }
0x98: {  	s20 =	simm.s32 $0x12900  }
0x99: {  	[tilespmem:s20], [sflag:$0x3] =	stream.indirect_vreg.gather [hbm4b:s1+s9], $0x80, v3, vm0, $0xb8;
	[tilespmem:$0x1A580] =	vst v63  }
0x9a: {  	s21 =	simm.s32 $0x13100  }
0x9b: {  	[tilespmem:s21], [sflag:$0x3] =	stream.indirect_vreg.gather [hbm4b:s2+s9], $0x80, v3, vm0, $0xb8;
	[tilespmem:$0x1A580] =	vst v63  }
0x9c: {  	s22 =	simm.s32 $0x13900  }
0x9d: {  	[tilespmem:s22], [sflag:$0x3] =	stream.indirect_vreg.gather [hbm4b:s12+s9], $0x80, v3, vm0, $0xb8;
	[tilespmem:$0x1A580] =	vst v63  }
0x9e: {  	v3 =	vld [tilespmem:$0x50];
	_ =	sdelay $0x4  }
0x9f: {  	v63 =	vshll.u32 v3, $0x3  }
0xa0: {  	v3 =	vand.u32 $0x7, v3;
	v4 =	vand.u32 $0xFFFFFFC0, v63  }
0xa1: {  	v3 =	vor.u32 v3, v4  }
0xa2: {  	v4 =	vperm.xlane v3, v0;
	_ =	sdelay $0x1  }
0xa3: {  	v4 =	vadd.s32 v1, v4;
	_ =	sdelay $0x3  }
0xa4: {  	s23 =	simm.s32 $0x14100  }
0xa5: {  	[tilespmem:s23], [sflag:$0x3] =	stream.indirect_vreg.gather [hbm4b:s0+s9], $0x80, v4, vm0, $0xb8;
	[tilespmem:$0x1A580] =	vst v63  }
0xa6: {  	s24 =	simm.s32 $0x14900;
	v3 =	vperm.xlane v3, v2  }
0xa7: {  	[tilespmem:s24], [sflag:$0x3] =	stream.indirect_vreg.gather [hbm4b:s1+s9], $0x80, v4, vm0, $0xb8;
	[tilespmem:$0x1A580] =	vst v63  }
0xa8: {  	s25 =	simm.s32 $0x15100;
	v3 =	vadd.s32 v1, v3  }
0xa9: {  	[tilespmem:s25], [sflag:$0x3] =	stream.indirect_vreg.gather [hbm4b:s2+s9], $0x80, v4, vm0, $0xb8;
	[tilespmem:$0x1A580] =	vst v63  }
0xaa: {  	s26 =	simm.s32 $0x15900  }
0xab: {  	[tilespmem:s26], [sflag:$0x3] =	stream.indirect_vreg.gather [hbm4b:s12+s9], $0x80, v4, vm0, $0xb8;
	[tilespmem:$0x1A580] =	vst v63  }
0xac: {  	s28 =	simm.s32 $0x16100  }
0xad: {  	[tilespmem:s28], [sflag:$0x3] =	stream.indirect_vreg.gather [hbm4b:s0+s9], $0x80, v3, vm0, $0xb8;
	[tilespmem:$0x1A580] =	vst v63  }
0xae: {  	s29 =	simm.s32 $0x16900  }
0xaf: {  	[tilespmem:s29], [sflag:$0x3] =	stream.indirect_vreg.gather [hbm4b:s1+s9], $0x80, v3, vm0, $0xb8;
	[tilespmem:$0x1A580] =	vst v63  }
0xb0: {  	s30 =	simm.s32 $0x17100;
	s31 =	simm.s32 $0x17900  }
0xb1: {  	[tilespmem:s30], [sflag:$0x3] =	stream.indirect_vreg.gather [hbm4b:s2+s9], $0x80, v3, vm0, $0xb8;
	[tilespmem:$0x1A580] =	vst v63  }
0xb2: {  	s19 =	simm.s32 $0x18100;
	s20 =	simm.s32 $0x0;
	s21 =	simm.s32 $0x0  }
0xb3: {  	[tilespmem:s31], [sflag:$0x3] =	stream.indirect_vreg.gather [hbm4b:s12+s9], $0x80, v3, vm0, $0xb8;
	[tilespmem:$0x1A580] =	vst v63  }
.LBB2_2:
0xb4: {  	s31 =	sand.u32 $0x1C00, s20  }
0xb5: {  	s6 =	sand.u32 $0x60, s21;
	s2 =	sor.u32 $0x100, s31  }
0xb6: {  	s0 =	sor.u32 s6, s2  }
0xb7: {  	v3 =	vld [tilespmem:s0+$0x0]  }
0xb8: {  	v4 =	vld [tilespmem:s0+$0x80]  }
0xb9: {  	v5 =	vld [tilespmem:s0+$0x100]  }
0xba: {  	v6 =	vld [tilespmem:s0+$0x180]  }
0xbb: {  	v7 =	vld [tilespmem:s0+$0x200]  }
0xbc: {  	v8 =	vld [tilespmem:s0+$0x280]  }
0xbd: {  	s5 =	sor.u32 $0x2100, s31;
	v9 =	vld [tilespmem:s0+$0x300]  }
0xbe: {  	s7 =	sor.u32 $0x2180, s31;
	s18 =	sor.u32 s6, s5;
	v10 =	vld [tilespmem:s0+$0x380]  }
0xbf: {  	s8 =	sor.u32 $0x2200, s31;
	s22 =	sor.u32 s6, s7;
	v11 =	vld [tilespmem:s18+$0x0]  }
0xc0: {  	s9 =	sor.u32 $0x2280, s31;
	s23 =	sor.u32 s6, s8;
	v12 =	vld [tilespmem:s22+$0x0]  }
0xc1: {  	s13 =	sor.u32 $0x2300, s31;
	s24 =	sor.u32 s6, s9;
	v13 =	vld [tilespmem:s23+$0x0]  }
0xc2: {  	s14 =	sor.u32 $0x2380, s31;
	s25 =	sor.u32 s6, s13;
	v14 =	vld [tilespmem:s24+$0x0]  }
0xc3: {  	s15 =	sadd.s32 $0x2400, s31;
	s26 =	sor.u32 s6, s14;
	v15 =	vld [tilespmem:s25+$0x0]  }
0xc4: {  	s28 =	sor.u32 s6, s15;
	v16 =	vld [tilespmem:s26+$0x0];
	s18 =	sadd.s32 $0x2480, s31  }
0xc5: {  	v17 =	vld [tilespmem:s28+$0x0];
	s22 =	sor.u32 $0x4100, s31;
	s29 =	sor.u32 s6, s18  }
0xc6: {  	s23 =	sor.u32 $0x4180, s31;
	s30 =	sor.u32 s6, s22;
	v18 =	vld [tilespmem:s29+$0x0]  }
0xc7: {  	s24 =	sor.u32 $0x4200, s31;
	s1 =	sor.u32 s6, s23;
	v19 =	vld [tilespmem:s30+$0x0]  }
0xc8: {  	s25 =	sor.u32 $0x4280, s31;
	s3 =	sor.u32 s6, s24;
	v20 =	vld [tilespmem:s1+$0x0]  }
0xc9: {  	s26 =	sor.u32 $0x4300, s31;
	s4 =	sor.u32 s6, s25;
	v21 =	vld [tilespmem:s3+$0x0]  }
0xca: {  	s28 =	sor.u32 $0x4380, s31;
	s10 =	sor.u32 s6, s26;
	v22 =	vld [tilespmem:s4+$0x0]  }
0xcb: {  	s0 =	sadd.s32 $0x4480, s31;
	s11 =	sor.u32 s6, s28;
	v23 =	vld [tilespmem:s10+$0x0]  }
0xcc: {  	s17 =	sor.u32 $0x6100, s31;
	s16 =	sor.u32 s6, s0;
	v24 =	vld [tilespmem:s11+$0x0]  }
0xcd: {  	s3 =	sadd.s32 $0x4400, s31;
	v26 =	vld [tilespmem:s16+$0x0];
	s29 =	sor.u32 s6, s17  }
0xce: {  	s16 =	sor.u32 $0x6180, s31;
	s1 =	sor.u32 s6, s3;
	v27 =	vld [tilespmem:s29+$0x0]  }
0xcf: {  	s30 =	sor.u32 s6, s16;
	s29 =	sor.u32 $0x6200, s31;
	v25 =	vld [tilespmem:s1+$0x0]  }
0xd0: {  	v51 =	vld [tilespmem:s30+$0x0];
	s4 =	sor.u32 s6, s29;
	s30 =	sor.u32 $0x6280, s31;
	v3 =	vadd.f32 v11, v3;
	v4 =	vadd.f32 v12, v4  }
0xd1: {  	s1 =	sor.u32 $0x6300, s31;
	v5 =	vadd.f32 v13, v5;
	v6 =	vadd.f32 v14, v6;
	v52 =	vld [tilespmem:s4+$0x0];
	s4 =	sor.u32 s6, s30  }
0xd2: {  	v7 =	vadd.f32 v15, v7;
	v8 =	vadd.f32 v16, v8;
	s10 =	sor.u32 s6, s1;
	v53 =	vld [tilespmem:s4+$0x0];
	s4 =	sor.u32 $0x6380, s31  }
0xd3: {  	v9 =	vadd.f32 v17, v9;
	v54 =	vld [tilespmem:s10+$0x0];
	s10 =	sadd.s32 $0x6400, s31;
	v10 =	vadd.f32 v18, v10;
	s11 =	sor.u32 s6, s4  }
0xd4: {  	s31 =	sadd.s32 $0x6480, s31;
	v3 =	vadd.f32 v19, v3;
	v4 =	vadd.f32 v20, v4;
	v55 =	vld [tilespmem:s11+$0x0];
	s11 =	sor.u32 s6, s10  }
0xd5: {  	v5 =	vadd.f32 v21, v5;
	v6 =	vadd.f32 v22, v6;
	v56 =	vld [tilespmem:s11+$0x0];
	s11 =	sor.u32 s6, s31  }
0xd6: {  	v7 =	vadd.f32 v23, v7;
	v8 =	vadd.f32 v24, v8;
	v57 =	vld [tilespmem:s11+$0x0]  }
0xd7: {  	v9 =	vadd.f32 v25, v9;
	v10 =	vadd.f32 v26, v10  }
0xd8: {  	v3 =	vadd.f32 v27, v3;
	v4 =	vadd.f32 v51, v4  }
0xd9: {  	v5 =	vadd.f32 v52, v5;
	v6 =	vadd.f32 v53, v6  }
0xda: {  	v7 =	vadd.f32 v54, v7;
	v8 =	vadd.f32 v55, v8  }
0xdb: {  	v9 =	vadd.f32 v56, v9;
	v10 =	vadd.f32 v57, v10  }
0xdc: {  	v3 =	vadd.f32 v4, v3;
	v58 =	vadd.f32 v6, v5  }
0xdd: {  	v59 =	vadd.f32 v8, v7;
	v60 =	vadd.f32 v10, v9;
	_ =	sdelay $0x1  }
0xde: {  	v3 =	vadd.f32 v58, v3;
	v61 =	vadd.f32 v60, v59;
	_ =	sdelay $0x1  }
0xdf: {  	v3 =	vadd.f32 v61, v3  }
0xe0: {  	s6 =	sor.u32 $0x10, s6  }
0xe1: {  	s2 =	sor.u32 s6, s2;
	[tilespmem:s19+$0x0] =	vst v3  }
0xe2: {  	v3 =	vld [tilespmem:s2+$0x0]  }
0xe3: {  	v62 =	vld [tilespmem:s2+$0x80]  }
0xe4: {  	v63 =	vld [tilespmem:s2+$0x100]  }
0xe5: {  	v32 =	vld [tilespmem:s2+$0x180]  }
0xe6: {  	v33 =	vld [tilespmem:s2+$0x200]  }
0xe7: {  	v34 =	vld [tilespmem:s2+$0x280]  }
0xe8: {  	v35 =	vld [tilespmem:s2+$0x300]  }
0xe9: {  	s5 =	sor.u32 s6, s5;
	v36 =	vld [tilespmem:s2+$0x380]  }
0xea: {  	s7 =	sor.u32 s6, s7;
	v37 =	vld [tilespmem:s5+$0x0]  }
0xeb: {  	s8 =	sor.u32 s6, s8;
	v38 =	vld [tilespmem:s7+$0x0]  }
0xec: {  	s11 =	sor.u32 s6, s9;
	v39 =	vld [tilespmem:s8+$0x0]  }
0xed: {  	s13 =	sor.u32 s6, s13;
	v40 =	vld [tilespmem:s11+$0x0]  }
0xee: {  	s14 =	sor.u32 s6, s14;
	v41 =	vld [tilespmem:s13+$0x0]  }
0xef: {  	s9 =	sor.u32 s6, s23;
	v42 =	vld [tilespmem:s14+$0x0]  }
0xf0: {  	s0 =	sor.u32 s6, s0;
	v46 =	vld [tilespmem:s9+$0x0]  }
0xf1: {  	s23 =	sor.u32 s6, s16;
	v52 =	vld [tilespmem:s0+$0x0]  }
0xf2: {  	s5 =	sor.u32 s6, s15;
	v28 =	vld [tilespmem:s23+$0x0]  }
0xf3: {  	s7 =	sor.u32 s6, s18;
	v43 =	vld [tilespmem:s5+$0x0]  }
0xf4: {  	s8 =	sor.u32 s6, s22;
	v44 =	vld [tilespmem:s7+$0x0]  }
0xf5: {  	s11 =	sor.u32 s6, s24;
	v45 =	vld [tilespmem:s8+$0x0]  }
0xf6: {  	s13 =	sor.u32 s6, s25;
	v47 =	vld [tilespmem:s11+$0x0]  }
0xf7: {  	s14 =	sor.u32 s6, s26;
	v48 =	vld [tilespmem:s13+$0x0]  }
0xf8: {  	s15 =	sor.u32 s6, s28;
	v49 =	vld [tilespmem:s14+$0x0]  }
0xf9: {  	s18 =	sor.u32 s6, s3;
	v50 =	vld [tilespmem:s15+$0x0]  }
0xfa: {  	s22 =	sor.u32 s6, s17;
	v51 =	vld [tilespmem:s18+$0x0]  }
0xfb: {  	s24 =	sor.u32 s6, s29;
	v53 =	vld [tilespmem:s22+$0x0];
	v3 =	vadd.f32 v37, v3;
	v4 =	vadd.f32 v38, v62  }
0xfc: {  	s25 =	sor.u32 s6, s30;
	v54 =	vld [tilespmem:s24+$0x0];
	v5 =	vadd.f32 v39, v63;
	v6 =	vadd.f32 v40, v32  }
0xfd: {  	s26 =	sor.u32 s6, s1;
	v55 =	vld [tilespmem:s25+$0x0];
	v7 =	vadd.f32 v41, v33;
	v8 =	vadd.f32 v42, v34  }
0xfe: {  	s28 =	sor.u32 s6, s4;
	v56 =	vld [tilespmem:s26+$0x0];
	v9 =	vadd.f32 v43, v35;
	v10 =	vadd.f32 v44, v36  }
0xff: {  	s29 =	sor.u32 s6, s10;
	v57 =	vld [tilespmem:s28+$0x0];
	v3 =	vadd.f32 v45, v3;
	v4 =	vadd.f32 v46, v4  }
0x100: {  	s30 =	sor.u32 s6, s31;
	v58 =	vld [tilespmem:s29+$0x0];
	v5 =	vadd.f32 v47, v5;
	v6 =	vadd.f32 v48, v6  }
0x101: {  	v59 =	vld [tilespmem:s30+$0x0];
	v7 =	vadd.f32 v49, v7;
	v8 =	vadd.f32 v50, v8  }
0x102: {  	v9 =	vadd.f32 v51, v9;
	v10 =	vadd.f32 v52, v10  }
0x103: {  	v3 =	vadd.f32 v53, v3;
	v4 =	vadd.f32 v28, v4  }
0x104: {  	v5 =	vadd.f32 v54, v5;
	v6 =	vadd.f32 v55, v6  }
0x105: {  	v7 =	vadd.f32 v56, v7;
	v8 =	vadd.f32 v57, v8  }
0x106: {  	v9 =	vadd.f32 v58, v9;
	v10 =	vadd.f32 v59, v10  }
0x107: {  	v3 =	vadd.f32 v4, v3;
	v60 =	vadd.f32 v6, v5  }
0x108: {  	v61 =	vadd.f32 v8, v7;
	v62 =	vadd.f32 v10, v9  }
0x109: {  	p0 =	sne.s32 s21, $0x3E0  }
.Ltmp0:
0x10a: {  	v3 =	vadd.f32 v60, v3;
	v63 =	vadd.f32 v62, v61;
	(pc) =	sbr.rel @p0 .LBB2_2-.Ltmp0, $4  }
0x10b: {  	_ = 	snop  }
0x10c: {  	s31 =	sand.u32 $0x380, s21;
	v3 =	vadd.f32 v63, v3  }
0x10d: {  	s0 =	sor.u32 s6, s31  }
0x10e: {  	s20 =	sadd.s32 $0x100, s20;
	s19 =	sadd.s32 $0x20, s19;
	s21 =	sadd.s32 $0x20, s21;
	[tilespmem:s0+$0x18100] =	vst v3  }
0x10f: {  	s0 =	simm.s32 $0x2  }
0x110: {  	_ =	swait.ge [sflag:s0], $0x8000  }
0x111: {  	[sflag:s0] =	ssyncset.done $0x0  }
0x112: {  	[sflag:s0] =	ssyncadd.s32 $0xFFFF8000  }
0x113: {  	v3 =	vld [tilespmem:$0x60];
	_ =	sdelay $0x4  }
0x114: {  	v4 =	vshll.u32 v3, $0x3  }
0x115: {  	v3 =	vand.u32 $0x7, v3;
	v4 =	vand.u32 $0xFFFFFFC0, v4  }
0x116: {  	v3 =	vor.u32 v3, v4  }
0x117: {  	v4 =	vperm.xlane v3, v0;
	_ =	sdelay $0x1  }
0x118: {  	v4 =	vadd.s32 v1, v4;
	_ =	sdelay $0x3  }
0x119: {  	s19 =	simm.s32 $0x0;
	s1 =	simm.s32 $0x100;
	s0 =	rddreg [dreg:$0x1]  }
0x11a: {  	[tilespmem:s1], [sflag:$0x1] =	stream.indirect_vreg.gather [hbm4b:s0+s19], $0x80, v4, vm0, $0xb8;
	[tilespmem:$0x1A580] =	vst v63  }
0x11b: {  	s2 =	simm.s32 $0x900;
	s15 =	rddreg [dreg:$0xb];
	v3 =	vperm.xlane v3, v2  }
0x11c: {  	[tilespmem:s2], [sflag:$0x1] =	stream.indirect_vreg.gather [hbm4b:s15+s19], $0x80, v4, vm0, $0xb8;
	[tilespmem:$0x1A580] =	vst v63  }
0x11d: {  	s3 =	simm.s32 $0x1100;
	s16 =	rddreg [dreg:$0xc];
	v3 =	vadd.s32 v1, v3  }
0x11e: {  	[tilespmem:s3], [sflag:$0x1] =	stream.indirect_vreg.gather [hbm4b:s16+s19], $0x80, v4, vm0, $0xb8;
	[tilespmem:$0x1A580] =	vst v63  }
0x11f: {  	s17 =	simm.s32 $0x1900  }
0x120: {  	[tilespmem:s17], [sflag:$0x1] =	stream.indirect_vreg.gather [hbm4b:s12+s19], $0x80, v4, vm0, $0xb8;
	[tilespmem:$0x1A580] =	vst v63  }
0x121: {  	s18 =	simm.s32 $0x2100  }
0x122: {  	[tilespmem:s18], [sflag:$0x1] =	stream.indirect_vreg.gather [hbm4b:s0+s19], $0x80, v3, vm0, $0xb8;
	[tilespmem:$0x1A580] =	vst v63  }
0x123: {  	s20 =	simm.s32 $0x2900  }
0x124: {  	[tilespmem:s20], [sflag:$0x1] =	stream.indirect_vreg.gather [hbm4b:s15+s19], $0x80, v3, vm0, $0xb8;
	[tilespmem:$0x1A580] =	vst v63  }
0x125: {  	s21 =	simm.s32 $0x3100  }
0x126: {  	[tilespmem:s21], [sflag:$0x1] =	stream.indirect_vreg.gather [hbm4b:s16+s19], $0x80, v3, vm0, $0xb8;
	[tilespmem:$0x1A580] =	vst v63  }
0x127: {  	s22 =	simm.s32 $0x3900  }
0x128: {  	[tilespmem:s22], [sflag:$0x1] =	stream.indirect_vreg.gather [hbm4b:s12+s19], $0x80, v3, vm0, $0xb8;
	[tilespmem:$0x1A580] =	vst v63  }
0x129: {  	v3 =	vld [tilespmem:$0x70];
	_ =	sdelay $0x4  }
0x12a: {  	v63 =	vshll.u32 v3, $0x3  }
0x12b: {  	v3 =	vand.u32 $0x7, v3;
	v4 =	vand.u32 $0xFFFFFFC0, v63  }
0x12c: {  	v3 =	vor.u32 v3, v4  }
0x12d: {  	v4 =	vperm.xlane v3, v0;
	_ =	sdelay $0x1  }
0x12e: {  	v4 =	vadd.s32 v1, v4;
	_ =	sdelay $0x3  }
0x12f: {  	s23 =	simm.s32 $0x4100  }
0x130: {  	[tilespmem:s23], [sflag:$0x1] =	stream.indirect_vreg.gather [hbm4b:s0+s19], $0x80, v4, vm0, $0xb8;
	[tilespmem:$0x1A580] =	vst v63  }
0x131: {  	s24 =	simm.s32 $0x4900;
	v3 =	vperm.xlane v3, v2  }
0x132: {  	[tilespmem:s24], [sflag:$0x1] =	stream.indirect_vreg.gather [hbm4b:s15+s19], $0x80, v4, vm0, $0xb8;
	[tilespmem:$0x1A580] =	vst v63  }
0x133: {  	s25 =	simm.s32 $0x5100;
	v3 =	vadd.s32 v1, v3  }
0x134: {  	[tilespmem:s25], [sflag:$0x1] =	stream.indirect_vreg.gather [hbm4b:s16+s19], $0x80, v4, vm0, $0xb8;
	[tilespmem:$0x1A580] =	vst v63  }
0x135: {  	s26 =	simm.s32 $0x5900  }
0x136: {  	[tilespmem:s26], [sflag:$0x1] =	stream.indirect_vreg.gather [hbm4b:s12+s19], $0x80, v4, vm0, $0xb8;
	[tilespmem:$0x1A580] =	vst v63  }
0x137: {  	s28 =	simm.s32 $0x6100  }
0x138: {  	[tilespmem:s28], [sflag:$0x1] =	stream.indirect_vreg.gather [hbm4b:s0+s19], $0x80, v3, vm0, $0xb8;
	[tilespmem:$0x1A580] =	vst v63  }
0x139: {  	s29 =	simm.s32 $0x6900  }
0x13a: {  	[tilespmem:s29], [sflag:$0x1] =	stream.indirect_vreg.gather [hbm4b:s15+s19], $0x80, v3, vm0, $0xb8;
	[tilespmem:$0x1A580] =	vst v63  }
0x13b: {  	s30 =	simm.s32 $0x7100  }
0x13c: {  	[tilespmem:s30], [sflag:$0x1] =	stream.indirect_vreg.gather [hbm4b:s16+s19], $0x80, v3, vm0, $0xb8;
	[tilespmem:$0x1A580] =	vst v63  }
0x13d: {  	s31 =	simm.s32 $0x7900;
	s20 =	simm.s32 $0x18100;
	s21 =	simm.s32 $0x0  }
0x13e: {  	[tilespmem:s31], [sflag:$0x1] =	stream.indirect_vreg.gather [hbm4b:s12+s19], $0x80, v3, vm0, $0xb8;
	[tilespmem:$0x1A580] =	vst v63  }
.LBB2_4:
0x13f: {  	s10 =	sand.u32 $0x1C00, s19  }
0x140: {  	s5 =	sand.u32 $0x60, s21;
	s2 =	sor.u32 $0x8100, s10  }
0x141: {  	s0 =	sor.u32 s5, s2  }
0x142: {  	v3 =	vld [tilespmem:s0+$0x0]  }
0x143: {  	v4 =	vld [tilespmem:s0+$0x80]  }
0x144: {  	v5 =	vld [tilespmem:s0+$0x100]  }
0x145: {  	v6 =	vld [tilespmem:s0+$0x180]  }
0x146: {  	v7 =	vld [tilespmem:s0+$0x200]  }
0x147: {  	v8 =	vld [tilespmem:s0+$0x280]  }
0x148: {  	s18 =	sor.u32 $0xA100, s10;
	v9 =	vld [tilespmem:s0+$0x300]  }
0x149: {  	s6 =	sor.u32 $0xA180, s10;
	s16 =	sor.u32 s5, s18;
	v10 =	vld [tilespmem:s0+$0x380]  }
0x14a: {  	s7 =	sor.u32 $0xA200, s10;
	s17 =	sor.u32 s5, s6;
	v11 =	vld [tilespmem:s16+$0x0]  }
0x14b: {  	s8 =	sor.u32 $0xA280, s10;
	s22 =	sor.u32 s5, s7;
	v12 =	vld [tilespmem:s17+$0x0]  }
0x14c: {  	s9 =	sor.u32 $0xA300, s10;
	s23 =	sor.u32 s5, s8;
	v13 =	vld [tilespmem:s22+$0x0]  }
0x14d: {  	s13 =	sor.u32 $0xA380, s10;
	s24 =	sor.u32 s5, s9;
	v14 =	vld [tilespmem:s23+$0x0]  }
0x14e: {  	s14 =	sadd.s32 $0xA400, s10;
	s25 =	sor.u32 s5, s13;
	v15 =	vld [tilespmem:s24+$0x0]  }
0x14f: {  	s15 =	sadd.s32 $0xA480, s10;
	s26 =	sor.u32 s5, s14;
	v16 =	vld [tilespmem:s25+$0x0]  }
0x150: {  	s28 =	sor.u32 s5, s15;
	v17 =	vld [tilespmem:s26+$0x0];
	s22 =	sor.u32 $0xC100, s10  }
0x151: {  	v18 =	vld [tilespmem:s28+$0x0];
	s23 =	sor.u32 $0xC180, s10;
	s29 =	sor.u32 s5, s22  }
0x152: {  	s24 =	sor.u32 $0xC200, s10;
	s30 =	sor.u32 s5, s23;
	v19 =	vld [tilespmem:s29+$0x0]  }
0x153: {  	s25 =	sor.u32 $0xC280, s10;
	s31 =	sor.u32 s5, s24;
	v20 =	vld [tilespmem:s30+$0x0]  }
0x154: {  	s26 =	sor.u32 $0xC300, s10;
	s1 =	sor.u32 s5, s25;
	v21 =	vld [tilespmem:s31+$0x0]  }
0x155: {  	s28 =	sor.u32 $0xC380, s10;
	s3 =	sor.u32 s5, s26;
	v22 =	vld [tilespmem:s1+$0x0]  }
0x156: {  	s0 =	sor.u32 $0xE100, s10;
	s4 =	sor.u32 s5, s28;
	v23 =	vld [tilespmem:s3+$0x0]  }
0x157: {  	s16 =	sor.u32 s5, s0;
	s29 =	sadd.s32 $0xC400, s10;
	v24 =	vld [tilespmem:s4+$0x0]  }
0x158: {  	s3 =	sadd.s32 $0xC480, s10;
	v27 =	vld [tilespmem:s16+$0x0];
	s11 =	sor.u32 s5, s29  }
0x159: {  	s31 =	sor.u32 $0xE180, s10;
	s1 =	sor.u32 s5, s3;
	v25 =	vld [tilespmem:s11+$0x0]  }
0x15a: {  	s30 =	sor.u32 $0xE200, s10;
	s17 =	sor.u32 s5, s31;
	v26 =	vld [tilespmem:s1+$0x0]  }
0x15b: {  	s16 =	sor.u32 $0xE300, s10;
	s4 =	sor.u32 s5, s30;
	v49 =	vld [tilespmem:s17+$0x0];
	v3 =	vadd.f32 v11, v3;
	v4 =	vadd.f32 v12, v4  }
0x15c: {  	s17 =	sor.u32 $0xE280, s10;
	v50 =	vld [tilespmem:s4+$0x0];
	s4 =	sor.u32 s5, s16;
	v5 =	vadd.f32 v13, v5;
	v6 =	vadd.f32 v14, v6  }
0x15d: {  	s1 =	sor.u32 $0xE380, s10;
	s11 =	sor.u32 s5, s17;
	v7 =	vadd.f32 v15, v7;
	v8 =	vadd.f32 v16, v8;
	v52 =	vld [tilespmem:s4+$0x0]  }
0x15e: {  	v9 =	vadd.f32 v17, v9;
	v10 =	vadd.f32 v18, v10;
	s4 =	sadd.s32 $0xE400, s10;
	v51 =	vld [tilespmem:s11+$0x0];
	s11 =	sor.u32 s5, s1  }
0x15f: {  	s10 =	sadd.s32 $0xE480, s10;
	v53 =	vld [tilespmem:s11+$0x0];
	v3 =	vadd.f32 v19, v3;
	v4 =	vadd.f32 v20, v4;
	s11 =	sor.u32 s5, s4  }
0x160: {  	v5 =	vadd.f32 v21, v5;
	v6 =	vadd.f32 v22, v6;
	v54 =	vld [tilespmem:s11+$0x0];
	s11 =	sor.u32 s5, s10  }
0x161: {  	v7 =	vadd.f32 v23, v7;
	v8 =	vadd.f32 v24, v8;
	v55 =	vld [tilespmem:s11+$0x0]  }
0x162: {  	v9 =	vadd.f32 v25, v9;
	v10 =	vadd.f32 v26, v10  }
0x163: {  	v3 =	vadd.f32 v27, v3;
	v4 =	vadd.f32 v49, v4  }
0x164: {  	v5 =	vadd.f32 v50, v5;
	v7 =	vadd.f32 v52, v7  }
0x165: {  	v6 =	vadd.f32 v51, v6;
	v8 =	vadd.f32 v53, v8  }
0x166: {  	v9 =	vadd.f32 v54, v9;
	v10 =	vadd.f32 v55, v10  }
0x167: {  	v3 =	vadd.f32 v4, v3;
	v56 =	vadd.f32 v6, v5  }
0x168: {  	v57 =	vadd.f32 v8, v7;
	v58 =	vadd.f32 v10, v9  }
0x169: {  	v59 =	vld [tilespmem:s20+$0x0]  }
0x16a: {  	v3 =	vadd.f32 v56, v3;
	v60 =	vadd.f32 v58, v57;
	_ =	sdelay $0x1  }
0x16b: {  	v3 =	vadd.f32 v60, v3;
	_ =	sdelay $0x1  }
0x16c: {  	v3 =	vadd.f32 v3, v59  }
0x16d: {  	s5 =	sor.u32 $0x10, s5  }
0x16e: {  	s2 =	sor.u32 s5, s2;
	[tilespmem:s20+$0x0] =	vst v3  }
0x16f: {  	v3 =	vld [tilespmem:s2+$0x0]  }
0x170: {  	v61 =	vld [tilespmem:s2+$0x80]  }
0x171: {  	v62 =	vld [tilespmem:s2+$0x100]  }
0x172: {  	v63 =	vld [tilespmem:s2+$0x180]  }
0x173: {  	v32 =	vld [tilespmem:s2+$0x200]  }
0x174: {  	v33 =	vld [tilespmem:s2+$0x280]  }
0x175: {  	v34 =	vld [tilespmem:s2+$0x300]  }
0x176: {  	s18 =	sor.u32 s5, s18;
	v35 =	vld [tilespmem:s2+$0x380]  }
0x177: {  	s6 =	sor.u32 s5, s6;
	v36 =	vld [tilespmem:s18+$0x0]  }
0x178: {  	s7 =	sor.u32 s5, s7;
	v37 =	vld [tilespmem:s6+$0x0]  }
0x179: {  	s8 =	sor.u32 s5, s8;
	v38 =	vld [tilespmem:s7+$0x0]  }
0x17a: {  	s11 =	sor.u32 s5, s9;
	v39 =	vld [tilespmem:s8+$0x0]  }
0x17b: {  	s9 =	sor.u32 s5, s23;
	v40 =	vld [tilespmem:s11+$0x0]  }
0x17c: {  	s0 =	sor.u32 s5, s0;
	v45 =	vld [tilespmem:s9+$0x0]  }
0x17d: {  	s23 =	sor.u32 s5, s31;
	v52 =	vld [tilespmem:s0+$0x0]  }
0x17e: {  	s18 =	sor.u32 s5, s13;
	v28 =	vld [tilespmem:s23+$0x0]  }
0x17f: {  	s6 =	sor.u32 s5, s14;
	v41 =	vld [tilespmem:s18+$0x0]  }
0x180: {  	s7 =	sor.u32 s5, s15;
	v42 =	vld [tilespmem:s6+$0x0]  }
0x181: {  	s8 =	sor.u32 s5, s22;
	v43 =	vld [tilespmem:s7+$0x0]  }
0x182: {  	s11 =	sor.u32 s5, s24;
	v44 =	vld [tilespmem:s8+$0x0]  }
0x183: {  	s13 =	sor.u32 s5, s25;
	v46 =	vld [tilespmem:s11+$0x0]  }
0x184: {  	s14 =	sor.u32 s5, s26;
	v47 =	vld [tilespmem:s13+$0x0]  }
0x185: {  	s15 =	sor.u32 s5, s28;
	v48 =	vld [tilespmem:s14+$0x0]  }
0x186: {  	s22 =	sor.u32 s5, s3;
	v49 =	vld [tilespmem:s15+$0x0]  }
0x187: {  	s24 =	sor.u32 s5, s30;
	v51 =	vld [tilespmem:s22+$0x0]  }
0x188: {  	s25 =	sor.u32 s5, s17;
	v53 =	vld [tilespmem:s24+$0x0];
	v3 =	vadd.f32 v36, v3;
	v4 =	vadd.f32 v37, v61  }
0x189: {  	s18 =	sor.u32 s5, s29;
	v54 =	vld [tilespmem:s25+$0x0];
	v5 =	vadd.f32 v38, v62;
	v6 =	vadd.f32 v39, v63  }
0x18a: {  	s26 =	sor.u32 s5, s16;
	v50 =	vld [tilespmem:s18+$0x0];
	v7 =	vadd.f32 v40, v32;
	v8 =	vadd.f32 v41, v33  }
0x18b: {  	s28 =	sor.u32 s5, s1;
	v55 =	vld [tilespmem:s26+$0x0];
	v9 =	vadd.f32 v42, v34;
	v10 =	vadd.f32 v43, v35  }
0x18c: {  	s30 =	sor.u32 s5, s10;
	v56 =	vld [tilespmem:s28+$0x0];
	v3 =	vadd.f32 v44, v3;
	v4 =	vadd.f32 v45, v4  }
0x18d: {  	s29 =	sor.u32 s5, s4;
	v58 =	vld [tilespmem:s30+$0x0];
	v5 =	vadd.f32 v46, v5;
	v6 =	vadd.f32 v47, v6  }
0x18e: {  	v57 =	vld [tilespmem:s29+$0x0];
	v7 =	vadd.f32 v48, v7;
	v8 =	vadd.f32 v49, v8  }
0x18f: {  	v9 =	vadd.f32 v50, v9;
	v10 =	vadd.f32 v51, v10  }
0x190: {  	v3 =	vadd.f32 v52, v3;
	v4 =	vadd.f32 v28, v4  }
0x191: {  	v5 =	vadd.f32 v53, v5;
	v6 =	vadd.f32 v54, v6  }
0x192: {  	v7 =	vadd.f32 v55, v7;
	v8 =	vadd.f32 v56, v8  }
0x193: {  	v9 =	vadd.f32 v57, v9;
	v10 =	vadd.f32 v58, v10  }
0x194: {  	s31 =	sand.u32 $0x380, s21;
	v3 =	vadd.f32 v4, v3;
	v59 =	vadd.f32 v6, v5  }
0x195: {  	s0 =	sor.u32 s5, s31;
	v60 =	vadd.f32 v8, v7;
	v61 =	vadd.f32 v10, v9  }
0x196: {  	v62 =	vld [tilespmem:s0+$0x18100]  }
0x197: {  	v3 =	vadd.f32 v59, v3;
	v63 =	vadd.f32 v61, v60  }
0x198: {  	p0 =	sne.s32 s21, $0x3E0  }
.Ltmp1:
0x199: {  	v3 =	vadd.f32 v63, v3;
	(pc) =	sbr.rel @p0 .LBB2_4-.Ltmp1, $3  }
0x19a: {  	_ = 	snop  }
0x19b: {  	v3 =	vadd.f32 v3, v62;
	_ =	sdelay $0x1  }
0x19c: {  	s19 =	sadd.s32 $0x100, s19;
	s21 =	sadd.s32 $0x20, s21;
	s20 =	sadd.s32 $0x20, s20;
	[tilespmem:s0+$0x18100] =	vst v3  }
0x19d: {  	s0 =	simm.s32 $0x3  }
0x19e: {  	_ =	swait.ge [sflag:s0], $0x8000  }
0x19f: {  	[sflag:s0] =	ssyncset.done $0x0  }
0x1a0: {  	[sflag:s0] =	ssyncadd.s32 $0xFFFF8000  }
0x1a1: {  	v3 =	vld [tilespmem:$0x80];
	_ =	sdelay $0x4  }
0x1a2: {  	v4 =	vshll.u32 v3, $0x3  }
0x1a3: {  	v3 =	vand.u32 $0x7, v3;
	v4 =	vand.u32 $0xFFFFFFC0, v4  }
0x1a4: {  	v3 =	vor.u32 v3, v4  }
0x1a5: {  	v4 =	vperm.xlane v3, v0;
	_ =	sdelay $0x1  }
0x1a6: {  	v4 =	vadd.s32 v1, v4;
	_ =	sdelay $0x3  }
0x1a7: {  	s19 =	simm.s32 $0x0;
	s1 =	simm.s32 $0x8100;
	s0 =	rddreg [dreg:$0x1]  }
0x1a8: {  	[tilespmem:s1], [sflag:$0x2] =	stream.indirect_vreg.gather [hbm4b:s0+s19], $0x80, v4, vm0, $0xb8;
	[tilespmem:$0x1A580] =	vst v63  }
0x1a9: {  	s2 =	simm.s32 $0x8900;
	s15 =	rddreg [dreg:$0xb];
	v3 =	vperm.xlane v3, v2  }
0x1aa: {  	[tilespmem:s2], [sflag:$0x2] =	stream.indirect_vreg.gather [hbm4b:s15+s19], $0x80, v4, vm0, $0xb8;
	[tilespmem:$0x1A580] =	vst v63  }
0x1ab: {  	s3 =	simm.s32 $0x9100;
	s16 =	rddreg [dreg:$0xc];
	v3 =	vadd.s32 v1, v3  }
0x1ac: {  	[tilespmem:s3], [sflag:$0x2] =	stream.indirect_vreg.gather [hbm4b:s16+s19], $0x80, v4, vm0, $0xb8;
	[tilespmem:$0x1A580] =	vst v63  }
0x1ad: {  	s17 =	simm.s32 $0x9900  }
0x1ae: {  	[tilespmem:s17], [sflag:$0x2] =	stream.indirect_vreg.gather [hbm4b:s12+s19], $0x80, v4, vm0, $0xb8;
	[tilespmem:$0x1A580] =	vst v63  }
0x1af: {  	s18 =	simm.s32 $0xA100  }
0x1b0: {  	[tilespmem:s18], [sflag:$0x2] =	stream.indirect_vreg.gather [hbm4b:s0+s19], $0x80, v3, vm0, $0xb8;
	[tilespmem:$0x1A580] =	vst v63  }
0x1b1: {  	s20 =	simm.s32 $0xA900  }
0x1b2: {  	[tilespmem:s20], [sflag:$0x2] =	stream.indirect_vreg.gather [hbm4b:s15+s19], $0x80, v3, vm0, $0xb8;
	[tilespmem:$0x1A580] =	vst v63  }
0x1b3: {  	s21 =	simm.s32 $0xB100  }
0x1b4: {  	[tilespmem:s21], [sflag:$0x2] =	stream.indirect_vreg.gather [hbm4b:s16+s19], $0x80, v3, vm0, $0xb8;
	[tilespmem:$0x1A580] =	vst v63  }
0x1b5: {  	s22 =	simm.s32 $0xB900  }
0x1b6: {  	[tilespmem:s22], [sflag:$0x2] =	stream.indirect_vreg.gather [hbm4b:s12+s19], $0x80, v3, vm0, $0xb8;
	[tilespmem:$0x1A580] =	vst v63  }
0x1b7: {  	v3 =	vld [tilespmem:$0x90];
	_ =	sdelay $0x4  }
0x1b8: {  	v63 =	vshll.u32 v3, $0x3  }
0x1b9: {  	v3 =	vand.u32 $0x7, v3;
	v4 =	vand.u32 $0xFFFFFFC0, v63  }
0x1ba: {  	v3 =	vor.u32 v3, v4  }
0x1bb: {  	v4 =	vperm.xlane v3, v0;
	_ =	sdelay $0x1  }
0x1bc: {  	v4 =	vadd.s32 v1, v4;
	_ =	sdelay $0x3  }
0x1bd: {  	s23 =	simm.s32 $0xC100  }
0x1be: {  	[tilespmem:s23], [sflag:$0x2] =	stream.indirect_vreg.gather [hbm4b:s0+s19], $0x80, v4, vm0, $0xb8;
	[tilespmem:$0x1A580] =	vst v63  }
0x1bf: {  	s24 =	simm.s32 $0xC900;
	v3 =	vperm.xlane v3, v2  }
0x1c0: {  	[tilespmem:s24], [sflag:$0x2] =	stream.indirect_vreg.gather [hbm4b:s15+s19], $0x80, v4, vm0, $0xb8;
	[tilespmem:$0x1A580] =	vst v63  }
0x1c1: {  	s25 =	simm.s32 $0xD100;
	v3 =	vadd.s32 v1, v3  }
0x1c2: {  	[tilespmem:s25], [sflag:$0x2] =	stream.indirect_vreg.gather [hbm4b:s16+s19], $0x80, v4, vm0, $0xb8;
	[tilespmem:$0x1A580] =	vst v63  }
0x1c3: {  	s26 =	simm.s32 $0xD900  }
0x1c4: {  	[tilespmem:s26], [sflag:$0x2] =	stream.indirect_vreg.gather [hbm4b:s12+s19], $0x80, v4, vm0, $0xb8;
	[tilespmem:$0x1A580] =	vst v63  }
0x1c5: {  	s28 =	simm.s32 $0xE100  }
0x1c6: {  	[tilespmem:s28], [sflag:$0x2] =	stream.indirect_vreg.gather [hbm4b:s0+s19], $0x80, v3, vm0, $0xb8;
	[tilespmem:$0x1A580] =	vst v63  }
0x1c7: {  	s29 =	simm.s32 $0xE900  }
0x1c8: {  	[tilespmem:s29], [sflag:$0x2] =	stream.indirect_vreg.gather [hbm4b:s15+s19], $0x80, v3, vm0, $0xb8;
	[tilespmem:$0x1A580] =	vst v63  }
0x1c9: {  	s30 =	simm.s32 $0xF100  }
0x1ca: {  	[tilespmem:s30], [sflag:$0x2] =	stream.indirect_vreg.gather [hbm4b:s16+s19], $0x80, v3, vm0, $0xb8;
	[tilespmem:$0x1A580] =	vst v63  }
0x1cb: {  	s31 =	simm.s32 $0xF900;
	s20 =	simm.s32 $0x18100;
	s21 =	simm.s32 $0x0  }
0x1cc: {  	[tilespmem:s31], [sflag:$0x2] =	stream.indirect_vreg.gather [hbm4b:s12+s19], $0x80, v3, vm0, $0xb8;
	[tilespmem:$0x1A580] =	vst v63  }
.LBB2_6:
0x1cd: {  	s10 =	sand.u32 $0x1C00, s19  }
0x1ce: {  	s5 =	sand.u32 $0x60, s21;
	s2 =	sor.u32 $0x10100, s10  }
0x1cf: {  	s0 =	sor.u32 s5, s2  }
0x1d0: {  	v3 =	vld [tilespmem:s0+$0x0]  }
0x1d1: {  	v4 =	vld [tilespmem:s0+$0x80]  }
0x1d2: {  	v5 =	vld [tilespmem:s0+$0x100]  }
0x1d3: {  	v6 =	vld [tilespmem:s0+$0x180]  }
0x1d4: {  	v7 =	vld [tilespmem:s0+$0x200]  }
0x1d5: {  	v8 =	vld [tilespmem:s0+$0x280]  }
0x1d6: {  	s18 =	sor.u32 $0x12100, s10;
	v9 =	vld [tilespmem:s0+$0x300]  }
0x1d7: {  	s6 =	sor.u32 $0x12180, s10;
	s22 =	sor.u32 s5, s18;
	v10 =	vld [tilespmem:s0+$0x380]  }
0x1d8: {  	s7 =	sor.u32 $0x12200, s10;
	s23 =	sor.u32 s5, s6;
	v11 =	vld [tilespmem:s22+$0x0]  }
0x1d9: {  	s8 =	sor.u32 $0x12280, s10;
	s24 =	sor.u32 s5, s7;
	v12 =	vld [tilespmem:s23+$0x0]  }
0x1da: {  	s9 =	sor.u32 $0x12300, s10;
	s25 =	sor.u32 s5, s8;
	v13 =	vld [tilespmem:s24+$0x0]  }
0x1db: {  	s13 =	sor.u32 $0x12380, s10;
	s26 =	sor.u32 s5, s9;
	v14 =	vld [tilespmem:s25+$0x0]  }
0x1dc: {  	s14 =	sadd.s32 $0x12400, s10;
	s28 =	sor.u32 s5, s13;
	v15 =	vld [tilespmem:s26+$0x0]  }
0x1dd: {  	s15 =	sadd.s32 $0x12480, s10;
	s29 =	sor.u32 s5, s14;
	v16 =	vld [tilespmem:s28+$0x0]  }
0x1de: {  	s30 =	sor.u32 s5, s15;
	v17 =	vld [tilespmem:s29+$0x0];
	s22 =	sor.u32 $0x14100, s10  }
0x1df: {  	v18 =	vld [tilespmem:s30+$0x0];
	s23 =	sor.u32 $0x14180, s10;
	s31 =	sor.u32 s5, s22  }
0x1e0: {  	s24 =	sor.u32 $0x14200, s10;
	s1 =	sor.u32 s5, s23;
	v19 =	vld [tilespmem:s31+$0x0]  }
0x1e1: {  	s25 =	sor.u32 $0x14280, s10;
	s3 =	sor.u32 s5, s24;
	v20 =	vld [tilespmem:s1+$0x0]  }
0x1e2: {  	s26 =	sor.u32 $0x14300, s10;
	s4 =	sor.u32 s5, s25;
	v21 =	vld [tilespmem:s3+$0x0]  }
0x1e3: {  	s28 =	sor.u32 $0x14380, s10;
	s11 =	sor.u32 s5, s26;
	v22 =	vld [tilespmem:s4+$0x0]  }
0x1e4: {  	s29 =	sadd.s32 $0x14400, s10;
	s16 =	sor.u32 s5, s28;
	v23 =	vld [tilespmem:s11+$0x0]  }
0x1e5: {  	s0 =	sor.u32 $0x16100, s10;
	s17 =	sor.u32 s5, s29;
	v24 =	vld [tilespmem:s16+$0x0]  }
0x1e6: {  	s30 =	sor.u32 s5, s0;
	s3 =	sadd.s32 $0x14480, s10;
	v25 =	vld [tilespmem:s17+$0x0]  }
0x1e7: {  	s17 =	sor.u32 $0x16180, s10;
	v27 =	vld [tilespmem:s30+$0x0];
	s1 =	sor.u32 s5, s3  }
0x1e8: {  	s30 =	sor.u32 $0x16200, s10;
	s31 =	sor.u32 s5, s17;
	v26 =	vld [tilespmem:s1+$0x0]  }
0x1e9: {  	s16 =	sor.u32 $0x16300, s10;
	s4 =	sor.u32 s5, s30;
	v49 =	vld [tilespmem:s31+$0x0];
	v3 =	vadd.f32 v11, v3;
	v4 =	vadd.f32 v12, v4  }
0x1ea: {  	s31 =	sor.u32 $0x16280, s10;
	v50 =	vld [tilespmem:s4+$0x0];
	s4 =	sor.u32 s5, s16;
	v5 =	vadd.f32 v13, v5;
	v6 =	vadd.f32 v14, v6  }
0x1eb: {  	s1 =	sor.u32 $0x16380, s10;
	s11 =	sor.u32 s5, s31;
	v7 =	vadd.f32 v15, v7;
	v8 =	vadd.f32 v16, v8;
	v52 =	vld [tilespmem:s4+$0x0]  }
0x1ec: {  	v9 =	vadd.f32 v17, v9;
	v10 =	vadd.f32 v18, v10;
	s4 =	sadd.s32 $0x16400, s10;
	v51 =	vld [tilespmem:s11+$0x0];
	s11 =	sor.u32 s5, s1  }
0x1ed: {  	s10 =	sadd.s32 $0x16480, s10;
	v53 =	vld [tilespmem:s11+$0x0];
	v3 =	vadd.f32 v19, v3;
	v4 =	vadd.f32 v20, v4;
	s11 =	sor.u32 s5, s4  }
0x1ee: {  	v5 =	vadd.f32 v21, v5;
	v6 =	vadd.f32 v22, v6;
	v54 =	vld [tilespmem:s11+$0x0];
	s11 =	sor.u32 s5, s10  }
0x1ef: {  	v7 =	vadd.f32 v23, v7;
	v8 =	vadd.f32 v24, v8;
	v55 =	vld [tilespmem:s11+$0x0]  }
0x1f0: {  	v9 =	vadd.f32 v25, v9;
	v10 =	vadd.f32 v26, v10  }
0x1f1: {  	v3 =	vadd.f32 v27, v3;
	v4 =	vadd.f32 v49, v4  }
0x1f2: {  	v5 =	vadd.f32 v50, v5;
	v7 =	vadd.f32 v52, v7  }
0x1f3: {  	v6 =	vadd.f32 v51, v6;
	v8 =	vadd.f32 v53, v8  }
0x1f4: {  	v9 =	vadd.f32 v54, v9;
	v10 =	vadd.f32 v55, v10  }
0x1f5: {  	v3 =	vadd.f32 v4, v3;
	v56 =	vadd.f32 v6, v5  }
0x1f6: {  	v57 =	vadd.f32 v8, v7;
	v58 =	vadd.f32 v10, v9  }
0x1f7: {  	v59 =	vld [tilespmem:s20+$0x0]  }
0x1f8: {  	v3 =	vadd.f32 v56, v3;
	v60 =	vadd.f32 v58, v57;
	_ =	sdelay $0x1  }
0x1f9: {  	v3 =	vadd.f32 v60, v3;
	_ =	sdelay $0x1  }
0x1fa: {  	v3 =	vadd.f32 v3, v59  }
0x1fb: {  	s5 =	sor.u32 $0x10, s5  }
0x1fc: {  	s2 =	sor.u32 s5, s2;
	[tilespmem:s20+$0x0] =	vst v3  }
0x1fd: {  	v3 =	vld [tilespmem:s2+$0x0]  }
0x1fe: {  	v61 =	vld [tilespmem:s2+$0x80]  }
0x1ff: {  	v62 =	vld [tilespmem:s2+$0x100]  }
0x200: {  	v63 =	vld [tilespmem:s2+$0x180]  }
0x201: {  	v32 =	vld [tilespmem:s2+$0x200]  }
0x202: {  	v33 =	vld [tilespmem:s2+$0x280]  }
0x203: {  	v34 =	vld [tilespmem:s2+$0x300]  }
0x204: {  	s18 =	sor.u32 s5, s18;
	v35 =	vld [tilespmem:s2+$0x380]  }
0x205: {  	s6 =	sor.u32 s5, s6;
	v36 =	vld [tilespmem:s18+$0x0]  }
0x206: {  	s7 =	sor.u32 s5, s7;
	v37 =	vld [tilespmem:s6+$0x0]  }
0x207: {  	s8 =	sor.u32 s5, s8;
	v38 =	vld [tilespmem:s7+$0x0]  }
0x208: {  	s11 =	sor.u32 s5, s9;
	v39 =	vld [tilespmem:s8+$0x0]  }
0x209: {  	s9 =	sor.u32 s5, s23;
	v40 =	vld [tilespmem:s11+$0x0]  }
0x20a: {  	s0 =	sor.u32 s5, s0;
	v45 =	vld [tilespmem:s9+$0x0]  }
0x20b: {  	s23 =	sor.u32 s5, s17;
	v52 =	vld [tilespmem:s0+$0x0]  }
0x20c: {  	s18 =	sor.u32 s5, s13;
	v28 =	vld [tilespmem:s23+$0x0]  }
0x20d: {  	s6 =	sor.u32 s5, s14;
	v41 =	vld [tilespmem:s18+$0x0]  }
0x20e: {  	s7 =	sor.u32 s5, s15;
	v42 =	vld [tilespmem:s6+$0x0]  }
0x20f: {  	s8 =	sor.u32 s5, s22;
	v43 =	vld [tilespmem:s7+$0x0]  }
0x210: {  	s11 =	sor.u32 s5, s24;
	v44 =	vld [tilespmem:s8+$0x0]  }
0x211: {  	s13 =	sor.u32 s5, s25;
	v46 =	vld [tilespmem:s11+$0x0]  }
0x212: {  	s14 =	sor.u32 s5, s26;
	v47 =	vld [tilespmem:s13+$0x0]  }
0x213: {  	s15 =	sor.u32 s5, s28;
	v48 =	vld [tilespmem:s14+$0x0]  }
0x214: {  	s22 =	sor.u32 s5, s3;
	v49 =	vld [tilespmem:s15+$0x0]  }
0x215: {  	s24 =	sor.u32 s5, s30;
	v51 =	vld [tilespmem:s22+$0x0]  }
0x216: {  	s25 =	sor.u32 s5, s31;
	v53 =	vld [tilespmem:s24+$0x0];
	v3 =	vadd.f32 v36, v3;
	v4 =	vadd.f32 v37, v61  }
0x217: {  	s18 =	sor.u32 s5, s29;
	v54 =	vld [tilespmem:s25+$0x0];
	v5 =	vadd.f32 v38, v62;
	v6 =	vadd.f32 v39, v63  }
0x218: {  	s26 =	sor.u32 s5, s16;
	v50 =	vld [tilespmem:s18+$0x0];
	v7 =	vadd.f32 v40, v32;
	v8 =	vadd.f32 v41, v33  }
0x219: {  	s28 =	sor.u32 s5, s1;
	v55 =	vld [tilespmem:s26+$0x0];
	v9 =	vadd.f32 v42, v34;
	v10 =	vadd.f32 v43, v35  }
0x21a: {  	s30 =	sor.u32 s5, s10;
	v56 =	vld [tilespmem:s28+$0x0];
	v3 =	vadd.f32 v44, v3;
	v4 =	vadd.f32 v45, v4  }
0x21b: {  	s29 =	sor.u32 s5, s4;
	v58 =	vld [tilespmem:s30+$0x0];
	v5 =	vadd.f32 v46, v5;
	v6 =	vadd.f32 v47, v6  }
0x21c: {  	v57 =	vld [tilespmem:s29+$0x0];
	v7 =	vadd.f32 v48, v7;
	v8 =	vadd.f32 v49, v8  }
0x21d: {  	v9 =	vadd.f32 v50, v9;
	v10 =	vadd.f32 v51, v10  }
0x21e: {  	v3 =	vadd.f32 v52, v3;
	v4 =	vadd.f32 v28, v4  }
0x21f: {  	v5 =	vadd.f32 v53, v5;
	v6 =	vadd.f32 v54, v6  }
0x220: {  	v7 =	vadd.f32 v55, v7;
	v8 =	vadd.f32 v56, v8  }
0x221: {  	v9 =	vadd.f32 v57, v9;
	v10 =	vadd.f32 v58, v10  }
0x222: {  	s31 =	sand.u32 $0x380, s21;
	v3 =	vadd.f32 v4, v3;
	v59 =	vadd.f32 v6, v5  }
0x223: {  	s0 =	sor.u32 s5, s31;
	v60 =	vadd.f32 v8, v7;
	v61 =	vadd.f32 v10, v9  }
0x224: {  	v62 =	vld [tilespmem:s0+$0x18100]  }
0x225: {  	v3 =	vadd.f32 v59, v3;
	v63 =	vadd.f32 v61, v60  }
0x226: {  	p0 =	sne.s32 s21, $0x3E0  }
.Ltmp2:
0x227: {  	v3 =	vadd.f32 v63, v3;
	(pc) =	sbr.rel @p0 .LBB2_6-.Ltmp2, $3  }
0x228: {  	_ = 	snop  }
0x229: {  	v3 =	vadd.f32 v3, v62;
	_ =	sdelay $0x1  }
0x22a: {  	s19 =	sadd.s32 $0x100, s19;
	s20 =	sadd.s32 $0x20, s20;
	s21 =	sadd.s32 $0x20, s21;
	[tilespmem:s0+$0x18100] =	vst v3  }
0x22b: {  	s0 =	simm.s32 $0x1  }
0x22c: {  	_ =	swait.ge [sflag:s0], $0x8000  }
0x22d: {  	[sflag:s0] =	ssyncset.done $0x0  }
0x22e: {  	[sflag:s0] =	ssyncadd.s32 $0xFFFF8000  }
0x22f: {  	v3 =	vld [tilespmem:$0xA0];
	_ =	sdelay $0x4  }
0x230: {  	v4 =	vshll.u32 v3, $0x3  }
0x231: {  	v3 =	vand.u32 $0x7, v3;
	v4 =	vand.u32 $0xFFFFFFC0, v4  }
0x232: {  	v3 =	vor.u32 v3, v4  }
0x233: {  	v4 =	vperm.xlane v3, v0;
	_ =	sdelay $0x1  }
0x234: {  	v4 =	vadd.s32 v1, v4;
	_ =	sdelay $0x3  }
0x235: {  	s19 =	simm.s32 $0x0;
	s1 =	simm.s32 $0x10100;
	s0 =	rddreg [dreg:$0x1]  }
0x236: {  	[tilespmem:s1], [sflag:$0x3] =	stream.indirect_vreg.gather [hbm4b:s0+s19], $0x80, v4, vm0, $0xb8;
	[tilespmem:$0x1A580] =	vst v63  }
0x237: {  	s2 =	simm.s32 $0x10900;
	s15 =	rddreg [dreg:$0xb];
	v3 =	vperm.xlane v3, v2  }
0x238: {  	[tilespmem:s2], [sflag:$0x3] =	stream.indirect_vreg.gather [hbm4b:s15+s19], $0x80, v4, vm0, $0xb8;
	[tilespmem:$0x1A580] =	vst v63  }
0x239: {  	s3 =	simm.s32 $0x11100;
	s16 =	rddreg [dreg:$0xc];
	v3 =	vadd.s32 v1, v3  }
0x23a: {  	[tilespmem:s3], [sflag:$0x3] =	stream.indirect_vreg.gather [hbm4b:s16+s19], $0x80, v4, vm0, $0xb8;
	[tilespmem:$0x1A580] =	vst v63  }
0x23b: {  	s17 =	simm.s32 $0x11900  }
0x23c: {  	[tilespmem:s17], [sflag:$0x3] =	stream.indirect_vreg.gather [hbm4b:s12+s19], $0x80, v4, vm0, $0xb8;
	[tilespmem:$0x1A580] =	vst v63  }
0x23d: {  	s18 =	simm.s32 $0x12100  }
0x23e: {  	[tilespmem:s18], [sflag:$0x3] =	stream.indirect_vreg.gather [hbm4b:s0+s19], $0x80, v3, vm0, $0xb8;
	[tilespmem:$0x1A580] =	vst v63  }
0x23f: {  	s20 =	simm.s32 $0x12900  }
0x240: {  	[tilespmem:s20], [sflag:$0x3] =	stream.indirect_vreg.gather [hbm4b:s15+s19], $0x80, v3, vm0, $0xb8;
	[tilespmem:$0x1A580] =	vst v63  }
0x241: {  	s21 =	simm.s32 $0x13100  }
0x242: {  	[tilespmem:s21], [sflag:$0x3] =	stream.indirect_vreg.gather [hbm4b:s16+s19], $0x80, v3, vm0, $0xb8;
	[tilespmem:$0x1A580] =	vst v63  }
0x243: {  	s22 =	simm.s32 $0x13900  }
0x244: {  	[tilespmem:s22], [sflag:$0x3] =	stream.indirect_vreg.gather [hbm4b:s12+s19], $0x80, v3, vm0, $0xb8;
	[tilespmem:$0x1A580] =	vst v63  }
0x245: {  	v3 =	vld [tilespmem:$0xB0];
	_ =	sdelay $0x4  }
0x246: {  	v63 =	vshll.u32 v3, $0x3  }
0x247: {  	v3 =	vand.u32 $0x7, v3;
	v4 =	vand.u32 $0xFFFFFFC0, v63  }
0x248: {  	v3 =	vor.u32 v3, v4  }
0x249: {  	v4 =	vperm.xlane v3, v0;
	_ =	sdelay $0x1  }
0x24a: {  	v4 =	vadd.s32 v1, v4;
	_ =	sdelay $0x3  }
0x24b: {  	s23 =	simm.s32 $0x14100  }
0x24c: {  	[tilespmem:s23], [sflag:$0x3] =	stream.indirect_vreg.gather [hbm4b:s0+s19], $0x80, v4, vm0, $0xb8;
	[tilespmem:$0x1A580] =	vst v63  }
0x24d: {  	s24 =	simm.s32 $0x14900;
	v3 =	vperm.xlane v3, v2  }
0x24e: {  	[tilespmem:s24], [sflag:$0x3] =	stream.indirect_vreg.gather [hbm4b:s15+s19], $0x80, v4, vm0, $0xb8;
	[tilespmem:$0x1A580] =	vst v63  }
0x24f: {  	s25 =	simm.s32 $0x15100;
	v3 =	vadd.s32 v1, v3  }
0x250: {  	[tilespmem:s25], [sflag:$0x3] =	stream.indirect_vreg.gather [hbm4b:s16+s19], $0x80, v4, vm0, $0xb8;
	[tilespmem:$0x1A580] =	vst v63  }
0x251: {  	s26 =	simm.s32 $0x15900  }
0x252: {  	[tilespmem:s26], [sflag:$0x3] =	stream.indirect_vreg.gather [hbm4b:s12+s19], $0x80, v4, vm0, $0xb8;
	[tilespmem:$0x1A580] =	vst v63  }
0x253: {  	s28 =	simm.s32 $0x16100  }
0x254: {  	[tilespmem:s28], [sflag:$0x3] =	stream.indirect_vreg.gather [hbm4b:s0+s19], $0x80, v3, vm0, $0xb8;
	[tilespmem:$0x1A580] =	vst v63  }
0x255: {  	s29 =	simm.s32 $0x16900  }
0x256: {  	[tilespmem:s29], [sflag:$0x3] =	stream.indirect_vreg.gather [hbm4b:s15+s19], $0x80, v3, vm0, $0xb8;
	[tilespmem:$0x1A580] =	vst v63  }
0x257: {  	s30 =	simm.s32 $0x17100  }
0x258: {  	[tilespmem:s30], [sflag:$0x3] =	stream.indirect_vreg.gather [hbm4b:s16+s19], $0x80, v3, vm0, $0xb8;
	[tilespmem:$0x1A580] =	vst v63  }
0x259: {  	s31 =	simm.s32 $0x17900;
	s20 =	simm.s32 $0x18100;
	s21 =	simm.s32 $0x0  }
0x25a: {  	[tilespmem:s31], [sflag:$0x3] =	stream.indirect_vreg.gather [hbm4b:s12+s19], $0x80, v3, vm0, $0xb8;
	[tilespmem:$0x1A580] =	vst v63  }
.LBB2_8:
0x25b: {  	s10 =	sand.u32 $0x1C00, s19  }
0x25c: {  	s5 =	sand.u32 $0x60, s21;
	s2 =	sor.u32 $0x100, s10  }
0x25d: {  	s0 =	sor.u32 s5, s2  }
0x25e: {  	v3 =	vld [tilespmem:s0+$0x0]  }
0x25f: {  	v4 =	vld [tilespmem:s0+$0x80]  }
0x260: {  	v5 =	vld [tilespmem:s0+$0x100]  }
0x261: {  	v6 =	vld [tilespmem:s0+$0x180]  }
0x262: {  	v7 =	vld [tilespmem:s0+$0x200]  }
0x263: {  	v8 =	vld [tilespmem:s0+$0x280]  }
0x264: {  	s18 =	sor.u32 $0x2100, s10;
	v9 =	vld [tilespmem:s0+$0x300]  }
0x265: {  	s6 =	sor.u32 $0x2180, s10;
	s22 =	sor.u32 s5, s18;
	v10 =	vld [tilespmem:s0+$0x380]  }
0x266: {  	s7 =	sor.u32 $0x2200, s10;
	s23 =	sor.u32 s5, s6;
	v11 =	vld [tilespmem:s22+$0x0]  }
0x267: {  	s8 =	sor.u32 $0x2280, s10;
	s24 =	sor.u32 s5, s7;
	v12 =	vld [tilespmem:s23+$0x0]  }
0x268: {  	s9 =	sor.u32 $0x2300, s10;
	s25 =	sor.u32 s5, s8;
	v13 =	vld [tilespmem:s24+$0x0]  }
0x269: {  	s13 =	sor.u32 $0x2380, s10;
	s26 =	sor.u32 s5, s9;
	v14 =	vld [tilespmem:s25+$0x0]  }
0x26a: {  	s14 =	sadd.s32 $0x2400, s10;
	s28 =	sor.u32 s5, s13;
	v15 =	vld [tilespmem:s26+$0x0]  }
0x26b: {  	s15 =	sadd.s32 $0x2480, s10;
	s29 =	sor.u32 s5, s14;
	v16 =	vld [tilespmem:s28+$0x0]  }
0x26c: {  	s30 =	sor.u32 s5, s15;
	v17 =	vld [tilespmem:s29+$0x0];
	s22 =	sor.u32 $0x4100, s10  }
0x26d: {  	v18 =	vld [tilespmem:s30+$0x0];
	s23 =	sor.u32 $0x4180, s10;
	s31 =	sor.u32 s5, s22  }
0x26e: {  	s24 =	sor.u32 $0x4200, s10;
	s1 =	sor.u32 s5, s23;
	v19 =	vld [tilespmem:s31+$0x0]  }
0x26f: {  	s25 =	sor.u32 $0x4280, s10;
	s3 =	sor.u32 s5, s24;
	v20 =	vld [tilespmem:s1+$0x0]  }
0x270: {  	s26 =	sor.u32 $0x4300, s10;
	s4 =	sor.u32 s5, s25;
	v21 =	vld [tilespmem:s3+$0x0]  }
0x271: {  	s28 =	sor.u32 $0x4380, s10;
	s11 =	sor.u32 s5, s26;
	v22 =	vld [tilespmem:s4+$0x0]  }
0x272: {  	s29 =	sadd.s32 $0x4400, s10;
	s16 =	sor.u32 s5, s28;
	v23 =	vld [tilespmem:s11+$0x0]  }
0x273: {  	s0 =	sor.u32 $0x6100, s10;
	s17 =	sor.u32 s5, s29;
	v24 =	vld [tilespmem:s16+$0x0]  }
0x274: {  	s30 =	sor.u32 s5, s0;
	s3 =	sadd.s32 $0x4480, s10;
	v25 =	vld [tilespmem:s17+$0x0]  }
0x275: {  	s17 =	sor.u32 $0x6180, s10;
	v27 =	vld [tilespmem:s30+$0x0];
	s1 =	sor.u32 s5, s3  }
0x276: {  	s30 =	sor.u32 $0x6200, s10;
	s31 =	sor.u32 s5, s17;
	v26 =	vld [tilespmem:s1+$0x0]  }
0x277: {  	s16 =	sor.u32 $0x6300, s10;
	s4 =	sor.u32 s5, s30;
	v49 =	vld [tilespmem:s31+$0x0];
	v3 =	vadd.f32 v11, v3;
	v4 =	vadd.f32 v12, v4  }
0x278: {  	s31 =	sor.u32 $0x6280, s10;
	v50 =	vld [tilespmem:s4+$0x0];
	s4 =	sor.u32 s5, s16;
	v5 =	vadd.f32 v13, v5;
	v6 =	vadd.f32 v14, v6  }
0x279: {  	s1 =	sor.u32 $0x6380, s10;
	s11 =	sor.u32 s5, s31;
	v7 =	vadd.f32 v15, v7;
	v8 =	vadd.f32 v16, v8;
	v52 =	vld [tilespmem:s4+$0x0]  }
0x27a: {  	v9 =	vadd.f32 v17, v9;
	v10 =	vadd.f32 v18, v10;
	s4 =	sadd.s32 $0x6400, s10;
	v51 =	vld [tilespmem:s11+$0x0];
	s11 =	sor.u32 s5, s1  }
0x27b: {  	s10 =	sadd.s32 $0x6480, s10;
	v53 =	vld [tilespmem:s11+$0x0];
	v3 =	vadd.f32 v19, v3;
	v4 =	vadd.f32 v20, v4;
	s11 =	sor.u32 s5, s4  }
0x27c: {  	v5 =	vadd.f32 v21, v5;
	v6 =	vadd.f32 v22, v6;
	v54 =	vld [tilespmem:s11+$0x0];
	s11 =	sor.u32 s5, s10  }
0x27d: {  	v7 =	vadd.f32 v23, v7;
	v8 =	vadd.f32 v24, v8;
	v55 =	vld [tilespmem:s11+$0x0]  }
0x27e: {  	v9 =	vadd.f32 v25, v9;
	v10 =	vadd.f32 v26, v10  }
0x27f: {  	v3 =	vadd.f32 v27, v3;
	v4 =	vadd.f32 v49, v4  }
0x280: {  	v5 =	vadd.f32 v50, v5;
	v7 =	vadd.f32 v52, v7  }
0x281: {  	v6 =	vadd.f32 v51, v6;
	v8 =	vadd.f32 v53, v8  }
0x282: {  	v9 =	vadd.f32 v54, v9;
	v10 =	vadd.f32 v55, v10  }
0x283: {  	v3 =	vadd.f32 v4, v3;
	v56 =	vadd.f32 v6, v5  }
0x284: {  	v57 =	vadd.f32 v8, v7;
	v58 =	vadd.f32 v10, v9  }
0x285: {  	v59 =	vld [tilespmem:s20+$0x0]  }
0x286: {  	v3 =	vadd.f32 v56, v3;
	v60 =	vadd.f32 v58, v57;
	_ =	sdelay $0x1  }
0x287: {  	v3 =	vadd.f32 v60, v3;
	_ =	sdelay $0x1  }
0x288: {  	v3 =	vadd.f32 v3, v59  }
0x289: {  	s5 =	sor.u32 $0x10, s5  }
0x28a: {  	s2 =	sor.u32 s5, s2;
	[tilespmem:s20+$0x0] =	vst v3  }
0x28b: {  	v3 =	vld [tilespmem:s2+$0x0]  }
0x28c: {  	v61 =	vld [tilespmem:s2+$0x80]  }
0x28d: {  	v62 =	vld [tilespmem:s2+$0x100]  }
0x28e: {  	v63 =	vld [tilespmem:s2+$0x180]  }
0x28f: {  	v32 =	vld [tilespmem:s2+$0x200]  }
0x290: {  	v33 =	vld [tilespmem:s2+$0x280]  }
0x291: {  	v34 =	vld [tilespmem:s2+$0x300]  }
0x292: {  	s18 =	sor.u32 s5, s18;
	v35 =	vld [tilespmem:s2+$0x380]  }
0x293: {  	s6 =	sor.u32 s5, s6;
	v36 =	vld [tilespmem:s18+$0x0]  }
0x294: {  	s7 =	sor.u32 s5, s7;
	v37 =	vld [tilespmem:s6+$0x0]  }
0x295: {  	s8 =	sor.u32 s5, s8;
	v38 =	vld [tilespmem:s7+$0x0]  }
0x296: {  	s11 =	sor.u32 s5, s9;
	v39 =	vld [tilespmem:s8+$0x0]  }
0x297: {  	s9 =	sor.u32 s5, s23;
	v40 =	vld [tilespmem:s11+$0x0]  }
0x298: {  	s0 =	sor.u32 s5, s0;
	v45 =	vld [tilespmem:s9+$0x0]  }
0x299: {  	s23 =	sor.u32 s5, s17;
	v52 =	vld [tilespmem:s0+$0x0]  }
0x29a: {  	s18 =	sor.u32 s5, s13;
	v28 =	vld [tilespmem:s23+$0x0]  }
0x29b: {  	s6 =	sor.u32 s5, s14;
	v41 =	vld [tilespmem:s18+$0x0]  }
0x29c: {  	s7 =	sor.u32 s5, s15;
	v42 =	vld [tilespmem:s6+$0x0]  }
0x29d: {  	s8 =	sor.u32 s5, s22;
	v43 =	vld [tilespmem:s7+$0x0]  }
0x29e: {  	s11 =	sor.u32 s5, s24;
	v44 =	vld [tilespmem:s8+$0x0]  }
0x29f: {  	s13 =	sor.u32 s5, s25;
	v46 =	vld [tilespmem:s11+$0x0]  }
0x2a0: {  	s14 =	sor.u32 s5, s26;
	v47 =	vld [tilespmem:s13+$0x0]  }
0x2a1: {  	s15 =	sor.u32 s5, s28;
	v48 =	vld [tilespmem:s14+$0x0]  }
0x2a2: {  	s22 =	sor.u32 s5, s3;
	v49 =	vld [tilespmem:s15+$0x0]  }
0x2a3: {  	s24 =	sor.u32 s5, s30;
	v51 =	vld [tilespmem:s22+$0x0]  }
0x2a4: {  	s25 =	sor.u32 s5, s31;
	v53 =	vld [tilespmem:s24+$0x0];
	v3 =	vadd.f32 v36, v3;
	v4 =	vadd.f32 v37, v61  }
0x2a5: {  	s18 =	sor.u32 s5, s29;
	v54 =	vld [tilespmem:s25+$0x0];
	v5 =	vadd.f32 v38, v62;
	v6 =	vadd.f32 v39, v63  }
0x2a6: {  	s26 =	sor.u32 s5, s16;
	v50 =	vld [tilespmem:s18+$0x0];
	v7 =	vadd.f32 v40, v32;
	v8 =	vadd.f32 v41, v33  }
0x2a7: {  	s28 =	sor.u32 s5, s1;
	v55 =	vld [tilespmem:s26+$0x0];
	v9 =	vadd.f32 v42, v34;
	v10 =	vadd.f32 v43, v35  }
0x2a8: {  	s30 =	sor.u32 s5, s10;
	v56 =	vld [tilespmem:s28+$0x0];
	v3 =	vadd.f32 v44, v3;
	v4 =	vadd.f32 v45, v4  }
0x2a9: {  	s29 =	sor.u32 s5, s4;
	v58 =	vld [tilespmem:s30+$0x0];
	v5 =	vadd.f32 v46, v5;
	v6 =	vadd.f32 v47, v6  }
0x2aa: {  	v57 =	vld [tilespmem:s29+$0x0];
	v7 =	vadd.f32 v48, v7;
	v8 =	vadd.f32 v49, v8  }
0x2ab: {  	v9 =	vadd.f32 v50, v9;
	v10 =	vadd.f32 v51, v10  }
0x2ac: {  	v3 =	vadd.f32 v52, v3;
	v4 =	vadd.f32 v28, v4  }
0x2ad: {  	v5 =	vadd.f32 v53, v5;
	v6 =	vadd.f32 v54, v6  }
0x2ae: {  	v7 =	vadd.f32 v55, v7;
	v8 =	vadd.f32 v56, v8  }
0x2af: {  	v9 =	vadd.f32 v57, v9;
	v10 =	vadd.f32 v58, v10  }
0x2b0: {  	s31 =	sand.u32 $0x380, s21;
	v3 =	vadd.f32 v4, v3;
	v59 =	vadd.f32 v6, v5  }
0x2b1: {  	s0 =	sor.u32 s5, s31;
	v60 =	vadd.f32 v8, v7;
	v61 =	vadd.f32 v10, v9  }
0x2b2: {  	v62 =	vld [tilespmem:s0+$0x18100]  }
0x2b3: {  	v3 =	vadd.f32 v59, v3;
	v63 =	vadd.f32 v61, v60  }
0x2b4: {  	p0 =	sne.s32 s21, $0x3E0  }
.Ltmp3:
0x2b5: {  	v3 =	vadd.f32 v63, v3;
	(pc) =	sbr.rel @p0 .LBB2_8-.Ltmp3, $3  }
0x2b6: {  	_ = 	snop  }
0x2b7: {  	v3 =	vadd.f32 v3, v62;
	_ =	sdelay $0x1  }
0x2b8: {  	s19 =	sadd.s32 $0x100, s19;
	s20 =	sadd.s32 $0x20, s20;
	s21 =	sadd.s32 $0x20, s21;
	[tilespmem:s0+$0x18100] =	vst v3  }
0x2b9: {  	s0 =	simm.s32 $0x2  }
0x2ba: {  	_ =	swait.ge [sflag:s0], $0x8000  }
0x2bb: {  	[sflag:s0] =	ssyncset.done $0x0  }
0x2bc: {  	[sflag:s0] =	ssyncadd.s32 $0xFFFF8000  }
0x2bd: {  	v3 =	vld [tilespmem:$0xC0];
	_ =	sdelay $0x4  }
0x2be: {  	v4 =	vshll.u32 v3, $0x3  }
0x2bf: {  	v3 =	vand.u32 $0x7, v3;
	v4 =	vand.u32 $0xFFFFFFC0, v4  }
0x2c0: {  	v3 =	vor.u32 v3, v4  }
0x2c1: {  	v4 =	vperm.xlane v3, v0;
	_ =	sdelay $0x1  }
0x2c2: {  	v4 =	vadd.s32 v1, v4;
	_ =	sdelay $0x3  }
0x2c3: {  	s19 =	simm.s32 $0x0;
	s1 =	simm.s32 $0x100;
	s0 =	rddreg [dreg:$0x1]  }
0x2c4: {  	[tilespmem:s1], [sflag:$0x1] =	stream.indirect_vreg.gather [hbm4b:s0+s19], $0x80, v4, vm0, $0xb8;
	[tilespmem:$0x1A580] =	vst v63  }
0x2c5: {  	s2 =	simm.s32 $0x900;
	s15 =	rddreg [dreg:$0xb];
	v3 =	vperm.xlane v3, v2  }
0x2c6: {  	[tilespmem:s2], [sflag:$0x1] =	stream.indirect_vreg.gather [hbm4b:s15+s19], $0x80, v4, vm0, $0xb8;
	[tilespmem:$0x1A580] =	vst v63  }
0x2c7: {  	s3 =	simm.s32 $0x1100;
	s16 =	rddreg [dreg:$0xc];
	v3 =	vadd.s32 v1, v3  }
0x2c8: {  	[tilespmem:s3], [sflag:$0x1] =	stream.indirect_vreg.gather [hbm4b:s16+s19], $0x80, v4, vm0, $0xb8;
	[tilespmem:$0x1A580] =	vst v63  }
0x2c9: {  	s17 =	simm.s32 $0x1900  }
0x2ca: {  	[tilespmem:s17], [sflag:$0x1] =	stream.indirect_vreg.gather [hbm4b:s12+s19], $0x80, v4, vm0, $0xb8;
	[tilespmem:$0x1A580] =	vst v63  }
0x2cb: {  	s18 =	simm.s32 $0x2100  }
0x2cc: {  	[tilespmem:s18], [sflag:$0x1] =	stream.indirect_vreg.gather [hbm4b:s0+s19], $0x80, v3, vm0, $0xb8;
	[tilespmem:$0x1A580] =	vst v63  }
0x2cd: {  	s20 =	simm.s32 $0x2900  }
0x2ce: {  	[tilespmem:s20], [sflag:$0x1] =	stream.indirect_vreg.gather [hbm4b:s15+s19], $0x80, v3, vm0, $0xb8;
	[tilespmem:$0x1A580] =	vst v63  }
0x2cf: {  	s21 =	simm.s32 $0x3100  }
0x2d0: {  	[tilespmem:s21], [sflag:$0x1] =	stream.indirect_vreg.gather [hbm4b:s16+s19], $0x80, v3, vm0, $0xb8;
	[tilespmem:$0x1A580] =	vst v63  }
0x2d1: {  	s22 =	simm.s32 $0x3900  }
0x2d2: {  	[tilespmem:s22], [sflag:$0x1] =	stream.indirect_vreg.gather [hbm4b:s12+s19], $0x80, v3, vm0, $0xb8;
	[tilespmem:$0x1A580] =	vst v63  }
0x2d3: {  	v3 =	vld [tilespmem:$0xD0];
	_ =	sdelay $0x4  }
0x2d4: {  	v63 =	vshll.u32 v3, $0x3  }
0x2d5: {  	v3 =	vand.u32 $0x7, v3;
	v4 =	vand.u32 $0xFFFFFFC0, v63  }
0x2d6: {  	v3 =	vor.u32 v3, v4  }
0x2d7: {  	v4 =	vperm.xlane v3, v0;
	_ =	sdelay $0x1  }
0x2d8: {  	v4 =	vadd.s32 v1, v4;
	_ =	sdelay $0x3  }
0x2d9: {  	s23 =	simm.s32 $0x4100  }
0x2da: {  	[tilespmem:s23], [sflag:$0x1] =	stream.indirect_vreg.gather [hbm4b:s0+s19], $0x80, v4, vm0, $0xb8;
	[tilespmem:$0x1A580] =	vst v63  }
0x2db: {  	s24 =	simm.s32 $0x4900;
	v3 =	vperm.xlane v3, v2  }
0x2dc: {  	[tilespmem:s24], [sflag:$0x1] =	stream.indirect_vreg.gather [hbm4b:s15+s19], $0x80, v4, vm0, $0xb8;
	[tilespmem:$0x1A580] =	vst v63  }
0x2dd: {  	s25 =	simm.s32 $0x5100;
	v3 =	vadd.s32 v1, v3  }
0x2de: {  	[tilespmem:s25], [sflag:$0x1] =	stream.indirect_vreg.gather [hbm4b:s16+s19], $0x80, v4, vm0, $0xb8;
	[tilespmem:$0x1A580] =	vst v63  }
0x2df: {  	s26 =	simm.s32 $0x5900  }
0x2e0: {  	[tilespmem:s26], [sflag:$0x1] =	stream.indirect_vreg.gather [hbm4b:s12+s19], $0x80, v4, vm0, $0xb8;
	[tilespmem:$0x1A580] =	vst v63  }
0x2e1: {  	s28 =	simm.s32 $0x6100  }
0x2e2: {  	[tilespmem:s28], [sflag:$0x1] =	stream.indirect_vreg.gather [hbm4b:s0+s19], $0x80, v3, vm0, $0xb8;
	[tilespmem:$0x1A580] =	vst v63  }
0x2e3: {  	s29 =	simm.s32 $0x6900  }
0x2e4: {  	[tilespmem:s29], [sflag:$0x1] =	stream.indirect_vreg.gather [hbm4b:s15+s19], $0x80, v3, vm0, $0xb8;
	[tilespmem:$0x1A580] =	vst v63  }
0x2e5: {  	s30 =	simm.s32 $0x7100  }
0x2e6: {  	[tilespmem:s30], [sflag:$0x1] =	stream.indirect_vreg.gather [hbm4b:s16+s19], $0x80, v3, vm0, $0xb8;
	[tilespmem:$0x1A580] =	vst v63  }
0x2e7: {  	s31 =	simm.s32 $0x7900;
	s20 =	simm.s32 $0x18100;
	s21 =	simm.s32 $0x0  }
0x2e8: {  	[tilespmem:s31], [sflag:$0x1] =	stream.indirect_vreg.gather [hbm4b:s12+s19], $0x80, v3, vm0, $0xb8;
	[tilespmem:$0x1A580] =	vst v63  }
.LBB2_10:
0x2e9: {  	s10 =	sand.u32 $0x1C00, s19  }
0x2ea: {  	s5 =	sand.u32 $0x60, s21;
	s2 =	sor.u32 $0x8100, s10  }
0x2eb: {  	s0 =	sor.u32 s5, s2  }
0x2ec: {  	v3 =	vld [tilespmem:s0+$0x0]  }
0x2ed: {  	v4 =	vld [tilespmem:s0+$0x80]  }
0x2ee: {  	v5 =	vld [tilespmem:s0+$0x100]  }
0x2ef: {  	v6 =	vld [tilespmem:s0+$0x180]  }
0x2f0: {  	v7 =	vld [tilespmem:s0+$0x200]  }
0x2f1: {  	v8 =	vld [tilespmem:s0+$0x280]  }
0x2f2: {  	s18 =	sor.u32 $0xA100, s10;
	v9 =	vld [tilespmem:s0+$0x300]  }
0x2f3: {  	s6 =	sor.u32 $0xA180, s10;
	s22 =	sor.u32 s5, s18;
	v10 =	vld [tilespmem:s0+$0x380]  }
0x2f4: {  	s7 =	sor.u32 $0xA200, s10;
	s23 =	sor.u32 s5, s6;
	v11 =	vld [tilespmem:s22+$0x0]  }
0x2f5: {  	s8 =	sor.u32 $0xA280, s10;
	s24 =	sor.u32 s5, s7;
	v12 =	vld [tilespmem:s23+$0x0]  }
0x2f6: {  	s9 =	sor.u32 $0xA300, s10;
	s25 =	sor.u32 s5, s8;
	v13 =	vld [tilespmem:s24+$0x0]  }
0x2f7: {  	s13 =	sor.u32 $0xA380, s10;
	s26 =	sor.u32 s5, s9;
	v14 =	vld [tilespmem:s25+$0x0]  }
0x2f8: {  	s14 =	sadd.s32 $0xA400, s10;
	s28 =	sor.u32 s5, s13;
	v15 =	vld [tilespmem:s26+$0x0]  }
0x2f9: {  	s15 =	sadd.s32 $0xA480, s10;
	s29 =	sor.u32 s5, s14;
	v16 =	vld [tilespmem:s28+$0x0]  }
0x2fa: {  	s30 =	sor.u32 s5, s15;
	v17 =	vld [tilespmem:s29+$0x0];
	s22 =	sor.u32 $0xC100, s10  }
0x2fb: {  	v18 =	vld [tilespmem:s30+$0x0];
	s23 =	sor.u32 $0xC180, s10;
	s31 =	sor.u32 s5, s22  }
0x2fc: {  	s24 =	sor.u32 $0xC200, s10;
	s1 =	sor.u32 s5, s23;
	v19 =	vld [tilespmem:s31+$0x0]  }
0x2fd: {  	s25 =	sor.u32 $0xC280, s10;
	s3 =	sor.u32 s5, s24;
	v20 =	vld [tilespmem:s1+$0x0]  }
0x2fe: {  	s26 =	sor.u32 $0xC300, s10;
	s4 =	sor.u32 s5, s25;
	v21 =	vld [tilespmem:s3+$0x0]  }
0x2ff: {  	s28 =	sor.u32 $0xC380, s10;
	s11 =	sor.u32 s5, s26;
	v22 =	vld [tilespmem:s4+$0x0]  }
0x300: {  	s29 =	sadd.s32 $0xC400, s10;
	s16 =	sor.u32 s5, s28;
	v23 =	vld [tilespmem:s11+$0x0]  }
0x301: {  	s0 =	sor.u32 $0xE100, s10;
	s17 =	sor.u32 s5, s29;
	v24 =	vld [tilespmem:s16+$0x0]  }
0x302: {  	s30 =	sor.u32 s5, s0;
	s3 =	sadd.s32 $0xC480, s10;
	v25 =	vld [tilespmem:s17+$0x0]  }
0x303: {  	s17 =	sor.u32 $0xE180, s10;
	v27 =	vld [tilespmem:s30+$0x0];
	s1 =	sor.u32 s5, s3  }
0x304: {  	s30 =	sor.u32 $0xE200, s10;
	s31 =	sor.u32 s5, s17;
	v26 =	vld [tilespmem:s1+$0x0]  }
0x305: {  	s16 =	sor.u32 $0xE300, s10;
	s4 =	sor.u32 s5, s30;
	v49 =	vld [tilespmem:s31+$0x0];
	v3 =	vadd.f32 v11, v3;
	v4 =	vadd.f32 v12, v4  }
0x306: {  	s31 =	sor.u32 $0xE280, s10;
	v50 =	vld [tilespmem:s4+$0x0];
	s4 =	sor.u32 s5, s16;
	v5 =	vadd.f32 v13, v5;
	v6 =	vadd.f32 v14, v6  }
0x307: {  	s1 =	sor.u32 $0xE380, s10;
	s11 =	sor.u32 s5, s31;
	v7 =	vadd.f32 v15, v7;
	v8 =	vadd.f32 v16, v8;
	v52 =	vld [tilespmem:s4+$0x0]  }
0x308: {  	v9 =	vadd.f32 v17, v9;
	v10 =	vadd.f32 v18, v10;
	s4 =	sadd.s32 $0xE400, s10;
	v51 =	vld [tilespmem:s11+$0x0];
	s11 =	sor.u32 s5, s1  }
0x309: {  	s10 =	sadd.s32 $0xE480, s10;
	v53 =	vld [tilespmem:s11+$0x0];
	v3 =	vadd.f32 v19, v3;
	v4 =	vadd.f32 v20, v4;
	s11 =	sor.u32 s5, s4  }
0x30a: {  	v5 =	vadd.f32 v21, v5;
	v6 =	vadd.f32 v22, v6;
	v54 =	vld [tilespmem:s11+$0x0];
	s11 =	sor.u32 s5, s10  }
0x30b: {  	v7 =	vadd.f32 v23, v7;
	v8 =	vadd.f32 v24, v8;
	v55 =	vld [tilespmem:s11+$0x0]  }
0x30c: {  	v9 =	vadd.f32 v25, v9;
	v10 =	vadd.f32 v26, v10  }
0x30d: {  	v3 =	vadd.f32 v27, v3;
	v4 =	vadd.f32 v49, v4  }
0x30e: {  	v5 =	vadd.f32 v50, v5;
	v7 =	vadd.f32 v52, v7  }
0x30f: {  	v6 =	vadd.f32 v51, v6;
	v8 =	vadd.f32 v53, v8  }
0x310: {  	v9 =	vadd.f32 v54, v9;
	v10 =	vadd.f32 v55, v10  }
0x311: {  	v3 =	vadd.f32 v4, v3;
	v56 =	vadd.f32 v6, v5  }
0x312: {  	v57 =	vadd.f32 v8, v7;
	v58 =	vadd.f32 v10, v9  }
0x313: {  	v59 =	vld [tilespmem:s20+$0x0]  }
0x314: {  	v3 =	vadd.f32 v56, v3;
	v60 =	vadd.f32 v58, v57;
	_ =	sdelay $0x1  }
0x315: {  	v3 =	vadd.f32 v60, v3;
	_ =	sdelay $0x1  }
0x316: {  	v3 =	vadd.f32 v3, v59  }
0x317: {  	s5 =	sor.u32 $0x10, s5  }
0x318: {  	s2 =	sor.u32 s5, s2;
	[tilespmem:s20+$0x0] =	vst v3  }
0x319: {  	v3 =	vld [tilespmem:s2+$0x0]  }
0x31a: {  	v61 =	vld [tilespmem:s2+$0x80]  }
0x31b: {  	v62 =	vld [tilespmem:s2+$0x100]  }
0x31c: {  	v63 =	vld [tilespmem:s2+$0x180]  }
0x31d: {  	v32 =	vld [tilespmem:s2+$0x200]  }
0x31e: {  	v33 =	vld [tilespmem:s2+$0x280]  }
0x31f: {  	v34 =	vld [tilespmem:s2+$0x300]  }
0x320: {  	s18 =	sor.u32 s5, s18;
	v35 =	vld [tilespmem:s2+$0x380]  }
0x321: {  	s6 =	sor.u32 s5, s6;
	v36 =	vld [tilespmem:s18+$0x0]  }
0x322: {  	s7 =	sor.u32 s5, s7;
	v37 =	vld [tilespmem:s6+$0x0]  }
0x323: {  	s8 =	sor.u32 s5, s8;
	v38 =	vld [tilespmem:s7+$0x0]  }
0x324: {  	s11 =	sor.u32 s5, s9;
	v39 =	vld [tilespmem:s8+$0x0]  }
0x325: {  	s9 =	sor.u32 s5, s23;
	v40 =	vld [tilespmem:s11+$0x0]  }
0x326: {  	s0 =	sor.u32 s5, s0;
	v45 =	vld [tilespmem:s9+$0x0]  }
0x327: {  	s23 =	sor.u32 s5, s17;
	v52 =	vld [tilespmem:s0+$0x0]  }
0x328: {  	s18 =	sor.u32 s5, s13;
	v28 =	vld [tilespmem:s23+$0x0]  }
0x329: {  	s6 =	sor.u32 s5, s14;
	v41 =	vld [tilespmem:s18+$0x0]  }
0x32a: {  	s7 =	sor.u32 s5, s15;
	v42 =	vld [tilespmem:s6+$0x0]  }
0x32b: {  	s8 =	sor.u32 s5, s22;
	v43 =	vld [tilespmem:s7+$0x0]  }
0x32c: {  	s11 =	sor.u32 s5, s24;
	v44 =	vld [tilespmem:s8+$0x0]  }
0x32d: {  	s13 =	sor.u32 s5, s25;
	v46 =	vld [tilespmem:s11+$0x0]  }
0x32e: {  	s14 =	sor.u32 s5, s26;
	v47 =	vld [tilespmem:s13+$0x0]  }
0x32f: {  	s15 =	sor.u32 s5, s28;
	v48 =	vld [tilespmem:s14+$0x0]  }
0x330: {  	s22 =	sor.u32 s5, s3;
	v49 =	vld [tilespmem:s15+$0x0]  }
0x331: {  	s24 =	sor.u32 s5, s30;
	v51 =	vld [tilespmem:s22+$0x0]  }
0x332: {  	s25 =	sor.u32 s5, s31;
	v53 =	vld [tilespmem:s24+$0x0];
	v3 =	vadd.f32 v36, v3;
	v4 =	vadd.f32 v37, v61  }
0x333: {  	s18 =	sor.u32 s5, s29;
	v54 =	vld [tilespmem:s25+$0x0];
	v5 =	vadd.f32 v38, v62;
	v6 =	vadd.f32 v39, v63  }
0x334: {  	s26 =	sor.u32 s5, s16;
	v50 =	vld [tilespmem:s18+$0x0];
	v7 =	vadd.f32 v40, v32;
	v8 =	vadd.f32 v41, v33  }
0x335: {  	s28 =	sor.u32 s5, s1;
	v55 =	vld [tilespmem:s26+$0x0];
	v9 =	vadd.f32 v42, v34;
	v10 =	vadd.f32 v43, v35  }
0x336: {  	s30 =	sor.u32 s5, s10;
	v56 =	vld [tilespmem:s28+$0x0];
	v3 =	vadd.f32 v44, v3;
	v4 =	vadd.f32 v45, v4  }
0x337: {  	s29 =	sor.u32 s5, s4;
	v58 =	vld [tilespmem:s30+$0x0];
	v5 =	vadd.f32 v46, v5;
	v6 =	vadd.f32 v47, v6  }
0x338: {  	v57 =	vld [tilespmem:s29+$0x0];
	v7 =	vadd.f32 v48, v7;
	v8 =	vadd.f32 v49, v8  }
0x339: {  	v9 =	vadd.f32 v50, v9;
	v10 =	vadd.f32 v51, v10  }
0x33a: {  	v3 =	vadd.f32 v52, v3;
	v4 =	vadd.f32 v28, v4  }
0x33b: {  	v5 =	vadd.f32 v53, v5;
	v6 =	vadd.f32 v54, v6  }
0x33c: {  	v7 =	vadd.f32 v55, v7;
	v8 =	vadd.f32 v56, v8  }
0x33d: {  	v9 =	vadd.f32 v57, v9;
	v10 =	vadd.f32 v58, v10  }
0x33e: {  	s31 =	sand.u32 $0x380, s21;
	v3 =	vadd.f32 v4, v3;
	v59 =	vadd.f32 v6, v5  }
0x33f: {  	s0 =	sor.u32 s5, s31;
	v60 =	vadd.f32 v8, v7;
	v61 =	vadd.f32 v10, v9  }
0x340: {  	v62 =	vld [tilespmem:s0+$0x18100]  }
0x341: {  	v3 =	vadd.f32 v59, v3;
	v63 =	vadd.f32 v61, v60  }
0x342: {  	p0 =	sne.s32 s21, $0x3E0  }
.Ltmp4:
0x343: {  	v3 =	vadd.f32 v63, v3;
	(pc) =	sbr.rel @p0 .LBB2_10-.Ltmp4, $3  }
0x344: {  	_ = 	snop  }
0x345: {  	v3 =	vadd.f32 v3, v62;
	_ =	sdelay $0x1  }
0x346: {  	s19 =	sadd.s32 $0x100, s19;
	s20 =	sadd.s32 $0x20, s20;
	s21 =	sadd.s32 $0x20, s21;
	[tilespmem:s0+$0x18100] =	vst v3  }
0x347: {  	s0 =	simm.s32 $0x3  }
0x348: {  	_ =	swait.ge [sflag:s0], $0x8000  }
0x349: {  	[sflag:s0] =	ssyncset.done $0x0  }
0x34a: {  	[sflag:s0] =	ssyncadd.s32 $0xFFFF8000  }
0x34b: {  	v3 =	vld [tilespmem:$0xE0];
	_ =	sdelay $0x4  }
0x34c: {  	v4 =	vshll.u32 v3, $0x3  }
0x34d: {  	v3 =	vand.u32 $0x7, v3;
	v4 =	vand.u32 $0xFFFFFFC0, v4  }
0x34e: {  	v3 =	vor.u32 v3, v4  }
0x34f: {  	v4 =	vperm.xlane v3, v0;
	_ =	sdelay $0x1  }
0x350: {  	v4 =	vadd.s32 v1, v4;
	_ =	sdelay $0x3  }
0x351: {  	s19 =	simm.s32 $0x0;
	s1 =	simm.s32 $0x8100;
	s0 =	rddreg [dreg:$0x1]  }
0x352: {  	[tilespmem:s1], [sflag:$0x2] =	stream.indirect_vreg.gather [hbm4b:s0+s19], $0x80, v4, vm0, $0xb8;
	[tilespmem:$0x1A580] =	vst v63  }
0x353: {  	s2 =	simm.s32 $0x8900;
	s15 =	rddreg [dreg:$0xb];
	v3 =	vperm.xlane v3, v2  }
0x354: {  	[tilespmem:s2], [sflag:$0x2] =	stream.indirect_vreg.gather [hbm4b:s15+s19], $0x80, v4, vm0, $0xb8;
	[tilespmem:$0x1A580] =	vst v63  }
0x355: {  	s3 =	simm.s32 $0x9100;
	s16 =	rddreg [dreg:$0xc];
	v3 =	vadd.s32 v1, v3  }
0x356: {  	[tilespmem:s3], [sflag:$0x2] =	stream.indirect_vreg.gather [hbm4b:s16+s19], $0x80, v4, vm0, $0xb8;
	[tilespmem:$0x1A580] =	vst v63  }
0x357: {  	s17 =	simm.s32 $0x9900  }
0x358: {  	[tilespmem:s17], [sflag:$0x2] =	stream.indirect_vreg.gather [hbm4b:s12+s19], $0x80, v4, vm0, $0xb8;
	[tilespmem:$0x1A580] =	vst v63  }
0x359: {  	s18 =	simm.s32 $0xA100  }
0x35a: {  	[tilespmem:s18], [sflag:$0x2] =	stream.indirect_vreg.gather [hbm4b:s0+s19], $0x80, v3, vm0, $0xb8;
	[tilespmem:$0x1A580] =	vst v63  }
0x35b: {  	s20 =	simm.s32 $0xA900  }
0x35c: {  	[tilespmem:s20], [sflag:$0x2] =	stream.indirect_vreg.gather [hbm4b:s15+s19], $0x80, v3, vm0, $0xb8;
	[tilespmem:$0x1A580] =	vst v63  }
0x35d: {  	s21 =	simm.s32 $0xB100  }
0x35e: {  	[tilespmem:s21], [sflag:$0x2] =	stream.indirect_vreg.gather [hbm4b:s16+s19], $0x80, v3, vm0, $0xb8;
	[tilespmem:$0x1A580] =	vst v63  }
0x35f: {  	s22 =	simm.s32 $0xB900  }
0x360: {  	[tilespmem:s22], [sflag:$0x2] =	stream.indirect_vreg.gather [hbm4b:s12+s19], $0x80, v3, vm0, $0xb8;
	[tilespmem:$0x1A580] =	vst v63  }
0x361: {  	v3 =	vld [tilespmem:$0xF0];
	_ =	sdelay $0x4  }
0x362: {  	v63 =	vshll.u32 v3, $0x3  }
0x363: {  	v3 =	vand.u32 $0x7, v3;
	v4 =	vand.u32 $0xFFFFFFC0, v63  }
0x364: {  	v3 =	vor.u32 v3, v4  }
0x365: {  	v4 =	vperm.xlane v3, v0;
	_ =	sdelay $0x1  }
0x366: {  	v4 =	vadd.s32 v1, v4;
	_ =	sdelay $0x3  }
0x367: {  	s23 =	simm.s32 $0xC100  }
0x368: {  	[tilespmem:s23], [sflag:$0x2] =	stream.indirect_vreg.gather [hbm4b:s0+s19], $0x80, v4, vm0, $0xb8;
	[tilespmem:$0x1A580] =	vst v63  }
0x369: {  	s24 =	simm.s32 $0xC900;
	v3 =	vperm.xlane v3, v2  }
0x36a: {  	[tilespmem:s24], [sflag:$0x2] =	stream.indirect_vreg.gather [hbm4b:s15+s19], $0x80, v4, vm0, $0xb8;
	[tilespmem:$0x1A580] =	vst v63  }
0x36b: {  	s25 =	simm.s32 $0xD100;
	v3 =	vadd.s32 v1, v3  }
0x36c: {  	[tilespmem:s25], [sflag:$0x2] =	stream.indirect_vreg.gather [hbm4b:s16+s19], $0x80, v4, vm0, $0xb8;
	[tilespmem:$0x1A580] =	vst v63  }
0x36d: {  	s26 =	simm.s32 $0xD900  }
0x36e: {  	[tilespmem:s26], [sflag:$0x2] =	stream.indirect_vreg.gather [hbm4b:s12+s19], $0x80, v4, vm0, $0xb8;
	[tilespmem:$0x1A580] =	vst v63  }
0x36f: {  	s28 =	simm.s32 $0xE100  }
0x370: {  	[tilespmem:s28], [sflag:$0x2] =	stream.indirect_vreg.gather [hbm4b:s0+s19], $0x80, v3, vm0, $0xb8;
	[tilespmem:$0x1A580] =	vst v63  }
0x371: {  	s29 =	simm.s32 $0xE900  }
0x372: {  	[tilespmem:s29], [sflag:$0x2] =	stream.indirect_vreg.gather [hbm4b:s15+s19], $0x80, v3, vm0, $0xb8;
	[tilespmem:$0x1A580] =	vst v63  }
0x373: {  	s30 =	simm.s32 $0xF100  }
0x374: {  	[tilespmem:s30], [sflag:$0x2] =	stream.indirect_vreg.gather [hbm4b:s16+s19], $0x80, v3, vm0, $0xb8;
	[tilespmem:$0x1A580] =	vst v63  }
0x375: {  	s31 =	simm.s32 $0xF900;
	s20 =	simm.s32 $0x18100;
	s21 =	simm.s32 $0x0  }
0x376: {  	[tilespmem:s31], [sflag:$0x2] =	stream.indirect_vreg.gather [hbm4b:s12+s19], $0x80, v3, vm0, $0xb8;
	[tilespmem:$0x1A580] =	vst v63  }
.LBB2_12:
0x377: {  	s10 =	sand.u32 $0x1C00, s19  }
0x378: {  	s5 =	sand.u32 $0x60, s21;
	s2 =	sor.u32 $0x10100, s10  }
0x379: {  	s0 =	sor.u32 s5, s2  }
0x37a: {  	v3 =	vld [tilespmem:s0+$0x0]  }
0x37b: {  	v4 =	vld [tilespmem:s0+$0x80]  }
0x37c: {  	v5 =	vld [tilespmem:s0+$0x100]  }
0x37d: {  	v6 =	vld [tilespmem:s0+$0x180]  }
0x37e: {  	v7 =	vld [tilespmem:s0+$0x200]  }
0x37f: {  	v8 =	vld [tilespmem:s0+$0x280]  }
0x380: {  	s18 =	sor.u32 $0x12100, s10;
	v9 =	vld [tilespmem:s0+$0x300]  }
0x381: {  	s6 =	sor.u32 $0x12180, s10;
	s22 =	sor.u32 s5, s18;
	v10 =	vld [tilespmem:s0+$0x380]  }
0x382: {  	s7 =	sor.u32 $0x12200, s10;
	s23 =	sor.u32 s5, s6;
	v11 =	vld [tilespmem:s22+$0x0]  }
0x383: {  	s8 =	sor.u32 $0x12280, s10;
	s24 =	sor.u32 s5, s7;
	v12 =	vld [tilespmem:s23+$0x0]  }
0x384: {  	s9 =	sor.u32 $0x12300, s10;
	s25 =	sor.u32 s5, s8;
	v13 =	vld [tilespmem:s24+$0x0]  }
0x385: {  	s13 =	sor.u32 $0x12380, s10;
	s26 =	sor.u32 s5, s9;
	v14 =	vld [tilespmem:s25+$0x0]  }
0x386: {  	s14 =	sadd.s32 $0x12400, s10;
	s28 =	sor.u32 s5, s13;
	v15 =	vld [tilespmem:s26+$0x0]  }
0x387: {  	s15 =	sadd.s32 $0x12480, s10;
	s29 =	sor.u32 s5, s14;
	v16 =	vld [tilespmem:s28+$0x0]  }
0x388: {  	s30 =	sor.u32 s5, s15;
	v17 =	vld [tilespmem:s29+$0x0];
	s22 =	sor.u32 $0x14100, s10  }
0x389: {  	v18 =	vld [tilespmem:s30+$0x0];
	s23 =	sor.u32 $0x14180, s10;
	s31 =	sor.u32 s5, s22  }
0x38a: {  	s24 =	sor.u32 $0x14200, s10;
	s1 =	sor.u32 s5, s23;
	v19 =	vld [tilespmem:s31+$0x0]  }
0x38b: {  	s25 =	sor.u32 $0x14280, s10;
	s3 =	sor.u32 s5, s24;
	v20 =	vld [tilespmem:s1+$0x0]  }
0x38c: {  	s26 =	sor.u32 $0x14300, s10;
	s4 =	sor.u32 s5, s25;
	v21 =	vld [tilespmem:s3+$0x0]  }
0x38d: {  	s28 =	sor.u32 $0x14380, s10;
	s11 =	sor.u32 s5, s26;
	v22 =	vld [tilespmem:s4+$0x0]  }
0x38e: {  	s29 =	sadd.s32 $0x14400, s10;
	s16 =	sor.u32 s5, s28;
	v23 =	vld [tilespmem:s11+$0x0]  }
0x38f: {  	s0 =	sor.u32 $0x16100, s10;
	s17 =	sor.u32 s5, s29;
	v24 =	vld [tilespmem:s16+$0x0]  }
0x390: {  	s30 =	sor.u32 s5, s0;
	s3 =	sadd.s32 $0x14480, s10;
	v25 =	vld [tilespmem:s17+$0x0]  }
0x391: {  	s17 =	sor.u32 $0x16180, s10;
	v27 =	vld [tilespmem:s30+$0x0];
	s1 =	sor.u32 s5, s3  }
0x392: {  	s30 =	sor.u32 $0x16200, s10;
	s31 =	sor.u32 s5, s17;
	v26 =	vld [tilespmem:s1+$0x0]  }
0x393: {  	s16 =	sor.u32 $0x16300, s10;
	s4 =	sor.u32 s5, s30;
	v49 =	vld [tilespmem:s31+$0x0];
	v3 =	vadd.f32 v11, v3;
	v4 =	vadd.f32 v12, v4  }
0x394: {  	s31 =	sor.u32 $0x16280, s10;
	v50 =	vld [tilespmem:s4+$0x0];
	s4 =	sor.u32 s5, s16;
	v5 =	vadd.f32 v13, v5;
	v6 =	vadd.f32 v14, v6  }
0x395: {  	s1 =	sor.u32 $0x16380, s10;
	s11 =	sor.u32 s5, s31;
	v7 =	vadd.f32 v15, v7;
	v8 =	vadd.f32 v16, v8;
	v52 =	vld [tilespmem:s4+$0x0]  }
0x396: {  	v9 =	vadd.f32 v17, v9;
	v10 =	vadd.f32 v18, v10;
	s4 =	sadd.s32 $0x16400, s10;
	v51 =	vld [tilespmem:s11+$0x0];
	s11 =	sor.u32 s5, s1  }
0x397: {  	s10 =	sadd.s32 $0x16480, s10;
	v53 =	vld [tilespmem:s11+$0x0];
	v3 =	vadd.f32 v19, v3;
	v4 =	vadd.f32 v20, v4;
	s11 =	sor.u32 s5, s4  }
0x398: {  	v5 =	vadd.f32 v21, v5;
	v6 =	vadd.f32 v22, v6;
	v54 =	vld [tilespmem:s11+$0x0];
	s11 =	sor.u32 s5, s10  }
0x399: {  	v7 =	vadd.f32 v23, v7;
	v8 =	vadd.f32 v24, v8;
	v55 =	vld [tilespmem:s11+$0x0]  }
0x39a: {  	v9 =	vadd.f32 v25, v9;
	v10 =	vadd.f32 v26, v10  }
0x39b: {  	v3 =	vadd.f32 v27, v3;
	v4 =	vadd.f32 v49, v4  }
0x39c: {  	v5 =	vadd.f32 v50, v5;
	v7 =	vadd.f32 v52, v7  }
0x39d: {  	v6 =	vadd.f32 v51, v6;
	v8 =	vadd.f32 v53, v8  }
0x39e: {  	v9 =	vadd.f32 v54, v9;
	v10 =	vadd.f32 v55, v10  }
0x39f: {  	v3 =	vadd.f32 v4, v3;
	v56 =	vadd.f32 v6, v5  }
0x3a0: {  	v57 =	vadd.f32 v8, v7;
	v58 =	vadd.f32 v10, v9  }
0x3a1: {  	v59 =	vld [tilespmem:s20+$0x0]  }
0x3a2: {  	v3 =	vadd.f32 v56, v3;
	v60 =	vadd.f32 v58, v57;
	_ =	sdelay $0x1  }
0x3a3: {  	v3 =	vadd.f32 v60, v3;
	_ =	sdelay $0x1  }
0x3a4: {  	v3 =	vadd.f32 v3, v59  }
0x3a5: {  	s5 =	sor.u32 $0x10, s5  }
0x3a6: {  	s2 =	sor.u32 s5, s2;
	[tilespmem:s20+$0x0] =	vst v3  }
0x3a7: {  	v3 =	vld [tilespmem:s2+$0x0]  }
0x3a8: {  	v61 =	vld [tilespmem:s2+$0x80]  }
0x3a9: {  	v62 =	vld [tilespmem:s2+$0x100]  }
0x3aa: {  	v63 =	vld [tilespmem:s2+$0x180]  }
0x3ab: {  	v32 =	vld [tilespmem:s2+$0x200]  }
0x3ac: {  	v33 =	vld [tilespmem:s2+$0x280]  }
0x3ad: {  	v34 =	vld [tilespmem:s2+$0x300]  }
0x3ae: {  	s18 =	sor.u32 s5, s18;
	v35 =	vld [tilespmem:s2+$0x380]  }
0x3af: {  	s6 =	sor.u32 s5, s6;
	v36 =	vld [tilespmem:s18+$0x0]  }
0x3b0: {  	s7 =	sor.u32 s5, s7;
	v37 =	vld [tilespmem:s6+$0x0]  }
0x3b1: {  	s8 =	sor.u32 s5, s8;
	v38 =	vld [tilespmem:s7+$0x0]  }
0x3b2: {  	s11 =	sor.u32 s5, s9;
	v39 =	vld [tilespmem:s8+$0x0]  }
0x3b3: {  	s9 =	sor.u32 s5, s23;
	v40 =	vld [tilespmem:s11+$0x0]  }
0x3b4: {  	s0 =	sor.u32 s5, s0;
	v45 =	vld [tilespmem:s9+$0x0]  }
0x3b5: {  	s23 =	sor.u32 s5, s17;
	v52 =	vld [tilespmem:s0+$0x0]  }
0x3b6: {  	s18 =	sor.u32 s5, s13;
	v28 =	vld [tilespmem:s23+$0x0]  }
0x3b7: {  	s6 =	sor.u32 s5, s14;
	v41 =	vld [tilespmem:s18+$0x0]  }
0x3b8: {  	s7 =	sor.u32 s5, s15;
	v42 =	vld [tilespmem:s6+$0x0]  }
0x3b9: {  	s8 =	sor.u32 s5, s22;
	v43 =	vld [tilespmem:s7+$0x0]  }
0x3ba: {  	s11 =	sor.u32 s5, s24;
	v44 =	vld [tilespmem:s8+$0x0]  }
0x3bb: {  	s13 =	sor.u32 s5, s25;
	v46 =	vld [tilespmem:s11+$0x0]  }
0x3bc: {  	s14 =	sor.u32 s5, s26;
	v47 =	vld [tilespmem:s13+$0x0]  }
0x3bd: {  	s15 =	sor.u32 s5, s28;
	v48 =	vld [tilespmem:s14+$0x0]  }
0x3be: {  	s22 =	sor.u32 s5, s3;
	v49 =	vld [tilespmem:s15+$0x0]  }
0x3bf: {  	s24 =	sor.u32 s5, s30;
	v51 =	vld [tilespmem:s22+$0x0]  }
0x3c0: {  	s25 =	sor.u32 s5, s31;
	v53 =	vld [tilespmem:s24+$0x0];
	v3 =	vadd.f32 v36, v3;
	v4 =	vadd.f32 v37, v61  }
0x3c1: {  	s18 =	sor.u32 s5, s29;
	v54 =	vld [tilespmem:s25+$0x0];
	v5 =	vadd.f32 v38, v62;
	v6 =	vadd.f32 v39, v63  }
0x3c2: {  	s26 =	sor.u32 s5, s16;
	v50 =	vld [tilespmem:s18+$0x0];
	v7 =	vadd.f32 v40, v32;
	v8 =	vadd.f32 v41, v33  }
0x3c3: {  	s28 =	sor.u32 s5, s1;
	v55 =	vld [tilespmem:s26+$0x0];
	v9 =	vadd.f32 v42, v34;
	v10 =	vadd.f32 v43, v35  }
0x3c4: {  	s30 =	sor.u32 s5, s10;
	v56 =	vld [tilespmem:s28+$0x0];
	v3 =	vadd.f32 v44, v3;
	v4 =	vadd.f32 v45, v4  }
0x3c5: {  	s29 =	sor.u32 s5, s4;
	v58 =	vld [tilespmem:s30+$0x0];
	v5 =	vadd.f32 v46, v5;
	v6 =	vadd.f32 v47, v6  }
0x3c6: {  	v57 =	vld [tilespmem:s29+$0x0];
	v7 =	vadd.f32 v48, v7;
	v8 =	vadd.f32 v49, v8  }
0x3c7: {  	v9 =	vadd.f32 v50, v9;
	v10 =	vadd.f32 v51, v10  }
0x3c8: {  	v3 =	vadd.f32 v52, v3;
	v4 =	vadd.f32 v28, v4  }
0x3c9: {  	v5 =	vadd.f32 v53, v5;
	v6 =	vadd.f32 v54, v6  }
0x3ca: {  	v7 =	vadd.f32 v55, v7;
	v8 =	vadd.f32 v56, v8  }
0x3cb: {  	v9 =	vadd.f32 v57, v9;
	v10 =	vadd.f32 v58, v10  }
0x3cc: {  	s31 =	sand.u32 $0x380, s21;
	v3 =	vadd.f32 v4, v3;
	v59 =	vadd.f32 v6, v5  }
0x3cd: {  	s0 =	sor.u32 s5, s31;
	v60 =	vadd.f32 v8, v7;
	v61 =	vadd.f32 v10, v9  }
0x3ce: {  	v62 =	vld [tilespmem:s0+$0x18100]  }
0x3cf: {  	v3 =	vadd.f32 v59, v3;
	v63 =	vadd.f32 v61, v60  }
0x3d0: {  	p0 =	sne.s32 s21, $0x3E0  }
.Ltmp5:
0x3d1: {  	v3 =	vadd.f32 v63, v3;
	(pc) =	sbr.rel @p0 .LBB2_12-.Ltmp5, $3  }
0x3d2: {  	_ = 	snop  }
0x3d3: {  	v3 =	vadd.f32 v3, v62;
	_ =	sdelay $0x1  }
0x3d4: {  	s19 =	sadd.s32 $0x100, s19;
	s20 =	sadd.s32 $0x20, s20;
	s21 =	sadd.s32 $0x20, s21;
	[tilespmem:s0+$0x18100] =	vst v3  }
0x3d5: {  	s0 =	simm.s32 $0x1  }
0x3d6: {  	_ =	swait.ge [sflag:s0], $0x8000  }
0x3d7: {  	s19 =	simm.s32 $0x0;
	[sflag:s0] =	ssyncset.done $0x0  }
0x3d8: {  	s20 =	simm.s32 $0x18100;
	s21 =	simm.s32 $0x0;
	[sflag:s0] =	ssyncadd.s32 $0xFFFF8000  }
.LBB2_14:
0x3d9: {  	s10 =	sand.u32 $0x1C00, s19  }
0x3da: {  	s5 =	sand.u32 $0x60, s21;
	s2 =	sor.u32 $0x100, s10  }
0x3db: {  	s0 =	sor.u32 s5, s2  }
0x3dc: {  	v3 =	vld [tilespmem:s0+$0x0]  }
0x3dd: {  	v4 =	vld [tilespmem:s0+$0x80]  }
0x3de: {  	v5 =	vld [tilespmem:s0+$0x100]  }
0x3df: {  	v6 =	vld [tilespmem:s0+$0x180]  }
0x3e0: {  	v7 =	vld [tilespmem:s0+$0x200]  }
0x3e1: {  	v8 =	vld [tilespmem:s0+$0x280]  }
0x3e2: {  	s18 =	sor.u32 $0x2100, s10;
	v9 =	vld [tilespmem:s0+$0x300]  }
0x3e3: {  	s6 =	sor.u32 $0x2180, s10;
	s22 =	sor.u32 s5, s18;
	v10 =	vld [tilespmem:s0+$0x380]  }
0x3e4: {  	s7 =	sor.u32 $0x2200, s10;
	s23 =	sor.u32 s5, s6;
	v11 =	vld [tilespmem:s22+$0x0]  }
0x3e5: {  	s8 =	sor.u32 $0x2280, s10;
	s24 =	sor.u32 s5, s7;
	v12 =	vld [tilespmem:s23+$0x0]  }
0x3e6: {  	s9 =	sor.u32 $0x2300, s10;
	s25 =	sor.u32 s5, s8;
	v13 =	vld [tilespmem:s24+$0x0]  }
0x3e7: {  	s13 =	sor.u32 $0x2380, s10;
	s26 =	sor.u32 s5, s9;
	v14 =	vld [tilespmem:s25+$0x0]  }
0x3e8: {  	s14 =	sadd.s32 $0x2400, s10;
	s28 =	sor.u32 s5, s13;
	v15 =	vld [tilespmem:s26+$0x0]  }
0x3e9: {  	s15 =	sadd.s32 $0x2480, s10;
	s29 =	sor.u32 s5, s14;
	v16 =	vld [tilespmem:s28+$0x0]  }
0x3ea: {  	s30 =	sor.u32 s5, s15;
	v17 =	vld [tilespmem:s29+$0x0];
	s22 =	sor.u32 $0x4100, s10  }
0x3eb: {  	v18 =	vld [tilespmem:s30+$0x0];
	s23 =	sor.u32 $0x4180, s10;
	s31 =	sor.u32 s5, s22  }
0x3ec: {  	s24 =	sor.u32 $0x4200, s10;
	s1 =	sor.u32 s5, s23;
	v19 =	vld [tilespmem:s31+$0x0]  }
0x3ed: {  	s25 =	sor.u32 $0x4280, s10;
	s3 =	sor.u32 s5, s24;
	v20 =	vld [tilespmem:s1+$0x0]  }
0x3ee: {  	s26 =	sor.u32 $0x4300, s10;
	s4 =	sor.u32 s5, s25;
	v21 =	vld [tilespmem:s3+$0x0]  }
0x3ef: {  	s28 =	sor.u32 $0x4380, s10;
	s11 =	sor.u32 s5, s26;
	v22 =	vld [tilespmem:s4+$0x0]  }
0x3f0: {  	s29 =	sadd.s32 $0x4400, s10;
	s16 =	sor.u32 s5, s28;
	v23 =	vld [tilespmem:s11+$0x0]  }
0x3f1: {  	s0 =	sor.u32 $0x6100, s10;
	s17 =	sor.u32 s5, s29;
	v24 =	vld [tilespmem:s16+$0x0]  }
0x3f2: {  	s30 =	sor.u32 s5, s0;
	s3 =	sadd.s32 $0x4480, s10;
	v25 =	vld [tilespmem:s17+$0x0]  }
0x3f3: {  	s17 =	sor.u32 $0x6180, s10;
	v27 =	vld [tilespmem:s30+$0x0];
	s1 =	sor.u32 s5, s3  }
0x3f4: {  	s30 =	sor.u32 $0x6200, s10;
	s31 =	sor.u32 s5, s17;
	v26 =	vld [tilespmem:s1+$0x0]  }
0x3f5: {  	s16 =	sor.u32 $0x6300, s10;
	s4 =	sor.u32 s5, s30;
	v49 =	vld [tilespmem:s31+$0x0];
	v3 =	vadd.f32 v11, v3;
	v4 =	vadd.f32 v12, v4  }
0x3f6: {  	s31 =	sor.u32 $0x6280, s10;
	v50 =	vld [tilespmem:s4+$0x0];
	s4 =	sor.u32 s5, s16;
	v5 =	vadd.f32 v13, v5;
	v6 =	vadd.f32 v14, v6  }
0x3f7: {  	s1 =	sor.u32 $0x6380, s10;
	s11 =	sor.u32 s5, s31;
	v7 =	vadd.f32 v15, v7;
	v8 =	vadd.f32 v16, v8;
	v52 =	vld [tilespmem:s4+$0x0]  }
0x3f8: {  	v9 =	vadd.f32 v17, v9;
	v10 =	vadd.f32 v18, v10;
	s4 =	sadd.s32 $0x6400, s10;
	v51 =	vld [tilespmem:s11+$0x0];
	s11 =	sor.u32 s5, s1  }
0x3f9: {  	s10 =	sadd.s32 $0x6480, s10;
	v53 =	vld [tilespmem:s11+$0x0];
	v3 =	vadd.f32 v19, v3;
	v4 =	vadd.f32 v20, v4;
	s11 =	sor.u32 s5, s4  }
0x3fa: {  	v5 =	vadd.f32 v21, v5;
	v6 =	vadd.f32 v22, v6;
	v54 =	vld [tilespmem:s11+$0x0];
	s11 =	sor.u32 s5, s10  }
0x3fb: {  	v7 =	vadd.f32 v23, v7;
	v8 =	vadd.f32 v24, v8;
	v55 =	vld [tilespmem:s11+$0x0]  }
0x3fc: {  	v9 =	vadd.f32 v25, v9;
	v10 =	vadd.f32 v26, v10  }
0x3fd: {  	v3 =	vadd.f32 v27, v3;
	v4 =	vadd.f32 v49, v4  }
0x3fe: {  	v5 =	vadd.f32 v50, v5;
	v7 =	vadd.f32 v52, v7  }
0x3ff: {  	v6 =	vadd.f32 v51, v6;
	v8 =	vadd.f32 v53, v8  }
0x400: {  	v9 =	vadd.f32 v54, v9;
	v10 =	vadd.f32 v55, v10  }
0x401: {  	v3 =	vadd.f32 v4, v3;
	v56 =	vadd.f32 v6, v5  }
0x402: {  	v57 =	vadd.f32 v8, v7;
	v58 =	vadd.f32 v10, v9  }
0x403: {  	v59 =	vld [tilespmem:s20+$0x0]  }
0x404: {  	v3 =	vadd.f32 v56, v3;
	v60 =	vadd.f32 v58, v57;
	_ =	sdelay $0x1  }
0x405: {  	v3 =	vadd.f32 v60, v3;
	_ =	sdelay $0x1  }
0x406: {  	v3 =	vadd.f32 v3, v59  }
0x407: {  	s5 =	sor.u32 $0x10, s5  }
0x408: {  	s2 =	sor.u32 s5, s2;
	[tilespmem:s20+$0x0] =	vst v3  }
0x409: {  	v3 =	vld [tilespmem:s2+$0x0]  }
0x40a: {  	v61 =	vld [tilespmem:s2+$0x80]  }
0x40b: {  	v62 =	vld [tilespmem:s2+$0x100]  }
0x40c: {  	v63 =	vld [tilespmem:s2+$0x180]  }
0x40d: {  	v32 =	vld [tilespmem:s2+$0x200]  }
0x40e: {  	v33 =	vld [tilespmem:s2+$0x280]  }
0x40f: {  	v34 =	vld [tilespmem:s2+$0x300]  }
0x410: {  	s18 =	sor.u32 s5, s18;
	v35 =	vld [tilespmem:s2+$0x380]  }
0x411: {  	s6 =	sor.u32 s5, s6;
	v36 =	vld [tilespmem:s18+$0x0]  }
0x412: {  	s7 =	sor.u32 s5, s7;
	v37 =	vld [tilespmem:s6+$0x0]  }
0x413: {  	s8 =	sor.u32 s5, s8;
	v38 =	vld [tilespmem:s7+$0x0]  }
0x414: {  	s11 =	sor.u32 s5, s9;
	v39 =	vld [tilespmem:s8+$0x0]  }
0x415: {  	s9 =	sor.u32 s5, s23;
	v40 =	vld [tilespmem:s11+$0x0]  }
0x416: {  	s0 =	sor.u32 s5, s0;
	v45 =	vld [tilespmem:s9+$0x0]  }
0x417: {  	s23 =	sor.u32 s5, s17;
	v52 =	vld [tilespmem:s0+$0x0]  }
0x418: {  	s18 =	sor.u32 s5, s13;
	v28 =	vld [tilespmem:s23+$0x0]  }
0x419: {  	s6 =	sor.u32 s5, s14;
	v41 =	vld [tilespmem:s18+$0x0]  }
0x41a: {  	s7 =	sor.u32 s5, s15;
	v42 =	vld [tilespmem:s6+$0x0]  }
0x41b: {  	s8 =	sor.u32 s5, s22;
	v43 =	vld [tilespmem:s7+$0x0]  }
0x41c: {  	s11 =	sor.u32 s5, s24;
	v44 =	vld [tilespmem:s8+$0x0]  }
0x41d: {  	s13 =	sor.u32 s5, s25;
	v46 =	vld [tilespmem:s11+$0x0]  }
0x41e: {  	s14 =	sor.u32 s5, s26;
	v47 =	vld [tilespmem:s13+$0x0]  }
0x41f: {  	s15 =	sor.u32 s5, s28;
	v48 =	vld [tilespmem:s14+$0x0]  }
0x420: {  	s22 =	sor.u32 s5, s3;
	v49 =	vld [tilespmem:s15+$0x0]  }
0x421: {  	s24 =	sor.u32 s5, s30;
	v51 =	vld [tilespmem:s22+$0x0]  }
0x422: {  	s25 =	sor.u32 s5, s31;
	v53 =	vld [tilespmem:s24+$0x0];
	v3 =	vadd.f32 v36, v3;
	v4 =	vadd.f32 v37, v61  }
0x423: {  	s18 =	sor.u32 s5, s29;
	v54 =	vld [tilespmem:s25+$0x0];
	v5 =	vadd.f32 v38, v62;
	v6 =	vadd.f32 v39, v63  }
0x424: {  	s26 =	sor.u32 s5, s16;
	v50 =	vld [tilespmem:s18+$0x0];
	v7 =	vadd.f32 v40, v32;
	v8 =	vadd.f32 v41, v33  }
0x425: {  	s28 =	sor.u32 s5, s1;
	v55 =	vld [tilespmem:s26+$0x0];
	v9 =	vadd.f32 v42, v34;
	v10 =	vadd.f32 v43, v35  }
0x426: {  	s30 =	sor.u32 s5, s10;
	v56 =	vld [tilespmem:s28+$0x0];
	v3 =	vadd.f32 v44, v3;
	v4 =	vadd.f32 v45, v4  }
0x427: {  	s29 =	sor.u32 s5, s4;
	v58 =	vld [tilespmem:s30+$0x0];
	v5 =	vadd.f32 v46, v5;
	v6 =	vadd.f32 v47, v6  }
0x428: {  	v57 =	vld [tilespmem:s29+$0x0];
	v7 =	vadd.f32 v48, v7;
	v8 =	vadd.f32 v49, v8  }
0x429: {  	v9 =	vadd.f32 v50, v9;
	v10 =	vadd.f32 v51, v10  }
0x42a: {  	v3 =	vadd.f32 v52, v3;
	v4 =	vadd.f32 v28, v4  }
0x42b: {  	v5 =	vadd.f32 v53, v5;
	v6 =	vadd.f32 v54, v6  }
0x42c: {  	v7 =	vadd.f32 v55, v7;
	v8 =	vadd.f32 v56, v8  }
0x42d: {  	v9 =	vadd.f32 v57, v9;
	v10 =	vadd.f32 v58, v10  }
0x42e: {  	s31 =	sand.u32 $0x380, s21;
	v3 =	vadd.f32 v4, v3;
	v59 =	vadd.f32 v6, v5  }
0x42f: {  	s0 =	sor.u32 s5, s31;
	v60 =	vadd.f32 v8, v7;
	v61 =	vadd.f32 v10, v9  }
0x430: {  	v62 =	vld [tilespmem:s0+$0x18100]  }
0x431: {  	v3 =	vadd.f32 v59, v3;
	v63 =	vadd.f32 v61, v60  }
0x432: {  	p0 =	sne.s32 s21, $0x3E0  }
.Ltmp6:
0x433: {  	v3 =	vadd.f32 v63, v3;
	(pc) =	sbr.rel @p0 .LBB2_14-.Ltmp6, $3  }
0x434: {  	_ = 	snop  }
0x435: {  	v3 =	vadd.f32 v3, v62;
	_ =	sdelay $0x1  }
0x436: {  	s19 =	sadd.s32 $0x100, s19;
	s20 =	sadd.s32 $0x20, s20;
	s21 =	sadd.s32 $0x20, s21;
	[tilespmem:s0+$0x18100] =	vst v3  }
0x437: {  	s0 =	simm.s32 $0x2  }
0x438: {  	_ =	swait.ge [sflag:s0], $0x8000  }
0x439: {  	s19 =	simm.s32 $0x0;
	[sflag:s0] =	ssyncset.done $0x0  }
0x43a: {  	s20 =	simm.s32 $0x18100;
	s21 =	simm.s32 $0x0;
	[sflag:s0] =	ssyncadd.s32 $0xFFFF8000  }
.LBB2_16:
0x43b: {  	s10 =	sand.u32 $0x1C00, s19  }
0x43c: {  	s5 =	sand.u32 $0x60, s21;
	s2 =	sor.u32 $0x8100, s10  }
0x43d: {  	s0 =	sor.u32 s5, s2  }
0x43e: {  	v3 =	vld [tilespmem:s0+$0x0]  }
0x43f: {  	v4 =	vld [tilespmem:s0+$0x80]  }
0x440: {  	v5 =	vld [tilespmem:s0+$0x100]  }
0x441: {  	v6 =	vld [tilespmem:s0+$0x180]  }
0x442: {  	v7 =	vld [tilespmem:s0+$0x200]  }
0x443: {  	v8 =	vld [tilespmem:s0+$0x280]  }
0x444: {  	s18 =	sor.u32 $0xA100, s10;
	v9 =	vld [tilespmem:s0+$0x300]  }
0x445: {  	s6 =	sor.u32 $0xA180, s10;
	s22 =	sor.u32 s5, s18;
	v10 =	vld [tilespmem:s0+$0x380]  }
0x446: {  	s7 =	sor.u32 $0xA200, s10;
	s23 =	sor.u32 s5, s6;
	v11 =	vld [tilespmem:s22+$0x0]  }
0x447: {  	s8 =	sor.u32 $0xA280, s10;
	s24 =	sor.u32 s5, s7;
	v12 =	vld [tilespmem:s23+$0x0]  }
0x448: {  	s9 =	sor.u32 $0xA300, s10;
	s25 =	sor.u32 s5, s8;
	v13 =	vld [tilespmem:s24+$0x0]  }
0x449: {  	s13 =	sor.u32 $0xA380, s10;
	s26 =	sor.u32 s5, s9;
	v14 =	vld [tilespmem:s25+$0x0]  }
0x44a: {  	s14 =	sadd.s32 $0xA400, s10;
	s28 =	sor.u32 s5, s13;
	v15 =	vld [tilespmem:s26+$0x0]  }
0x44b: {  	s15 =	sadd.s32 $0xA480, s10;
	s29 =	sor.u32 s5, s14;
	v16 =	vld [tilespmem:s28+$0x0]  }
0x44c: {  	s30 =	sor.u32 s5, s15;
	v17 =	vld [tilespmem:s29+$0x0];
	s22 =	sor.u32 $0xC100, s10  }
0x44d: {  	v18 =	vld [tilespmem:s30+$0x0];
	s23 =	sor.u32 $0xC180, s10;
	s31 =	sor.u32 s5, s22  }
0x44e: {  	s24 =	sor.u32 $0xC200, s10;
	s1 =	sor.u32 s5, s23;
	v19 =	vld [tilespmem:s31+$0x0]  }
0x44f: {  	s25 =	sor.u32 $0xC280, s10;
	s3 =	sor.u32 s5, s24;
	v20 =	vld [tilespmem:s1+$0x0]  }
0x450: {  	s26 =	sor.u32 $0xC300, s10;
	s4 =	sor.u32 s5, s25;
	v21 =	vld [tilespmem:s3+$0x0]  }
0x451: {  	s28 =	sor.u32 $0xC380, s10;
	s11 =	sor.u32 s5, s26;
	v22 =	vld [tilespmem:s4+$0x0]  }
0x452: {  	s29 =	sadd.s32 $0xC400, s10;
	s16 =	sor.u32 s5, s28;
	v23 =	vld [tilespmem:s11+$0x0]  }
0x453: {  	s0 =	sor.u32 $0xE100, s10;
	s17 =	sor.u32 s5, s29;
	v24 =	vld [tilespmem:s16+$0x0]  }
0x454: {  	s30 =	sor.u32 s5, s0;
	s3 =	sadd.s32 $0xC480, s10;
	v25 =	vld [tilespmem:s17+$0x0]  }
0x455: {  	s17 =	sor.u32 $0xE180, s10;
	v27 =	vld [tilespmem:s30+$0x0];
	s1 =	sor.u32 s5, s3  }
0x456: {  	s30 =	sor.u32 $0xE200, s10;
	s31 =	sor.u32 s5, s17;
	v26 =	vld [tilespmem:s1+$0x0]  }
0x457: {  	s16 =	sor.u32 $0xE300, s10;
	s4 =	sor.u32 s5, s30;
	v49 =	vld [tilespmem:s31+$0x0];
	v3 =	vadd.f32 v11, v3;
	v4 =	vadd.f32 v12, v4  }
0x458: {  	s31 =	sor.u32 $0xE280, s10;
	v50 =	vld [tilespmem:s4+$0x0];
	s4 =	sor.u32 s5, s16;
	v5 =	vadd.f32 v13, v5;
	v6 =	vadd.f32 v14, v6  }
0x459: {  	s1 =	sor.u32 $0xE380, s10;
	s11 =	sor.u32 s5, s31;
	v7 =	vadd.f32 v15, v7;
	v8 =	vadd.f32 v16, v8;
	v52 =	vld [tilespmem:s4+$0x0]  }
0x45a: {  	v9 =	vadd.f32 v17, v9;
	v10 =	vadd.f32 v18, v10;
	s4 =	sadd.s32 $0xE400, s10;
	v51 =	vld [tilespmem:s11+$0x0];
	s11 =	sor.u32 s5, s1  }
0x45b: {  	s10 =	sadd.s32 $0xE480, s10;
	v53 =	vld [tilespmem:s11+$0x0];
	v3 =	vadd.f32 v19, v3;
	v4 =	vadd.f32 v20, v4;
	s11 =	sor.u32 s5, s4  }
0x45c: {  	v5 =	vadd.f32 v21, v5;
	v6 =	vadd.f32 v22, v6;
	v54 =	vld [tilespmem:s11+$0x0];
	s11 =	sor.u32 s5, s10  }
0x45d: {  	v7 =	vadd.f32 v23, v7;
	v8 =	vadd.f32 v24, v8;
	v55 =	vld [tilespmem:s11+$0x0]  }
0x45e: {  	v9 =	vadd.f32 v25, v9;
	v10 =	vadd.f32 v26, v10  }
0x45f: {  	v3 =	vadd.f32 v27, v3;
	v4 =	vadd.f32 v49, v4  }
0x460: {  	v5 =	vadd.f32 v50, v5;
	v7 =	vadd.f32 v52, v7  }
0x461: {  	v6 =	vadd.f32 v51, v6;
	v8 =	vadd.f32 v53, v8  }
0x462: {  	v9 =	vadd.f32 v54, v9;
	v10 =	vadd.f32 v55, v10  }
0x463: {  	v3 =	vadd.f32 v4, v3;
	v56 =	vadd.f32 v6, v5  }
0x464: {  	v57 =	vadd.f32 v8, v7;
	v58 =	vadd.f32 v10, v9  }
0x465: {  	v59 =	vld [tilespmem:s20+$0x0]  }
0x466: {  	v3 =	vadd.f32 v56, v3;
	v60 =	vadd.f32 v58, v57;
	_ =	sdelay $0x1  }
0x467: {  	v3 =	vadd.f32 v60, v3;
	_ =	sdelay $0x1  }
0x468: {  	v3 =	vadd.f32 v3, v59  }
0x469: {  	s5 =	sor.u32 $0x10, s5  }
0x46a: {  	s2 =	sor.u32 s5, s2;
	[tilespmem:s20+$0x0] =	vst v3  }
0x46b: {  	v3 =	vld [tilespmem:s2+$0x0]  }
0x46c: {  	v61 =	vld [tilespmem:s2+$0x80]  }
0x46d: {  	v62 =	vld [tilespmem:s2+$0x100]  }
0x46e: {  	v63 =	vld [tilespmem:s2+$0x180]  }
0x46f: {  	v32 =	vld [tilespmem:s2+$0x200]  }
0x470: {  	v33 =	vld [tilespmem:s2+$0x280]  }
0x471: {  	v34 =	vld [tilespmem:s2+$0x300]  }
0x472: {  	s18 =	sor.u32 s5, s18;
	v35 =	vld [tilespmem:s2+$0x380]  }
0x473: {  	s6 =	sor.u32 s5, s6;
	v36 =	vld [tilespmem:s18+$0x0]  }
0x474: {  	s7 =	sor.u32 s5, s7;
	v37 =	vld [tilespmem:s6+$0x0]  }
0x475: {  	s8 =	sor.u32 s5, s8;
	v38 =	vld [tilespmem:s7+$0x0]  }
0x476: {  	s11 =	sor.u32 s5, s9;
	v39 =	vld [tilespmem:s8+$0x0]  }
0x477: {  	s9 =	sor.u32 s5, s23;
	v40 =	vld [tilespmem:s11+$0x0]  }
0x478: {  	s0 =	sor.u32 s5, s0;
	v45 =	vld [tilespmem:s9+$0x0]  }
0x479: {  	s23 =	sor.u32 s5, s17;
	v52 =	vld [tilespmem:s0+$0x0]  }
0x47a: {  	s18 =	sor.u32 s5, s13;
	v28 =	vld [tilespmem:s23+$0x0]  }
0x47b: {  	s6 =	sor.u32 s5, s14;
	v41 =	vld [tilespmem:s18+$0x0]  }
0x47c: {  	s7 =	sor.u32 s5, s15;
	v42 =	vld [tilespmem:s6+$0x0]  }
0x47d: {  	s8 =	sor.u32 s5, s22;
	v43 =	vld [tilespmem:s7+$0x0]  }
0x47e: {  	s11 =	sor.u32 s5, s24;
	v44 =	vld [tilespmem:s8+$0x0]  }
0x47f: {  	s13 =	sor.u32 s5, s25;
	v46 =	vld [tilespmem:s11+$0x0]  }
0x480: {  	s14 =	sor.u32 s5, s26;
	v47 =	vld [tilespmem:s13+$0x0]  }
0x481: {  	s15 =	sor.u32 s5, s28;
	v48 =	vld [tilespmem:s14+$0x0]  }
0x482: {  	s22 =	sor.u32 s5, s3;
	v49 =	vld [tilespmem:s15+$0x0]  }
0x483: {  	s24 =	sor.u32 s5, s30;
	v51 =	vld [tilespmem:s22+$0x0]  }
0x484: {  	s25 =	sor.u32 s5, s31;
	v53 =	vld [tilespmem:s24+$0x0];
	v3 =	vadd.f32 v36, v3;
	v4 =	vadd.f32 v37, v61  }
0x485: {  	s18 =	sor.u32 s5, s29;
	v54 =	vld [tilespmem:s25+$0x0];
	v5 =	vadd.f32 v38, v62;
	v6 =	vadd.f32 v39, v63  }
0x486: {  	s26 =	sor.u32 s5, s16;
	v50 =	vld [tilespmem:s18+$0x0];
	v7 =	vadd.f32 v40, v32;
	v8 =	vadd.f32 v41, v33  }
0x487: {  	s28 =	sor.u32 s5, s1;
	v55 =	vld [tilespmem:s26+$0x0];
	v9 =	vadd.f32 v42, v34;
	v10 =	vadd.f32 v43, v35  }
0x488: {  	s30 =	sor.u32 s5, s10;
	v56 =	vld [tilespmem:s28+$0x0];
	v3 =	vadd.f32 v44, v3;
	v4 =	vadd.f32 v45, v4  }
0x489: {  	s29 =	sor.u32 s5, s4;
	v58 =	vld [tilespmem:s30+$0x0];
	v5 =	vadd.f32 v46, v5;
	v6 =	vadd.f32 v47, v6  }
0x48a: {  	v57 =	vld [tilespmem:s29+$0x0];
	v7 =	vadd.f32 v48, v7;
	v8 =	vadd.f32 v49, v8  }
0x48b: {  	v9 =	vadd.f32 v50, v9;
	v10 =	vadd.f32 v51, v10  }
0x48c: {  	v3 =	vadd.f32 v52, v3;
	v4 =	vadd.f32 v28, v4  }
0x48d: {  	v5 =	vadd.f32 v53, v5;
	v6 =	vadd.f32 v54, v6  }
0x48e: {  	v7 =	vadd.f32 v55, v7;
	v8 =	vadd.f32 v56, v8  }
0x48f: {  	v9 =	vadd.f32 v57, v9;
	v10 =	vadd.f32 v58, v10  }
0x490: {  	s31 =	sand.u32 $0x380, s21;
	v3 =	vadd.f32 v4, v3;
	v59 =	vadd.f32 v6, v5  }
0x491: {  	s0 =	sor.u32 s5, s31;
	v60 =	vadd.f32 v8, v7;
	v61 =	vadd.f32 v10, v9  }
0x492: {  	v62 =	vld [tilespmem:s0+$0x18100]  }
0x493: {  	v3 =	vadd.f32 v59, v3;
	v63 =	vadd.f32 v61, v60  }
0x494: {  	p0 =	sne.s32 s21, $0x3E0  }
.Ltmp7:
0x495: {  	v3 =	vadd.f32 v63, v3;
	(pc) =	sbr.rel @p0 .LBB2_16-.Ltmp7, $3  }
0x496: {  	_ = 	snop  }
0x497: {  	v3 =	vadd.f32 v3, v62;
	_ =	sdelay $0x1  }
0x498: {  	s19 =	sadd.s32 $0x100, s19;
	s20 =	sadd.s32 $0x20, s20;
	s21 =	sadd.s32 $0x20, s21;
	[tilespmem:s0+$0x18100] =	vst v3  }
0x499: {  	s0 =	rddreg [dreg:$0xd]  }
0x49a: {  	s1 =	simm.s32 $0x80;
	s2 =	simm.s32 $0x400;
	s3 =	simm.s32 $0x18100  }
0x49b: {  	[hbm4b:s0+s1] =	stream.strided.scatter [tilespmem:s3], [sflag:$0x5], $0x400, s2, s1, $0x38;
	[tilespmem:$0x1A580] =	vst v63  }
0x49c: {  	s2 =	simm.s32 $0x5  }
0x49d: {  	_ =	swait.ge [sflag:s2], $0x400  }
0x49e: {  	[sflag:s2] =	ssyncset.done $0x0  }
0x49f: {  	s28 =	simm.s32 $0x4;
	[sflag:s2] =	ssyncadd.s32 $0xFFFFFC00  }
0x4a0: {  	_ =	swait.ge [sflag:s28], $0x2000  }
0x4a1: {  	s9 =	simm.s32 $0x0;
	[sflag:s28] =	ssyncset.done $0x0  }
0x4a2: {  	s3 =	simm.s32 $0x18580;
	s29 =	rddreg [dreg:$0xe];
	[sflag:s28] =	ssyncadd.s32 $0xFFFFE000  }
0x4a3: {  	[hbm4b:s29+s9] =	stream.linear.scatter [tilespmem:s3], [sflag:$0x5], $0x2000, $0x38;
	[tilespmem:$0x1A580] =	vst v63  }
0x4a4: {  	_ =	swait.ge [sflag:s2], $0x2000  }
0x4a5: {  	s30 =	rddreg [dreg:$0x10]  }
0x4a6: {  	s31 =	rddreg [dreg:$0xf];
	s1 =	sadd.s32 $0x1, s30  }
0x4a7: {  	p0 =	sne.s32 s1, s31  }
.Ltmp8:
0x4a8: {  	_ = 	snop;
	(pc) =	sbr.rel @p0 .LBB2_1-.Ltmp8, $3  }
0x4a9: {  	_ =	sdelay $0x1  }
0x4aa: {  	[sflag:s2] =	ssyncset.done $0x0  }
0x4ab: {  	[sflag:s2] =	ssyncadd.s32 $0xFFFFE000  }
0x4ac: {  	_ =	sfence.sel $0x180000  }
0x4ad: {  	[bflag:$0x0] =	sbarrier.arrive $0xFFFF  }
0x4ae: {  	_ =	strace $0x90000047  }
0x4af: {  	s0 =	stileid.u32;
	[bflag:$0x2] =	sbarrier.arrive $0xFFFF  }
0x4b0: {  	p0 =	sne.s32 s0, $0x0;
	s0 =	rddreg [dreg:$0x5]  }
0x4b1: {  	s0 =	sadd.s32 @!p0 $0x100000, s0  }
0x4b2: {  	[sflag:s0] =	ssyncadd.tile.s32 @!p0 $0x1;
	_ =	shalt  }
.Lfunc_end2:
_tile_overlayer_lowered:
.L_overlay_start_2:
0x4b3: {  	(tag) =	ssettag $0x2  }
0x4b4: {  	s0 =	rddreg [dreg:$0x0];
	s2 =	stileid.u32  }
0x4b5: {  	s1 =	rddreg [dreg:$0x1];
	p0 =	sne.s32 s2, $0x0  }
0x4b6: {  	s3 =	rddreg [dreg:$0x2];
	[bflag:$0x3] =	sbarrier.arrive $0xFFFF;
	s2 =	simm.s32 @!p0 $0x1C05  }
0x4b7: {  	[timem:s3], [sflag:s2] =	dma.local @!p0 [hbm:s0], s1  }
0x4b8: {  	s0 =	simm.s32 @!p0 $0x5  }
0x4b9: {  	_ =	swait.ge @!p0 [sflag:s0], s1  }
0x4ba: {  	s1 =	ssub.s32 @!p0 $0x0, s1;
	[sflag:s0] =	ssyncset.done @!p0 $0x0  }
0x4bb: {  	[sflag:s0] =	ssyncadd.s32 @!p0 s1  }
0x4bc: {  	[bflag:$0x3] =	sbarrier.arrive $0xFFFF  }
0x4bd: {  	_ =	shalt  }

</sc_bundles>
